<compile_context>
chip_gen: v7x
topology: tpu7x:2x2x1
jax: 0.10.2.dev20260603
libtpu: 0.0.44.dev20260713+nightly
codegen_flags: <defaults>
</compile_context>

<pallas_src>
import jax
import jax.numpy as jnp
from jax import lax
from jax.experimental import pallas as pl
from jax.experimental.pallas import tpu as pltpu
from jax.experimental.pallas import tpu_sc as plsc

_N = 10000
_E = 320000
_D = 128
_H = 8
_G = 256
_NC = 2
_NS = 16
_NW = _NC * _NS
_EP = 327680
_RPT = _EP // _NW // 128
_ACC_N = _N + 16
_NBLK = _ACC_N // 16
_OBLK = _N // 16


def _zero_acc(zbuf, acc_ref, s, nblk):
    def _zrow(i, _):
        zbuf[i // 8, pl.ds((i % 8) * 16, 16)] = jnp.zeros((16,), jnp.float32)
        return 0
    lax.fori_loop(0, 128, _zrow, 0)

    def _zcp(j, _):
        b = s + j * _NS
        @pl.when(b < nblk)
        def _():
            pltpu.sync_copy(zbuf.at[pl.ds(0, 16)],
                            acc_ref.at[pl.ds(pl.multiple_of(b * 16, 16), 16)])
        return 0
    lax.fori_loop(0, (nblk + _NS - 1) // _NS, _zcp, 0)


def _mul_rows(arow, brow):
    def _mul(r4, _):
        for rr in range(4):
            r = r4 * 4 + rr
            for k in range(8):
                sl = pl.ds(k * 16, 16)
                arow[r, sl] = arow[r, sl] * brow[r, sl]
        return 0
    lax.fori_loop(0, 32, _mul, 0)


def _msg_sc_body(h_hbm, e_hbm, src_hbm, dst_hbm, out_hbm,
                 srcv, dstv, hrow, erow, acc_ref, sem, sem2):
    c = lax.axis_index("c")
    s = lax.axis_index("s")
    wid = c * _NS + s

    _zero_acc(erow, acc_ref, s, _NBLK)
    plsc.subcore_barrier()

    def _edge_chunk(lr, _):
        cpe = pltpu.async_copy(e_hbm.at[wid * _RPT + lr], erow, sem2)
        pltpu.sync_copy(src_hbm.at[wid, lr], srcv)
        pltpu.sync_copy(dst_hbm.at[wid, lr], dstv)
        cph = pltpu.async_copy(h_hbm.at[srcv.at[0]], hrow, sem)
        cph.wait()
        cpe.wait()
        _mul_rows(hrow, erow)
        pltpu.sync_copy(hrow, acc_ref.at[dstv.at[0]], add=True)
        return 0
    lax.fori_loop(0, _RPT, _edge_chunk, 0)
    plsc.subcore_barrier()

    def _ocp(j, _):
        b = s + j * _NS
        @pl.when(b < _OBLK)
        def _():
            pltpu.sync_copy(acc_ref.at[pl.ds(pl.multiple_of(b * 16, 16), 16)],
                            out_hbm.at[c, b])
        return 0
    lax.fori_loop(0, (_OBLK + _NS - 1) // _NS, _ocp, 0)


def _msg_sc(h, e3, src4, dst4):
    mesh = plsc.VectorSubcoreMesh(core_axis_name="c", subcore_axis_name="s")
    f = pl.kernel(
        _msg_sc_body,
        out_type=jax.ShapeDtypeStruct((_NC, _OBLK, 16, _D), jnp.float32),
        mesh=mesh,
        scratch_types=[
            pltpu.VMEM((1, 128), jnp.int32),
            pltpu.VMEM((1, 128), jnp.int32),
            pltpu.VMEM((128, _D), jnp.float32),
            pltpu.VMEM((128, _D), jnp.float32),
            pltpu.VMEM_SHARED((_ACC_N, _D), jnp.float32),
            pltpu.SemaphoreType.DMA,
            pltpu.SemaphoreType.DMA,
        ],
    )
    return f(h, e3, src4, dst4)


def _qk_sc_body(q_hbm, k_hbm, src_hbm, dst_hbm, out_hbm,
                srcv, dstv, qrow, krow, sem):
    c = lax.axis_index("c")
    s = lax.axis_index("s")
    wid = c * _NS + s

    def _edge_chunk(lr, _):
        pltpu.sync_copy(src_hbm.at[wid, lr], srcv)
        pltpu.sync_copy(dst_hbm.at[wid, lr], dstv)
        cp1 = pltpu.async_copy(q_hbm.at[dstv.at[0]], qrow, sem)
        cp2 = pltpu.async_copy(k_hbm.at[srcv.at[0]], krow, sem)
        cp1.wait()
        cp2.wait()
        _mul_rows(qrow, krow)
        pltpu.sync_copy(qrow, out_hbm.at[wid * _RPT + lr])
        return 0
    lax.fori_loop(0, _RPT, _edge_chunk, 0)


def _qk_sc(qp, kp, src4, dst4):
    mesh = plsc.VectorSubcoreMesh(core_axis_name="c", subcore_axis_name="s")
    f = pl.kernel(
        _qk_sc_body,
        out_type=jax.ShapeDtypeStruct((_EP // 128, 128, _D), jnp.float32),
        mesh=mesh,
        scratch_types=[
            pltpu.VMEM((1, 128), jnp.int32),
            pltpu.VMEM((1, 128), jnp.int32),
            pltpu.VMEM((128, _D), jnp.float32),
            pltpu.VMEM((128, _D), jnp.float32),
            pltpu.SemaphoreType.DMA,
        ],
    )
    return f(qp, kp, src4, dst4)


def _den_sc_body(ex_hbm, dst_hbm, out_hbm, dstv, xrow, acc_ref, sem):
    c = lax.axis_index("c")
    s = lax.axis_index("s")
    wid = c * _NS + s

    _zero_acc(xrow, acc_ref, s, _NBLK)
    plsc.subcore_barrier()

    def _edge_chunk(lr, _):
        pltpu.sync_copy(dst_hbm.at[wid, lr], dstv)
        pltpu.sync_copy(ex_hbm.at[wid * _RPT + lr], xrow)
        pltpu.sync_copy(xrow, acc_ref.at[dstv.at[0]], add=True)
        return 0
    lax.fori_loop(0, _RPT, _edge_chunk, 0)
    plsc.subcore_barrier()

    def _ocp(j, _):
        b = s + j * _NS
        @pl.when(b < _OBLK)
        def _():
            pltpu.sync_copy(acc_ref.at[pl.ds(pl.multiple_of(b * 16, 16), 16)],
                            out_hbm.at[c, b])
        return 0
    lax.fori_loop(0, (_OBLK + _NS - 1) // _NS, _ocp, 0)


def _den_sc(ex3, dst4):
    mesh = plsc.VectorSubcoreMesh(core_axis_name="c", subcore_axis_name="s")
    f = pl.kernel(
        _den_sc_body,
        out_type=jax.ShapeDtypeStruct((_NC, _OBLK, 16, _D), jnp.float32),
        mesh=mesh,
        scratch_types=[
            pltpu.VMEM((1, 128), jnp.int32),
            pltpu.VMEM((128, _D), jnp.float32),
            pltpu.VMEM_SHARED((_ACC_N, _D), jnp.float32),
            pltpu.SemaphoreType.DMA,
        ],
    )
    return f(ex3, dst4)


_HI = jax.lax.Precision.HIGHEST


def _dot(a, b):
    return jax.lax.dot_general(a, b, (((1,), (0,)), ((), ())))


def _dotx(a, b):
    return jax.lax.dot_general(a, b, (((1,), (0,)), ((), ())), precision=_HI)


def _pre_tc_body(pe_ref, wp_ref, bp_ref, wr_ref, br_ref, h_ref):
    t = _dot(pe_ref[...], wp_ref[...])
    h1 = jnp.maximum(t + bp_ref[...], 0.0) + jnp.maximum(-t + bp_ref[...], 0.0)
    h_ref[...] = _dot(h1, wr_ref[...]) + br_ref[...]


def _pre_tc(pe, W_phi, b_phi, W_rho, b_rho):
    P = pe.shape[1]
    return pl.pallas_call(
        _pre_tc_body,
        grid=(10,),
        in_specs=[
            pl.BlockSpec((1000, P), lambda i: (i, 0)),
            pl.BlockSpec((P, _D), lambda i: (0, 0)),
            pl.BlockSpec((1, _D), lambda i: (0, 0)),
            pl.BlockSpec((_D, _D), lambda i: (0, 0)),
            pl.BlockSpec((1, _D), lambda i: (0, 0)),
        ],
        out_specs=pl.BlockSpec((1000, _D), lambda i: (i, 0)),
        out_shape=jax.ShapeDtypeStruct((_N, _D), jnp.float32),
    )(pe, W_phi, b_phi.reshape(1, _D), W_rho, b_rho.reshape(1, _D))


def _edge_tc_body(ea_ref, we_ref, be_ref, e_ref):
    e_ref[...] = jnp.maximum(_dot(ea_ref[...], we_ref[...]) + be_ref[...], 0.0)


def _edge_tc(ea_pad, W_edge, b_edge):
    ED = ea_pad.shape[1]
    return pl.pallas_call(
        _edge_tc_body,
        grid=(_EP // 2048,),
        in_specs=[
            pl.BlockSpec((2048, ED), lambda i: (i, 0)),
            pl.BlockSpec((ED, _D), lambda i: (0, 0)),
            pl.BlockSpec((1, _D), lambda i: (0, 0)),
        ],
        out_specs=pl.BlockSpec((2048, _D), lambda i: (i, 0)),
        out_shape=jax.ShapeDtypeStruct((_EP, _D), jnp.float32),
    )(ea_pad, W_edge, b_edge.reshape(1, _D))


def _qkv_tc_body(x_ref, h_ref, m0_ref, m1_ref, wq_ref, bq_ref, wk_ref, bk_ref,
                 wv_ref, bv_ref, q_ref, k_ref, v_ref):
    hn = x_ref[...] + h_ref[...] + m0_ref[...] + m1_ref[...]
    q_ref[...] = _dot(hn, wq_ref[...]) + bq_ref[...]
    k_ref[...] = _dot(hn, wk_ref[...]) + bk_ref[...]
    v_ref[...] = _dot(hn, wv_ref[...]) + bv_ref[...]


def _qkv_tc(x, h, m0, m1, Wq, bq, Wk, bk, Wv, bv):
    blk = pl.BlockSpec((1000, _D), lambda i: (i, 0))
    wblk = pl.BlockSpec((_D, _D), lambda i: (0, 0))
    bblk = pl.BlockSpec((1, _D), lambda i: (0, 0))
    sds = jax.ShapeDtypeStruct((_N, _D), jnp.float32)
    return pl.pallas_call(
        _qkv_tc_body,
        grid=(10,),
        in_specs=[blk, blk, blk, blk, wblk, bblk, wblk, bblk, wblk, bblk],
        out_specs=(blk, blk, blk),
        out_shape=(sds, sds, sds),
    )(x, h, m0, m1, Wq, bq.reshape(1, _D), Wk, bk.reshape(1, _D),
      Wv, bv.reshape(1, _D))


def _ex_tc_body(prod_ref, ex_ref):
    hid = lax.broadcasted_iota(jnp.int32, (_D, _H), 0) // (_D // _H)
    red = (hid == lax.broadcasted_iota(jnp.int32, (_D, _H), 1)).astype(jnp.float32)
    score = _dotx(prod_ref[...], red) * 0.25
    exs = jnp.exp(score)
    expand = (lax.broadcasted_iota(jnp.int32, (_H, _D), 0)
              == lax.broadcasted_iota(jnp.int32, (_H, _D), 1) // (_D // _H)
              ).astype(jnp.float32)
    ex_ref[...] = _dotx(exs, expand)


def _ex_tc(prod):
    return pl.pallas_call(
        _ex_tc_body,
        grid=(_EP // 2048,),
        in_specs=[pl.BlockSpec((2048, _D), lambda i: (i, 0))],
        out_specs=pl.BlockSpec((2048, _D), lambda i: (i, 0)),
        out_shape=jax.ShapeDtypeStruct((_EP, _D), jnp.float32),
    )(prod)


def _fin_tc_body(attn_ref, denw_ref, batch_ref, wr1_ref, br1_ref, wr2_ref,
                 br2_ref, out_ref, accs_ref, accc_ref):
    i = pl.program_id(0)
    node = attn_ref[...] / (denw_ref[...] + 1e-16)
    b = batch_ref[0, 0, :]
    onehot_t = (lax.broadcasted_iota(jnp.int32, (_G, 1000), 0)
                == b[None, :]).astype(jnp.float32)
    ns = _dotx(onehot_t, node)
    nc = _dotx(onehot_t, jnp.ones((1000, _D), jnp.float32))

    @pl.when(i == 0)
    def _():
        accs_ref[...] = ns
        accc_ref[...] = nc

    @pl.when(i > 0)
    def _():
        accs_ref[...] = accs_ref[...] + ns
        accc_ref[...] = accc_ref[...] + nc

    @pl.when(i == 9)
    def _():
        graph = accs_ref[...] / jnp.maximum(accc_ref[...], 1.0)
        r = jnp.maximum(_dot(graph, wr1_ref[...]) + br1_ref[...], 0.0)
        out_ref[...] = _dot(r, wr2_ref[...]) + br2_ref[...]


def _fin_tc(attn, denw, batch, Wr1, br1, Wr2, br2):
    D2 = _D // 2
    return pl.pallas_call(
        _fin_tc_body,
        grid=(10,),
        in_specs=[
            pl.BlockSpec((1000, _D), lambda i: (i, 0)),
            pl.BlockSpec((1000, _D), lambda i: (i, 0)),
            pl.BlockSpec((1, 1, 1000), lambda i: (i, 0, 0)),
            pl.BlockSpec((_D, D2), lambda i: (0, 0)),
            pl.BlockSpec((1, D2), lambda i: (0, 0)),
            pl.BlockSpec((D2, 1), lambda i: (0, 0)),
            pl.BlockSpec((1, 1), lambda i: (0, 0)),
        ],
        out_specs=pl.BlockSpec((_G, 1), lambda i: (0, 0)),
        out_shape=jax.ShapeDtypeStruct((_G, 1), jnp.float32),
        scratch_shapes=[
            pltpu.VMEM((_G, _D), jnp.float32),
            pltpu.VMEM((_G, _D), jnp.float32),
        ],
    )(attn, denw, batch.reshape(10, 1, 1000), Wr1, br1.reshape(1, D2),
      Wr2, br2.reshape(1, 1))


def kernel(x, edge_index, pe, edge_attr, batch, W_phi, b_phi, W_rho, b_rho, W_edge, b_edge, Wq, bq, Wk, bk, Wv, bv, Wr1, br1, Wr2, br2):
    N, D = x.shape
    H = _H
    DH = D // H
    G = _G
    src = edge_index[0]
    dst = edge_index[1]
    npad = _EP - _E
    src4 = jnp.concatenate([src, jnp.zeros((npad,), jnp.int32)]).reshape(_NW, _RPT, 1, 128)
    dst4 = jnp.concatenate([dst, jnp.full((npad,), _N, jnp.int32)]).reshape(_NW, _RPT, 1, 128)

    h = _pre_tc(pe, W_phi, b_phi, W_rho, b_rho)
    ea_pad = jnp.concatenate([edge_attr, jnp.zeros((npad, edge_attr.shape[1]), jnp.float32)])
    e = _edge_tc(ea_pad, W_edge, b_edge)
    e3 = e.reshape(_EP // 128, 128, _D)

    m2 = _msg_sc(h, e3, src4, dst4)

    q, k, v = _qkv_tc(x, h, m2[0].reshape(N, D), m2[1].reshape(N, D),
                      Wq, bq, Wk, bk, Wv, bv)
    zpad = jnp.zeros((_ACC_N - N, D), jnp.float32)
    qp = jnp.concatenate([q, zpad])
    kp = jnp.concatenate([k, zpad])
    vp = jnp.concatenate([v, zpad])

    prod3 = _qk_sc(qp, kp, src4, dst4)

    exwide = _ex_tc(prod3.reshape(_EP, _D))
    ex3 = exwide.reshape(_EP // 128, 128, _D)

    attn2 = _msg_sc(vp, ex3, src4, dst4)
    attn = (attn2[0] + attn2[1]).reshape(N, D)
    den2 = _den_sc(ex3, dst4)
    denw = (den2[0] + den2[1]).reshape(N, D)

    return _fin_tc(attn, denw, batch, Wr1, br1, Wr2, br2)

# --- scband reference (transcript-rebuilt; emitter-appended) ---
"""Pipeline reference for scband-drug-net-1-88252987998304 (READ-ONLY COPY).

The authoritative reference and input builder live on the scoring server;
editing this copy changes nothing except your own understanding.
"""

import jax, jax.numpy as jnp
import numpy as np

N = 10000
E = 320000
D = 128      # node_dim == out_dim
P = 16       # pos_enc_dim
ED = 16      # edge_dim
H = 8        # num_heads
DH = D // H  # head dim = out_dim // 8
G = 256      # number of graphs in the packed batch


def setup_inputs(seed: int = 0) -> dict:
    key = jax.random.key(seed)
    ks = jax.random.split(key, 32)
    inp = {}
    inp['x'] = jax.random.normal(ks[0], (N, D), dtype=jnp.float32)
    inp['edge_index'] = jax.random.randint(ks[1], (2, E), 0, N)
    inp['pe'] = jax.random.normal(ks[2], (N, P), dtype=jnp.float32)
    inp['edge_attr'] = jax.random.normal(ks[3], (E, ED), dtype=jnp.float32)
    inp['batch'] = jnp.sort(jax.random.randint(ks[4], (N,), 0, G))
    s = 0.05
    # SignNetLayer params: phi (sign-invariant MLP on eigvecs), rho, edge MLP
    inp['W_phi'] = jax.random.normal(ks[5], (P, D), dtype=jnp.float32) * s
    inp['b_phi'] = jnp.zeros((D,), dtype=jnp.float32)
    inp['W_rho'] = jax.random.normal(ks[6], (D, D), dtype=jnp.float32) * s
    inp['b_rho'] = jnp.zeros((D,), dtype=jnp.float32)
    inp['W_edge'] = jax.random.normal(ks[7], (ED, D), dtype=jnp.float32) * s
    inp['b_edge'] = jnp.zeros((D,), dtype=jnp.float32)
    # MultiHeadAttentionLayer_2 params
    inp['Wq'] = jax.random.normal(ks[8], (D, D), dtype=jnp.float32) * s
    inp['bq'] = jnp.zeros((D,), dtype=jnp.float32)
    inp['Wk'] = jax.random.normal(ks[9], (D, D), dtype=jnp.float32) * s
    inp['bk'] = jnp.zeros((D,), dtype=jnp.float32)
    inp['Wv'] = jax.random.normal(ks[10], (D, D), dtype=jnp.float32) * s
    inp['bv'] = jnp.zeros((D,), dtype=jnp.float32)
    # RegressionLayer params
    inp['Wr1'] = jax.random.normal(ks[11], (D, D // 2), dtype=jnp.float32) * s
    inp['br1'] = jnp.zeros((D // 2,), dtype=jnp.float32)
    inp['Wr2'] = jax.random.normal(ks[12], (D // 2, 1), dtype=jnp.float32) * s
    inp['br2'] = jnp.zeros((1,), dtype=jnp.float32)
    return inp


def reference(x, edge_index, pe, edge_attr, batch,
              W_phi, b_phi, W_rho, b_rho, W_edge, b_edge,
              Wq, bq, Wk, bk, Wv, bv, Wr1, br1, Wr2, br2):
    src = edge_index[0]
    dst = edge_index[1]
    # ---- SignNetLayer: sign-invariant encoding of Laplacian eigenvectors ----
    h1 = jax.nn.relu(pe @ W_phi + b_phi) + jax.nn.relu((-pe) @ W_phi + b_phi)
    h = h1 @ W_rho + b_rho                       # [N, D]
    e = jax.nn.relu(edge_attr @ W_edge + b_edge)  # [E, D]
    msg = h[src] * e                              # gather + elementwise
    m = jax.ops.segment_sum(msg, dst, num_segments=N)
    pos = h + m                                   # [N, D]
    # ---- MultiHeadAttentionLayer_2: edge-wise multi-head attention ----
    hn = x + pos
    q = (hn @ Wq + bq).reshape(N, H, DH)
    k = (hn @ Wk + bk).reshape(N, H, DH)
    v = (hn @ Wv + bv).reshape(N, H, DH)
    score = jnp.sum(q[dst] * k[src], axis=-1) / jnp.sqrt(float(DH))  # [E, H]
    smax = jax.ops.segment_max(score, dst, num_segments=N)           # [N, H]
    smax = jnp.where(jnp.isfinite(smax), smax, 0.0)
    ex = jnp.exp(score - jax.lax.stop_gradient(smax)[dst])           # [E, H]
    denom = jax.ops.segment_sum(ex, dst, num_segments=N)             # [N, H]
    alpha = ex / (denom[dst] + 1e-16)                                 # [E, H]
    attn = jax.ops.segment_sum(alpha[..., None] * v[src], dst, num_segments=N)  # [N, H, DH]
    node = attn.reshape(-1, D)                                        # view(-1, out_dim)
    # ---- global_mean_pool ----
    sums = jax.ops.segment_sum(node, batch, num_segments=G)
    cnt = jax.ops.segment_sum(jnp.ones((N, 1), dtype=jnp.float32), batch, num_segments=G)
    graph = sums / jnp.maximum(cnt, 1.0)
    # ---- RegressionLayer ----
    r = jax.nn.relu(graph @ Wr1 + br1)
    out = r @ Wr2 + br2
    return out

if __name__ == "__main__":
    import jax
    _d = setup_inputs()
    print(jax.jit(kernel)(*tuple(_d.values())))

</pallas_src>

<mosaic_0001>
#map = affine_map<(d0, d1) -> (0, 0)>
#map1 = affine_map<(d0, d1) -> (0, 0, 0, 0)>
#map2 = affine_map<(d0, d1) -> (0, 0, 0)>
module attributes {stable_mosaic.version = 14 : i64} {
  func.func @_qk_sc_body(%arg0: i32, %arg1: i32, %arg2: memref<10016x128xf32, #tpu.memory_space<hbm>>, %arg3: memref<10016x128xf32, #tpu.memory_space<hbm>>, %arg4: memref<32x80x1x128xi32, #tpu.memory_space<hbm>>, %arg5: memref<32x80x1x128xi32, #tpu.memory_space<hbm>>, %arg6: memref<2560x128x128xf32, #tpu.memory_space<hbm>>, %arg7: memref<1x128xi32, #tpu.memory_space<vmem>>, %arg8: memref<1x128xi32, #tpu.memory_space<vmem>>, %arg9: memref<128x128xf32, #tpu.memory_space<vmem>>, %arg10: memref<128x128xf32, #tpu.memory_space<vmem>>, %arg11: memref<!tpu.dma_semaphore, #tpu.memory_space<semaphore_mem>>) attributes {dimension_semantics = [#tpu.dimension_semantics<core_parallel>, #tpu.dimension_semantics<subcore_parallel>], iteration_bounds = array<i64: 2, 16>, scalar_prefetch = 0 : i64, scratch_operands = 5 : i64, tpu.core_type = #tpu.core_type<sc_vector_subcore>, window_params = [{transform_indices = #map}, {transform_indices = #map}, {transform_indices = #map1}, {transform_indices = #map1}, {transform_indices = #map2}]} {
    %mul3A = arith.constant 16 : i32
    %mul3A_0 = arith.muli %arg0, %mul3A : i32
    %add3A = arith.addi %mul3A_0, %arg1 : i32
    %scan3A = arith.constant 0 : i32
    %scan3A_1 = arith.constant 0 : i32
    %scan3A_2 = arith.constant 80 : i32
    %scan3A_3 = arith.addi %scan3A_1, %scan3A_2 : i32
    %scan3A_4 = arith.constant 1 : i32
    %scan3A_5 = scf.for %scan3A_7 = %scan3A_1 to %scan3A_3 step %scan3A_4 iter_args(%scan3A_8 = %scan3A) -> (i32)  : i32 {
      "tpu.region"() ({
        %run_scoped3A = tpu.sem_alloc : memref<!tpu.dma_semaphore, #tpu.memory_space<semaphore_mem>>
        %dma_start3A_46 = arith.constant 0 : i32
        %dma_start3A_47 = arith.constant 0 : i32
        %dma_start3A_48 = tpu.memref_slice %arg4[%add3A, %scan3A_7, %dma_start3A_46, %dma_start3A_47] : memref<32x80x1x128xi32, #tpu.memory_space<hbm>> -> memref<1x1x1x128xi32, #tpu.memory_space<hbm>>
        %dma_start3A_49 = tpu.memref_squeeze %dma_start3A_48 : memref<1x1x1x128xi32, #tpu.memory_space<hbm>> -> memref<1x128xi32, #tpu.memory_space<hbm>>
        %dma_start3A_50 = arith.constant 0 : i32
        %dma_start3A_51 = arith.constant 0 : i32
        %dma_start3A_52 = tpu.memref_slice %arg4[%add3A, %scan3A_7, %dma_start3A_50, %dma_start3A_51] : memref<32x80x1x128xi32, #tpu.memory_space<hbm>> -> memref<1x1x1x128xi32, #tpu.memory_space<hbm>>
        %dma_start3A_53 = tpu.memref_squeeze %dma_start3A_52 : memref<1x1x1x128xi32, #tpu.memory_space<hbm>> -> memref<1x128xi32, #tpu.memory_space<hbm>>
        tpu.enqueue_dma source(%dma_start3A_53 : memref<1x128xi32, #tpu.memory_space<hbm>>) target(%arg7 : memref<1x128xi32, #tpu.memory_space<vmem>>) target_semaphore(%run_scoped3A : memref<!tpu.dma_semaphore, #tpu.memory_space<semaphore_mem>>)
        %dma_wait3A_54 = arith.constant 0 : i32
        %dma_wait3A_55 = arith.constant 0 : i32
        %dma_wait3A_56 = tpu.memref_slice %arg4[%add3A, %scan3A_7, %dma_wait3A_54, %dma_wait3A_55] : memref<32x80x1x128xi32, #tpu.memory_space<hbm>> -> memref<1x1x1x128xi32, #tpu.memory_space<hbm>>
        %dma_wait3A_57 = tpu.memref_squeeze %dma_wait3A_56 : memref<1x1x1x128xi32, #tpu.memory_space<hbm>> -> memref<1x128xi32, #tpu.memory_space<hbm>>
        %dma_wait3A_58 = arith.constant 0 : i32
        %dma_wait3A_59 = arith.constant 0 : i32
        %dma_wait3A_60 = tpu.memref_slice %arg4[%add3A, %scan3A_7, %dma_wait3A_58, %dma_wait3A_59] : memref<32x80x1x128xi32, #tpu.memory_space<hbm>> -> memref<1x1x1x128xi32, #tpu.memory_space<hbm>>
        %dma_wait3A_61 = tpu.memref_squeeze %dma_wait3A_60 : memref<1x1x1x128xi32, #tpu.memory_space<hbm>> -> memref<1x128xi32, #tpu.memory_space<hbm>>
        tpu.wait_dma2 semaphore(%run_scoped3A : memref<!tpu.dma_semaphore, #tpu.memory_space<semaphore_mem>>) src(%dma_wait3A_61 : memref<1x128xi32, #tpu.memory_space<hbm>>) dst(%arg7 : memref<1x128xi32, #tpu.memory_space<vmem>>)
        tpu.yield
      }) : () -> ()
      "tpu.region"() ({
        %run_scoped3A = tpu.sem_alloc : memref<!tpu.dma_semaphore, #tpu.memory_space<semaphore_mem>>
        %dma_start3A_46 = arith.constant 0 : i32
        %dma_start3A_47 = arith.constant 0 : i32
        %dma_start3A_48 = tpu.memref_slice %arg5[%add3A, %scan3A_7, %dma_start3A_46, %dma_start3A_47] : memref<32x80x1x128xi32, #tpu.memory_space<hbm>> -> memref<1x1x1x128xi32, #tpu.memory_space<hbm>>
        %dma_start3A_49 = tpu.memref_squeeze %dma_start3A_48 : memref<1x1x1x128xi32, #tpu.memory_space<hbm>> -> memref<1x128xi32, #tpu.memory_space<hbm>>
        %dma_start3A_50 = arith.constant 0 : i32
        %dma_start3A_51 = arith.constant 0 : i32
        %dma_start3A_52 = tpu.memref_slice %arg5[%add3A, %scan3A_7, %dma_start3A_50, %dma_start3A_51] : memref<32x80x1x128xi32, #tpu.memory_space<hbm>> -> memref<1x1x1x128xi32, #tpu.memory_space<hbm>>
        %dma_start3A_53 = tpu.memref_squeeze %dma_start3A_52 : memref<1x1x1x128xi32, #tpu.memory_space<hbm>> -> memref<1x128xi32, #tpu.memory_space<hbm>>
        tpu.enqueue_dma source(%dma_start3A_53 : memref<1x128xi32, #tpu.memory_space<hbm>>) target(%arg8 : memref<1x128xi32, #tpu.memory_space<vmem>>) target_semaphore(%run_scoped3A : memref<!tpu.dma_semaphore, #tpu.memory_space<semaphore_mem>>)
        %dma_wait3A_54 = arith.constant 0 : i32
        %dma_wait3A_55 = arith.constant 0 : i32
        %dma_wait3A_56 = tpu.memref_slice %arg5[%add3A, %scan3A_7, %dma_wait3A_54, %dma_wait3A_55] : memref<32x80x1x128xi32, #tpu.memory_space<hbm>> -> memref<1x1x1x128xi32, #tpu.memory_space<hbm>>
        %dma_wait3A_57 = tpu.memref_squeeze %dma_wait3A_56 : memref<1x1x1x128xi32, #tpu.memory_space<hbm>> -> memref<1x128xi32, #tpu.memory_space<hbm>>
        %dma_wait3A_58 = arith.constant 0 : i32
        %dma_wait3A_59 = arith.constant 0 : i32
        %dma_wait3A_60 = tpu.memref_slice %arg5[%add3A, %scan3A_7, %dma_wait3A_58, %dma_wait3A_59] : memref<32x80x1x128xi32, #tpu.memory_space<hbm>> -> memref<1x1x1x128xi32, #tpu.memory_space<hbm>>
        %dma_wait3A_61 = tpu.memref_squeeze %dma_wait3A_60 : memref<1x1x1x128xi32, #tpu.memory_space<hbm>> -> memref<1x128xi32, #tpu.memory_space<hbm>>
        tpu.wait_dma2 semaphore(%run_scoped3A : memref<!tpu.dma_semaphore, #tpu.memory_space<semaphore_mem>>) src(%dma_wait3A_61 : memref<1x128xi32, #tpu.memory_space<hbm>>) dst(%arg8 : memref<1x128xi32, #tpu.memory_space<vmem>>)
        tpu.yield
      }) : () -> ()
      %dma_start3A = arith.constant 0 : i32
      %dma_start3A_9 = arith.constant 0 : i32
      %dma_start3A_10 = tpu.memref_slice %arg8[%dma_start3A, %dma_start3A_9] : memref<1x128xi32, #tpu.memory_space<vmem>> -> memref<1x128xi32, #tpu.memory_space<vmem>>
      %dma_start3A_11 = tpu.memref_squeeze %dma_start3A_10 : memref<1x128xi32, #tpu.memory_space<vmem>> -> memref<128xi32, #tpu.memory_space<vmem>>
      %dma_start3A_12 = arith.constant 0 : i32
      %dma_start3A_13 = arith.constant 0 : i32
      %dma_start3A_14 = tpu.memref_slice %arg2[%dma_start3A_12, %dma_start3A_13] : memref<10016x128xf32, #tpu.memory_space<hbm>> -> memref<10016x128xf32, #tpu.memory_space<hbm>>
      tpu.enqueue_indirect_dma source(%dma_start3A_14 : memref<10016x128xf32, #tpu.memory_space<hbm>>) target(%arg9 : memref<128x128xf32, #tpu.memory_space<vmem>>) offsets(%dma_start3A_11 : memref<128xi32, #tpu.memory_space<vmem>>) semaphore(%arg11 : memref<!tpu.dma_semaphore, #tpu.memory_space<semaphore_mem>>)
      %dma_start3A_15 = arith.constant 0 : i32
      %dma_start3A_16 = arith.constant 0 : i32
      %dma_start3A_17 = tpu.memref_slice %arg7[%dma_start3A_15, %dma_start3A_16] : memref<1x128xi32, #tpu.memory_space<vmem>> -> memref<1x128xi32, #tpu.memory_space<vmem>>
      %dma_start3A_18 = tpu.memref_squeeze %dma_start3A_17 : memref<1x128xi32, #tpu.memory_space<vmem>> -> memref<128xi32, #tpu.memory_space<vmem>>
      %dma_start3A_19 = arith.constant 0 : i32
      %dma_start3A_20 = arith.constant 0 : i32
      %dma_start3A_21 = tpu.memref_slice %arg3[%dma_start3A_19, %dma_start3A_20] : memref<10016x128xf32, #tpu.memory_space<hbm>> -> memref<10016x128xf32, #tpu.memory_space<hbm>>
      tpu.enqueue_indirect_dma source(%dma_start3A_21 : memref<10016x128xf32, #tpu.memory_space<hbm>>) target(%arg10 : memref<128x128xf32, #tpu.memory_space<vmem>>) offsets(%dma_start3A_18 : memref<128xi32, #tpu.memory_space<vmem>>) semaphore(%arg11 : memref<!tpu.dma_semaphore, #tpu.memory_space<semaphore_mem>>)
      %dma_wait3A = arith.constant 0 : i32
      %dma_wait3A_22 = arith.constant 0 : i32
      %dma_wait3A_23 = tpu.memref_slice %arg8[%dma_wait3A, %dma_wait3A_22] : memref<1x128xi32, #tpu.memory_space<vmem>> -> memref<1x128xi32, #tpu.memory_space<vmem>>
      %dma_wait3A_24 = tpu.memref_squeeze %dma_wait3A_23 : memref<1x128xi32, #tpu.memory_space<vmem>> -> memref<128xi32, #tpu.memory_space<vmem>>
      %dma_wait3A_25 = arith.constant 0 : i32
      %dma_wait3A_26 = arith.constant 0 : i32
      %dma_wait3A_27 = tpu.memref_slice %arg2[%dma_wait3A_25, %dma_wait3A_26] : memref<10016x128xf32, #tpu.memory_space<hbm>> -> memref<10016x128xf32, #tpu.memory_space<hbm>>
      tpu.wait_indirect_dma semaphore(%arg11 : memref<!tpu.dma_semaphore, #tpu.memory_space<semaphore_mem>>) src(%dma_wait3A_27 : memref<10016x128xf32, #tpu.memory_space<hbm>>) dst(%arg9 : memref<128x128xf32, #tpu.memory_space<vmem>>)
      %dma_wait3A_28 = arith.constant 0 : i32
      %dma_wait3A_29 = arith.constant 0 : i32
      %dma_wait3A_30 = tpu.memref_slice %arg7[%dma_wait3A_28, %dma_wait3A_29] : memref<1x128xi32, #tpu.memory_space<vmem>> -> memref<1x128xi32, #tpu.memory_space<vmem>>
      %dma_wait3A_31 = tpu.memref_squeeze %dma_wait3A_30 : memref<1x128xi32, #tpu.memory_space<vmem>> -> memref<128xi32, #tpu.memory_space<vmem>>
      %dma_wait3A_32 = arith.constant 0 : i32
      %dma_wait3A_33 = arith.constant 0 : i32
      %dma_wait3A_34 = tpu.memref_slice %arg3[%dma_wait3A_32, %dma_wait3A_33] : memref<10016x128xf32, #tpu.memory_space<hbm>> -> memref<10016x128xf32, #tpu.memory_space<hbm>>
      tpu.wait_indirect_dma semaphore(%arg11 : memref<!tpu.dma_semaphore, #tpu.memory_space<semaphore_mem>>) src(%dma_wait3A_34 : memref<10016x128xf32, #tpu.memory_space<hbm>>) dst(%arg10 : memref<128x128xf32, #tpu.memory_space<vmem>>)
      %scan3A_35 = arith.constant 0 : i32
      %scan3A_36 = arith.constant 0 : i32
      %scan3A_37 = arith.constant 32 : i32
      %scan3A_38 = arith.addi %scan3A_36, %scan3A_37 : i32
      %scan3A_39 = arith.constant 1 : i32
      %scan3A_40 = scf.for %scan3A_46 = %scan3A_36 to %scan3A_38 step %scan3A_39 iter_args(%scan3A_47 = %scan3A_35) -> (i32)  : i32 {
        %mul3A_48 = arith.constant 4 : i32
        %mul3A_49 = arith.muli %scan3A_46, %mul3A_48 : i32
        %add3A_50 = arith.constant 0 : i32
        %add3A_51 = arith.addi %mul3A_49, %add3A_50 : i32
        %get3A = arith.index_cast %add3A_51 : i32 to index
        %get3A_52 = arith.constant 0 : index
        %get3A_53 = tpu.vector_load %arg9[%get3A, %get3A_52] {strides = array<i32>} : memref<128x128xf32, #tpu.memory_space<vmem>>, vector<1x16xf32>,
        %get3A_54 = vector.shape_cast %get3A_53 : vector<1x16xf32> to vector<16xf32>
        %get3A_55 = arith.index_cast %add3A_51 : i32 to index
        %get3A_56 = arith.constant 0 : index
        %get3A_57 = tpu.vector_load %arg10[%get3A_55, %get3A_56] {strides = array<i32>} : memref<128x128xf32, #tpu.memory_space<vmem>>, vector<1x16xf32>,
        %get3A_58 = vector.shape_cast %get3A_57 : vector<1x16xf32> to vector<16xf32>
        %mul3A_59 = arith.mulf %get3A_54, %get3A_58 : vector<16xf32>
        %swap3A = arith.index_cast %add3A_51 : i32 to index
        %swap3A_60 = arith.constant 0 : index
        %swap3A_61 = tpu.vector_load %arg9[%swap3A, %swap3A_60] {strides = array<i32>} : memref<128x128xf32, #tpu.memory_space<vmem>>, vector<1x16xf32>,
        %swap3A_62 = vector.shape_cast %swap3A_61 : vector<1x16xf32> to vector<16xf32>
        %swap3A_63 = vector.shape_cast %mul3A_59 : vector<16xf32> to vector<1x16xf32>
        tpu.vector_store %arg9[%swap3A, %swap3A_60], %swap3A_63 {strides = array<i32>} : memref<128x128xf32, #tpu.memory_space<vmem>>, vector<1x16xf32>,
        %get3A_64 = arith.index_cast %add3A_51 : i32 to index
        %get3A_65 = arith.constant 16 : index
        %get3A_66 = tpu.vector_load %arg9[%get3A_64, %get3A_65] {strides = array<i32>} : memref<128x128xf32, #tpu.memory_space<vmem>>, vector<1x16xf32>,
        %get3A_67 = vector.shape_cast %get3A_66 : vector<1x16xf32> to vector<16xf32>
        %get3A_68 = arith.index_cast %add3A_51 : i32 to index
        %get3A_69 = arith.constant 16 : index
        %get3A_70 = tpu.vector_load %arg10[%get3A_68, %get3A_69] {strides = array<i32>} : memref<128x128xf32, #tpu.memory_space<vmem>>, vector<1x16xf32>,
        %get3A_71 = vector.shape_cast %get3A_70 : vector<1x16xf32> to vector<16xf32>
        %mul3A_72 = arith.mulf %get3A_67, %get3A_71 : vector<16xf32>
        %swap3A_73 = arith.index_cast %add3A_51 : i32 to index
        %swap3A_74 = arith.constant 16 : index
        %swap3A_75 = tpu.vector_load %arg9[%swap3A_73, %swap3A_74] {strides = array<i32>} : memref<128x128xf32, #tpu.memory_space<vmem>>, vector<1x16xf32>,
        %swap3A_76 = vector.shape_cast %swap3A_75 : vector<1x16xf32> to vector<16xf32>
        %swap3A_77 = vector.shape_cast %mul3A_72 : vector<16xf32> to vector<1x16xf32>
        tpu.vector_store %arg9[%swap3A_73, %swap3A_74], %swap3A_77 {strides = array<i32>} : memref<128x128xf32, #tpu.memory_space<vmem>>, vector<1x16xf32>,
        %get3A_78 = arith.index_cast %add3A_51 : i32 to index
        %get3A_79 = arith.constant 32 : index
        %get3A_80 = tpu.vector_load %arg9[%get3A_78, %get3A_79] {strides = array<i32>} : memref<128x128xf32, #tpu.memory_space<vmem>>, vector<1x16xf32>,
        %get3A_81 = vector.shape_cast %get3A_80 : vector<1x16xf32> to vector<16xf32>
        %get3A_82 = arith.index_cast %add3A_51 : i32 to index
        %get3A_83 = arith.constant 32 : index
        %get3A_84 = tpu.vector_load %arg10[%get3A_82, %get3A_83] {strides = array<i32>} : memref<128x128xf32, #tpu.memory_space<vmem>>, vector<1x16xf32>,
        %get3A_85 = vector.shape_cast %get3A_84 : vector<1x16xf32> to vector<16xf32>
        %mul3A_86 = arith.mulf %get3A_81, %get3A_85 : vector<16xf32>
        %swap3A_87 = arith.index_cast %add3A_51 : i32 to index
        %swap3A_88 = arith.constant 32 : index
        %swap3A_89 = tpu.vector_load %arg9[%swap3A_87, %swap3A_88] {strides = array<i32>} : memref<128x128xf32, #tpu.memory_space<vmem>>, vector<1x16xf32>,
        %swap3A_90 = vector.shape_cast %swap3A_89 : vector<1x16xf32> to vector<16xf32>
        %swap3A_91 = vector.shape_cast %mul3A_86 : vector<16xf32> to vector<1x16xf32>
        tpu.vector_store %arg9[%swap3A_87, %swap3A_88], %swap3A_91 {strides = array<i32>} : memref<128x128xf32, #tpu.memory_space<vmem>>, vector<1x16xf32>,
        %get3A_92 = arith.index_cast %add3A_51 : i32 to index
        %get3A_93 = arith.constant 48 : index
        %get3A_94 = tpu.vector_load %arg9[%get3A_92, %get3A_93] {strides = array<i32>} : memref<128x128xf32, #tpu.memory_space<vmem>>, vector<1x16xf32>,
        %get3A_95 = vector.shape_cast %get3A_94 : vector<1x16xf32> to vector<16xf32>
        %get3A_96 = arith.index_cast %add3A_51 : i32 to index
        %get3A_97 = arith.constant 48 : index
        %get3A_98 = tpu.vector_load %arg10[%get3A_96, %get3A_97] {strides = array<i32>} : memref<128x128xf32, #tpu.memory_space<vmem>>, vector<1x16xf32>,
        %get3A_99 = vector.shape_cast %get3A_98 : vector<1x16xf32> to vector<16xf32>
        %mul3A_100 = arith.mulf %get3A_95, %get3A_99 : vector<16xf32>
        %swap3A_101 = arith.index_cast %add3A_51 : i32 to index
        %swap3A_102 = arith.constant 48 : index
        %swap3A_103 = tpu.vector_load %arg9[%swap3A_101, %swap3A_102] {strides = array<i32>} : memref<128x128xf32, #tpu.memory_space<vmem>>, vector<1x16xf32>,
        %swap3A_104 = vector.shape_cast %swap3A_103 : vector<1x16xf32> to vector<16xf32>
        %swap3A_105 = vector.shape_cast %mul3A_100 : vector<16xf32> to vector<1x16xf32>
        tpu.vector_store %arg9[%swap3A_101, %swap3A_102], %swap3A_105 {strides = array<i32>} : memref<128x128xf32, #tpu.memory_space<vmem>>, vector<1x16xf32>,
        %get3A_106 = arith.index_cast %add3A_51 : i32 to index
        %get3A_107 = arith.constant 64 : index
        %get3A_108 = tpu.vector_load %arg9[%get3A_106, %get3A_107] {strides = array<i32>} : memref<128x128xf32, #tpu.memory_space<vmem>>, vector<1x16xf32>,
        %get3A_109 = vector.shape_cast %get3A_108 : vector<1x16xf32> to vector<16xf32>
        %get3A_110 = arith.index_cast %add3A_51 : i32 to index
        %get3A_111 = arith.constant 64 : index
        %get3A_112 = tpu.vector_load %arg10[%get3A_110, %get3A_111] {strides = array<i32>} : memref<128x128xf32, #tpu.memory_space<vmem>>, vector<1x16xf32>,
        %get3A_113 = vector.shape_cast %get3A_112 : vector<1x16xf32> to vector<16xf32>
        %mul3A_114 = arith.mulf %get3A_109, %get3A_113 : vector<16xf32>
        %swap3A_115 = arith.index_cast %add3A_51 : i32 to index
        %swap3A_116 = arith.constant 64 : index
        %swap3A_117 = tpu.vector_load %arg9[%swap3A_115, %swap3A_116] {strides = array<i32>} : memref<128x128xf32, #tpu.memory_space<vmem>>, vector<1x16xf32>,
        %swap3A_118 = vector.shape_cast %swap3A_117 : vector<1x16xf32> to vector<16xf32>
        %swap3A_119 = vector.shape_cast %mul3A_114 : vector<16xf32> to vector<1x16xf32>
        tpu.vector_store %arg9[%swap3A_115, %swap3A_116], %swap3A_119 {strides = array<i32>} : memref<128x128xf32, #tpu.memory_space<vmem>>, vector<1x16xf32>,
        %get3A_120 = arith.index_cast %add3A_51 : i32 to index
        %get3A_121 = arith.constant 80 : index
        %get3A_122 = tpu.vector_load %arg9[%get3A_120, %get3A_121] {strides = array<i32>} : memref<128x128xf32, #tpu.memory_space<vmem>>, vector<1x16xf32>,
        %get3A_123 = vector.shape_cast %get3A_122 : vector<1x16xf32> to vector<16xf32>
        %get3A_124 = arith.index_cast %add3A_51 : i32 to index
        %get3A_125 = arith.constant 80 : index
        %get3A_126 = tpu.vector_load %arg10[%get3A_124, %get3A_125] {strides = array<i32>} : memref<128x128xf32, #tpu.memory_space<vmem>>, vector<1x16xf32>,
        %get3A_127 = vector.shape_cast %get3A_126 : vector<1x16xf32> to vector<16xf32>
        %mul3A_128 = arith.mulf %get3A_123, %get3A_127 : vector<16xf32>
        %swap3A_129 = arith.index_cast %add3A_51 : i32 to index
        %swap3A_130 = arith.constant 80 : index
        %swap3A_131 = tpu.vector_load %arg9[%swap3A_129, %swap3A_130] {strides = array<i32>} : memref<128x128xf32, #tpu.memory_space<vmem>>, vector<1x16xf32>,
        %swap3A_132 = vector.shape_cast %swap3A_131 : vector<1x16xf32> to vector<16xf32>
        %swap3A_133 = vector.shape_cast %mul3A_128 : vector<16xf32> to vector<1x16xf32>
        tpu.vector_store %arg9[%swap3A_129, %swap3A_130], %swap3A_133 {strides = array<i32>} : memref<128x128xf32, #tpu.memory_space<vmem>>, vector<1x16xf32>,
        %get3A_134 = arith.index_cast %add3A_51 : i32 to index
        %get3A_135 = arith.constant 96 : index
        %get3A_136 = tpu.vector_load %arg9[%get3A_134, %get3A_135] {strides = array<i32>} : memref<128x128xf32, #tpu.memory_space<vmem>>, vector<1x16xf32>,
        %get3A_137 = vector.shape_cast %get3A_136 : vector<1x16xf32> to vector<16xf32>
        %get3A_138 = arith.index_cast %add3A_51 : i32 to index
        %get3A_139 = arith.constant 96 : index
        %get3A_140 = tpu.vector_load %arg10[%get3A_138, %get3A_139] {strides = array<i32>} : memref<128x128xf32, #tpu.memory_space<vmem>>, vector<1x16xf32>,
        %get3A_141 = vector.shape_cast %get3A_140 : vector<1x16xf32> to vector<16xf32>
        %mul3A_142 = arith.mulf %get3A_137, %get3A_141 : vector<16xf32>
        %swap3A_143 = arith.index_cast %add3A_51 : i32 to index
        %swap3A_144 = arith.constant 96 : index
        %swap3A_145 = tpu.vector_load %arg9[%swap3A_143, %swap3A_144] {strides = array<i32>} : memref<128x128xf32, #tpu.memory_space<vmem>>, vector<1x16xf32>,
        %swap3A_146 = vector.shape_cast %swap3A_145 : vector<1x16xf32> to vector<16xf32>
        %swap3A_147 = vector.shape_cast %mul3A_142 : vector<16xf32> to vector<1x16xf32>
        tpu.vector_store %arg9[%swap3A_143, %swap3A_144], %swap3A_147 {strides = array<i32>} : memref<128x128xf32, #tpu.memory_space<vmem>>, vector<1x16xf32>,
        %get3A_148 = arith.index_cast %add3A_51 : i32 to index
        %get3A_149 = arith.constant 112 : index
        %get3A_150 = tpu.vector_load %arg9[%get3A_148, %get3A_149] {strides = array<i32>} : memref<128x128xf32, #tpu.memory_space<vmem>>, vector<1x16xf32>,
        %get3A_151 = vector.shape_cast %get3A_150 : vector<1x16xf32> to vector<16xf32>
        %get3A_152 = arith.index_cast %add3A_51 : i32 to index
        %get3A_153 = arith.constant 112 : index
        %get3A_154 = tpu.vector_load %arg10[%get3A_152, %get3A_153] {strides = array<i32>} : memref<128x128xf32, #tpu.memory_space<vmem>>, vector<1x16xf32>,
        %get3A_155 = vector.shape_cast %get3A_154 : vector<1x16xf32> to vector<16xf32>
        %mul3A_156 = arith.mulf %get3A_151, %get3A_155 : vector<16xf32>
        %swap3A_157 = arith.index_cast %add3A_51 : i32 to index
        %swap3A_158 = arith.constant 112 : index
        %swap3A_159 = tpu.vector_load %arg9[%swap3A_157, %swap3A_158] {strides = array<i32>} : memref<128x128xf32, #tpu.memory_space<vmem>>, vector<1x16xf32>,
        %swap3A_160 = vector.shape_cast %swap3A_159 : vector<1x16xf32> to vector<16xf32>
        %swap3A_161 = vector.shape_cast %mul3A_156 : vector<16xf32> to vector<1x16xf32>
        tpu.vector_store %arg9[%swap3A_157, %swap3A_158], %swap3A_161 {strides = array<i32>} : memref<128x128xf32, #tpu.memory_space<vmem>>, vector<1x16xf32>,
        %mul3A_162 = arith.constant 4 : i32
        %mul3A_163 = arith.muli %scan3A_46, %mul3A_162 : i32
        %add3A_164 = arith.constant 1 : i32
        %add3A_165 = arith.addi %mul3A_163, %add3A_164 : i32
        %get3A_166 = arith.index_cast %add3A_165 : i32 to index
        %get3A_167 = arith.constant 0 : index
        %get3A_168 = tpu.vector_load %arg9[%get3A_166, %get3A_167] {strides = array<i32>} : memref<128x128xf32, #tpu.memory_space<vmem>>, vector<1x16xf32>,
        %get3A_169 = vector.shape_cast %get3A_168 : vector<1x16xf32> to vector<16xf32>
        %get3A_170 = arith.index_cast %add3A_165 : i32 to index
        %get3A_171 = arith.constant 0 : index
        %get3A_172 = tpu.vector_load %arg10[%get3A_170, %get3A_171] {strides = array<i32>} : memref<128x128xf32, #tpu.memory_space<vmem>>, vector<1x16xf32>,
        %get3A_173 = vector.shape_cast %get3A_172 : vector<1x16xf32> to vector<16xf32>
        %mul3A_174 = arith.mulf %get3A_169, %get3A_173 : vector<16xf32>
        %swap3A_175 = arith.index_cast %add3A_165 : i32 to index
        %swap3A_176 = arith.constant 0 : index
        %swap3A_177 = tpu.vector_load %arg9[%swap3A_175, %swap3A_176] {strides = array<i32>} : memref<128x128xf32, #tpu.memory_space<vmem>>, vector<1x16xf32>,
        %swap3A_178 = vector.shape_cast %swap3A_177 : vector<1x16xf32> to vector<16xf32>
        %swap3A_179 = vector.shape_cast %mul3A_174 : vector<16xf32> to vector<1x16xf32>
        tpu.vector_store %arg9[%swap3A_175, %swap3A_176], %swap3A_179 {strides = array<i32>} : memref<128x128xf32, #tpu.memory_space<vmem>>, vector<1x16xf32>,
        %get3A_180 = arith.index_cast %add3A_165 : i32 to index
        %get3A_181 = arith.constant 16 : index
        %get3A_182 = tpu.vector_load %arg9[%get3A_180, %get3A_181] {strides = array<i32>} : memref<128x128xf32, #tpu.memory_space<vmem>>, vector<1x16xf32>,
        %get3A_183 = vector.shape_cast %get3A_182 : vector<1x16xf32> to vector<16xf32>
        %get3A_184 = arith.index_cast %add3A_165 : i32 to index
        %get3A_185 = arith.constant 16 : index
        %get3A_186 = tpu.vector_load %arg10[%get3A_184, %get3A_185] {strides = array<i32>} : memref<128x128xf32, #tpu.memory_space<vmem>>, vector<1x16xf32>,
        %get3A_187 = vector.shape_cast %get3A_186 : vector<1x16xf32> to vector<16xf32>
        %mul3A_188 = arith.mulf %get3A_183, %get3A_187 : vector<16xf32>
        %swap3A_189 = arith.index_cast %add3A_165 : i32 to index
        %swap3A_190 = arith.constant 16 : index
        %swap3A_191 = tpu.vector_load %arg9[%swap3A_189, %swap3A_190] {strides = array<i32>} : memref<128x128xf32, #tpu.memory_space<vmem>>, vector<1x16xf32>,
        %swap3A_192 = vector.shape_cast %swap3A_191 : vector<1x16xf32> to vector<16xf32>
        %swap3A_193 = vector.shape_cast %mul3A_188 : vector<16xf32> to vector<1x16xf32>
        tpu.vector_store %arg9[%swap3A_189, %swap3A_190], %swap3A_193 {strides = array<i32>} : memref<128x128xf32, #tpu.memory_space<vmem>>, vector<1x16xf32>,
        %get3A_194 = arith.index_cast %add3A_165 : i32 to index
        %get3A_195 = arith.constant 32 : index
        %get3A_196 = tpu.vector_load %arg9[%get3A_194, %get3A_195] {strides = array<i32>} : memref<128x128xf32, #tpu.memory_space<vmem>>, vector<1x16xf32>,
        %get3A_197 = vector.shape_cast %get3A_196 : vector<1x16xf32> to vector<16xf32>
        %get3A_198 = arith.index_cast %add3A_165 : i32 to index
        %get3A_199 = arith.constant 32 : index
        %get3A_200 = tpu.vector_load %arg10[%get3A_198, %get3A_199] {strides = array<i32>} : memref<128x128xf32, #tpu.memory_space<vmem>>, vector<1x16xf32>,
        %get3A_201 = vector.shape_cast %get3A_200 : vector<1x16xf32> to vector<16xf32>
        %mul3A_202 = arith.mulf %get3A_197, %get3A_201 : vector<16xf32>
        %swap3A_203 = arith.index_cast %add3A_165 : i32 to index
        %swap3A_204 = arith.constant 32 : index
        %swap3A_205 = tpu.vector_load %arg9[%swap3A_203, %swap3A_204] {strides = array<i32>} : memref<128x128xf32, #tpu.memory_space<vmem>>, vector<1x16xf32>,
        %swap3A_206 = vector.shape_cast %swap3A_205 : vector<1x16xf32> to vector<16xf32>
        %swap3A_207 = vector.shape_cast %mul3A_202 : vector<16xf32> to vector<1x16xf32>
        tpu.vector_store %arg9[%swap3A_203, %swap3A_204], %swap3A_207 {strides = array<i32>} : memref<128x128xf32, #tpu.memory_space<vmem>>, vector<1x16xf32>,
        %get3A_208 = arith.index_cast %add3A_165 : i32 to index
        %get3A_209 = arith.constant 48 : index
        %get3A_210 = tpu.vector_load %arg9[%get3A_208, %get3A_209] {strides = array<i32>} : memref<128x128xf32, #tpu.memory_space<vmem>>, vector<1x16xf32>,
        %get3A_211 = vector.shape_cast %get3A_210 : vector<1x16xf32> to vector<16xf32>
        %get3A_212 = arith.index_cast %add3A_165 : i32 to index
        %get3A_213 = arith.constant 48 : index
        %get3A_214 = tpu.vector_load %arg10[%get3A_212, %get3A_213] {strides = array<i32>} : memref<128x128xf32, #tpu.memory_space<vmem>>, vector<1x16xf32>,
        %get3A_215 = vector.shape_cast %get3A_214 : vector<1x16xf32> to vector<16xf32>
        %mul3A_216 = arith.mulf %get3A_211, %get3A_215 : vector<16xf32>
        %swap3A_217 = arith.index_cast %add3A_165 : i32 to index
        %swap3A_218 = arith.constant 48 : index
        %swap3A_219 = tpu.vector_load %arg9[%swap3A_217, %swap3A_218] {strides = array<i32>} : memref<128x128xf32, #tpu.memory_space<vmem>>, vector<1x16xf32>,
        %swap3A_220 = vector.shape_cast %swap3A_219 : vector<1x16xf32> to vector<16xf32>
        %swap3A_221 = vector.shape_cast %mul3A_216 : vector<16xf32> to vector<1x16xf32>
        tpu.vector_store %arg9[%swap3A_217, %swap3A_218], %swap3A_221 {strides = array<i32>} : memref<128x128xf32, #tpu.memory_space<vmem>>, vector<1x16xf32>,
        %get3A_222 = arith.index_cast %add3A_165 : i32 to index
        %get3A_223 = arith.constant 64 : index
        %get3A_224 = tpu.vector_load %arg9[%get3A_222, %get3A_223] {strides = array<i32>} : memref<128x128xf32, #tpu.memory_space<vmem>>, vector<1x16xf32>,
        %get3A_225 = vector.shape_cast %get3A_224 : vector<1x16xf32> to vector<16xf32>
        %get3A_226 = arith.index_cast %add3A_165 : i32 to index
        %get3A_227 = arith.constant 64 : index
        %get3A_228 = tpu.vector_load %arg10[%get3A_226, %get3A_227] {strides = array<i32>} : memref<128x128xf32, #tpu.memory_space<vmem>>, vector<1x16xf32>,
        %get3A_229 = vector.shape_cast %get3A_228 : vector<1x16xf32> to vector<16xf32>
        %mul3A_230 = arith.mulf %get3A_225, %get3A_229 : vector<16xf32>
        %swap3A_231 = arith.index_cast %add3A_165 : i32 to index
        %swap3A_232 = arith.constant 64 : index
        %swap3A_233 = tpu.vector_load %arg9[%swap3A_231, %swap3A_232] {strides = array<i32>} : memref<128x128xf32, #tpu.memory_space<vmem>>, vector<1x16xf32>,
        %swap3A_234 = vector.shape_cast %swap3A_233 : vector<1x16xf32> to vector<16xf32>
        %swap3A_235 = vector.shape_cast %mul3A_230 : vector<16xf32> to vector<1x16xf32>
        tpu.vector_store %arg9[%swap3A_231, %swap3A_232], %swap3A_235 {strides = array<i32>} : memref<128x128xf32, #tpu.memory_space<vmem>>, vector<1x16xf32>,
        %get3A_236 = arith.index_cast %add3A_165 : i32 to index
        %get3A_237 = arith.constant 80 : index
        %get3A_238 = tpu.vector_load %arg9[%get3A_236, %get3A_237] {strides = array<i32>} : memref<128x128xf32, #tpu.memory_space<vmem>>, vector<1x16xf32>,
        %get3A_239 = vector.shape_cast %get3A_238 : vector<1x16xf32> to vector<16xf32>
        %get3A_240 = arith.index_cast %add3A_165 : i32 to index
        %get3A_241 = arith.constant 80 : index
        %get3A_242 = tpu.vector_load %arg10[%get3A_240, %get3A_241] {strides = array<i32>} : memref<128x128xf32, #tpu.memory_space<vmem>>, vector<1x16xf32>,
        %get3A_243 = vector.shape_cast %get3A_242 : vector<1x16xf32> to vector<16xf32>
        %mul3A_244 = arith.mulf %get3A_239, %get3A_243 : vector<16xf32>
        %swap3A_245 = arith.index_cast %add3A_165 : i32 to index
        %swap3A_246 = arith.constant 80 : index
        %swap3A_247 = tpu.vector_load %arg9[%swap3A_245, %swap3A_246] {strides = array<i32>} : memref<128x128xf32, #tpu.memory_space<vmem>>, vector<1x16xf32>,
        %swap3A_248 = vector.shape_cast %swap3A_247 : vector<1x16xf32> to vector<16xf32>
        %swap3A_249 = vector.shape_cast %mul3A_244 : vector<16xf32> to vector<1x16xf32>
        tpu.vector_store %arg9[%swap3A_245, %swap3A_246], %swap3A_249 {strides = array<i32>} : memref<128x128xf32, #tpu.memory_space<vmem>>, vector<1x16xf32>,
        %get3A_250 = arith.index_cast %add3A_165 : i32 to index
        %get3A_251 = arith.constant 96 : index
        %get3A_252 = tpu.vector_load %arg9[%get3A_250, %get3A_251] {strides = array<i32>} : memref<128x128xf32, #tpu.memory_space<vmem>>, vector<1x16xf32>,
        %get3A_253 = vector.shape_cast %get3A_252 : vector<1x16xf32> to vector<16xf32>
        %get3A_254 = arith.index_cast %add3A_165 : i32 to index
        %get3A_255 = arith.constant 96 : index
        %get3A_256 = tpu.vector_load %arg10[%get3A_254, %get3A_255] {strides = array<i32>} : memref<128x128xf32, #tpu.memory_space<vmem>>, vector<1x16xf32>,
        %get3A_257 = vector.shape_cast %get3A_256 : vector<1x16xf32> to vector<16xf32>
        %mul3A_258 = arith.mulf %get3A_253, %get3A_257 : vector<16xf32>
        %swap3A_259 = arith.index_cast %add3A_165 : i32 to index
        %swap3A_260 = arith.constant 96 : index
        %swap3A_261 = tpu.vector_load %arg9[%swap3A_259, %swap3A_260] {strides = array<i32>} : memref<128x128xf32, #tpu.memory_space<vmem>>, vector<1x16xf32>,
        %swap3A_262 = vector.shape_cast %swap3A_261 : vector<1x16xf32> to vector<16xf32>
        %swap3A_263 = vector.shape_cast %mul3A_258 : vector<16xf32> to vector<1x16xf32>
        tpu.vector_store %arg9[%swap3A_259, %swap3A_260], %swap3A_263 {strides = array<i32>} : memref<128x128xf32, #tpu.memory_space<vmem>>, vector<1x16xf32>,
        %get3A_264 = arith.index_cast %add3A_165 : i32 to index
        %get3A_265 = arith.constant 112 : index
        %get3A_266 = tpu.vector_load %arg9[%get3A_264, %get3A_265] {strides = array<i32>} : memref<128x128xf32, #tpu.memory_space<vmem>>, vector<1x16xf32>,
        %get3A_267 = vector.shape_cast %get3A_266 : vector<1x16xf32> to vector<16xf32>
        %get3A_268 = arith.index_cast %add3A_165 : i32 to index
        %get3A_269 = arith.constant 112 : index
        %get3A_270 = tpu.vector_load %arg10[%get3A_268, %get3A_269] {strides = array<i32>} : memref<128x128xf32, #tpu.memory_space<vmem>>, vector<1x16xf32>,
        %get3A_271 = vector.shape_cast %get3A_270 : vector<1x16xf32> to vector<16xf32>
        %mul3A_272 = arith.mulf %get3A_267, %get3A_271 : vector<16xf32>
        %swap3A_273 = arith.index_cast %add3A_165 : i32 to index
        %swap3A_274 = arith.constant 112 : index
        %swap3A_275 = tpu.vector_load %arg9[%swap3A_273, %swap3A_274] {strides = array<i32>} : memref<128x128xf32, #tpu.memory_space<vmem>>, vector<1x16xf32>,
        %swap3A_276 = vector.shape_cast %swap3A_275 : vector<1x16xf32> to vector<16xf32>
        %swap3A_277 = vector.shape_cast %mul3A_272 : vector<16xf32> to vector<1x16xf32>
        tpu.vector_store %arg9[%swap3A_273, %swap3A_274], %swap3A_277 {strides = array<i32>} : memref<128x128xf32, #tpu.memory_space<vmem>>, vector<1x16xf32>,
        %mul3A_278 = arith.constant 4 : i32
        %mul3A_279 = arith.muli %scan3A_46, %mul3A_278 : i32
        %add3A_280 = arith.constant 2 : i32
        %add3A_281 = arith.addi %mul3A_279, %add3A_280 : i32
        %get3A_282 = arith.index_cast %add3A_281 : i32 to index
        %get3A_283 = arith.constant 0 : index
        %get3A_284 = tpu.vector_load %arg9[%get3A_282, %get3A_283] {strides = array<i32>} : memref<128x128xf32, #tpu.memory_space<vmem>>, vector<1x16xf32>,
        %get3A_285 = vector.shape_cast %get3A_284 : vector<1x16xf32> to vector<16xf32>
        %get3A_286 = arith.index_cast %add3A_281 : i32 to index
        %get3A_287 = arith.constant 0 : index
        %get3A_288 = tpu.vector_load %arg10[%get3A_286, %get3A_287] {strides = array<i32>} : memref<128x128xf32, #tpu.memory_space<vmem>>, vector<1x16xf32>,
        %get3A_289 = vector.shape_cast %get3A_288 : vector<1x16xf32> to vector<16xf32>
        %mul3A_290 = arith.mulf %get3A_285, %get3A_289 : vector<16xf32>
        %swap3A_291 = arith.index_cast %add3A_281 : i32 to index
        %swap3A_292 = arith.constant 0 : index
        %swap3A_293 = tpu.vector_load %arg9[%swap3A_291, %swap3A_292] {strides = array<i32>} : memref<128x128xf32, #tpu.memory_space<vmem>>, vector<1x16xf32>,
        %swap3A_294 = vector.shape_cast %swap3A_293 : vector<1x16xf32> to vector<16xf32>
        %swap3A_295 = vector.shape_cast %mul3A_290 : vector<16xf32> to vector<1x16xf32>
        tpu.vector_store %arg9[%swap3A_291, %swap3A_292], %swap3A_295 {strides = array<i32>} : memref<128x128xf32, #tpu.memory_space<vmem>>, vector<1x16xf32>,
        %get3A_296 = arith.index_cast %add3A_281 : i32 to index
        %get3A_297 = arith.constant 16 : index
        %get3A_298 = tpu.vector_load %arg9[%get3A_296, %get3A_297] {strides = array<i32>} : memref<128x128xf32, #tpu.memory_space<vmem>>, vector<1x16xf32>,
        %get3A_299 = vector.shape_cast %get3A_298 : vector<1x16xf32> to vector<16xf32>
        %get3A_300 = arith.index_cast %add3A_281 : i32 to index
        %get3A_301 = arith.constant 16 : index
        %get3A_302 = tpu.vector_load %arg10[%get3A_300, %get3A_301] {strides = array<i32>} : memref<128x128xf32, #tpu.memory_space<vmem>>, vector<1x16xf32>,
        %get3A_303 = vector.shape_cast %get3A_302 : vector<1x16xf32> to vector<16xf32>
        %mul3A_304 = arith.mulf %get3A_299, %get3A_303 : vector<16xf32>
        %swap3A_305 = arith.index_cast %add3A_281 : i32 to index
        %swap3A_306 = arith.constant 16 : index
        %swap3A_307 = tpu.vector_load %arg9[%swap3A_305, %swap3A_306] {strides = array<i32>} : memref<128x128xf32, #tpu.memory_space<vmem>>, vector<1x16xf32>,
        %swap3A_308 = vector.shape_cast %swap3A_307 : vector<1x16xf32> to vector<16xf32>
        %swap3A_309 = vector.shape_cast %mul3A_304 : vector<16xf32> to vector<1x16xf32>
        tpu.vector_store %arg9[%swap3A_305, %swap3A_306], %swap3A_309 {strides = array<i32>} : memref<128x128xf32, #tpu.memory_space<vmem>>, vector<1x16xf32>,
        %get3A_310 = arith.index_cast %add3A_281 : i32 to index
        %get3A_311 = arith.constant 32 : index
        %get3A_312 = tpu.vector_load %arg9[%get3A_310, %get3A_311] {strides = array<i32>} : memref<128x128xf32, #tpu.memory_space<vmem>>, vector<1x16xf32>,
        %get3A_313 = vector.shape_cast %get3A_312 : vector<1x16xf32> to vector<16xf32>
        %get3A_314 = arith.index_cast %add3A_281 : i32 to index
        %get3A_315 = arith.constant 32 : index
        %get3A_316 = tpu.vector_load %arg10[%get3A_314, %get3A_315] {strides = array<i32>} : memref<128x128xf32, #tpu.memory_space<vmem>>, vector<1x16xf32>,
        %get3A_317 = vector.shape_cast %get3A_316 : vector<1x16xf32> to vector<16xf32>
        %mul3A_318 = arith.mulf %get3A_313, %get3A_317 : vector<16xf32>
        %swap3A_319 = arith.index_cast %add3A_281 : i32 to index
        %swap3A_320 = arith.constant 32 : index
        %swap3A_321 = tpu.vector_load %arg9[%swap3A_319, %swap3A_320] {strides = array<i32>} : memref<128x128xf32, #tpu.memory_space<vmem>>, vector<1x16xf32>,
        %swap3A_322 = vector.shape_cast %swap3A_321 : vector<1x16xf32> to vector<16xf32>
        %swap3A_323 = vector.shape_cast %mul3A_318 : vector<16xf32> to vector<1x16xf32>
        tpu.vector_store %arg9[%swap3A_319, %swap3A_320], %swap3A_323 {strides = array<i32>} : memref<128x128xf32, #tpu.memory_space<vmem>>, vector<1x16xf32>,
        %get3A_324 = arith.index_cast %add3A_281 : i32 to index
        %get3A_325 = arith.constant 48 : index
        %get3A_326 = tpu.vector_load %arg9[%get3A_324, %get3A_325] {strides = array<i32>} : memref<128x128xf32, #tpu.memory_space<vmem>>, vector<1x16xf32>,
        %get3A_327 = vector.shape_cast %get3A_326 : vector<1x16xf32> to vector<16xf32>
        %get3A_328 = arith.index_cast %add3A_281 : i32 to index
        %get3A_329 = arith.constant 48 : index
        %get3A_330 = tpu.vector_load %arg10[%get3A_328, %get3A_329] {strides = array<i32>} : memref<128x128xf32, #tpu.memory_space<vmem>>, vector<1x16xf32>,
        %get3A_331 = vector.shape_cast %get3A_330 : vector<1x16xf32> to vector<16xf32>
        %mul3A_332 = arith.mulf %get3A_327, %get3A_331 : vector<16xf32>
        %swap3A_333 = arith.index_cast %add3A_281 : i32 to index
        %swap3A_334 = arith.constant 48 : index
        %swap3A_335 = tpu.vector_load %arg9[%swap3A_333, %swap3A_334] {strides = array<i32>} : memref<128x128xf32, #tpu.memory_space<vmem>>, vector<1x16xf32>,
        %swap3A_336 = vector.shape_cast %swap3A_335 : vector<1x16xf32> to vector<16xf32>
        %swap3A_337 = vector.shape_cast %mul3A_332 : vector<16xf32> to vector<1x16xf32>
        tpu.vector_store %arg9[%swap3A_333, %swap3A_334], %swap3A_337 {strides = array<i32>} : memref<128x128xf32, #tpu.memory_space<vmem>>, vector<1x16xf32>,
        %get3A_338 = arith.index_cast %add3A_281 : i32 to index
        %get3A_339 = arith.constant 64 : index
        %get3A_340 = tpu.vector_load %arg9[%get3A_338, %get3A_339] {strides = array<i32>} : memref<128x128xf32, #tpu.memory_space<vmem>>, vector<1x16xf32>,
        %get3A_341 = vector.shape_cast %get3A_340 : vector<1x16xf32> to vector<16xf32>
        %get3A_342 = arith.index_cast %add3A_281 : i32 to index
        %get3A_343 = arith.constant 64 : index
        %get3A_344 = tpu.vector_load %arg10[%get3A_342, %get3A_343] {strides = array<i32>} : memref<128x128xf32, #tpu.memory_space<vmem>>, vector<1x16xf32>,
        %get3A_345 = vector.shape_cast %get3A_344 : vector<1x16xf32> to vector<16xf32>
        %mul3A_346 = arith.mulf %get3A_341, %get3A_345 : vector<16xf32>
        %swap3A_347 = arith.index_cast %add3A_281 : i32 to index
        %swap3A_348 = arith.constant 64 : index
        %swap3A_349 = tpu.vector_load %arg9[%swap3A_347, %swap3A_348] {strides = array<i32>} : memref<128x128xf32, #tpu.memory_space<vmem>>, vector<1x16xf32>,
        %swap3A_350 = vector.shape_cast %swap3A_349 : vector<1x16xf32> to vector<16xf32>
        %swap3A_351 = vector.shape_cast %mul3A_346 : vector<16xf32> to vector<1x16xf32>
        tpu.vector_store %arg9[%swap3A_347, %swap3A_348], %swap3A_351 {strides = array<i32>} : memref<128x128xf32, #tpu.memory_space<vmem>>, vector<1x16xf32>,
        %get3A_352 = arith.index_cast %add3A_281 : i32 to index
        %get3A_353 = arith.constant 80 : index
        %get3A_354 = tpu.vector_load %arg9[%get3A_352, %get3A_353] {strides = array<i32>} : memref<128x128xf32, #tpu.memory_space<vmem>>, vector<1x16xf32>,
        %get3A_355 = vector.shape_cast %get3A_354 : vector<1x16xf32> to vector<16xf32>
        %get3A_356 = arith.index_cast %add3A_281 : i32 to index
        %get3A_357 = arith.constant 80 : index
        %get3A_358 = tpu.vector_load %arg10[%get3A_356, %get3A_357] {strides = array<i32>} : memref<128x128xf32, #tpu.memory_space<vmem>>, vector<1x16xf32>,
        %get3A_359 = vector.shape_cast %get3A_358 : vector<1x16xf32> to vector<16xf32>
        %mul3A_360 = arith.mulf %get3A_355, %get3A_359 : vector<16xf32>
        %swap3A_361 = arith.index_cast %add3A_281 : i32 to index
        %swap3A_362 = arith.constant 80 : index
        %swap3A_363 = tpu.vector_load %arg9[%swap3A_361, %swap3A_362] {strides = array<i32>} : memref<128x128xf32, #tpu.memory_space<vmem>>, vector<1x16xf32>,
        %swap3A_364 = vector.shape_cast %swap3A_363 : vector<1x16xf32> to vector<16xf32>
        %swap3A_365 = vector.shape_cast %mul3A_360 : vector<16xf32> to vector<1x16xf32>
        tpu.vector_store %arg9[%swap3A_361, %swap3A_362], %swap3A_365 {strides = array<i32>} : memref<128x128xf32, #tpu.memory_space<vmem>>, vector<1x16xf32>,
        %get3A_366 = arith.index_cast %add3A_281 : i32 to index
        %get3A_367 = arith.constant 96 : index
        %get3A_368 = tpu.vector_load %arg9[%get3A_366, %get3A_367] {strides = array<i32>} : memref<128x128xf32, #tpu.memory_space<vmem>>, vector<1x16xf32>,
        %get3A_369 = vector.shape_cast %get3A_368 : vector<1x16xf32> to vector<16xf32>
        %get3A_370 = arith.index_cast %add3A_281 : i32 to index
        %get3A_371 = arith.constant 96 : index
        %get3A_372 = tpu.vector_load %arg10[%get3A_370, %get3A_371] {strides = array<i32>} : memref<128x128xf32, #tpu.memory_space<vmem>>, vector<1x16xf32>,
        %get3A_373 = vector.shape_cast %get3A_372 : vector<1x16xf32> to vector<16xf32>
        %mul3A_374 = arith.mulf %get3A_369, %get3A_373 : vector<16xf32>
        %swap3A_375 = arith.index_cast %add3A_281 : i32 to index
        %swap3A_376 = arith.constant 96 : index
        %swap3A_377 = tpu.vector_load %arg9[%swap3A_375, %swap3A_376] {strides = array<i32>} : memref<128x128xf32, #tpu.memory_space<vmem>>, vector<1x16xf32>,
        %swap3A_378 = vector.shape_cast %swap3A_377 : vector<1x16xf32> to vector<16xf32>
        %swap3A_379 = vector.shape_cast %mul3A_374 : vector<16xf32> to vector<1x16xf32>
        tpu.vector_store %arg9[%swap3A_375, %swap3A_376], %swap3A_379 {strides = array<i32>} : memref<128x128xf32, #tpu.memory_space<vmem>>, vector<1x16xf32>,
        %get3A_380 = arith.index_cast %add3A_281 : i32 to index
        %get3A_381 = arith.constant 112 : index
        %get3A_382 = tpu.vector_load %arg9[%get3A_380, %get3A_381] {strides = array<i32>} : memref<128x128xf32, #tpu.memory_space<vmem>>, vector<1x16xf32>,
        %get3A_383 = vector.shape_cast %get3A_382 : vector<1x16xf32> to vector<16xf32>
        %get3A_384 = arith.index_cast %add3A_281 : i32 to index
        %get3A_385 = arith.constant 112 : index
        %get3A_386 = tpu.vector_load %arg10[%get3A_384, %get3A_385] {strides = array<i32>} : memref<128x128xf32, #tpu.memory_space<vmem>>, vector<1x16xf32>,
        %get3A_387 = vector.shape_cast %get3A_386 : vector<1x16xf32> to vector<16xf32>
        %mul3A_388 = arith.mulf %get3A_383, %get3A_387 : vector<16xf32>
        %swap3A_389 = arith.index_cast %add3A_281 : i32 to index
        %swap3A_390 = arith.constant 112 : index
        %swap3A_391 = tpu.vector_load %arg9[%swap3A_389, %swap3A_390] {strides = array<i32>} : memref<128x128xf32, #tpu.memory_space<vmem>>, vector<1x16xf32>,
        %swap3A_392 = vector.shape_cast %swap3A_391 : vector<1x16xf32> to vector<16xf32>
        %swap3A_393 = vector.shape_cast %mul3A_388 : vector<16xf32> to vector<1x16xf32>
        tpu.vector_store %arg9[%swap3A_389, %swap3A_390], %swap3A_393 {strides = array<i32>} : memref<128x128xf32, #tpu.memory_space<vmem>>, vector<1x16xf32>,
        %mul3A_394 = arith.constant 4 : i32
        %mul3A_395 = arith.muli %scan3A_46, %mul3A_394 : i32
        %add3A_396 = arith.constant 3 : i32
        %add3A_397 = arith.addi %mul3A_395, %add3A_396 : i32
        %get3A_398 = arith.index_cast %add3A_397 : i32 to index
        %get3A_399 = arith.constant 0 : index
        %get3A_400 = tpu.vector_load %arg9[%get3A_398, %get3A_399] {strides = array<i32>} : memref<128x128xf32, #tpu.memory_space<vmem>>, vector<1x16xf32>,
        %get3A_401 = vector.shape_cast %get3A_400 : vector<1x16xf32> to vector<16xf32>
        %get3A_402 = arith.index_cast %add3A_397 : i32 to index
        %get3A_403 = arith.constant 0 : index
        %get3A_404 = tpu.vector_load %arg10[%get3A_402, %get3A_403] {strides = array<i32>} : memref<128x128xf32, #tpu.memory_space<vmem>>, vector<1x16xf32>,
        %get3A_405 = vector.shape_cast %get3A_404 : vector<1x16xf32> to vector<16xf32>
        %mul3A_406 = arith.mulf %get3A_401, %get3A_405 : vector<16xf32>
        %swap3A_407 = arith.index_cast %add3A_397 : i32 to index
        %swap3A_408 = arith.constant 0 : index
        %swap3A_409 = tpu.vector_load %arg9[%swap3A_407, %swap3A_408] {strides = array<i32>} : memref<128x128xf32, #tpu.memory_space<vmem>>, vector<1x16xf32>,
        %swap3A_410 = vector.shape_cast %swap3A_409 : vector<1x16xf32> to vector<16xf32>
        %swap3A_411 = vector.shape_cast %mul3A_406 : vector<16xf32> to vector<1x16xf32>
        tpu.vector_store %arg9[%swap3A_407, %swap3A_408], %swap3A_411 {strides = array<i32>} : memref<128x128xf32, #tpu.memory_space<vmem>>, vector<1x16xf32>,
        %get3A_412 = arith.index_cast %add3A_397 : i32 to index
        %get3A_413 = arith.constant 16 : index
        %get3A_414 = tpu.vector_load %arg9[%get3A_412, %get3A_413] {strides = array<i32>} : memref<128x128xf32, #tpu.memory_space<vmem>>, vector<1x16xf32>,
        %get3A_415 = vector.shape_cast %get3A_414 : vector<1x16xf32> to vector<16xf32>
        %get3A_416 = arith.index_cast %add3A_397 : i32 to index
        %get3A_417 = arith.constant 16 : index
        %get3A_418 = tpu.vector_load %arg10[%get3A_416, %get3A_417] {strides = array<i32>} : memref<128x128xf32, #tpu.memory_space<vmem>>, vector<1x16xf32>,
        %get3A_419 = vector.shape_cast %get3A_418 : vector<1x16xf32> to vector<16xf32>
        %mul3A_420 = arith.mulf %get3A_415, %get3A_419 : vector<16xf32>
        %swap3A_421 = arith.index_cast %add3A_397 : i32 to index
        %swap3A_422 = arith.constant 16 : index
        %swap3A_423 = tpu.vector_load %arg9[%swap3A_421, %swap3A_422] {strides = array<i32>} : memref<128x128xf32, #tpu.memory_space<vmem>>, vector<1x16xf32>,
        %swap3A_424 = vector.shape_cast %swap3A_423 : vector<1x16xf32> to vector<16xf32>
        %swap3A_425 = vector.shape_cast %mul3A_420 : vector<16xf32> to vector<1x16xf32>
        tpu.vector_store %arg9[%swap3A_421, %swap3A_422], %swap3A_425 {strides = array<i32>} : memref<128x128xf32, #tpu.memory_space<vmem>>, vector<1x16xf32>,
        %get3A_426 = arith.index_cast %add3A_397 : i32 to index
        %get3A_427 = arith.constant 32 : index
        %get3A_428 = tpu.vector_load %arg9[%get3A_426, %get3A_427] {strides = array<i32>} : memref<128x128xf32, #tpu.memory_space<vmem>>, vector<1x16xf32>,
        %get3A_429 = vector.shape_cast %get3A_428 : vector<1x16xf32> to vector<16xf32>
        %get3A_430 = arith.index_cast %add3A_397 : i32 to index
        %get3A_431 = arith.constant 32 : index
        %get3A_432 = tpu.vector_load %arg10[%get3A_430, %get3A_431] {strides = array<i32>} : memref<128x128xf32, #tpu.memory_space<vmem>>, vector<1x16xf32>,
        %get3A_433 = vector.shape_cast %get3A_432 : vector<1x16xf32> to vector<16xf32>
        %mul3A_434 = arith.mulf %get3A_429, %get3A_433 : vector<16xf32>
        %swap3A_435 = arith.index_cast %add3A_397 : i32 to index
        %swap3A_436 = arith.constant 32 : index
        %swap3A_437 = tpu.vector_load %arg9[%swap3A_435, %swap3A_436] {strides = array<i32>} : memref<128x128xf32, #tpu.memory_space<vmem>>, vector<1x16xf32>,
        %swap3A_438 = vector.shape_cast %swap3A_437 : vector<1x16xf32> to vector<16xf32>
        %swap3A_439 = vector.shape_cast %mul3A_434 : vector<16xf32> to vector<1x16xf32>
        tpu.vector_store %arg9[%swap3A_435, %swap3A_436], %swap3A_439 {strides = array<i32>} : memref<128x128xf32, #tpu.memory_space<vmem>>, vector<1x16xf32>,
        %get3A_440 = arith.index_cast %add3A_397 : i32 to index
        %get3A_441 = arith.constant 48 : index
        %get3A_442 = tpu.vector_load %arg9[%get3A_440, %get3A_441] {strides = array<i32>} : memref<128x128xf32, #tpu.memory_space<vmem>>, vector<1x16xf32>,
        %get3A_443 = vector.shape_cast %get3A_442 : vector<1x16xf32> to vector<16xf32>
        %get3A_444 = arith.index_cast %add3A_397 : i32 to index
        %get3A_445 = arith.constant 48 : index
        %get3A_446 = tpu.vector_load %arg10[%get3A_444, %get3A_445] {strides = array<i32>} : memref<128x128xf32, #tpu.memory_space<vmem>>, vector<1x16xf32>,
        %get3A_447 = vector.shape_cast %get3A_446 : vector<1x16xf32> to vector<16xf32>
        %mul3A_448 = arith.mulf %get3A_443, %get3A_447 : vector<16xf32>
        %swap3A_449 = arith.index_cast %add3A_397 : i32 to index
        %swap3A_450 = arith.constant 48 : index
        %swap3A_451 = tpu.vector_load %arg9[%swap3A_449, %swap3A_450] {strides = array<i32>} : memref<128x128xf32, #tpu.memory_space<vmem>>, vector<1x16xf32>,
        %swap3A_452 = vector.shape_cast %swap3A_451 : vector<1x16xf32> to vector<16xf32>
        %swap3A_453 = vector.shape_cast %mul3A_448 : vector<16xf32> to vector<1x16xf32>
        tpu.vector_store %arg9[%swap3A_449, %swap3A_450], %swap3A_453 {strides = array<i32>} : memref<128x128xf32, #tpu.memory_space<vmem>>, vector<1x16xf32>,
        %get3A_454 = arith.index_cast %add3A_397 : i32 to index
        %get3A_455 = arith.constant 64 : index
        %get3A_456 = tpu.vector_load %arg9[%get3A_454, %get3A_455] {strides = array<i32>} : memref<128x128xf32, #tpu.memory_space<vmem>>, vector<1x16xf32>,
        %get3A_457 = vector.shape_cast %get3A_456 : vector<1x16xf32> to vector<16xf32>
        %get3A_458 = arith.index_cast %add3A_397 : i32 to index
        %get3A_459 = arith.constant 64 : index
        %get3A_460 = tpu.vector_load %arg10[%get3A_458, %get3A_459] {strides = array<i32>} : memref<128x128xf32, #tpu.memory_space<vmem>>, vector<1x16xf32>,
        %get3A_461 = vector.shape_cast %get3A_460 : vector<1x16xf32> to vector<16xf32>
        %mul3A_462 = arith.mulf %get3A_457, %get3A_461 : vector<16xf32>
        %swap3A_463 = arith.index_cast %add3A_397 : i32 to index
        %swap3A_464 = arith.constant 64 : index
        %swap3A_465 = tpu.vector_load %arg9[%swap3A_463, %swap3A_464] {strides = array<i32>} : memref<128x128xf32, #tpu.memory_space<vmem>>, vector<1x16xf32>,
        %swap3A_466 = vector.shape_cast %swap3A_465 : vector<1x16xf32> to vector<16xf32>
        %swap3A_467 = vector.shape_cast %mul3A_462 : vector<16xf32> to vector<1x16xf32>
        tpu.vector_store %arg9[%swap3A_463, %swap3A_464], %swap3A_467 {strides = array<i32>} : memref<128x128xf32, #tpu.memory_space<vmem>>, vector<1x16xf32>,
        %get3A_468 = arith.index_cast %add3A_397 : i32 to index
        %get3A_469 = arith.constant 80 : index
        %get3A_470 = tpu.vector_load %arg9[%get3A_468, %get3A_469] {strides = array<i32>} : memref<128x128xf32, #tpu.memory_space<vmem>>, vector<1x16xf32>,
        %get3A_471 = vector.shape_cast %get3A_470 : vector<1x16xf32> to vector<16xf32>
        %get3A_472 = arith.index_cast %add3A_397 : i32 to index
        %get3A_473 = arith.constant 80 : index
        %get3A_474 = tpu.vector_load %arg10[%get3A_472, %get3A_473] {strides = array<i32>} : memref<128x128xf32, #tpu.memory_space<vmem>>, vector<1x16xf32>,
        %get3A_475 = vector.shape_cast %get3A_474 : vector<1x16xf32> to vector<16xf32>
        %mul3A_476 = arith.mulf %get3A_471, %get3A_475 : vector<16xf32>
        %swap3A_477 = arith.index_cast %add3A_397 : i32 to index
        %swap3A_478 = arith.constant 80 : index
        %swap3A_479 = tpu.vector_load %arg9[%swap3A_477, %swap3A_478] {strides = array<i32>} : memref<128x128xf32, #tpu.memory_space<vmem>>, vector<1x16xf32>,
        %swap3A_480 = vector.shape_cast %swap3A_479 : vector<1x16xf32> to vector<16xf32>
        %swap3A_481 = vector.shape_cast %mul3A_476 : vector<16xf32> to vector<1x16xf32>
        tpu.vector_store %arg9[%swap3A_477, %swap3A_478], %swap3A_481 {strides = array<i32>} : memref<128x128xf32, #tpu.memory_space<vmem>>, vector<1x16xf32>,
        %get3A_482 = arith.index_cast %add3A_397 : i32 to index
        %get3A_483 = arith.constant 96 : index
        %get3A_484 = tpu.vector_load %arg9[%get3A_482, %get3A_483] {strides = array<i32>} : memref<128x128xf32, #tpu.memory_space<vmem>>, vector<1x16xf32>,
        %get3A_485 = vector.shape_cast %get3A_484 : vector<1x16xf32> to vector<16xf32>
        %get3A_486 = arith.index_cast %add3A_397 : i32 to index
        %get3A_487 = arith.constant 96 : index
        %get3A_488 = tpu.vector_load %arg10[%get3A_486, %get3A_487] {strides = array<i32>} : memref<128x128xf32, #tpu.memory_space<vmem>>, vector<1x16xf32>,
        %get3A_489 = vector.shape_cast %get3A_488 : vector<1x16xf32> to vector<16xf32>
        %mul3A_490 = arith.mulf %get3A_485, %get3A_489 : vector<16xf32>
        %swap3A_491 = arith.index_cast %add3A_397 : i32 to index
        %swap3A_492 = arith.constant 96 : index
        %swap3A_493 = tpu.vector_load %arg9[%swap3A_491, %swap3A_492] {strides = array<i32>} : memref<128x128xf32, #tpu.memory_space<vmem>>, vector<1x16xf32>,
        %swap3A_494 = vector.shape_cast %swap3A_493 : vector<1x16xf32> to vector<16xf32>
        %swap3A_495 = vector.shape_cast %mul3A_490 : vector<16xf32> to vector<1x16xf32>
        tpu.vector_store %arg9[%swap3A_491, %swap3A_492], %swap3A_495 {strides = array<i32>} : memref<128x128xf32, #tpu.memory_space<vmem>>, vector<1x16xf32>,
        %get3A_496 = arith.index_cast %add3A_397 : i32 to index
        %get3A_497 = arith.constant 112 : index
        %get3A_498 = tpu.vector_load %arg9[%get3A_496, %get3A_497] {strides = array<i32>} : memref<128x128xf32, #tpu.memory_space<vmem>>, vector<1x16xf32>,
        %get3A_499 = vector.shape_cast %get3A_498 : vector<1x16xf32> to vector<16xf32>
        %get3A_500 = arith.index_cast %add3A_397 : i32 to index
        %get3A_501 = arith.constant 112 : index
        %get3A_502 = tpu.vector_load %arg10[%get3A_500, %get3A_501] {strides = array<i32>} : memref<128x128xf32, #tpu.memory_space<vmem>>, vector<1x16xf32>,
        %get3A_503 = vector.shape_cast %get3A_502 : vector<1x16xf32> to vector<16xf32>
        %mul3A_504 = arith.mulf %get3A_499, %get3A_503 : vector<16xf32>
        %swap3A_505 = arith.index_cast %add3A_397 : i32 to index
        %swap3A_506 = arith.constant 112 : index
        %swap3A_507 = tpu.vector_load %arg9[%swap3A_505, %swap3A_506] {strides = array<i32>} : memref<128x128xf32, #tpu.memory_space<vmem>>, vector<1x16xf32>,
        %swap3A_508 = vector.shape_cast %swap3A_507 : vector<1x16xf32> to vector<16xf32>
        %swap3A_509 = vector.shape_cast %mul3A_504 : vector<16xf32> to vector<1x16xf32>
        tpu.vector_store %arg9[%swap3A_505, %swap3A_506], %swap3A_509 {strides = array<i32>} : memref<128x128xf32, #tpu.memory_space<vmem>>, vector<1x16xf32>,
        %scan3A_510 = arith.constant 0 : i32
        scf.yield %scan3A_510 : i32
      }
      %scan3A_41 = arith.constant 32 : i32
      %mul3A_42 = arith.constant 80 : i32
      %mul3A_43 = arith.muli %add3A, %mul3A_42 : i32
      %add3A_44 = arith.addi %mul3A_43, %scan3A_7 : i32
      "tpu.region"() ({
        %run_scoped3A = tpu.sem_alloc : memref<!tpu.dma_semaphore, #tpu.memory_space<semaphore_mem>>
        %dma_start3A_46 = arith.constant 0 : i32
        %dma_start3A_47 = arith.constant 0 : i32
        %dma_start3A_48 = tpu.memref_slice %arg6[%add3A_44, %dma_start3A_46, %dma_start3A_47] : memref<2560x128x128xf32, #tpu.memory_space<hbm>> -> memref<1x128x128xf32, #tpu.memory_space<hbm>>
        %dma_start3A_49 = tpu.memref_squeeze %dma_start3A_48 : memref<1x128x128xf32, #tpu.memory_space<hbm>> -> memref<128x128xf32, #tpu.memory_space<hbm>>
        %dma_start3A_50 = arith.constant 0 : i32
        %dma_start3A_51 = arith.constant 0 : i32
        %dma_start3A_52 = tpu.memref_slice %arg6[%add3A_44, %dma_start3A_50, %dma_start3A_51] : memref<2560x128x128xf32, #tpu.memory_space<hbm>> -> memref<1x128x128xf32, #tpu.memory_space<hbm>>
        %dma_start3A_53 = tpu.memref_squeeze %dma_start3A_52 : memref<1x128x128xf32, #tpu.memory_space<hbm>> -> memref<128x128xf32, #tpu.memory_space<hbm>>
        tpu.enqueue_dma source(%arg9 : memref<128x128xf32, #tpu.memory_space<vmem>>) target(%dma_start3A_53 : memref<128x128xf32, #tpu.memory_space<hbm>>) target_semaphore(%run_scoped3A : memref<!tpu.dma_semaphore, #tpu.memory_space<semaphore_mem>>)
        %dma_wait3A_54 = arith.constant 0 : i32
        %dma_wait3A_55 = arith.constant 0 : i32
        %dma_wait3A_56 = tpu.memref_slice %arg6[%add3A_44, %dma_wait3A_54, %dma_wait3A_55] : memref<2560x128x128xf32, #tpu.memory_space<hbm>> -> memref<1x128x128xf32, #tpu.memory_space<hbm>>
        %dma_wait3A_57 = tpu.memref_squeeze %dma_wait3A_56 : memref<1x128x128xf32, #tpu.memory_space<hbm>> -> memref<128x128xf32, #tpu.memory_space<hbm>>
        %dma_wait3A_58 = arith.constant 0 : i32
        %dma_wait3A_59 = arith.constant 0 : i32
        %dma_wait3A_60 = tpu.memref_slice %arg6[%add3A_44, %dma_wait3A_58, %dma_wait3A_59] : memref<2560x128x128xf32, #tpu.memory_space<hbm>> -> memref<1x128x128xf32, #tpu.memory_space<hbm>>
        %dma_wait3A_61 = tpu.memref_squeeze %dma_wait3A_60 : memref<1x128x128xf32, #tpu.memory_space<hbm>> -> memref<128x128xf32, #tpu.memory_space<hbm>>
        tpu.wait_dma2 semaphore(%run_scoped3A : memref<!tpu.dma_semaphore, #tpu.memory_space<semaphore_mem>>) src(%arg9 : memref<128x128xf32, #tpu.memory_space<vmem>>) dst(%dma_wait3A_61 : memref<128x128xf32, #tpu.memory_space<hbm>>)
        tpu.yield
      }) : () -> ()
      %scan3A_45 = arith.constant 0 : i32
      scf.yield %scan3A_45 : i32
    }
    %scan3A_6 = arith.constant 80 : i32
    return
  }
}

#map = affine_map<(d0, d1) -> (0, 0)>
#map1 = affine_map<(d0, d1) -> (0, 0, 0)>
#map2 = affine_map<(d0, d1) -> (0, 0, 0, 0)>
module attributes {stable_mosaic.version = 14 : i64} {
  func.func @_msg_sc_body(%arg0: i32, %arg1: i32, %arg2: memref<10016x128xf32, #tpu.memory_space<hbm>>, %arg3: memref<2560x128x128xf32, #tpu.memory_space<hbm>>, %arg4: memref<32x80x1x128xi32, #tpu.memory_space<hbm>>, %arg5: memref<32x80x1x128xi32, #tpu.memory_space<hbm>>, %arg6: memref<2x625x16x128xf32, #tpu.memory_space<hbm>>, %arg7: memref<1x128xi32, #tpu.memory_space<vmem>>, %arg8: memref<1x128xi32, #tpu.memory_space<vmem>>, %arg9: memref<128x128xf32, #tpu.memory_space<vmem>>, %arg10: memref<128x128xf32, #tpu.memory_space<vmem>>, %arg11: memref<10016x128xf32, #tpu.memory_space<vmem_shared>>, %arg12: memref<!tpu.dma_semaphore, #tpu.memory_space<semaphore_mem>>, %arg13: memref<!tpu.dma_semaphore, #tpu.memory_space<semaphore_mem>>) attributes {dimension_semantics = [#tpu.dimension_semantics<core_parallel>, #tpu.dimension_semantics<subcore_parallel>], iteration_bounds = array<i64: 2, 16>, scalar_prefetch = 0 : i64, scratch_operands = 7 : i64, tpu.core_type = #tpu.core_type<sc_vector_subcore>, window_params = [{transform_indices = #map}, {transform_indices = #map1}, {transform_indices = #map2}, {transform_indices = #map2}, {transform_indices = #map2}]} {
    %mul3A = arith.constant 16 : i32
    %mul3A_0 = arith.muli %arg0, %mul3A : i32
    %add3A = arith.addi %mul3A_0, %arg1 : i32
    %scan3A = arith.constant 0 : i32
    %scan3A_1 = arith.constant 0 : i32
    %scan3A_2 = arith.constant 128 : i32
    %scan3A_3 = arith.addi %scan3A_1, %scan3A_2 : i32
    %scan3A_4 = arith.constant 1 : i32
    %scan3A_5 = scf.for %scan3A_29 = %scan3A_1 to %scan3A_3 step %scan3A_4 iter_args(%scan3A_30 = %scan3A) -> (i32)  : i32 {
      %broadcast_in_dim3A = arith.constant 0.000000e+00 : f32
      %broadcast_in_dim3A_31 = vector.broadcast %broadcast_in_dim3A : f32 to vector<16xf32>
      %jit3A = arith.constant 8 : i32
      %div3A = arith.divsi %scan3A_29, %jit3A : i32
      %sign3A = arith.constant 0 : i32
      %sign3A_32 = arith.cmpi sgt, %scan3A_29, %sign3A : i32
      %sign3A_33 = arith.extui %sign3A_32 : i1 to i32
      %sign3A_34 = arith.constant 0 : i32
      %sign3A_35 = arith.cmpi slt, %scan3A_29, %sign3A_34 : i32
      %sign3A_36 = arith.extui %sign3A_35 : i1 to i32
      %sign3A_37 = arith.subi %sign3A_33, %sign3A_36 : i32
      %sign3A_38 = arith.constant 0 : i32
      %sign3A_39 = arith.cmpi sgt, %jit3A, %sign3A_38 : i32
      %sign3A_40 = arith.extui %sign3A_39 : i1 to i32
      %sign3A_41 = arith.constant 0 : i32
      %sign3A_42 = arith.cmpi slt, %jit3A, %sign3A_41 : i32
      %sign3A_43 = arith.extui %sign3A_42 : i1 to i32
      %sign3A_44 = arith.subi %sign3A_40, %sign3A_43 : i32
      %ne3A = arith.cmpi ne, %sign3A_37, %sign3A_44 : i32
      %rem3A = arith.remsi %scan3A_29, %jit3A : i32
      %ne3A_45 = arith.constant 0 : i32
      %ne3A_46 = arith.cmpi ne, %rem3A, %ne3A_45 : i32
      %and3A = arith.andi %ne3A, %ne3A_46 : i1
      %sub3A = arith.constant 1 : i32
      %sub3A_47 = arith.subi %div3A, %sub3A : i32
      %select_n3A = arith.select %and3A, %sub3A_47, %div3A : i32
      %jit3A_48 = arith.constant 8 : i32
      %eq3A = arith.constant 0 : i32
      %eq3A_49 = arith.cmpi eq, %jit3A_48, %eq3A : i32
      %jit3A_50 = arith.constant 1 : i32
      %select_n3A_51 = arith.select %eq3A_49, %jit3A_50, %jit3A_48 : i32
      %rem3A_52 = arith.remsi %scan3A_29, %select_n3A_51 : i32
      %ne3A_53 = arith.constant 0 : i32
      %ne3A_54 = arith.cmpi ne, %rem3A_52, %ne3A_53 : i32
      %lt3A = arith.constant 0 : i32
      %lt3A_55 = arith.cmpi slt, %rem3A_52, %lt3A : i32
      %lt3A_56 = arith.constant 0 : i32
      %lt3A_57 = arith.cmpi slt, %select_n3A_51, %lt3A_56 : i32
      %ne3A_58 = arith.xori %lt3A_55, %lt3A_57 : i1
      %and3A_59 = arith.andi %ne3A_58, %ne3A_54 : i1
      %add3A_60 = arith.addi %rem3A_52, %select_n3A_51 : i32
      %select_n3A_61 = arith.select %and3A_59, %add3A_60, %rem3A_52 : i32
      %mul3A_62 = arith.constant 16 : i32
      %mul3A_63 = arith.muli %select_n3A_61, %mul3A_62 : i32
      %swap3A = arith.index_cast %select_n3A : i32 to index
      %swap3A_64 = arith.index_cast %mul3A_63 : i32 to index
      %swap3A_65 = tpu.vector_load %arg10[%swap3A, %swap3A_64] {strides = array<i32>} : memref<128x128xf32, #tpu.memory_space<vmem>>, vector<1x16xf32>,
      %swap3A_66 = vector.shape_cast %swap3A_65 : vector<1x16xf32> to vector<16xf32>
      %swap3A_67 = vector.shape_cast %broadcast_in_dim3A_31 : vector<16xf32> to vector<1x16xf32>
      tpu.vector_store %arg10[%swap3A, %swap3A_64], %swap3A_67 {strides = array<i32>} : memref<128x128xf32, #tpu.memory_space<vmem>>, vector<1x16xf32>,
      %scan3A_68 = arith.constant 0 : i32
      scf.yield %scan3A_68 : i32
    }
    %scan3A_6 = arith.constant 128 : i32
    %scan3A_7 = arith.constant 0 : i32
    %scan3A_8 = arith.constant 0 : i32
    %scan3A_9 = arith.constant 40 : i32
    %scan3A_10 = arith.addi %scan3A_8, %scan3A_9 : i32
    %scan3A_11 = arith.constant 1 : i32
    %scan3A_12 = scf.for %scan3A_29 = %scan3A_8 to %scan3A_10 step %scan3A_11 iter_args(%scan3A_30 = %scan3A_7) -> (i32)  : i32 {
      %mul3A_31 = arith.constant 16 : i32
      %mul3A_32 = arith.muli %scan3A_29, %mul3A_31 : i32
      %add3A_33 = arith.addi %arg1, %mul3A_32 : i32
      %lt3A = arith.constant 626 : i32
      %lt3A_34 = arith.cmpi slt, %add3A_33, %lt3A : i32
      %convert_element_type3A = arith.extui %lt3A_34 : i1 to i32
      %cond3A = arith.constant 0 : i32
      %cond3A_35 = arith.cmpi ne, %convert_element_type3A, %cond3A : i32
      scf.if %cond3A_35 {
        %mul3A_37 = arith.constant 16 : i32
        %mul3A_38 = arith.muli %add3A_33, %mul3A_37 : i32
        %multiple_of3A = tpu.assume_multiple %mul3A_38, 16 : i32
        "tpu.region"() ({
          %run_scoped3A = tpu.sem_alloc : memref<!tpu.dma_semaphore, #tpu.memory_space<semaphore_mem>>
          %dma_start3A = arith.constant 0 : i32
          %dma_start3A_39 = arith.constant 0 : i32
          %dma_start3A_40 = tpu.memref_slice %arg10[%dma_start3A, %dma_start3A_39] : memref<128x128xf32, #tpu.memory_space<vmem>> -> memref<16x128xf32, #tpu.memory_space<vmem>>
          %dma_start3A_41 = arith.constant 0 : i32
          %dma_start3A_42 = tpu.memref_slice %arg11[%multiple_of3A, %dma_start3A_41] : memref<10016x128xf32, #tpu.memory_space<vmem_shared>> -> memref<16x128xf32, #tpu.memory_space<vmem_shared>>
          %dma_start3A_43 = arith.constant 0 : i32
          %dma_start3A_44 = tpu.memref_slice %arg11[%multiple_of3A, %dma_start3A_43] : memref<10016x128xf32, #tpu.memory_space<vmem_shared>> -> memref<16x128xf32, #tpu.memory_space<vmem_shared>>
          %dma_start3A_45 = arith.constant 0 : i32
          %dma_start3A_46 = arith.constant 0 : i32
          %dma_start3A_47 = tpu.memref_slice %arg10[%dma_start3A_45, %dma_start3A_46] : memref<128x128xf32, #tpu.memory_space<vmem>> -> memref<16x128xf32, #tpu.memory_space<vmem>>
          tpu.enqueue_dma source(%dma_start3A_47 : memref<16x128xf32, #tpu.memory_space<vmem>>) target(%dma_start3A_44 : memref<16x128xf32, #tpu.memory_space<vmem_shared>>) target_semaphore(%run_scoped3A : memref<!tpu.dma_semaphore, #tpu.memory_space<semaphore_mem>>)
          %dma_wait3A = arith.constant 0 : i32
          %dma_wait3A_48 = arith.constant 0 : i32
          %dma_wait3A_49 = tpu.memref_slice %arg10[%dma_wait3A, %dma_wait3A_48] : memref<128x128xf32, #tpu.memory_space<vmem>> -> memref<16x128xf32, #tpu.memory_space<vmem>>
          %dma_wait3A_50 = arith.constant 0 : i32
          %dma_wait3A_51 = tpu.memref_slice %arg11[%multiple_of3A, %dma_wait3A_50] : memref<10016x128xf32, #tpu.memory_space<vmem_shared>> -> memref<16x128xf32, #tpu.memory_space<vmem_shared>>
          %dma_wait3A_52 = arith.constant 0 : i32
          %dma_wait3A_53 = tpu.memref_slice %arg11[%multiple_of3A, %dma_wait3A_52] : memref<10016x128xf32, #tpu.memory_space<vmem_shared>> -> memref<16x128xf32, #tpu.memory_space<vmem_shared>>
          %dma_wait3A_54 = arith.constant 0 : i32
          %dma_wait3A_55 = arith.constant 0 : i32
          %dma_wait3A_56 = tpu.memref_slice %arg10[%dma_wait3A_54, %dma_wait3A_55] : memref<128x128xf32, #tpu.memory_space<vmem>> -> memref<16x128xf32, #tpu.memory_space<vmem>>
          tpu.wait_dma2 semaphore(%run_scoped3A : memref<!tpu.dma_semaphore, #tpu.memory_space<semaphore_mem>>) src(%dma_wait3A_56 : memref<16x128xf32, #tpu.memory_space<vmem>>) dst(%dma_wait3A_53 : memref<16x128xf32, #tpu.memory_space<vmem_shared>>)
          tpu.yield
        }) : () -> ()
      } else {
      }
      %scan3A_36 = arith.constant 0 : i32
      scf.yield %scan3A_36 : i32
    }
    %scan3A_13 = arith.constant 40 : i32
    %barrier3A = arith.constant 0 : index
    tpu.barrier barrier_id(%barrier3A)
    %scan3A_14 = arith.constant 0 : i32
    %scan3A_15 = arith.constant 0 : i32
    %scan3A_16 = arith.constant 80 : i32
    %scan3A_17 = arith.addi %scan3A_15, %scan3A_16 : i32
    %scan3A_18 = arith.constant 1 : i32
    %scan3A_19 = scf.for %scan3A_29 = %scan3A_15 to %scan3A_17 step %scan3A_18 iter_args(%scan3A_30 = %scan3A_14) -> (i32)  : i32 {
      %mul3A_31 = arith.constant 80 : i32
      %mul3A_32 = arith.muli %add3A, %mul3A_31 : i32
      %add3A_33 = arith.addi %mul3A_32, %scan3A_29 : i32
      %dma_start3A = arith.constant 0 : i32
      %dma_start3A_34 = arith.constant 0 : i32
      %dma_start3A_35 = tpu.memref_slice %arg3[%add3A_33, %dma_start3A, %dma_start3A_34] : memref<2560x128x128xf32, #tpu.memory_space<hbm>> -> memref<1x128x128xf32, #tpu.memory_space<hbm>>
      %dma_start3A_36 = tpu.memref_squeeze %dma_start3A_35 : memref<1x128x128xf32, #tpu.memory_space<hbm>> -> memref<128x128xf32, #tpu.memory_space<hbm>>
      %dma_start3A_37 = arith.constant 0 : i32
      %dma_start3A_38 = arith.constant 0 : i32
      %dma_start3A_39 = tpu.memref_slice %arg3[%add3A_33, %dma_start3A_37, %dma_start3A_38] : memref<2560x128x128xf32, #tpu.memory_space<hbm>> -> memref<1x128x128xf32, #tpu.memory_space<hbm>>
      %dma_start3A_40 = tpu.memref_squeeze %dma_start3A_39 : memref<1x128x128xf32, #tpu.memory_space<hbm>> -> memref<128x128xf32, #tpu.memory_space<hbm>>
      tpu.enqueue_dma source(%dma_start3A_40 : memref<128x128xf32, #tpu.memory_space<hbm>>) target(%arg10 : memref<128x128xf32, #tpu.memory_space<vmem>>) target_semaphore(%arg13 : memref<!tpu.dma_semaphore, #tpu.memory_space<semaphore_mem>>)
      "tpu.region"() ({
        %run_scoped3A_70 = tpu.sem_alloc : memref<!tpu.dma_semaphore, #tpu.memory_space<semaphore_mem>>
        %dma_start3A_71 = arith.constant 0 : i32
        %dma_start3A_72 = arith.constant 0 : i32
        %dma_start3A_73 = tpu.memref_slice %arg4[%add3A, %scan3A_29, %dma_start3A_71, %dma_start3A_72] : memref<32x80x1x128xi32, #tpu.memory_space<hbm>> -> memref<1x1x1x128xi32, #tpu.memory_space<hbm>>
        %dma_start3A_74 = tpu.memref_squeeze %dma_start3A_73 : memref<1x1x1x128xi32, #tpu.memory_space<hbm>> -> memref<1x128xi32, #tpu.memory_space<hbm>>
        %dma_start3A_75 = arith.constant 0 : i32
        %dma_start3A_76 = arith.constant 0 : i32
        %dma_start3A_77 = tpu.memref_slice %arg4[%add3A, %scan3A_29, %dma_start3A_75, %dma_start3A_76] : memref<32x80x1x128xi32, #tpu.memory_space<hbm>> -> memref<1x1x1x128xi32, #tpu.memory_space<hbm>>
        %dma_start3A_78 = tpu.memref_squeeze %dma_start3A_77 : memref<1x1x1x128xi32, #tpu.memory_space<hbm>> -> memref<1x128xi32, #tpu.memory_space<hbm>>
        tpu.enqueue_dma source(%dma_start3A_78 : memref<1x128xi32, #tpu.memory_space<hbm>>) target(%arg7 : memref<1x128xi32, #tpu.memory_space<vmem>>) target_semaphore(%run_scoped3A_70 : memref<!tpu.dma_semaphore, #tpu.memory_space<semaphore_mem>>)
        %dma_wait3A_79 = arith.constant 0 : i32
        %dma_wait3A_80 = arith.constant 0 : i32
        %dma_wait3A_81 = tpu.memref_slice %arg4[%add3A, %scan3A_29, %dma_wait3A_79, %dma_wait3A_80] : memref<32x80x1x128xi32, #tpu.memory_space<hbm>> -> memref<1x1x1x128xi32, #tpu.memory_space<hbm>>
        %dma_wait3A_82 = tpu.memref_squeeze %dma_wait3A_81 : memref<1x1x1x128xi32, #tpu.memory_space<hbm>> -> memref<1x128xi32, #tpu.memory_space<hbm>>
        %dma_wait3A_83 = arith.constant 0 : i32
        %dma_wait3A_84 = arith.constant 0 : i32
        %dma_wait3A_85 = tpu.memref_slice %arg4[%add3A, %scan3A_29, %dma_wait3A_83, %dma_wait3A_84] : memref<32x80x1x128xi32, #tpu.memory_space<hbm>> -> memref<1x1x1x128xi32, #tpu.memory_space<hbm>>
        %dma_wait3A_86 = tpu.memref_squeeze %dma_wait3A_85 : memref<1x1x1x128xi32, #tpu.memory_space<hbm>> -> memref<1x128xi32, #tpu.memory_space<hbm>>
        tpu.wait_dma2 semaphore(%run_scoped3A_70 : memref<!tpu.dma_semaphore, #tpu.memory_space<semaphore_mem>>) src(%dma_wait3A_86 : memref<1x128xi32, #tpu.memory_space<hbm>>) dst(%arg7 : memref<1x128xi32, #tpu.memory_space<vmem>>)
        tpu.yield
      }) : () -> ()
      "tpu.region"() ({
        %run_scoped3A_70 = tpu.sem_alloc : memref<!tpu.dma_semaphore, #tpu.memory_space<semaphore_mem>>
        %dma_start3A_71 = arith.constant 0 : i32
        %dma_start3A_72 = arith.constant 0 : i32
        %dma_start3A_73 = tpu.memref_slice %arg5[%add3A, %scan3A_29, %dma_start3A_71, %dma_start3A_72] : memref<32x80x1x128xi32, #tpu.memory_space<hbm>> -> memref<1x1x1x128xi32, #tpu.memory_space<hbm>>
        %dma_start3A_74 = tpu.memref_squeeze %dma_start3A_73 : memref<1x1x1x128xi32, #tpu.memory_space<hbm>> -> memref<1x128xi32, #tpu.memory_space<hbm>>
        %dma_start3A_75 = arith.constant 0 : i32
        %dma_start3A_76 = arith.constant 0 : i32
        %dma_start3A_77 = tpu.memref_slice %arg5[%add3A, %scan3A_29, %dma_start3A_75, %dma_start3A_76] : memref<32x80x1x128xi32, #tpu.memory_space<hbm>> -> memref<1x1x1x128xi32, #tpu.memory_space<hbm>>
        %dma_start3A_78 = tpu.memref_squeeze %dma_start3A_77 : memref<1x1x1x128xi32, #tpu.memory_space<hbm>> -> memref<1x128xi32, #tpu.memory_space<hbm>>
        tpu.enqueue_dma source(%dma_start3A_78 : memref<1x128xi32, #tpu.memory_space<hbm>>) target(%arg8 : memref<1x128xi32, #tpu.memory_space<vmem>>) target_semaphore(%run_scoped3A_70 : memref<!tpu.dma_semaphore, #tpu.memory_space<semaphore_mem>>)
        %dma_wait3A_79 = arith.constant 0 : i32
        %dma_wait3A_80 = arith.constant 0 : i32
        %dma_wait3A_81 = tpu.memref_slice %arg5[%add3A, %scan3A_29, %dma_wait3A_79, %dma_wait3A_80] : memref<32x80x1x128xi32, #tpu.memory_space<hbm>> -> memref<1x1x1x128xi32, #tpu.memory_space<hbm>>
        %dma_wait3A_82 = tpu.memref_squeeze %dma_wait3A_81 : memref<1x1x1x128xi32, #tpu.memory_space<hbm>> -> memref<1x128xi32, #tpu.memory_space<hbm>>
        %dma_wait3A_83 = arith.constant 0 : i32
        %dma_wait3A_84 = arith.constant 0 : i32
        %dma_wait3A_85 = tpu.memref_slice %arg5[%add3A, %scan3A_29, %dma_wait3A_83, %dma_wait3A_84] : memref<32x80x1x128xi32, #tpu.memory_space<hbm>> -> memref<1x1x1x128xi32, #tpu.memory_space<hbm>>
        %dma_wait3A_86 = tpu.memref_squeeze %dma_wait3A_85 : memref<1x1x1x128xi32, #tpu.memory_space<hbm>> -> memref<1x128xi32, #tpu.memory_space<hbm>>
        tpu.wait_dma2 semaphore(%run_scoped3A_70 : memref<!tpu.dma_semaphore, #tpu.memory_space<semaphore_mem>>) src(%dma_wait3A_86 : memref<1x128xi32, #tpu.memory_space<hbm>>) dst(%arg8 : memref<1x128xi32, #tpu.memory_space<vmem>>)
        tpu.yield
      }) : () -> ()
      %dma_start3A_41 = arith.constant 0 : i32
      %dma_start3A_42 = arith.constant 0 : i32
      %dma_start3A_43 = tpu.memref_slice %arg7[%dma_start3A_41, %dma_start3A_42] : memref<1x128xi32, #tpu.memory_space<vmem>> -> memref<1x128xi32, #tpu.memory_space<vmem>>
      %dma_start3A_44 = tpu.memref_squeeze %dma_start3A_43 : memref<1x128xi32, #tpu.memory_space<vmem>> -> memref<128xi32, #tpu.memory_space<vmem>>
      %dma_start3A_45 = arith.constant 0 : i32
      %dma_start3A_46 = arith.constant 0 : i32
      %dma_start3A_47 = tpu.memref_slice %arg2[%dma_start3A_45, %dma_start3A_46] : memref<10016x128xf32, #tpu.memory_space<hbm>> -> memref<10016x128xf32, #tpu.memory_space<hbm>>
      tpu.enqueue_indirect_dma source(%dma_start3A_47 : memref<10016x128xf32, #tpu.memory_space<hbm>>) target(%arg9 : memref<128x128xf32, #tpu.memory_space<vmem>>) offsets(%dma_start3A_44 : memref<128xi32, #tpu.memory_space<vmem>>) semaphore(%arg12 : memref<!tpu.dma_semaphore, #tpu.memory_space<semaphore_mem>>)
      %dma_wait3A = arith.constant 0 : i32
      %dma_wait3A_48 = arith.constant 0 : i32
      %dma_wait3A_49 = tpu.memref_slice %arg7[%dma_wait3A, %dma_wait3A_48] : memref<1x128xi32, #tpu.memory_space<vmem>> -> memref<1x128xi32, #tpu.memory_space<vmem>>
      %dma_wait3A_50 = tpu.memref_squeeze %dma_wait3A_49 : memref<1x128xi32, #tpu.memory_space<vmem>> -> memref<128xi32, #tpu.memory_space<vmem>>
      %dma_wait3A_51 = arith.constant 0 : i32
      %dma_wait3A_52 = arith.constant 0 : i32
      %dma_wait3A_53 = tpu.memref_slice %arg2[%dma_wait3A_51, %dma_wait3A_52] : memref<10016x128xf32, #tpu.memory_space<hbm>> -> memref<10016x128xf32, #tpu.memory_space<hbm>>
      tpu.wait_indirect_dma semaphore(%arg12 : memref<!tpu.dma_semaphore, #tpu.memory_space<semaphore_mem>>) src(%dma_wait3A_53 : memref<10016x128xf32, #tpu.memory_space<hbm>>) dst(%arg9 : memref<128x128xf32, #tpu.memory_space<vmem>>)
      %dma_wait3A_54 = arith.constant 0 : i32
      %dma_wait3A_55 = arith.constant 0 : i32
      %dma_wait3A_56 = tpu.memref_slice %arg3[%add3A_33, %dma_wait3A_54, %dma_wait3A_55] : memref<2560x128x128xf32, #tpu.memory_space<hbm>> -> memref<1x128x128xf32, #tpu.memory_space<hbm>>
      %dma_wait3A_57 = tpu.memref_squeeze %dma_wait3A_56 : memref<1x128x128xf32, #tpu.memory_space<hbm>> -> memref<128x128xf32, #tpu.memory_space<hbm>>
      %dma_wait3A_58 = arith.constant 0 : i32
      %dma_wait3A_59 = arith.constant 0 : i32
      %dma_wait3A_60 = tpu.memref_slice %arg3[%add3A_33, %dma_wait3A_58, %dma_wait3A_59] : memref<2560x128x128xf32, #tpu.memory_space<hbm>> -> memref<1x128x128xf32, #tpu.memory_space<hbm>>
      %dma_wait3A_61 = tpu.memref_squeeze %dma_wait3A_60 : memref<1x128x128xf32, #tpu.memory_space<hbm>> -> memref<128x128xf32, #tpu.memory_space<hbm>>
      tpu.wait_dma2 semaphore(%arg13 : memref<!tpu.dma_semaphore, #tpu.memory_space<semaphore_mem>>) src(%dma_wait3A_61 : memref<128x128xf32, #tpu.memory_space<hbm>>) dst(%arg10 : memref<128x128xf32, #tpu.memory_space<vmem>>)
      %scan3A_62 = arith.constant 0 : i32
      %scan3A_63 = arith.constant 0 : i32
      %scan3A_64 = arith.constant 32 : i32
      %scan3A_65 = arith.addi %scan3A_63, %scan3A_64 : i32
      %scan3A_66 = arith.constant 1 : i32
      %scan3A_67 = scf.for %scan3A_70 = %scan3A_63 to %scan3A_65 step %scan3A_66 iter_args(%scan3A_71 = %scan3A_62) -> (i32)  : i32 {
        %mul3A_72 = arith.constant 4 : i32
        %mul3A_73 = arith.muli %scan3A_70, %mul3A_72 : i32
        %add3A_74 = arith.constant 0 : i32
        %add3A_75 = arith.addi %mul3A_73, %add3A_74 : i32
        %get3A = arith.index_cast %add3A_75 : i32 to index
        %get3A_76 = arith.constant 0 : index
        %get3A_77 = tpu.vector_load %arg9[%get3A, %get3A_76] {strides = array<i32>} : memref<128x128xf32, #tpu.memory_space<vmem>>, vector<1x16xf32>,
        %get3A_78 = vector.shape_cast %get3A_77 : vector<1x16xf32> to vector<16xf32>
        %get3A_79 = arith.index_cast %add3A_75 : i32 to index
        %get3A_80 = arith.constant 0 : index
        %get3A_81 = tpu.vector_load %arg10[%get3A_79, %get3A_80] {strides = array<i32>} : memref<128x128xf32, #tpu.memory_space<vmem>>, vector<1x16xf32>,
        %get3A_82 = vector.shape_cast %get3A_81 : vector<1x16xf32> to vector<16xf32>
        %mul3A_83 = arith.mulf %get3A_78, %get3A_82 : vector<16xf32>
        %swap3A = arith.index_cast %add3A_75 : i32 to index
        %swap3A_84 = arith.constant 0 : index
        %swap3A_85 = tpu.vector_load %arg9[%swap3A, %swap3A_84] {strides = array<i32>} : memref<128x128xf32, #tpu.memory_space<vmem>>, vector<1x16xf32>,
        %swap3A_86 = vector.shape_cast %swap3A_85 : vector<1x16xf32> to vector<16xf32>
        %swap3A_87 = vector.shape_cast %mul3A_83 : vector<16xf32> to vector<1x16xf32>
        tpu.vector_store %arg9[%swap3A, %swap3A_84], %swap3A_87 {strides = array<i32>} : memref<128x128xf32, #tpu.memory_space<vmem>>, vector<1x16xf32>,
        %get3A_88 = arith.index_cast %add3A_75 : i32 to index
        %get3A_89 = arith.constant 16 : index
        %get3A_90 = tpu.vector_load %arg9[%get3A_88, %get3A_89] {strides = array<i32>} : memref<128x128xf32, #tpu.memory_space<vmem>>, vector<1x16xf32>,
        %get3A_91 = vector.shape_cast %get3A_90 : vector<1x16xf32> to vector<16xf32>
        %get3A_92 = arith.index_cast %add3A_75 : i32 to index
        %get3A_93 = arith.constant 16 : index
        %get3A_94 = tpu.vector_load %arg10[%get3A_92, %get3A_93] {strides = array<i32>} : memref<128x128xf32, #tpu.memory_space<vmem>>, vector<1x16xf32>,
        %get3A_95 = vector.shape_cast %get3A_94 : vector<1x16xf32> to vector<16xf32>
        %mul3A_96 = arith.mulf %get3A_91, %get3A_95 : vector<16xf32>
        %swap3A_97 = arith.index_cast %add3A_75 : i32 to index
        %swap3A_98 = arith.constant 16 : index
        %swap3A_99 = tpu.vector_load %arg9[%swap3A_97, %swap3A_98] {strides = array<i32>} : memref<128x128xf32, #tpu.memory_space<vmem>>, vector<1x16xf32>,
        %swap3A_100 = vector.shape_cast %swap3A_99 : vector<1x16xf32> to vector<16xf32>
        %swap3A_101 = vector.shape_cast %mul3A_96 : vector<16xf32> to vector<1x16xf32>
        tpu.vector_store %arg9[%swap3A_97, %swap3A_98], %swap3A_101 {strides = array<i32>} : memref<128x128xf32, #tpu.memory_space<vmem>>, vector<1x16xf32>,
        %get3A_102 = arith.index_cast %add3A_75 : i32 to index
        %get3A_103 = arith.constant 32 : index
        %get3A_104 = tpu.vector_load %arg9[%get3A_102, %get3A_103] {strides = array<i32>} : memref<128x128xf32, #tpu.memory_space<vmem>>, vector<1x16xf32>,
        %get3A_105 = vector.shape_cast %get3A_104 : vector<1x16xf32> to vector<16xf32>
        %get3A_106 = arith.index_cast %add3A_75 : i32 to index
        %get3A_107 = arith.constant 32 : index
        %get3A_108 = tpu.vector_load %arg10[%get3A_106, %get3A_107] {strides = array<i32>} : memref<128x128xf32, #tpu.memory_space<vmem>>, vector<1x16xf32>,
        %get3A_109 = vector.shape_cast %get3A_108 : vector<1x16xf32> to vector<16xf32>
        %mul3A_110 = arith.mulf %get3A_105, %get3A_109 : vector<16xf32>
        %swap3A_111 = arith.index_cast %add3A_75 : i32 to index
        %swap3A_112 = arith.constant 32 : index
        %swap3A_113 = tpu.vector_load %arg9[%swap3A_111, %swap3A_112] {strides = array<i32>} : memref<128x128xf32, #tpu.memory_space<vmem>>, vector<1x16xf32>,
        %swap3A_114 = vector.shape_cast %swap3A_113 : vector<1x16xf32> to vector<16xf32>
        %swap3A_115 = vector.shape_cast %mul3A_110 : vector<16xf32> to vector<1x16xf32>
        tpu.vector_store %arg9[%swap3A_111, %swap3A_112], %swap3A_115 {strides = array<i32>} : memref<128x128xf32, #tpu.memory_space<vmem>>, vector<1x16xf32>,
        %get3A_116 = arith.index_cast %add3A_75 : i32 to index
        %get3A_117 = arith.constant 48 : index
        %get3A_118 = tpu.vector_load %arg9[%get3A_116, %get3A_117] {strides = array<i32>} : memref<128x128xf32, #tpu.memory_space<vmem>>, vector<1x16xf32>,
        %get3A_119 = vector.shape_cast %get3A_118 : vector<1x16xf32> to vector<16xf32>
        %get3A_120 = arith.index_cast %add3A_75 : i32 to index
        %get3A_121 = arith.constant 48 : index
        %get3A_122 = tpu.vector_load %arg10[%get3A_120, %get3A_121] {strides = array<i32>} : memref<128x128xf32, #tpu.memory_space<vmem>>, vector<1x16xf32>,
        %get3A_123 = vector.shape_cast %get3A_122 : vector<1x16xf32> to vector<16xf32>
        %mul3A_124 = arith.mulf %get3A_119, %get3A_123 : vector<16xf32>
        %swap3A_125 = arith.index_cast %add3A_75 : i32 to index
        %swap3A_126 = arith.constant 48 : index
        %swap3A_127 = tpu.vector_load %arg9[%swap3A_125, %swap3A_126] {strides = array<i32>} : memref<128x128xf32, #tpu.memory_space<vmem>>, vector<1x16xf32>,
        %swap3A_128 = vector.shape_cast %swap3A_127 : vector<1x16xf32> to vector<16xf32>
        %swap3A_129 = vector.shape_cast %mul3A_124 : vector<16xf32> to vector<1x16xf32>
        tpu.vector_store %arg9[%swap3A_125, %swap3A_126], %swap3A_129 {strides = array<i32>} : memref<128x128xf32, #tpu.memory_space<vmem>>, vector<1x16xf32>,
        %get3A_130 = arith.index_cast %add3A_75 : i32 to index
        %get3A_131 = arith.constant 64 : index
        %get3A_132 = tpu.vector_load %arg9[%get3A_130, %get3A_131] {strides = array<i32>} : memref<128x128xf32, #tpu.memory_space<vmem>>, vector<1x16xf32>,
        %get3A_133 = vector.shape_cast %get3A_132 : vector<1x16xf32> to vector<16xf32>
        %get3A_134 = arith.index_cast %add3A_75 : i32 to index
        %get3A_135 = arith.constant 64 : index
        %get3A_136 = tpu.vector_load %arg10[%get3A_134, %get3A_135] {strides = array<i32>} : memref<128x128xf32, #tpu.memory_space<vmem>>, vector<1x16xf32>,
        %get3A_137 = vector.shape_cast %get3A_136 : vector<1x16xf32> to vector<16xf32>
        %mul3A_138 = arith.mulf %get3A_133, %get3A_137 : vector<16xf32>
        %swap3A_139 = arith.index_cast %add3A_75 : i32 to index
        %swap3A_140 = arith.constant 64 : index
        %swap3A_141 = tpu.vector_load %arg9[%swap3A_139, %swap3A_140] {strides = array<i32>} : memref<128x128xf32, #tpu.memory_space<vmem>>, vector<1x16xf32>,
        %swap3A_142 = vector.shape_cast %swap3A_141 : vector<1x16xf32> to vector<16xf32>
        %swap3A_143 = vector.shape_cast %mul3A_138 : vector<16xf32> to vector<1x16xf32>
        tpu.vector_store %arg9[%swap3A_139, %swap3A_140], %swap3A_143 {strides = array<i32>} : memref<128x128xf32, #tpu.memory_space<vmem>>, vector<1x16xf32>,
        %get3A_144 = arith.index_cast %add3A_75 : i32 to index
        %get3A_145 = arith.constant 80 : index
        %get3A_146 = tpu.vector_load %arg9[%get3A_144, %get3A_145] {strides = array<i32>} : memref<128x128xf32, #tpu.memory_space<vmem>>, vector<1x16xf32>,
        %get3A_147 = vector.shape_cast %get3A_146 : vector<1x16xf32> to vector<16xf32>
        %get3A_148 = arith.index_cast %add3A_75 : i32 to index
        %get3A_149 = arith.constant 80 : index
        %get3A_150 = tpu.vector_load %arg10[%get3A_148, %get3A_149] {strides = array<i32>} : memref<128x128xf32, #tpu.memory_space<vmem>>, vector<1x16xf32>,
        %get3A_151 = vector.shape_cast %get3A_150 : vector<1x16xf32> to vector<16xf32>
        %mul3A_152 = arith.mulf %get3A_147, %get3A_151 : vector<16xf32>
        %swap3A_153 = arith.index_cast %add3A_75 : i32 to index
        %swap3A_154 = arith.constant 80 : index
        %swap3A_155 = tpu.vector_load %arg9[%swap3A_153, %swap3A_154] {strides = array<i32>} : memref<128x128xf32, #tpu.memory_space<vmem>>, vector<1x16xf32>,
        %swap3A_156 = vector.shape_cast %swap3A_155 : vector<1x16xf32> to vector<16xf32>
        %swap3A_157 = vector.shape_cast %mul3A_152 : vector<16xf32> to vector<1x16xf32>
        tpu.vector_store %arg9[%swap3A_153, %swap3A_154], %swap3A_157 {strides = array<i32>} : memref<128x128xf32, #tpu.memory_space<vmem>>, vector<1x16xf32>,
        %get3A_158 = arith.index_cast %add3A_75 : i32 to index
        %get3A_159 = arith.constant 96 : index
        %get3A_160 = tpu.vector_load %arg9[%get3A_158, %get3A_159] {strides = array<i32>} : memref<128x128xf32, #tpu.memory_space<vmem>>, vector<1x16xf32>,
        %get3A_161 = vector.shape_cast %get3A_160 : vector<1x16xf32> to vector<16xf32>
        %get3A_162 = arith.index_cast %add3A_75 : i32 to index
        %get3A_163 = arith.constant 96 : index
        %get3A_164 = tpu.vector_load %arg10[%get3A_162, %get3A_163] {strides = array<i32>} : memref<128x128xf32, #tpu.memory_space<vmem>>, vector<1x16xf32>,
        %get3A_165 = vector.shape_cast %get3A_164 : vector<1x16xf32> to vector<16xf32>
        %mul3A_166 = arith.mulf %get3A_161, %get3A_165 : vector<16xf32>
        %swap3A_167 = arith.index_cast %add3A_75 : i32 to index
        %swap3A_168 = arith.constant 96 : index
        %swap3A_169 = tpu.vector_load %arg9[%swap3A_167, %swap3A_168] {strides = array<i32>} : memref<128x128xf32, #tpu.memory_space<vmem>>, vector<1x16xf32>,
        %swap3A_170 = vector.shape_cast %swap3A_169 : vector<1x16xf32> to vector<16xf32>
        %swap3A_171 = vector.shape_cast %mul3A_166 : vector<16xf32> to vector<1x16xf32>
        tpu.vector_store %arg9[%swap3A_167, %swap3A_168], %swap3A_171 {strides = array<i32>} : memref<128x128xf32, #tpu.memory_space<vmem>>, vector<1x16xf32>,
        %get3A_172 = arith.index_cast %add3A_75 : i32 to index
        %get3A_173 = arith.constant 112 : index
        %get3A_174 = tpu.vector_load %arg9[%get3A_172, %get3A_173] {strides = array<i32>} : memref<128x128xf32, #tpu.memory_space<vmem>>, vector<1x16xf32>,
        %get3A_175 = vector.shape_cast %get3A_174 : vector<1x16xf32> to vector<16xf32>
        %get3A_176 = arith.index_cast %add3A_75 : i32 to index
        %get3A_177 = arith.constant 112 : index
        %get3A_178 = tpu.vector_load %arg10[%get3A_176, %get3A_177] {strides = array<i32>} : memref<128x128xf32, #tpu.memory_space<vmem>>, vector<1x16xf32>,
        %get3A_179 = vector.shape_cast %get3A_178 : vector<1x16xf32> to vector<16xf32>
        %mul3A_180 = arith.mulf %get3A_175, %get3A_179 : vector<16xf32>
        %swap3A_181 = arith.index_cast %add3A_75 : i32 to index
        %swap3A_182 = arith.constant 112 : index
        %swap3A_183 = tpu.vector_load %arg9[%swap3A_181, %swap3A_182] {strides = array<i32>} : memref<128x128xf32, #tpu.memory_space<vmem>>, vector<1x16xf32>,
        %swap3A_184 = vector.shape_cast %swap3A_183 : vector<1x16xf32> to vector<16xf32>
        %swap3A_185 = vector.shape_cast %mul3A_180 : vector<16xf32> to vector<1x16xf32>
        tpu.vector_store %arg9[%swap3A_181, %swap3A_182], %swap3A_185 {strides = array<i32>} : memref<128x128xf32, #tpu.memory_space<vmem>>, vector<1x16xf32>,
        %mul3A_186 = arith.constant 4 : i32
        %mul3A_187 = arith.muli %scan3A_70, %mul3A_186 : i32
        %add3A_188 = arith.constant 1 : i32
        %add3A_189 = arith.addi %mul3A_187, %add3A_188 : i32
        %get3A_190 = arith.index_cast %add3A_189 : i32 to index
        %get3A_191 = arith.constant 0 : index
        %get3A_192 = tpu.vector_load %arg9[%get3A_190, %get3A_191] {strides = array<i32>} : memref<128x128xf32, #tpu.memory_space<vmem>>, vector<1x16xf32>,
        %get3A_193 = vector.shape_cast %get3A_192 : vector<1x16xf32> to vector<16xf32>
        %get3A_194 = arith.index_cast %add3A_189 : i32 to index
        %get3A_195 = arith.constant 0 : index
        %get3A_196 = tpu.vector_load %arg10[%get3A_194, %get3A_195] {strides = array<i32>} : memref<128x128xf32, #tpu.memory_space<vmem>>, vector<1x16xf32>,
        %get3A_197 = vector.shape_cast %get3A_196 : vector<1x16xf32> to vector<16xf32>
        %mul3A_198 = arith.mulf %get3A_193, %get3A_197 : vector<16xf32>
        %swap3A_199 = arith.index_cast %add3A_189 : i32 to index
        %swap3A_200 = arith.constant 0 : index
        %swap3A_201 = tpu.vector_load %arg9[%swap3A_199, %swap3A_200] {strides = array<i32>} : memref<128x128xf32, #tpu.memory_space<vmem>>, vector<1x16xf32>,
        %swap3A_202 = vector.shape_cast %swap3A_201 : vector<1x16xf32> to vector<16xf32>
        %swap3A_203 = vector.shape_cast %mul3A_198 : vector<16xf32> to vector<1x16xf32>
        tpu.vector_store %arg9[%swap3A_199, %swap3A_200], %swap3A_203 {strides = array<i32>} : memref<128x128xf32, #tpu.memory_space<vmem>>, vector<1x16xf32>,
        %get3A_204 = arith.index_cast %add3A_189 : i32 to index
        %get3A_205 = arith.constant 16 : index
        %get3A_206 = tpu.vector_load %arg9[%get3A_204, %get3A_205] {strides = array<i32>} : memref<128x128xf32, #tpu.memory_space<vmem>>, vector<1x16xf32>,
        %get3A_207 = vector.shape_cast %get3A_206 : vector<1x16xf32> to vector<16xf32>
        %get3A_208 = arith.index_cast %add3A_189 : i32 to index
        %get3A_209 = arith.constant 16 : index
        %get3A_210 = tpu.vector_load %arg10[%get3A_208, %get3A_209] {strides = array<i32>} : memref<128x128xf32, #tpu.memory_space<vmem>>, vector<1x16xf32>,
        %get3A_211 = vector.shape_cast %get3A_210 : vector<1x16xf32> to vector<16xf32>
        %mul3A_212 = arith.mulf %get3A_207, %get3A_211 : vector<16xf32>
        %swap3A_213 = arith.index_cast %add3A_189 : i32 to index
        %swap3A_214 = arith.constant 16 : index
        %swap3A_215 = tpu.vector_load %arg9[%swap3A_213, %swap3A_214] {strides = array<i32>} : memref<128x128xf32, #tpu.memory_space<vmem>>, vector<1x16xf32>,
        %swap3A_216 = vector.shape_cast %swap3A_215 : vector<1x16xf32> to vector<16xf32>
        %swap3A_217 = vector.shape_cast %mul3A_212 : vector<16xf32> to vector<1x16xf32>
        tpu.vector_store %arg9[%swap3A_213, %swap3A_214], %swap3A_217 {strides = array<i32>} : memref<128x128xf32, #tpu.memory_space<vmem>>, vector<1x16xf32>,
        %get3A_218 = arith.index_cast %add3A_189 : i32 to index
        %get3A_219 = arith.constant 32 : index
        %get3A_220 = tpu.vector_load %arg9[%get3A_218, %get3A_219] {strides = array<i32>} : memref<128x128xf32, #tpu.memory_space<vmem>>, vector<1x16xf32>,
        %get3A_221 = vector.shape_cast %get3A_220 : vector<1x16xf32> to vector<16xf32>
        %get3A_222 = arith.index_cast %add3A_189 : i32 to index
        %get3A_223 = arith.constant 32 : index
        %get3A_224 = tpu.vector_load %arg10[%get3A_222, %get3A_223] {strides = array<i32>} : memref<128x128xf32, #tpu.memory_space<vmem>>, vector<1x16xf32>,
        %get3A_225 = vector.shape_cast %get3A_224 : vector<1x16xf32> to vector<16xf32>
        %mul3A_226 = arith.mulf %get3A_221, %get3A_225 : vector<16xf32>
        %swap3A_227 = arith.index_cast %add3A_189 : i32 to index
        %swap3A_228 = arith.constant 32 : index
        %swap3A_229 = tpu.vector_load %arg9[%swap3A_227, %swap3A_228] {strides = array<i32>} : memref<128x128xf32, #tpu.memory_space<vmem>>, vector<1x16xf32>,
        %swap3A_230 = vector.shape_cast %swap3A_229 : vector<1x16xf32> to vector<16xf32>
        %swap3A_231 = vector.shape_cast %mul3A_226 : vector<16xf32> to vector<1x16xf32>
        tpu.vector_store %arg9[%swap3A_227, %swap3A_228], %swap3A_231 {strides = array<i32>} : memref<128x128xf32, #tpu.memory_space<vmem>>, vector<1x16xf32>,
        %get3A_232 = arith.index_cast %add3A_189 : i32 to index
        %get3A_233 = arith.constant 48 : index
        %get3A_234 = tpu.vector_load %arg9[%get3A_232, %get3A_233] {strides = array<i32>} : memref<128x128xf32, #tpu.memory_space<vmem>>, vector<1x16xf32>,
        %get3A_235 = vector.shape_cast %get3A_234 : vector<1x16xf32> to vector<16xf32>
        %get3A_236 = arith.index_cast %add3A_189 : i32 to index
        %get3A_237 = arith.constant 48 : index
        %get3A_238 = tpu.vector_load %arg10[%get3A_236, %get3A_237] {strides = array<i32>} : memref<128x128xf32, #tpu.memory_space<vmem>>, vector<1x16xf32>,
        %get3A_239 = vector.shape_cast %get3A_238 : vector<1x16xf32> to vector<16xf32>
        %mul3A_240 = arith.mulf %get3A_235, %get3A_239 : vector<16xf32>
        %swap3A_241 = arith.index_cast %add3A_189 : i32 to index
        %swap3A_242 = arith.constant 48 : index
        %swap3A_243 = tpu.vector_load %arg9[%swap3A_241, %swap3A_242] {strides = array<i32>} : memref<128x128xf32, #tpu.memory_space<vmem>>, vector<1x16xf32>,
        %swap3A_244 = vector.shape_cast %swap3A_243 : vector<1x16xf32> to vector<16xf32>
        %swap3A_245 = vector.shape_cast %mul3A_240 : vector<16xf32> to vector<1x16xf32>
        tpu.vector_store %arg9[%swap3A_241, %swap3A_242], %swap3A_245 {strides = array<i32>} : memref<128x128xf32, #tpu.memory_space<vmem>>, vector<1x16xf32>,
        %get3A_246 = arith.index_cast %add3A_189 : i32 to index
        %get3A_247 = arith.constant 64 : index
        %get3A_248 = tpu.vector_load %arg9[%get3A_246, %get3A_247] {strides = array<i32>} : memref<128x128xf32, #tpu.memory_space<vmem>>, vector<1x16xf32>,
        %get3A_249 = vector.shape_cast %get3A_248 : vector<1x16xf32> to vector<16xf32>
        %get3A_250 = arith.index_cast %add3A_189 : i32 to index
        %get3A_251 = arith.constant 64 : index
        %get3A_252 = tpu.vector_load %arg10[%get3A_250, %get3A_251] {strides = array<i32>} : memref<128x128xf32, #tpu.memory_space<vmem>>, vector<1x16xf32>,
        %get3A_253 = vector.shape_cast %get3A_252 : vector<1x16xf32> to vector<16xf32>
        %mul3A_254 = arith.mulf %get3A_249, %get3A_253 : vector<16xf32>
        %swap3A_255 = arith.index_cast %add3A_189 : i32 to index
        %swap3A_256 = arith.constant 64 : index
        %swap3A_257 = tpu.vector_load %arg9[%swap3A_255, %swap3A_256] {strides = array<i32>} : memref<128x128xf32, #tpu.memory_space<vmem>>, vector<1x16xf32>,
        %swap3A_258 = vector.shape_cast %swap3A_257 : vector<1x16xf32> to vector<16xf32>
        %swap3A_259 = vector.shape_cast %mul3A_254 : vector<16xf32> to vector<1x16xf32>
        tpu.vector_store %arg9[%swap3A_255, %swap3A_256], %swap3A_259 {strides = array<i32>} : memref<128x128xf32, #tpu.memory_space<vmem>>, vector<1x16xf32>,
        %get3A_260 = arith.index_cast %add3A_189 : i32 to index
        %get3A_261 = arith.constant 80 : index
        %get3A_262 = tpu.vector_load %arg9[%get3A_260, %get3A_261] {strides = array<i32>} : memref<128x128xf32, #tpu.memory_space<vmem>>, vector<1x16xf32>,
        %get3A_263 = vector.shape_cast %get3A_262 : vector<1x16xf32> to vector<16xf32>
        %get3A_264 = arith.index_cast %add3A_189 : i32 to index
        %get3A_265 = arith.constant 80 : index
        %get3A_266 = tpu.vector_load %arg10[%get3A_264, %get3A_265] {strides = array<i32>} : memref<128x128xf32, #tpu.memory_space<vmem>>, vector<1x16xf32>,
        %get3A_267 = vector.shape_cast %get3A_266 : vector<1x16xf32> to vector<16xf32>
        %mul3A_268 = arith.mulf %get3A_263, %get3A_267 : vector<16xf32>
        %swap3A_269 = arith.index_cast %add3A_189 : i32 to index
        %swap3A_270 = arith.constant 80 : index
        %swap3A_271 = tpu.vector_load %arg9[%swap3A_269, %swap3A_270] {strides = array<i32>} : memref<128x128xf32, #tpu.memory_space<vmem>>, vector<1x16xf32>,
        %swap3A_272 = vector.shape_cast %swap3A_271 : vector<1x16xf32> to vector<16xf32>
        %swap3A_273 = vector.shape_cast %mul3A_268 : vector<16xf32> to vector<1x16xf32>
        tpu.vector_store %arg9[%swap3A_269, %swap3A_270], %swap3A_273 {strides = array<i32>} : memref<128x128xf32, #tpu.memory_space<vmem>>, vector<1x16xf32>,
        %get3A_274 = arith.index_cast %add3A_189 : i32 to index
        %get3A_275 = arith.constant 96 : index
        %get3A_276 = tpu.vector_load %arg9[%get3A_274, %get3A_275] {strides = array<i32>} : memref<128x128xf32, #tpu.memory_space<vmem>>, vector<1x16xf32>,
        %get3A_277 = vector.shape_cast %get3A_276 : vector<1x16xf32> to vector<16xf32>
        %get3A_278 = arith.index_cast %add3A_189 : i32 to index
        %get3A_279 = arith.constant 96 : index
        %get3A_280 = tpu.vector_load %arg10[%get3A_278, %get3A_279] {strides = array<i32>} : memref<128x128xf32, #tpu.memory_space<vmem>>, vector<1x16xf32>,
        %get3A_281 = vector.shape_cast %get3A_280 : vector<1x16xf32> to vector<16xf32>
        %mul3A_282 = arith.mulf %get3A_277, %get3A_281 : vector<16xf32>
        %swap3A_283 = arith.index_cast %add3A_189 : i32 to index
        %swap3A_284 = arith.constant 96 : index
        %swap3A_285 = tpu.vector_load %arg9[%swap3A_283, %swap3A_284] {strides = array<i32>} : memref<128x128xf32, #tpu.memory_space<vmem>>, vector<1x16xf32>,
        %swap3A_286 = vector.shape_cast %swap3A_285 : vector<1x16xf32> to vector<16xf32>
        %swap3A_287 = vector.shape_cast %mul3A_282 : vector<16xf32> to vector<1x16xf32>
        tpu.vector_store %arg9[%swap3A_283, %swap3A_284], %swap3A_287 {strides = array<i32>} : memref<128x128xf32, #tpu.memory_space<vmem>>, vector<1x16xf32>,
        %get3A_288 = arith.index_cast %add3A_189 : i32 to index
        %get3A_289 = arith.constant 112 : index
        %get3A_290 = tpu.vector_load %arg9[%get3A_288, %get3A_289] {strides = array<i32>} : memref<128x128xf32, #tpu.memory_space<vmem>>, vector<1x16xf32>,
        %get3A_291 = vector.shape_cast %get3A_290 : vector<1x16xf32> to vector<16xf32>
        %get3A_292 = arith.index_cast %add3A_189 : i32 to index
        %get3A_293 = arith.constant 112 : index
        %get3A_294 = tpu.vector_load %arg10[%get3A_292, %get3A_293] {strides = array<i32>} : memref<128x128xf32, #tpu.memory_space<vmem>>, vector<1x16xf32>,
        %get3A_295 = vector.shape_cast %get3A_294 : vector<1x16xf32> to vector<16xf32>
        %mul3A_296 = arith.mulf %get3A_291, %get3A_295 : vector<16xf32>
        %swap3A_297 = arith.index_cast %add3A_189 : i32 to index
        %swap3A_298 = arith.constant 112 : index
        %swap3A_299 = tpu.vector_load %arg9[%swap3A_297, %swap3A_298] {strides = array<i32>} : memref<128x128xf32, #tpu.memory_space<vmem>>, vector<1x16xf32>,
        %swap3A_300 = vector.shape_cast %swap3A_299 : vector<1x16xf32> to vector<16xf32>
        %swap3A_301 = vector.shape_cast %mul3A_296 : vector<16xf32> to vector<1x16xf32>
        tpu.vector_store %arg9[%swap3A_297, %swap3A_298], %swap3A_301 {strides = array<i32>} : memref<128x128xf32, #tpu.memory_space<vmem>>, vector<1x16xf32>,
        %mul3A_302 = arith.constant 4 : i32
        %mul3A_303 = arith.muli %scan3A_70, %mul3A_302 : i32
        %add3A_304 = arith.constant 2 : i32
        %add3A_305 = arith.addi %mul3A_303, %add3A_304 : i32
        %get3A_306 = arith.index_cast %add3A_305 : i32 to index
        %get3A_307 = arith.constant 0 : index
        %get3A_308 = tpu.vector_load %arg9[%get3A_306, %get3A_307] {strides = array<i32>} : memref<128x128xf32, #tpu.memory_space<vmem>>, vector<1x16xf32>,
        %get3A_309 = vector.shape_cast %get3A_308 : vector<1x16xf32> to vector<16xf32>
        %get3A_310 = arith.index_cast %add3A_305 : i32 to index
        %get3A_311 = arith.constant 0 : index
        %get3A_312 = tpu.vector_load %arg10[%get3A_310, %get3A_311] {strides = array<i32>} : memref<128x128xf32, #tpu.memory_space<vmem>>, vector<1x16xf32>,
        %get3A_313 = vector.shape_cast %get3A_312 : vector<1x16xf32> to vector<16xf32>
        %mul3A_314 = arith.mulf %get3A_309, %get3A_313 : vector<16xf32>
        %swap3A_315 = arith.index_cast %add3A_305 : i32 to index
        %swap3A_316 = arith.constant 0 : index
        %swap3A_317 = tpu.vector_load %arg9[%swap3A_315, %swap3A_316] {strides = array<i32>} : memref<128x128xf32, #tpu.memory_space<vmem>>, vector<1x16xf32>,
        %swap3A_318 = vector.shape_cast %swap3A_317 : vector<1x16xf32> to vector<16xf32>
        %swap3A_319 = vector.shape_cast %mul3A_314 : vector<16xf32> to vector<1x16xf32>
        tpu.vector_store %arg9[%swap3A_315, %swap3A_316], %swap3A_319 {strides = array<i32>} : memref<128x128xf32, #tpu.memory_space<vmem>>, vector<1x16xf32>,
        %get3A_320 = arith.index_cast %add3A_305 : i32 to index
        %get3A_321 = arith.constant 16 : index
        %get3A_322 = tpu.vector_load %arg9[%get3A_320, %get3A_321] {strides = array<i32>} : memref<128x128xf32, #tpu.memory_space<vmem>>, vector<1x16xf32>,
        %get3A_323 = vector.shape_cast %get3A_322 : vector<1x16xf32> to vector<16xf32>
        %get3A_324 = arith.index_cast %add3A_305 : i32 to index
        %get3A_325 = arith.constant 16 : index
        %get3A_326 = tpu.vector_load %arg10[%get3A_324, %get3A_325] {strides = array<i32>} : memref<128x128xf32, #tpu.memory_space<vmem>>, vector<1x16xf32>,
        %get3A_327 = vector.shape_cast %get3A_326 : vector<1x16xf32> to vector<16xf32>
        %mul3A_328 = arith.mulf %get3A_323, %get3A_327 : vector<16xf32>
        %swap3A_329 = arith.index_cast %add3A_305 : i32 to index
        %swap3A_330 = arith.constant 16 : index
        %swap3A_331 = tpu.vector_load %arg9[%swap3A_329, %swap3A_330] {strides = array<i32>} : memref<128x128xf32, #tpu.memory_space<vmem>>, vector<1x16xf32>,
        %swap3A_332 = vector.shape_cast %swap3A_331 : vector<1x16xf32> to vector<16xf32>
        %swap3A_333 = vector.shape_cast %mul3A_328 : vector<16xf32> to vector<1x16xf32>
        tpu.vector_store %arg9[%swap3A_329, %swap3A_330], %swap3A_333 {strides = array<i32>} : memref<128x128xf32, #tpu.memory_space<vmem>>, vector<1x16xf32>,
        %get3A_334 = arith.index_cast %add3A_305 : i32 to index
        %get3A_335 = arith.constant 32 : index
        %get3A_336 = tpu.vector_load %arg9[%get3A_334, %get3A_335] {strides = array<i32>} : memref<128x128xf32, #tpu.memory_space<vmem>>, vector<1x16xf32>,
        %get3A_337 = vector.shape_cast %get3A_336 : vector<1x16xf32> to vector<16xf32>
        %get3A_338 = arith.index_cast %add3A_305 : i32 to index
        %get3A_339 = arith.constant 32 : index
        %get3A_340 = tpu.vector_load %arg10[%get3A_338, %get3A_339] {strides = array<i32>} : memref<128x128xf32, #tpu.memory_space<vmem>>, vector<1x16xf32>,
        %get3A_341 = vector.shape_cast %get3A_340 : vector<1x16xf32> to vector<16xf32>
        %mul3A_342 = arith.mulf %get3A_337, %get3A_341 : vector<16xf32>
        %swap3A_343 = arith.index_cast %add3A_305 : i32 to index
        %swap3A_344 = arith.constant 32 : index
        %swap3A_345 = tpu.vector_load %arg9[%swap3A_343, %swap3A_344] {strides = array<i32>} : memref<128x128xf32, #tpu.memory_space<vmem>>, vector<1x16xf32>,
        %swap3A_346 = vector.shape_cast %swap3A_345 : vector<1x16xf32> to vector<16xf32>
        %swap3A_347 = vector.shape_cast %mul3A_342 : vector<16xf32> to vector<1x16xf32>
        tpu.vector_store %arg9[%swap3A_343, %swap3A_344], %swap3A_347 {strides = array<i32>} : memref<128x128xf32, #tpu.memory_space<vmem>>, vector<1x16xf32>,
        %get3A_348 = arith.index_cast %add3A_305 : i32 to index
        %get3A_349 = arith.constant 48 : index
        %get3A_350 = tpu.vector_load %arg9[%get3A_348, %get3A_349] {strides = array<i32>} : memref<128x128xf32, #tpu.memory_space<vmem>>, vector<1x16xf32>,
        %get3A_351 = vector.shape_cast %get3A_350 : vector<1x16xf32> to vector<16xf32>
        %get3A_352 = arith.index_cast %add3A_305 : i32 to index
        %get3A_353 = arith.constant 48 : index
        %get3A_354 = tpu.vector_load %arg10[%get3A_352, %get3A_353] {strides = array<i32>} : memref<128x128xf32, #tpu.memory_space<vmem>>, vector<1x16xf32>,
        %get3A_355 = vector.shape_cast %get3A_354 : vector<1x16xf32> to vector<16xf32>
        %mul3A_356 = arith.mulf %get3A_351, %get3A_355 : vector<16xf32>
        %swap3A_357 = arith.index_cast %add3A_305 : i32 to index
        %swap3A_358 = arith.constant 48 : index
        %swap3A_359 = tpu.vector_load %arg9[%swap3A_357, %swap3A_358] {strides = array<i32>} : memref<128x128xf32, #tpu.memory_space<vmem>>, vector<1x16xf32>,
        %swap3A_360 = vector.shape_cast %swap3A_359 : vector<1x16xf32> to vector<16xf32>
        %swap3A_361 = vector.shape_cast %mul3A_356 : vector<16xf32> to vector<1x16xf32>
        tpu.vector_store %arg9[%swap3A_357, %swap3A_358], %swap3A_361 {strides = array<i32>} : memref<128x128xf32, #tpu.memory_space<vmem>>, vector<1x16xf32>,
        %get3A_362 = arith.index_cast %add3A_305 : i32 to index
        %get3A_363 = arith.constant 64 : index
        %get3A_364 = tpu.vector_load %arg9[%get3A_362, %get3A_363] {strides = array<i32>} : memref<128x128xf32, #tpu.memory_space<vmem>>, vector<1x16xf32>,
        %get3A_365 = vector.shape_cast %get3A_364 : vector<1x16xf32> to vector<16xf32>
        %get3A_366 = arith.index_cast %add3A_305 : i32 to index
        %get3A_367 = arith.constant 64 : index
        %get3A_368 = tpu.vector_load %arg10[%get3A_366, %get3A_367] {strides = array<i32>} : memref<128x128xf32, #tpu.memory_space<vmem>>, vector<1x16xf32>,
        %get3A_369 = vector.shape_cast %get3A_368 : vector<1x16xf32> to vector<16xf32>
        %mul3A_370 = arith.mulf %get3A_365, %get3A_369 : vector<16xf32>
        %swap3A_371 = arith.index_cast %add3A_305 : i32 to index
        %swap3A_372 = arith.constant 64 : index
        %swap3A_373 = tpu.vector_load %arg9[%swap3A_371, %swap3A_372] {strides = array<i32>} : memref<128x128xf32, #tpu.memory_space<vmem>>, vector<1x16xf32>,
        %swap3A_374 = vector.shape_cast %swap3A_373 : vector<1x16xf32> to vector<16xf32>
        %swap3A_375 = vector.shape_cast %mul3A_370 : vector<16xf32> to vector<1x16xf32>
        tpu.vector_store %arg9[%swap3A_371, %swap3A_372], %swap3A_375 {strides = array<i32>} : memref<128x128xf32, #tpu.memory_space<vmem>>, vector<1x16xf32>,
        %get3A_376 = arith.index_cast %add3A_305 : i32 to index
        %get3A_377 = arith.constant 80 : index
        %get3A_378 = tpu.vector_load %arg9[%get3A_376, %get3A_377] {strides = array<i32>} : memref<128x128xf32, #tpu.memory_space<vmem>>, vector<1x16xf32>,
        %get3A_379 = vector.shape_cast %get3A_378 : vector<1x16xf32> to vector<16xf32>
        %get3A_380 = arith.index_cast %add3A_305 : i32 to index
        %get3A_381 = arith.constant 80 : index
        %get3A_382 = tpu.vector_load %arg10[%get3A_380, %get3A_381] {strides = array<i32>} : memref<128x128xf32, #tpu.memory_space<vmem>>, vector<1x16xf32>,
        %get3A_383 = vector.shape_cast %get3A_382 : vector<1x16xf32> to vector<16xf32>
        %mul3A_384 = arith.mulf %get3A_379, %get3A_383 : vector<16xf32>
        %swap3A_385 = arith.index_cast %add3A_305 : i32 to index
        %swap3A_386 = arith.constant 80 : index
        %swap3A_387 = tpu.vector_load %arg9[%swap3A_385, %swap3A_386] {strides = array<i32>} : memref<128x128xf32, #tpu.memory_space<vmem>>, vector<1x16xf32>,
        %swap3A_388 = vector.shape_cast %swap3A_387 : vector<1x16xf32> to vector<16xf32>
        %swap3A_389 = vector.shape_cast %mul3A_384 : vector<16xf32> to vector<1x16xf32>
        tpu.vector_store %arg9[%swap3A_385, %swap3A_386], %swap3A_389 {strides = array<i32>} : memref<128x128xf32, #tpu.memory_space<vmem>>, vector<1x16xf32>,
        %get3A_390 = arith.index_cast %add3A_305 : i32 to index
        %get3A_391 = arith.constant 96 : index
        %get3A_392 = tpu.vector_load %arg9[%get3A_390, %get3A_391] {strides = array<i32>} : memref<128x128xf32, #tpu.memory_space<vmem>>, vector<1x16xf32>,
        %get3A_393 = vector.shape_cast %get3A_392 : vector<1x16xf32> to vector<16xf32>
        %get3A_394 = arith.index_cast %add3A_305 : i32 to index
        %get3A_395 = arith.constant 96 : index
        %get3A_396 = tpu.vector_load %arg10[%get3A_394, %get3A_395] {strides = array<i32>} : memref<128x128xf32, #tpu.memory_space<vmem>>, vector<1x16xf32>,
        %get3A_397 = vector.shape_cast %get3A_396 : vector<1x16xf32> to vector<16xf32>
        %mul3A_398 = arith.mulf %get3A_393, %get3A_397 : vector<16xf32>
        %swap3A_399 = arith.index_cast %add3A_305 : i32 to index
        %swap3A_400 = arith.constant 96 : index
        %swap3A_401 = tpu.vector_load %arg9[%swap3A_399, %swap3A_400] {strides = array<i32>} : memref<128x128xf32, #tpu.memory_space<vmem>>, vector<1x16xf32>,
        %swap3A_402 = vector.shape_cast %swap3A_401 : vector<1x16xf32> to vector<16xf32>
        %swap3A_403 = vector.shape_cast %mul3A_398 : vector<16xf32> to vector<1x16xf32>
        tpu.vector_store %arg9[%swap3A_399, %swap3A_400], %swap3A_403 {strides = array<i32>} : memref<128x128xf32, #tpu.memory_space<vmem>>, vector<1x16xf32>,
        %get3A_404 = arith.index_cast %add3A_305 : i32 to index
        %get3A_405 = arith.constant 112 : index
        %get3A_406 = tpu.vector_load %arg9[%get3A_404, %get3A_405] {strides = array<i32>} : memref<128x128xf32, #tpu.memory_space<vmem>>, vector<1x16xf32>,
        %get3A_407 = vector.shape_cast %get3A_406 : vector<1x16xf32> to vector<16xf32>
        %get3A_408 = arith.index_cast %add3A_305 : i32 to index
        %get3A_409 = arith.constant 112 : index
        %get3A_410 = tpu.vector_load %arg10[%get3A_408, %get3A_409] {strides = array<i32>} : memref<128x128xf32, #tpu.memory_space<vmem>>, vector<1x16xf32>,
        %get3A_411 = vector.shape_cast %get3A_410 : vector<1x16xf32> to vector<16xf32>
        %mul3A_412 = arith.mulf %get3A_407, %get3A_411 : vector<16xf32>
        %swap3A_413 = arith.index_cast %add3A_305 : i32 to index
        %swap3A_414 = arith.constant 112 : index
        %swap3A_415 = tpu.vector_load %arg9[%swap3A_413, %swap3A_414] {strides = array<i32>} : memref<128x128xf32, #tpu.memory_space<vmem>>, vector<1x16xf32>,
        %swap3A_416 = vector.shape_cast %swap3A_415 : vector<1x16xf32> to vector<16xf32>
        %swap3A_417 = vector.shape_cast %mul3A_412 : vector<16xf32> to vector<1x16xf32>
        tpu.vector_store %arg9[%swap3A_413, %swap3A_414], %swap3A_417 {strides = array<i32>} : memref<128x128xf32, #tpu.memory_space<vmem>>, vector<1x16xf32>,
        %mul3A_418 = arith.constant 4 : i32
        %mul3A_419 = arith.muli %scan3A_70, %mul3A_418 : i32
        %add3A_420 = arith.constant 3 : i32
        %add3A_421 = arith.addi %mul3A_419, %add3A_420 : i32
        %get3A_422 = arith.index_cast %add3A_421 : i32 to index
        %get3A_423 = arith.constant 0 : index
        %get3A_424 = tpu.vector_load %arg9[%get3A_422, %get3A_423] {strides = array<i32>} : memref<128x128xf32, #tpu.memory_space<vmem>>, vector<1x16xf32>,
        %get3A_425 = vector.shape_cast %get3A_424 : vector<1x16xf32> to vector<16xf32>
        %get3A_426 = arith.index_cast %add3A_421 : i32 to index
        %get3A_427 = arith.constant 0 : index
        %get3A_428 = tpu.vector_load %arg10[%get3A_426, %get3A_427] {strides = array<i32>} : memref<128x128xf32, #tpu.memory_space<vmem>>, vector<1x16xf32>,
        %get3A_429 = vector.shape_cast %get3A_428 : vector<1x16xf32> to vector<16xf32>
        %mul3A_430 = arith.mulf %get3A_425, %get3A_429 : vector<16xf32>
        %swap3A_431 = arith.index_cast %add3A_421 : i32 to index
        %swap3A_432 = arith.constant 0 : index
        %swap3A_433 = tpu.vector_load %arg9[%swap3A_431, %swap3A_432] {strides = array<i32>} : memref<128x128xf32, #tpu.memory_space<vmem>>, vector<1x16xf32>,
        %swap3A_434 = vector.shape_cast %swap3A_433 : vector<1x16xf32> to vector<16xf32>
        %swap3A_435 = vector.shape_cast %mul3A_430 : vector<16xf32> to vector<1x16xf32>
        tpu.vector_store %arg9[%swap3A_431, %swap3A_432], %swap3A_435 {strides = array<i32>} : memref<128x128xf32, #tpu.memory_space<vmem>>, vector<1x16xf32>,
        %get3A_436 = arith.index_cast %add3A_421 : i32 to index
        %get3A_437 = arith.constant 16 : index
        %get3A_438 = tpu.vector_load %arg9[%get3A_436, %get3A_437] {strides = array<i32>} : memref<128x128xf32, #tpu.memory_space<vmem>>, vector<1x16xf32>,
        %get3A_439 = vector.shape_cast %get3A_438 : vector<1x16xf32> to vector<16xf32>
        %get3A_440 = arith.index_cast %add3A_421 : i32 to index
        %get3A_441 = arith.constant 16 : index
        %get3A_442 = tpu.vector_load %arg10[%get3A_440, %get3A_441] {strides = array<i32>} : memref<128x128xf32, #tpu.memory_space<vmem>>, vector<1x16xf32>,
        %get3A_443 = vector.shape_cast %get3A_442 : vector<1x16xf32> to vector<16xf32>
        %mul3A_444 = arith.mulf %get3A_439, %get3A_443 : vector<16xf32>
        %swap3A_445 = arith.index_cast %add3A_421 : i32 to index
        %swap3A_446 = arith.constant 16 : index
        %swap3A_447 = tpu.vector_load %arg9[%swap3A_445, %swap3A_446] {strides = array<i32>} : memref<128x128xf32, #tpu.memory_space<vmem>>, vector<1x16xf32>,
        %swap3A_448 = vector.shape_cast %swap3A_447 : vector<1x16xf32> to vector<16xf32>
        %swap3A_449 = vector.shape_cast %mul3A_444 : vector<16xf32> to vector<1x16xf32>
        tpu.vector_store %arg9[%swap3A_445, %swap3A_446], %swap3A_449 {strides = array<i32>} : memref<128x128xf32, #tpu.memory_space<vmem>>, vector<1x16xf32>,
        %get3A_450 = arith.index_cast %add3A_421 : i32 to index
        %get3A_451 = arith.constant 32 : index
        %get3A_452 = tpu.vector_load %arg9[%get3A_450, %get3A_451] {strides = array<i32>} : memref<128x128xf32, #tpu.memory_space<vmem>>, vector<1x16xf32>,
        %get3A_453 = vector.shape_cast %get3A_452 : vector<1x16xf32> to vector<16xf32>
        %get3A_454 = arith.index_cast %add3A_421 : i32 to index
        %get3A_455 = arith.constant 32 : index
        %get3A_456 = tpu.vector_load %arg10[%get3A_454, %get3A_455] {strides = array<i32>} : memref<128x128xf32, #tpu.memory_space<vmem>>, vector<1x16xf32>,
        %get3A_457 = vector.shape_cast %get3A_456 : vector<1x16xf32> to vector<16xf32>
        %mul3A_458 = arith.mulf %get3A_453, %get3A_457 : vector<16xf32>
        %swap3A_459 = arith.index_cast %add3A_421 : i32 to index
        %swap3A_460 = arith.constant 32 : index
        %swap3A_461 = tpu.vector_load %arg9[%swap3A_459, %swap3A_460] {strides = array<i32>} : memref<128x128xf32, #tpu.memory_space<vmem>>, vector<1x16xf32>,
        %swap3A_462 = vector.shape_cast %swap3A_461 : vector<1x16xf32> to vector<16xf32>
        %swap3A_463 = vector.shape_cast %mul3A_458 : vector<16xf32> to vector<1x16xf32>
        tpu.vector_store %arg9[%swap3A_459, %swap3A_460], %swap3A_463 {strides = array<i32>} : memref<128x128xf32, #tpu.memory_space<vmem>>, vector<1x16xf32>,
        %get3A_464 = arith.index_cast %add3A_421 : i32 to index
        %get3A_465 = arith.constant 48 : index
        %get3A_466 = tpu.vector_load %arg9[%get3A_464, %get3A_465] {strides = array<i32>} : memref<128x128xf32, #tpu.memory_space<vmem>>, vector<1x16xf32>,
        %get3A_467 = vector.shape_cast %get3A_466 : vector<1x16xf32> to vector<16xf32>
        %get3A_468 = arith.index_cast %add3A_421 : i32 to index
        %get3A_469 = arith.constant 48 : index
        %get3A_470 = tpu.vector_load %arg10[%get3A_468, %get3A_469] {strides = array<i32>} : memref<128x128xf32, #tpu.memory_space<vmem>>, vector<1x16xf32>,
        %get3A_471 = vector.shape_cast %get3A_470 : vector<1x16xf32> to vector<16xf32>
        %mul3A_472 = arith.mulf %get3A_467, %get3A_471 : vector<16xf32>
        %swap3A_473 = arith.index_cast %add3A_421 : i32 to index
        %swap3A_474 = arith.constant 48 : index
        %swap3A_475 = tpu.vector_load %arg9[%swap3A_473, %swap3A_474] {strides = array<i32>} : memref<128x128xf32, #tpu.memory_space<vmem>>, vector<1x16xf32>,
        %swap3A_476 = vector.shape_cast %swap3A_475 : vector<1x16xf32> to vector<16xf32>
        %swap3A_477 = vector.shape_cast %mul3A_472 : vector<16xf32> to vector<1x16xf32>
        tpu.vector_store %arg9[%swap3A_473, %swap3A_474], %swap3A_477 {strides = array<i32>} : memref<128x128xf32, #tpu.memory_space<vmem>>, vector<1x16xf32>,
        %get3A_478 = arith.index_cast %add3A_421 : i32 to index
        %get3A_479 = arith.constant 64 : index
        %get3A_480 = tpu.vector_load %arg9[%get3A_478, %get3A_479] {strides = array<i32>} : memref<128x128xf32, #tpu.memory_space<vmem>>, vector<1x16xf32>,
        %get3A_481 = vector.shape_cast %get3A_480 : vector<1x16xf32> to vector<16xf32>
        %get3A_482 = arith.index_cast %add3A_421 : i32 to index
        %get3A_483 = arith.constant 64 : index
        %get3A_484 = tpu.vector_load %arg10[%get3A_482, %get3A_483] {strides = array<i32>} : memref<128x128xf32, #tpu.memory_space<vmem>>, vector<1x16xf32>,
        %get3A_485 = vector.shape_cast %get3A_484 : vector<1x16xf32> to vector<16xf32>
        %mul3A_486 = arith.mulf %get3A_481, %get3A_485 : vector<16xf32>
        %swap3A_487 = arith.index_cast %add3A_421 : i32 to index
        %swap3A_488 = arith.constant 64 : index
        %swap3A_489 = tpu.vector_load %arg9[%swap3A_487, %swap3A_488] {strides = array<i32>} : memref<128x128xf32, #tpu.memory_space<vmem>>, vector<1x16xf32>,
        %swap3A_490 = vector.shape_cast %swap3A_489 : vector<1x16xf32> to vector<16xf32>
        %swap3A_491 = vector.shape_cast %mul3A_486 : vector<16xf32> to vector<1x16xf32>
        tpu.vector_store %arg9[%swap3A_487, %swap3A_488], %swap3A_491 {strides = array<i32>} : memref<128x128xf32, #tpu.memory_space<vmem>>, vector<1x16xf32>,
        %get3A_492 = arith.index_cast %add3A_421 : i32 to index
        %get3A_493 = arith.constant 80 : index
        %get3A_494 = tpu.vector_load %arg9[%get3A_492, %get3A_493] {strides = array<i32>} : memref<128x128xf32, #tpu.memory_space<vmem>>, vector<1x16xf32>,
        %get3A_495 = vector.shape_cast %get3A_494 : vector<1x16xf32> to vector<16xf32>
        %get3A_496 = arith.index_cast %add3A_421 : i32 to index
        %get3A_497 = arith.constant 80 : index
        %get3A_498 = tpu.vector_load %arg10[%get3A_496, %get3A_497] {strides = array<i32>} : memref<128x128xf32, #tpu.memory_space<vmem>>, vector<1x16xf32>,
        %get3A_499 = vector.shape_cast %get3A_498 : vector<1x16xf32> to vector<16xf32>
        %mul3A_500 = arith.mulf %get3A_495, %get3A_499 : vector<16xf32>
        %swap3A_501 = arith.index_cast %add3A_421 : i32 to index
        %swap3A_502 = arith.constant 80 : index
        %swap3A_503 = tpu.vector_load %arg9[%swap3A_501, %swap3A_502] {strides = array<i32>} : memref<128x128xf32, #tpu.memory_space<vmem>>, vector<1x16xf32>,
        %swap3A_504 = vector.shape_cast %swap3A_503 : vector<1x16xf32> to vector<16xf32>
        %swap3A_505 = vector.shape_cast %mul3A_500 : vector<16xf32> to vector<1x16xf32>
        tpu.vector_store %arg9[%swap3A_501, %swap3A_502], %swap3A_505 {strides = array<i32>} : memref<128x128xf32, #tpu.memory_space<vmem>>, vector<1x16xf32>,
        %get3A_506 = arith.index_cast %add3A_421 : i32 to index
        %get3A_507 = arith.constant 96 : index
        %get3A_508 = tpu.vector_load %arg9[%get3A_506, %get3A_507] {strides = array<i32>} : memref<128x128xf32, #tpu.memory_space<vmem>>, vector<1x16xf32>,
        %get3A_509 = vector.shape_cast %get3A_508 : vector<1x16xf32> to vector<16xf32>
        %get3A_510 = arith.index_cast %add3A_421 : i32 to index
        %get3A_511 = arith.constant 96 : index
        %get3A_512 = tpu.vector_load %arg10[%get3A_510, %get3A_511] {strides = array<i32>} : memref<128x128xf32, #tpu.memory_space<vmem>>, vector<1x16xf32>,
        %get3A_513 = vector.shape_cast %get3A_512 : vector<1x16xf32> to vector<16xf32>
        %mul3A_514 = arith.mulf %get3A_509, %get3A_513 : vector<16xf32>
        %swap3A_515 = arith.index_cast %add3A_421 : i32 to index
        %swap3A_516 = arith.constant 96 : index
        %swap3A_517 = tpu.vector_load %arg9[%swap3A_515, %swap3A_516] {strides = array<i32>} : memref<128x128xf32, #tpu.memory_space<vmem>>, vector<1x16xf32>,
        %swap3A_518 = vector.shape_cast %swap3A_517 : vector<1x16xf32> to vector<16xf32>
        %swap3A_519 = vector.shape_cast %mul3A_514 : vector<16xf32> to vector<1x16xf32>
        tpu.vector_store %arg9[%swap3A_515, %swap3A_516], %swap3A_519 {strides = array<i32>} : memref<128x128xf32, #tpu.memory_space<vmem>>, vector<1x16xf32>,
        %get3A_520 = arith.index_cast %add3A_421 : i32 to index
        %get3A_521 = arith.constant 112 : index
        %get3A_522 = tpu.vector_load %arg9[%get3A_520, %get3A_521] {strides = array<i32>} : memref<128x128xf32, #tpu.memory_space<vmem>>, vector<1x16xf32>,
        %get3A_523 = vector.shape_cast %get3A_522 : vector<1x16xf32> to vector<16xf32>
        %get3A_524 = arith.index_cast %add3A_421 : i32 to index
        %get3A_525 = arith.constant 112 : index
        %get3A_526 = tpu.vector_load %arg10[%get3A_524, %get3A_525] {strides = array<i32>} : memref<128x128xf32, #tpu.memory_space<vmem>>, vector<1x16xf32>,
        %get3A_527 = vector.shape_cast %get3A_526 : vector<1x16xf32> to vector<16xf32>
        %mul3A_528 = arith.mulf %get3A_523, %get3A_527 : vector<16xf32>
        %swap3A_529 = arith.index_cast %add3A_421 : i32 to index
        %swap3A_530 = arith.constant 112 : index
        %swap3A_531 = tpu.vector_load %arg9[%swap3A_529, %swap3A_530] {strides = array<i32>} : memref<128x128xf32, #tpu.memory_space<vmem>>, vector<1x16xf32>,
        %swap3A_532 = vector.shape_cast %swap3A_531 : vector<1x16xf32> to vector<16xf32>
        %swap3A_533 = vector.shape_cast %mul3A_528 : vector<16xf32> to vector<1x16xf32>
        tpu.vector_store %arg9[%swap3A_529, %swap3A_530], %swap3A_533 {strides = array<i32>} : memref<128x128xf32, #tpu.memory_space<vmem>>, vector<1x16xf32>,
        %scan3A_534 = arith.constant 0 : i32
        scf.yield %scan3A_534 : i32
      }
      %scan3A_68 = arith.constant 32 : i32
      %run_scoped3A = arith.constant 0 : i32
      "tpu.region"() ({
        %run_scoped3A_70 = tpu.sem_alloc : memref<!tpu.dma_semaphore, #tpu.memory_space<semaphore_mem>>
        %dma_start3A_71 = arith.constant 0 : i32
        %dma_start3A_72 = tpu.memref_slice %arg8[%run_scoped3A, %dma_start3A_71] : memref<1x128xi32, #tpu.memory_space<vmem>> -> memref<1x128xi32, #tpu.memory_space<vmem>>
        %dma_start3A_73 = tpu.memref_squeeze %dma_start3A_72 : memref<1x128xi32, #tpu.memory_space<vmem>> -> memref<128xi32, #tpu.memory_space<vmem>>
        %dma_start3A_74 = arith.constant 0 : i32
        %dma_start3A_75 = arith.constant 0 : i32
        %dma_start3A_76 = tpu.memref_slice %arg11[%dma_start3A_74, %dma_start3A_75] : memref<10016x128xf32, #tpu.memory_space<vmem_shared>> -> memref<10016x128xf32, #tpu.memory_space<vmem_shared>>
        tpu.enqueue_indirect_dma source(%arg9 : memref<128x128xf32, #tpu.memory_space<vmem>>) target(%dma_start3A_76 : memref<10016x128xf32, #tpu.memory_space<vmem_shared>>) offsets(%dma_start3A_73 : memref<128xi32, #tpu.memory_space<vmem>>) semaphore(%run_scoped3A_70 : memref<!tpu.dma_semaphore, #tpu.memory_space<semaphore_mem>>) {add = true}
        %dma_wait3A_77 = arith.constant 0 : i32
        %dma_wait3A_78 = tpu.memref_slice %arg8[%run_scoped3A, %dma_wait3A_77] : memref<1x128xi32, #tpu.memory_space<vmem>> -> memref<1x128xi32, #tpu.memory_space<vmem>>
        %dma_wait3A_79 = tpu.memref_squeeze %dma_wait3A_78 : memref<1x128xi32, #tpu.memory_space<vmem>> -> memref<128xi32, #tpu.memory_space<vmem>>
        %dma_wait3A_80 = arith.constant 0 : i32
        %dma_wait3A_81 = arith.constant 0 : i32
        %dma_wait3A_82 = tpu.memref_slice %arg11[%dma_wait3A_80, %dma_wait3A_81] : memref<10016x128xf32, #tpu.memory_space<vmem_shared>> -> memref<10016x128xf32, #tpu.memory_space<vmem_shared>>
        tpu.wait_indirect_dma semaphore(%run_scoped3A_70 : memref<!tpu.dma_semaphore, #tpu.memory_space<semaphore_mem>>) src(%arg9 : memref<128x128xf32, #tpu.memory_space<vmem>>) dst(%dma_wait3A_82 : memref<10016x128xf32, #tpu.memory_space<vmem_shared>>)
        tpu.yield
      }) : () -> ()
      %scan3A_69 = arith.constant 0 : i32
      scf.yield %scan3A_69 : i32
    }
    %scan3A_20 = arith.constant 80 : i32
    %barrier3A_21 = arith.constant 0 : index
    tpu.barrier barrier_id(%barrier3A_21)
    %scan3A_22 = arith.constant 0 : i32
    %scan3A_23 = arith.constant 0 : i32
    %scan3A_24 = arith.constant 40 : i32
    %scan3A_25 = arith.addi %scan3A_23, %scan3A_24 : i32
    %scan3A_26 = arith.constant 1 : i32
    %scan3A_27 = scf.for %scan3A_29 = %scan3A_23 to %scan3A_25 step %scan3A_26 iter_args(%scan3A_30 = %scan3A_22) -> (i32)  : i32 {
      %mul3A_31 = arith.constant 16 : i32
      %mul3A_32 = arith.muli %scan3A_29, %mul3A_31 : i32
      %add3A_33 = arith.addi %arg1, %mul3A_32 : i32
      %lt3A = arith.constant 625 : i32
      %lt3A_34 = arith.cmpi slt, %add3A_33, %lt3A : i32
      %convert_element_type3A = arith.extui %lt3A_34 : i1 to i32
      %cond3A = arith.constant 0 : i32
      %cond3A_35 = arith.cmpi ne, %convert_element_type3A, %cond3A : i32
      scf.if %cond3A_35 {
        %mul3A_37 = arith.constant 16 : i32
        %mul3A_38 = arith.muli %add3A_33, %mul3A_37 : i32
        %multiple_of3A = tpu.assume_multiple %mul3A_38, 16 : i32
        "tpu.region"() ({
          %run_scoped3A = tpu.sem_alloc : memref<!tpu.dma_semaphore, #tpu.memory_space<semaphore_mem>>
          %dma_start3A = arith.constant 0 : i32
          %dma_start3A_39 = arith.constant 0 : i32
          %dma_start3A_40 = tpu.memref_slice %arg6[%arg0, %add3A_33, %dma_start3A, %dma_start3A_39] : memref<2x625x16x128xf32, #tpu.memory_space<hbm>> -> memref<1x1x16x128xf32, #tpu.memory_space<hbm>>
          %dma_start3A_41 = tpu.memref_squeeze %dma_start3A_40 : memref<1x1x16x128xf32, #tpu.memory_space<hbm>> -> memref<16x128xf32, #tpu.memory_space<hbm>>
          %dma_start3A_42 = arith.constant 0 : i32
          %dma_start3A_43 = tpu.memref_slice %arg11[%multiple_of3A, %dma_start3A_42] : memref<10016x128xf32, #tpu.memory_space<vmem_shared>> -> memref<16x128xf32, #tpu.memory_space<vmem_shared>>
          tpu.enqueue_dma source(%dma_start3A_43 : memref<16x128xf32, #tpu.memory_space<vmem_shared>>) target(%dma_start3A_41 : memref<16x128xf32, #tpu.memory_space<hbm>>) target_semaphore(%run_scoped3A : memref<!tpu.dma_semaphore, #tpu.memory_space<semaphore_mem>>)
          %dma_wait3A = arith.constant 0 : i32
          %dma_wait3A_44 = arith.constant 0 : i32
          %dma_wait3A_45 = tpu.memref_slice %arg6[%arg0, %add3A_33, %dma_wait3A, %dma_wait3A_44] : memref<2x625x16x128xf32, #tpu.memory_space<hbm>> -> memref<1x1x16x128xf32, #tpu.memory_space<hbm>>
          %dma_wait3A_46 = tpu.memref_squeeze %dma_wait3A_45 : memref<1x1x16x128xf32, #tpu.memory_space<hbm>> -> memref<16x128xf32, #tpu.memory_space<hbm>>
          %dma_wait3A_47 = arith.constant 0 : i32
          %dma_wait3A_48 = tpu.memref_slice %arg11[%multiple_of3A, %dma_wait3A_47] : memref<10016x128xf32, #tpu.memory_space<vmem_shared>> -> memref<16x128xf32, #tpu.memory_space<vmem_shared>>
          tpu.wait_dma2 semaphore(%run_scoped3A : memref<!tpu.dma_semaphore, #tpu.memory_space<semaphore_mem>>) src(%dma_wait3A_48 : memref<16x128xf32, #tpu.memory_space<vmem_shared>>) dst(%dma_wait3A_46 : memref<16x128xf32, #tpu.memory_space<hbm>>)
          tpu.yield
        }) : () -> ()
      } else {
      }
      %scan3A_36 = arith.constant 0 : i32
      scf.yield %scan3A_36 : i32
    }
    %scan3A_28 = arith.constant 40 : i32
    return
  }
}

#map = affine_map<(d0, d1) -> (0, 0, 0)>
#map1 = affine_map<(d0, d1) -> (0, 0, 0, 0)>
module attributes {stable_mosaic.version = 14 : i64} {
  func.func @_den_sc_body(%arg0: i32, %arg1: i32, %arg2: memref<2560x128x128xf32, #tpu.memory_space<hbm>>, %arg3: memref<32x80x1x128xi32, #tpu.memory_space<hbm>>, %arg4: memref<2x625x16x128xf32, #tpu.memory_space<hbm>>, %arg5: memref<1x128xi32, #tpu.memory_space<vmem>>, %arg6: memref<128x128xf32, #tpu.memory_space<vmem>>, %arg7: memref<10016x128xf32, #tpu.memory_space<vmem_shared>>, %arg8: memref<!tpu.dma_semaphore, #tpu.memory_space<semaphore_mem>>) attributes {dimension_semantics = [#tpu.dimension_semantics<core_parallel>, #tpu.dimension_semantics<subcore_parallel>], iteration_bounds = array<i64: 2, 16>, scalar_prefetch = 0 : i64, scratch_operands = 4 : i64, tpu.core_type = #tpu.core_type<sc_vector_subcore>, window_params = [{transform_indices = #map}, {transform_indices = #map1}, {transform_indices = #map1}]} {
    %mul3A = arith.constant 16 : i32
    %mul3A_0 = arith.muli %arg0, %mul3A : i32
    %add3A = arith.addi %mul3A_0, %arg1 : i32
    %scan3A = arith.constant 0 : i32
    %scan3A_1 = arith.constant 0 : i32
    %scan3A_2 = arith.constant 128 : i32
    %scan3A_3 = arith.addi %scan3A_1, %scan3A_2 : i32
    %scan3A_4 = arith.constant 1 : i32
    %scan3A_5 = scf.for %scan3A_29 = %scan3A_1 to %scan3A_3 step %scan3A_4 iter_args(%scan3A_30 = %scan3A) -> (i32)  : i32 {
      %broadcast_in_dim3A = arith.constant 0.000000e+00 : f32
      %broadcast_in_dim3A_31 = vector.broadcast %broadcast_in_dim3A : f32 to vector<16xf32>
      %jit3A = arith.constant 8 : i32
      %div3A = arith.divsi %scan3A_29, %jit3A : i32
      %sign3A = arith.constant 0 : i32
      %sign3A_32 = arith.cmpi sgt, %scan3A_29, %sign3A : i32
      %sign3A_33 = arith.extui %sign3A_32 : i1 to i32
      %sign3A_34 = arith.constant 0 : i32
      %sign3A_35 = arith.cmpi slt, %scan3A_29, %sign3A_34 : i32
      %sign3A_36 = arith.extui %sign3A_35 : i1 to i32
      %sign3A_37 = arith.subi %sign3A_33, %sign3A_36 : i32
      %sign3A_38 = arith.constant 0 : i32
      %sign3A_39 = arith.cmpi sgt, %jit3A, %sign3A_38 : i32
      %sign3A_40 = arith.extui %sign3A_39 : i1 to i32
      %sign3A_41 = arith.constant 0 : i32
      %sign3A_42 = arith.cmpi slt, %jit3A, %sign3A_41 : i32
      %sign3A_43 = arith.extui %sign3A_42 : i1 to i32
      %sign3A_44 = arith.subi %sign3A_40, %sign3A_43 : i32
      %ne3A = arith.cmpi ne, %sign3A_37, %sign3A_44 : i32
      %rem3A = arith.remsi %scan3A_29, %jit3A : i32
      %ne3A_45 = arith.constant 0 : i32
      %ne3A_46 = arith.cmpi ne, %rem3A, %ne3A_45 : i32
      %and3A = arith.andi %ne3A, %ne3A_46 : i1
      %sub3A = arith.constant 1 : i32
      %sub3A_47 = arith.subi %div3A, %sub3A : i32
      %select_n3A = arith.select %and3A, %sub3A_47, %div3A : i32
      %jit3A_48 = arith.constant 8 : i32
      %eq3A = arith.constant 0 : i32
      %eq3A_49 = arith.cmpi eq, %jit3A_48, %eq3A : i32
      %jit3A_50 = arith.constant 1 : i32
      %select_n3A_51 = arith.select %eq3A_49, %jit3A_50, %jit3A_48 : i32
      %rem3A_52 = arith.remsi %scan3A_29, %select_n3A_51 : i32
      %ne3A_53 = arith.constant 0 : i32
      %ne3A_54 = arith.cmpi ne, %rem3A_52, %ne3A_53 : i32
      %lt3A = arith.constant 0 : i32
      %lt3A_55 = arith.cmpi slt, %rem3A_52, %lt3A : i32
      %lt3A_56 = arith.constant 0 : i32
      %lt3A_57 = arith.cmpi slt, %select_n3A_51, %lt3A_56 : i32
      %ne3A_58 = arith.xori %lt3A_55, %lt3A_57 : i1
      %and3A_59 = arith.andi %ne3A_58, %ne3A_54 : i1
      %add3A_60 = arith.addi %rem3A_52, %select_n3A_51 : i32
      %select_n3A_61 = arith.select %and3A_59, %add3A_60, %rem3A_52 : i32
      %mul3A_62 = arith.constant 16 : i32
      %mul3A_63 = arith.muli %select_n3A_61, %mul3A_62 : i32
      %swap3A = arith.index_cast %select_n3A : i32 to index
      %swap3A_64 = arith.index_cast %mul3A_63 : i32 to index
      %swap3A_65 = tpu.vector_load %arg6[%swap3A, %swap3A_64] {strides = array<i32>} : memref<128x128xf32, #tpu.memory_space<vmem>>, vector<1x16xf32>,
      %swap3A_66 = vector.shape_cast %swap3A_65 : vector<1x16xf32> to vector<16xf32>
      %swap3A_67 = vector.shape_cast %broadcast_in_dim3A_31 : vector<16xf32> to vector<1x16xf32>
      tpu.vector_store %arg6[%swap3A, %swap3A_64], %swap3A_67 {strides = array<i32>} : memref<128x128xf32, #tpu.memory_space<vmem>>, vector<1x16xf32>,
      %scan3A_68 = arith.constant 0 : i32
      scf.yield %scan3A_68 : i32
    }
    %scan3A_6 = arith.constant 128 : i32
    %scan3A_7 = arith.constant 0 : i32
    %scan3A_8 = arith.constant 0 : i32
    %scan3A_9 = arith.constant 40 : i32
    %scan3A_10 = arith.addi %scan3A_8, %scan3A_9 : i32
    %scan3A_11 = arith.constant 1 : i32
    %scan3A_12 = scf.for %scan3A_29 = %scan3A_8 to %scan3A_10 step %scan3A_11 iter_args(%scan3A_30 = %scan3A_7) -> (i32)  : i32 {
      %mul3A_31 = arith.constant 16 : i32
      %mul3A_32 = arith.muli %scan3A_29, %mul3A_31 : i32
      %add3A_33 = arith.addi %arg1, %mul3A_32 : i32
      %lt3A = arith.constant 626 : i32
      %lt3A_34 = arith.cmpi slt, %add3A_33, %lt3A : i32
      %convert_element_type3A = arith.extui %lt3A_34 : i1 to i32
      %cond3A = arith.constant 0 : i32
      %cond3A_35 = arith.cmpi ne, %convert_element_type3A, %cond3A : i32
      scf.if %cond3A_35 {
        %mul3A_37 = arith.constant 16 : i32
        %mul3A_38 = arith.muli %add3A_33, %mul3A_37 : i32
        %multiple_of3A = tpu.assume_multiple %mul3A_38, 16 : i32
        "tpu.region"() ({
          %run_scoped3A = tpu.sem_alloc : memref<!tpu.dma_semaphore, #tpu.memory_space<semaphore_mem>>
          %dma_start3A = arith.constant 0 : i32
          %dma_start3A_39 = arith.constant 0 : i32
          %dma_start3A_40 = tpu.memref_slice %arg6[%dma_start3A, %dma_start3A_39] : memref<128x128xf32, #tpu.memory_space<vmem>> -> memref<16x128xf32, #tpu.memory_space<vmem>>
          %dma_start3A_41 = arith.constant 0 : i32
          %dma_start3A_42 = tpu.memref_slice %arg7[%multiple_of3A, %dma_start3A_41] : memref<10016x128xf32, #tpu.memory_space<vmem_shared>> -> memref<16x128xf32, #tpu.memory_space<vmem_shared>>
          %dma_start3A_43 = arith.constant 0 : i32
          %dma_start3A_44 = tpu.memref_slice %arg7[%multiple_of3A, %dma_start3A_43] : memref<10016x128xf32, #tpu.memory_space<vmem_shared>> -> memref<16x128xf32, #tpu.memory_space<vmem_shared>>
          %dma_start3A_45 = arith.constant 0 : i32
          %dma_start3A_46 = arith.constant 0 : i32
          %dma_start3A_47 = tpu.memref_slice %arg6[%dma_start3A_45, %dma_start3A_46] : memref<128x128xf32, #tpu.memory_space<vmem>> -> memref<16x128xf32, #tpu.memory_space<vmem>>
          tpu.enqueue_dma source(%dma_start3A_47 : memref<16x128xf32, #tpu.memory_space<vmem>>) target(%dma_start3A_44 : memref<16x128xf32, #tpu.memory_space<vmem_shared>>) target_semaphore(%run_scoped3A : memref<!tpu.dma_semaphore, #tpu.memory_space<semaphore_mem>>)
          %dma_wait3A = arith.constant 0 : i32
          %dma_wait3A_48 = arith.constant 0 : i32
          %dma_wait3A_49 = tpu.memref_slice %arg6[%dma_wait3A, %dma_wait3A_48] : memref<128x128xf32, #tpu.memory_space<vmem>> -> memref<16x128xf32, #tpu.memory_space<vmem>>
          %dma_wait3A_50 = arith.constant 0 : i32
          %dma_wait3A_51 = tpu.memref_slice %arg7[%multiple_of3A, %dma_wait3A_50] : memref<10016x128xf32, #tpu.memory_space<vmem_shared>> -> memref<16x128xf32, #tpu.memory_space<vmem_shared>>
          %dma_wait3A_52 = arith.constant 0 : i32
          %dma_wait3A_53 = tpu.memref_slice %arg7[%multiple_of3A, %dma_wait3A_52] : memref<10016x128xf32, #tpu.memory_space<vmem_shared>> -> memref<16x128xf32, #tpu.memory_space<vmem_shared>>
          %dma_wait3A_54 = arith.constant 0 : i32
          %dma_wait3A_55 = arith.constant 0 : i32
          %dma_wait3A_56 = tpu.memref_slice %arg6[%dma_wait3A_54, %dma_wait3A_55] : memref<128x128xf32, #tpu.memory_space<vmem>> -> memref<16x128xf32, #tpu.memory_space<vmem>>
          tpu.wait_dma2 semaphore(%run_scoped3A : memref<!tpu.dma_semaphore, #tpu.memory_space<semaphore_mem>>) src(%dma_wait3A_56 : memref<16x128xf32, #tpu.memory_space<vmem>>) dst(%dma_wait3A_53 : memref<16x128xf32, #tpu.memory_space<vmem_shared>>)
          tpu.yield
        }) : () -> ()
      } else {
      }
      %scan3A_36 = arith.constant 0 : i32
      scf.yield %scan3A_36 : i32
    }
    %scan3A_13 = arith.constant 40 : i32
    %barrier3A = arith.constant 0 : index
    tpu.barrier barrier_id(%barrier3A)
    %scan3A_14 = arith.constant 0 : i32
    %scan3A_15 = arith.constant 0 : i32
    %scan3A_16 = arith.constant 80 : i32
    %scan3A_17 = arith.addi %scan3A_15, %scan3A_16 : i32
    %scan3A_18 = arith.constant 1 : i32
    %scan3A_19 = scf.for %scan3A_29 = %scan3A_15 to %scan3A_17 step %scan3A_18 iter_args(%scan3A_30 = %scan3A_14) -> (i32)  : i32 {
      "tpu.region"() ({
        %run_scoped3A_35 = tpu.sem_alloc : memref<!tpu.dma_semaphore, #tpu.memory_space<semaphore_mem>>
        %dma_start3A = arith.constant 0 : i32
        %dma_start3A_36 = arith.constant 0 : i32
        %dma_start3A_37 = tpu.memref_slice %arg3[%add3A, %scan3A_29, %dma_start3A, %dma_start3A_36] : memref<32x80x1x128xi32, #tpu.memory_space<hbm>> -> memref<1x1x1x128xi32, #tpu.memory_space<hbm>>
        %dma_start3A_38 = tpu.memref_squeeze %dma_start3A_37 : memref<1x1x1x128xi32, #tpu.memory_space<hbm>> -> memref<1x128xi32, #tpu.memory_space<hbm>>
        %dma_start3A_39 = arith.constant 0 : i32
        %dma_start3A_40 = arith.constant 0 : i32
        %dma_start3A_41 = tpu.memref_slice %arg3[%add3A, %scan3A_29, %dma_start3A_39, %dma_start3A_40] : memref<32x80x1x128xi32, #tpu.memory_space<hbm>> -> memref<1x1x1x128xi32, #tpu.memory_space<hbm>>
        %dma_start3A_42 = tpu.memref_squeeze %dma_start3A_41 : memref<1x1x1x128xi32, #tpu.memory_space<hbm>> -> memref<1x128xi32, #tpu.memory_space<hbm>>
        tpu.enqueue_dma source(%dma_start3A_42 : memref<1x128xi32, #tpu.memory_space<hbm>>) target(%arg5 : memref<1x128xi32, #tpu.memory_space<vmem>>) target_semaphore(%run_scoped3A_35 : memref<!tpu.dma_semaphore, #tpu.memory_space<semaphore_mem>>)
        %dma_wait3A = arith.constant 0 : i32
        %dma_wait3A_43 = arith.constant 0 : i32
        %dma_wait3A_44 = tpu.memref_slice %arg3[%add3A, %scan3A_29, %dma_wait3A, %dma_wait3A_43] : memref<32x80x1x128xi32, #tpu.memory_space<hbm>> -> memref<1x1x1x128xi32, #tpu.memory_space<hbm>>
        %dma_wait3A_45 = tpu.memref_squeeze %dma_wait3A_44 : memref<1x1x1x128xi32, #tpu.memory_space<hbm>> -> memref<1x128xi32, #tpu.memory_space<hbm>>
        %dma_wait3A_46 = arith.constant 0 : i32
        %dma_wait3A_47 = arith.constant 0 : i32
        %dma_wait3A_48 = tpu.memref_slice %arg3[%add3A, %scan3A_29, %dma_wait3A_46, %dma_wait3A_47] : memref<32x80x1x128xi32, #tpu.memory_space<hbm>> -> memref<1x1x1x128xi32, #tpu.memory_space<hbm>>
        %dma_wait3A_49 = tpu.memref_squeeze %dma_wait3A_48 : memref<1x1x1x128xi32, #tpu.memory_space<hbm>> -> memref<1x128xi32, #tpu.memory_space<hbm>>
        tpu.wait_dma2 semaphore(%run_scoped3A_35 : memref<!tpu.dma_semaphore, #tpu.memory_space<semaphore_mem>>) src(%dma_wait3A_49 : memref<1x128xi32, #tpu.memory_space<hbm>>) dst(%arg5 : memref<1x128xi32, #tpu.memory_space<vmem>>)
        tpu.yield
      }) : () -> ()
      %mul3A_31 = arith.constant 80 : i32
      %mul3A_32 = arith.muli %add3A, %mul3A_31 : i32
      %add3A_33 = arith.addi %mul3A_32, %scan3A_29 : i32
      "tpu.region"() ({
        %run_scoped3A_35 = tpu.sem_alloc : memref<!tpu.dma_semaphore, #tpu.memory_space<semaphore_mem>>
        %dma_start3A = arith.constant 0 : i32
        %dma_start3A_36 = arith.constant 0 : i32
        %dma_start3A_37 = tpu.memref_slice %arg2[%add3A_33, %dma_start3A, %dma_start3A_36] : memref<2560x128x128xf32, #tpu.memory_space<hbm>> -> memref<1x128x128xf32, #tpu.memory_space<hbm>>
        %dma_start3A_38 = tpu.memref_squeeze %dma_start3A_37 : memref<1x128x128xf32, #tpu.memory_space<hbm>> -> memref<128x128xf32, #tpu.memory_space<hbm>>
        %dma_start3A_39 = arith.constant 0 : i32
        %dma_start3A_40 = arith.constant 0 : i32
        %dma_start3A_41 = tpu.memref_slice %arg2[%add3A_33, %dma_start3A_39, %dma_start3A_40] : memref<2560x128x128xf32, #tpu.memory_space<hbm>> -> memref<1x128x128xf32, #tpu.memory_space<hbm>>
        %dma_start3A_42 = tpu.memref_squeeze %dma_start3A_41 : memref<1x128x128xf32, #tpu.memory_space<hbm>> -> memref<128x128xf32, #tpu.memory_space<hbm>>
        tpu.enqueue_dma source(%dma_start3A_42 : memref<128x128xf32, #tpu.memory_space<hbm>>) target(%arg6 : memref<128x128xf32, #tpu.memory_space<vmem>>) target_semaphore(%run_scoped3A_35 : memref<!tpu.dma_semaphore, #tpu.memory_space<semaphore_mem>>)
        %dma_wait3A = arith.constant 0 : i32
        %dma_wait3A_43 = arith.constant 0 : i32
        %dma_wait3A_44 = tpu.memref_slice %arg2[%add3A_33, %dma_wait3A, %dma_wait3A_43] : memref<2560x128x128xf32, #tpu.memory_space<hbm>> -> memref<1x128x128xf32, #tpu.memory_space<hbm>>
        %dma_wait3A_45 = tpu.memref_squeeze %dma_wait3A_44 : memref<1x128x128xf32, #tpu.memory_space<hbm>> -> memref<128x128xf32, #tpu.memory_space<hbm>>
        %dma_wait3A_46 = arith.constant 0 : i32
        %dma_wait3A_47 = arith.constant 0 : i32
        %dma_wait3A_48 = tpu.memref_slice %arg2[%add3A_33, %dma_wait3A_46, %dma_wait3A_47] : memref<2560x128x128xf32, #tpu.memory_space<hbm>> -> memref<1x128x128xf32, #tpu.memory_space<hbm>>
        %dma_wait3A_49 = tpu.memref_squeeze %dma_wait3A_48 : memref<1x128x128xf32, #tpu.memory_space<hbm>> -> memref<128x128xf32, #tpu.memory_space<hbm>>
        tpu.wait_dma2 semaphore(%run_scoped3A_35 : memref<!tpu.dma_semaphore, #tpu.memory_space<semaphore_mem>>) src(%dma_wait3A_49 : memref<128x128xf32, #tpu.memory_space<hbm>>) dst(%arg6 : memref<128x128xf32, #tpu.memory_space<vmem>>)
        tpu.yield
      }) : () -> ()
      %run_scoped3A = arith.constant 0 : i32
      "tpu.region"() ({
        %run_scoped3A_35 = tpu.sem_alloc : memref<!tpu.dma_semaphore, #tpu.memory_space<semaphore_mem>>
        %dma_start3A = arith.constant 0 : i32
        %dma_start3A_36 = tpu.memref_slice %arg5[%run_scoped3A, %dma_start3A] : memref<1x128xi32, #tpu.memory_space<vmem>> -> memref<1x128xi32, #tpu.memory_space<vmem>>
        %dma_start3A_37 = tpu.memref_squeeze %dma_start3A_36 : memref<1x128xi32, #tpu.memory_space<vmem>> -> memref<128xi32, #tpu.memory_space<vmem>>
        %dma_start3A_38 = arith.constant 0 : i32
        %dma_start3A_39 = arith.constant 0 : i32
        %dma_start3A_40 = tpu.memref_slice %arg7[%dma_start3A_38, %dma_start3A_39] : memref<10016x128xf32, #tpu.memory_space<vmem_shared>> -> memref<10016x128xf32, #tpu.memory_space<vmem_shared>>
        tpu.enqueue_indirect_dma source(%arg6 : memref<128x128xf32, #tpu.memory_space<vmem>>) target(%dma_start3A_40 : memref<10016x128xf32, #tpu.memory_space<vmem_shared>>) offsets(%dma_start3A_37 : memref<128xi32, #tpu.memory_space<vmem>>) semaphore(%run_scoped3A_35 : memref<!tpu.dma_semaphore, #tpu.memory_space<semaphore_mem>>) {add = true}
        %dma_wait3A = arith.constant 0 : i32
        %dma_wait3A_41 = tpu.memref_slice %arg5[%run_scoped3A, %dma_wait3A] : memref<1x128xi32, #tpu.memory_space<vmem>> -> memref<1x128xi32, #tpu.memory_space<vmem>>
        %dma_wait3A_42 = tpu.memref_squeeze %dma_wait3A_41 : memref<1x128xi32, #tpu.memory_space<vmem>> -> memref<128xi32, #tpu.memory_space<vmem>>
        %dma_wait3A_43 = arith.constant 0 : i32
        %dma_wait3A_44 = arith.constant 0 : i32
        %dma_wait3A_45 = tpu.memref_slice %arg7[%dma_wait3A_43, %dma_wait3A_44] : memref<10016x128xf32, #tpu.memory_space<vmem_shared>> -> memref<10016x128xf32, #tpu.memory_space<vmem_shared>>
        tpu.wait_indirect_dma semaphore(%run_scoped3A_35 : memref<!tpu.dma_semaphore, #tpu.memory_space<semaphore_mem>>) src(%arg6 : memref<128x128xf32, #tpu.memory_space<vmem>>) dst(%dma_wait3A_45 : memref<10016x128xf32, #tpu.memory_space<vmem_shared>>)
        tpu.yield
      }) : () -> ()
      %scan3A_34 = arith.constant 0 : i32
      scf.yield %scan3A_34 : i32
    }
    %scan3A_20 = arith.constant 80 : i32
    %barrier3A_21 = arith.constant 0 : index
    tpu.barrier barrier_id(%barrier3A_21)
    %scan3A_22 = arith.constant 0 : i32
    %scan3A_23 = arith.constant 0 : i32
    %scan3A_24 = arith.constant 40 : i32
    %scan3A_25 = arith.addi %scan3A_23, %scan3A_24 : i32
    %scan3A_26 = arith.constant 1 : i32
    %scan3A_27 = scf.for %scan3A_29 = %scan3A_23 to %scan3A_25 step %scan3A_26 iter_args(%scan3A_30 = %scan3A_22) -> (i32)  : i32 {
      %mul3A_31 = arith.constant 16 : i32
      %mul3A_32 = arith.muli %scan3A_29, %mul3A_31 : i32
      %add3A_33 = arith.addi %arg1, %mul3A_32 : i32
      %lt3A = arith.constant 625 : i32
      %lt3A_34 = arith.cmpi slt, %add3A_33, %lt3A : i32
      %convert_element_type3A = arith.extui %lt3A_34 : i1 to i32
      %cond3A = arith.constant 0 : i32
      %cond3A_35 = arith.cmpi ne, %convert_element_type3A, %cond3A : i32
      scf.if %cond3A_35 {
        %mul3A_37 = arith.constant 16 : i32
        %mul3A_38 = arith.muli %add3A_33, %mul3A_37 : i32
        %multiple_of3A = tpu.assume_multiple %mul3A_38, 16 : i32
        "tpu.region"() ({
          %run_scoped3A = tpu.sem_alloc : memref<!tpu.dma_semaphore, #tpu.memory_space<semaphore_mem>>
          %dma_start3A = arith.constant 0 : i32
          %dma_start3A_39 = arith.constant 0 : i32
          %dma_start3A_40 = tpu.memref_slice %arg4[%arg0, %add3A_33, %dma_start3A, %dma_start3A_39] : memref<2x625x16x128xf32, #tpu.memory_space<hbm>> -> memref<1x1x16x128xf32, #tpu.memory_space<hbm>>
          %dma_start3A_41 = tpu.memref_squeeze %dma_start3A_40 : memref<1x1x16x128xf32, #tpu.memory_space<hbm>> -> memref<16x128xf32, #tpu.memory_space<hbm>>
          %dma_start3A_42 = arith.constant 0 : i32
          %dma_start3A_43 = tpu.memref_slice %arg7[%multiple_of3A, %dma_start3A_42] : memref<10016x128xf32, #tpu.memory_space<vmem_shared>> -> memref<16x128xf32, #tpu.memory_space<vmem_shared>>
          tpu.enqueue_dma source(%dma_start3A_43 : memref<16x128xf32, #tpu.memory_space<vmem_shared>>) target(%dma_start3A_41 : memref<16x128xf32, #tpu.memory_space<hbm>>) target_semaphore(%run_scoped3A : memref<!tpu.dma_semaphore, #tpu.memory_space<semaphore_mem>>)
          %dma_wait3A = arith.constant 0 : i32
          %dma_wait3A_44 = arith.constant 0 : i32
          %dma_wait3A_45 = tpu.memref_slice %arg4[%arg0, %add3A_33, %dma_wait3A, %dma_wait3A_44] : memref<2x625x16x128xf32, #tpu.memory_space<hbm>> -> memref<1x1x16x128xf32, #tpu.memory_space<hbm>>
          %dma_wait3A_46 = tpu.memref_squeeze %dma_wait3A_45 : memref<1x1x16x128xf32, #tpu.memory_space<hbm>> -> memref<16x128xf32, #tpu.memory_space<hbm>>
          %dma_wait3A_47 = arith.constant 0 : i32
          %dma_wait3A_48 = tpu.memref_slice %arg7[%multiple_of3A, %dma_wait3A_47] : memref<10016x128xf32, #tpu.memory_space<vmem_shared>> -> memref<16x128xf32, #tpu.memory_space<vmem_shared>>
          tpu.wait_dma2 semaphore(%run_scoped3A : memref<!tpu.dma_semaphore, #tpu.memory_space<semaphore_mem>>) src(%dma_wait3A_48 : memref<16x128xf32, #tpu.memory_space<vmem_shared>>) dst(%dma_wait3A_46 : memref<16x128xf32, #tpu.memory_space<hbm>>)
          tpu.yield
        }) : () -> ()
      } else {
      }
      %scan3A_36 = arith.constant 0 : i32
      scf.yield %scan3A_36 : i32
    }
    %scan3A_28 = arith.constant 40 : i32
    return
  }
}

#map = affine_map<(d0, d1) -> (0, 0)>
#map1 = affine_map<(d0, d1) -> (0, 0, 0)>
#map2 = affine_map<(d0, d1) -> (0, 0, 0, 0)>
module attributes {stable_mosaic.version = 14 : i64} {
  func.func @_msg_sc_body(%arg0: i32, %arg1: i32, %arg2: memref<10000x128xf32, #tpu.memory_space<hbm>>, %arg3: memref<2560x128x128xf32, #tpu.memory_space<hbm>>, %arg4: memref<32x80x1x128xi32, #tpu.memory_space<hbm>>, %arg5: memref<32x80x1x128xi32, #tpu.memory_space<hbm>>, %arg6: memref<2x625x16x128xf32, #tpu.memory_space<hbm>>, %arg7: memref<1x128xi32, #tpu.memory_space<vmem>>, %arg8: memref<1x128xi32, #tpu.memory_space<vmem>>, %arg9: memref<128x128xf32, #tpu.memory_space<vmem>>, %arg10: memref<128x128xf32, #tpu.memory_space<vmem>>, %arg11: memref<10016x128xf32, #tpu.memory_space<vmem_shared>>, %arg12: memref<!tpu.dma_semaphore, #tpu.memory_space<semaphore_mem>>, %arg13: memref<!tpu.dma_semaphore, #tpu.memory_space<semaphore_mem>>) attributes {dimension_semantics = [#tpu.dimension_semantics<core_parallel>, #tpu.dimension_semantics<subcore_parallel>], iteration_bounds = array<i64: 2, 16>, scalar_prefetch = 0 : i64, scratch_operands = 7 : i64, tpu.core_type = #tpu.core_type<sc_vector_subcore>, window_params = [{transform_indices = #map}, {transform_indices = #map1}, {transform_indices = #map2}, {transform_indices = #map2}, {transform_indices = #map2}]} {
    %mul3A = arith.constant 16 : i32
    %mul3A_0 = arith.muli %arg0, %mul3A : i32
    %add3A = arith.addi %mul3A_0, %arg1 : i32
    %scan3A = arith.constant 0 : i32
    %scan3A_1 = arith.constant 0 : i32
    %scan3A_2 = arith.constant 128 : i32
    %scan3A_3 = arith.addi %scan3A_1, %scan3A_2 : i32
    %scan3A_4 = arith.constant 1 : i32
    %scan3A_5 = scf.for %scan3A_29 = %scan3A_1 to %scan3A_3 step %scan3A_4 iter_args(%scan3A_30 = %scan3A) -> (i32)  : i32 {
      %broadcast_in_dim3A = arith.constant 0.000000e+00 : f32
      %broadcast_in_dim3A_31 = vector.broadcast %broadcast_in_dim3A : f32 to vector<16xf32>
      %jit3A = arith.constant 8 : i32
      %div3A = arith.divsi %scan3A_29, %jit3A : i32
      %sign3A = arith.constant 0 : i32
      %sign3A_32 = arith.cmpi sgt, %scan3A_29, %sign3A : i32
      %sign3A_33 = arith.extui %sign3A_32 : i1 to i32
      %sign3A_34 = arith.constant 0 : i32
      %sign3A_35 = arith.cmpi slt, %scan3A_29, %sign3A_34 : i32
      %sign3A_36 = arith.extui %sign3A_35 : i1 to i32
      %sign3A_37 = arith.subi %sign3A_33, %sign3A_36 : i32
      %sign3A_38 = arith.constant 0 : i32
      %sign3A_39 = arith.cmpi sgt, %jit3A, %sign3A_38 : i32
      %sign3A_40 = arith.extui %sign3A_39 : i1 to i32
      %sign3A_41 = arith.constant 0 : i32
      %sign3A_42 = arith.cmpi slt, %jit3A, %sign3A_41 : i32
      %sign3A_43 = arith.extui %sign3A_42 : i1 to i32
      %sign3A_44 = arith.subi %sign3A_40, %sign3A_43 : i32
      %ne3A = arith.cmpi ne, %sign3A_37, %sign3A_44 : i32
      %rem3A = arith.remsi %scan3A_29, %jit3A : i32
      %ne3A_45 = arith.constant 0 : i32
      %ne3A_46 = arith.cmpi ne, %rem3A, %ne3A_45 : i32
      %and3A = arith.andi %ne3A, %ne3A_46 : i1
      %sub3A = arith.constant 1 : i32
      %sub3A_47 = arith.subi %div3A, %sub3A : i32
      %select_n3A = arith.select %and3A, %sub3A_47, %div3A : i32
      %jit3A_48 = arith.constant 8 : i32
      %eq3A = arith.constant 0 : i32
      %eq3A_49 = arith.cmpi eq, %jit3A_48, %eq3A : i32
      %jit3A_50 = arith.constant 1 : i32
      %select_n3A_51 = arith.select %eq3A_49, %jit3A_50, %jit3A_48 : i32
      %rem3A_52 = arith.remsi %scan3A_29, %select_n3A_51 : i32
      %ne3A_53 = arith.constant 0 : i32
      %ne3A_54 = arith.cmpi ne, %rem3A_52, %ne3A_53 : i32
      %lt3A = arith.constant 0 : i32
      %lt3A_55 = arith.cmpi slt, %rem3A_52, %lt3A : i32
      %lt3A_56 = arith.constant 0 : i32
      %lt3A_57 = arith.cmpi slt, %select_n3A_51, %lt3A_56 : i32
      %ne3A_58 = arith.xori %lt3A_55, %lt3A_57 : i1
      %and3A_59 = arith.andi %ne3A_58, %ne3A_54 : i1
      %add3A_60 = arith.addi %rem3A_52, %select_n3A_51 : i32
      %select_n3A_61 = arith.select %and3A_59, %add3A_60, %rem3A_52 : i32
      %mul3A_62 = arith.constant 16 : i32
      %mul3A_63 = arith.muli %select_n3A_61, %mul3A_62 : i32
      %swap3A = arith.index_cast %select_n3A : i32 to index
      %swap3A_64 = arith.index_cast %mul3A_63 : i32 to index
      %swap3A_65 = tpu.vector_load %arg10[%swap3A, %swap3A_64] {strides = array<i32>} : memref<128x128xf32, #tpu.memory_space<vmem>>, vector<1x16xf32>,
      %swap3A_66 = vector.shape_cast %swap3A_65 : vector<1x16xf32> to vector<16xf32>
      %swap3A_67 = vector.shape_cast %broadcast_in_dim3A_31 : vector<16xf32> to vector<1x16xf32>
      tpu.vector_store %arg10[%swap3A, %swap3A_64], %swap3A_67 {strides = array<i32>} : memref<128x128xf32, #tpu.memory_space<vmem>>, vector<1x16xf32>,
      %scan3A_68 = arith.constant 0 : i32
      scf.yield %scan3A_68 : i32
    }
    %scan3A_6 = arith.constant 128 : i32
    %scan3A_7 = arith.constant 0 : i32
    %scan3A_8 = arith.constant 0 : i32
    %scan3A_9 = arith.constant 40 : i32
    %scan3A_10 = arith.addi %scan3A_8, %scan3A_9 : i32
    %scan3A_11 = arith.constant 1 : i32
    %scan3A_12 = scf.for %scan3A_29 = %scan3A_8 to %scan3A_10 step %scan3A_11 iter_args(%scan3A_30 = %scan3A_7) -> (i32)  : i32 {
      %mul3A_31 = arith.constant 16 : i32
      %mul3A_32 = arith.muli %scan3A_29, %mul3A_31 : i32
      %add3A_33 = arith.addi %arg1, %mul3A_32 : i32
      %lt3A = arith.constant 626 : i32
      %lt3A_34 = arith.cmpi slt, %add3A_33, %lt3A : i32
      %convert_element_type3A = arith.extui %lt3A_34 : i1 to i32
      %cond3A = arith.constant 0 : i32
      %cond3A_35 = arith.cmpi ne, %convert_element_type3A, %cond3A : i32
      scf.if %cond3A_35 {
        %mul3A_37 = arith.constant 16 : i32
        %mul3A_38 = arith.muli %add3A_33, %mul3A_37 : i32
        %multiple_of3A = tpu.assume_multiple %mul3A_38, 16 : i32
        "tpu.region"() ({
          %run_scoped3A = tpu.sem_alloc : memref<!tpu.dma_semaphore, #tpu.memory_space<semaphore_mem>>
          %dma_start3A = arith.constant 0 : i32
          %dma_start3A_39 = arith.constant 0 : i32
          %dma_start3A_40 = tpu.memref_slice %arg10[%dma_start3A, %dma_start3A_39] : memref<128x128xf32, #tpu.memory_space<vmem>> -> memref<16x128xf32, #tpu.memory_space<vmem>>
          %dma_start3A_41 = arith.constant 0 : i32
          %dma_start3A_42 = tpu.memref_slice %arg11[%multiple_of3A, %dma_start3A_41] : memref<10016x128xf32, #tpu.memory_space<vmem_shared>> -> memref<16x128xf32, #tpu.memory_space<vmem_shared>>
          %dma_start3A_43 = arith.constant 0 : i32
          %dma_start3A_44 = tpu.memref_slice %arg11[%multiple_of3A, %dma_start3A_43] : memref<10016x128xf32, #tpu.memory_space<vmem_shared>> -> memref<16x128xf32, #tpu.memory_space<vmem_shared>>
          %dma_start3A_45 = arith.constant 0 : i32
          %dma_start3A_46 = arith.constant 0 : i32
          %dma_start3A_47 = tpu.memref_slice %arg10[%dma_start3A_45, %dma_start3A_46] : memref<128x128xf32, #tpu.memory_space<vmem>> -> memref<16x128xf32, #tpu.memory_space<vmem>>
          tpu.enqueue_dma source(%dma_start3A_47 : memref<16x128xf32, #tpu.memory_space<vmem>>) target(%dma_start3A_44 : memref<16x128xf32, #tpu.memory_space<vmem_shared>>) target_semaphore(%run_scoped3A : memref<!tpu.dma_semaphore, #tpu.memory_space<semaphore_mem>>)
          %dma_wait3A = arith.constant 0 : i32
          %dma_wait3A_48 = arith.constant 0 : i32
          %dma_wait3A_49 = tpu.memref_slice %arg10[%dma_wait3A, %dma_wait3A_48] : memref<128x128xf32, #tpu.memory_space<vmem>> -> memref<16x128xf32, #tpu.memory_space<vmem>>
          %dma_wait3A_50 = arith.constant 0 : i32
          %dma_wait3A_51 = tpu.memref_slice %arg11[%multiple_of3A, %dma_wait3A_50] : memref<10016x128xf32, #tpu.memory_space<vmem_shared>> -> memref<16x128xf32, #tpu.memory_space<vmem_shared>>
          %dma_wait3A_52 = arith.constant 0 : i32
          %dma_wait3A_53 = tpu.memref_slice %arg11[%multiple_of3A, %dma_wait3A_52] : memref<10016x128xf32, #tpu.memory_space<vmem_shared>> -> memref<16x128xf32, #tpu.memory_space<vmem_shared>>
          %dma_wait3A_54 = arith.constant 0 : i32
          %dma_wait3A_55 = arith.constant 0 : i32
          %dma_wait3A_56 = tpu.memref_slice %arg10[%dma_wait3A_54, %dma_wait3A_55] : memref<128x128xf32, #tpu.memory_space<vmem>> -> memref<16x128xf32, #tpu.memory_space<vmem>>
          tpu.wait_dma2 semaphore(%run_scoped3A : memref<!tpu.dma_semaphore, #tpu.memory_space<semaphore_mem>>) src(%dma_wait3A_56 : memref<16x128xf32, #tpu.memory_space<vmem>>) dst(%dma_wait3A_53 : memref<16x128xf32, #tpu.memory_space<vmem_shared>>)
          tpu.yield
        }) : () -> ()
      } else {
      }
      %scan3A_36 = arith.constant 0 : i32
      scf.yield %scan3A_36 : i32
    }
    %scan3A_13 = arith.constant 40 : i32
    %barrier3A = arith.constant 0 : index
    tpu.barrier barrier_id(%barrier3A)
    %scan3A_14 = arith.constant 0 : i32
    %scan3A_15 = arith.constant 0 : i32
    %scan3A_16 = arith.constant 80 : i32
    %scan3A_17 = arith.addi %scan3A_15, %scan3A_16 : i32
    %scan3A_18 = arith.constant 1 : i32
    %scan3A_19 = scf.for %scan3A_29 = %scan3A_15 to %scan3A_17 step %scan3A_18 iter_args(%scan3A_30 = %scan3A_14) -> (i32)  : i32 {
      %mul3A_31 = arith.constant 80 : i32
      %mul3A_32 = arith.muli %add3A, %mul3A_31 : i32
      %add3A_33 = arith.addi %mul3A_32, %scan3A_29 : i32
      %dma_start3A = arith.constant 0 : i32
      %dma_start3A_34 = arith.constant 0 : i32
      %dma_start3A_35 = tpu.memref_slice %arg3[%add3A_33, %dma_start3A, %dma_start3A_34] : memref<2560x128x128xf32, #tpu.memory_space<hbm>> -> memref<1x128x128xf32, #tpu.memory_space<hbm>>
      %dma_start3A_36 = tpu.memref_squeeze %dma_start3A_35 : memref<1x128x128xf32, #tpu.memory_space<hbm>> -> memref<128x128xf32, #tpu.memory_space<hbm>>
      %dma_start3A_37 = arith.constant 0 : i32
      %dma_start3A_38 = arith.constant 0 : i32
      %dma_start3A_39 = tpu.memref_slice %arg3[%add3A_33, %dma_start3A_37, %dma_start3A_38] : memref<2560x128x128xf32, #tpu.memory_space<hbm>> -> memref<1x128x128xf32, #tpu.memory_space<hbm>>
      %dma_start3A_40 = tpu.memref_squeeze %dma_start3A_39 : memref<1x128x128xf32, #tpu.memory_space<hbm>> -> memref<128x128xf32, #tpu.memory_space<hbm>>
      tpu.enqueue_dma source(%dma_start3A_40 : memref<128x128xf32, #tpu.memory_space<hbm>>) target(%arg10 : memref<128x128xf32, #tpu.memory_space<vmem>>) target_semaphore(%arg13 : memref<!tpu.dma_semaphore, #tpu.memory_space<semaphore_mem>>)
      "tpu.region"() ({
        %run_scoped3A_70 = tpu.sem_alloc : memref<!tpu.dma_semaphore, #tpu.memory_space<semaphore_mem>>
        %dma_start3A_71 = arith.constant 0 : i32
        %dma_start3A_72 = arith.constant 0 : i32
        %dma_start3A_73 = tpu.memref_slice %arg4[%add3A, %scan3A_29, %dma_start3A_71, %dma_start3A_72] : memref<32x80x1x128xi32, #tpu.memory_space<hbm>> -> memref<1x1x1x128xi32, #tpu.memory_space<hbm>>
        %dma_start3A_74 = tpu.memref_squeeze %dma_start3A_73 : memref<1x1x1x128xi32, #tpu.memory_space<hbm>> -> memref<1x128xi32, #tpu.memory_space<hbm>>
        %dma_start3A_75 = arith.constant 0 : i32
        %dma_start3A_76 = arith.constant 0 : i32
        %dma_start3A_77 = tpu.memref_slice %arg4[%add3A, %scan3A_29, %dma_start3A_75, %dma_start3A_76] : memref<32x80x1x128xi32, #tpu.memory_space<hbm>> -> memref<1x1x1x128xi32, #tpu.memory_space<hbm>>
        %dma_start3A_78 = tpu.memref_squeeze %dma_start3A_77 : memref<1x1x1x128xi32, #tpu.memory_space<hbm>> -> memref<1x128xi32, #tpu.memory_space<hbm>>
        tpu.enqueue_dma source(%dma_start3A_78 : memref<1x128xi32, #tpu.memory_space<hbm>>) target(%arg7 : memref<1x128xi32, #tpu.memory_space<vmem>>) target_semaphore(%run_scoped3A_70 : memref<!tpu.dma_semaphore, #tpu.memory_space<semaphore_mem>>)
        %dma_wait3A_79 = arith.constant 0 : i32
        %dma_wait3A_80 = arith.constant 0 : i32
        %dma_wait3A_81 = tpu.memref_slice %arg4[%add3A, %scan3A_29, %dma_wait3A_79, %dma_wait3A_80] : memref<32x80x1x128xi32, #tpu.memory_space<hbm>> -> memref<1x1x1x128xi32, #tpu.memory_space<hbm>>
        %dma_wait3A_82 = tpu.memref_squeeze %dma_wait3A_81 : memref<1x1x1x128xi32, #tpu.memory_space<hbm>> -> memref<1x128xi32, #tpu.memory_space<hbm>>
        %dma_wait3A_83 = arith.constant 0 : i32
        %dma_wait3A_84 = arith.constant 0 : i32
        %dma_wait3A_85 = tpu.memref_slice %arg4[%add3A, %scan3A_29, %dma_wait3A_83, %dma_wait3A_84] : memref<32x80x1x128xi32, #tpu.memory_space<hbm>> -> memref<1x1x1x128xi32, #tpu.memory_space<hbm>>
        %dma_wait3A_86 = tpu.memref_squeeze %dma_wait3A_85 : memref<1x1x1x128xi32, #tpu.memory_space<hbm>> -> memref<1x128xi32, #tpu.memory_space<hbm>>
        tpu.wait_dma2 semaphore(%run_scoped3A_70 : memref<!tpu.dma_semaphore, #tpu.memory_space<semaphore_mem>>) src(%dma_wait3A_86 : memref<1x128xi32, #tpu.memory_space<hbm>>) dst(%arg7 : memref<1x128xi32, #tpu.memory_space<vmem>>)
        tpu.yield
      }) : () -> ()
      "tpu.region"() ({
        %run_scoped3A_70 = tpu.sem_alloc : memref<!tpu.dma_semaphore, #tpu.memory_space<semaphore_mem>>
        %dma_start3A_71 = arith.constant 0 : i32
        %dma_start3A_72 = arith.constant 0 : i32
        %dma_start3A_73 = tpu.memref_slice %arg5[%add3A, %scan3A_29, %dma_start3A_71, %dma_start3A_72] : memref<32x80x1x128xi32, #tpu.memory_space<hbm>> -> memref<1x1x1x128xi32, #tpu.memory_space<hbm>>
        %dma_start3A_74 = tpu.memref_squeeze %dma_start3A_73 : memref<1x1x1x128xi32, #tpu.memory_space<hbm>> -> memref<1x128xi32, #tpu.memory_space<hbm>>
        %dma_start3A_75 = arith.constant 0 : i32
        %dma_start3A_76 = arith.constant 0 : i32
        %dma_start3A_77 = tpu.memref_slice %arg5[%add3A, %scan3A_29, %dma_start3A_75, %dma_start3A_76] : memref<32x80x1x128xi32, #tpu.memory_space<hbm>> -> memref<1x1x1x128xi32, #tpu.memory_space<hbm>>
        %dma_start3A_78 = tpu.memref_squeeze %dma_start3A_77 : memref<1x1x1x128xi32, #tpu.memory_space<hbm>> -> memref<1x128xi32, #tpu.memory_space<hbm>>
        tpu.enqueue_dma source(%dma_start3A_78 : memref<1x128xi32, #tpu.memory_space<hbm>>) target(%arg8 : memref<1x128xi32, #tpu.memory_space<vmem>>) target_semaphore(%run_scoped3A_70 : memref<!tpu.dma_semaphore, #tpu.memory_space<semaphore_mem>>)
        %dma_wait3A_79 = arith.constant 0 : i32
        %dma_wait3A_80 = arith.constant 0 : i32
        %dma_wait3A_81 = tpu.memref_slice %arg5[%add3A, %scan3A_29, %dma_wait3A_79, %dma_wait3A_80] : memref<32x80x1x128xi32, #tpu.memory_space<hbm>> -> memref<1x1x1x128xi32, #tpu.memory_space<hbm>>
        %dma_wait3A_82 = tpu.memref_squeeze %dma_wait3A_81 : memref<1x1x1x128xi32, #tpu.memory_space<hbm>> -> memref<1x128xi32, #tpu.memory_space<hbm>>
        %dma_wait3A_83 = arith.constant 0 : i32
        %dma_wait3A_84 = arith.constant 0 : i32
        %dma_wait3A_85 = tpu.memref_slice %arg5[%add3A, %scan3A_29, %dma_wait3A_83, %dma_wait3A_84] : memref<32x80x1x128xi32, #tpu.memory_space<hbm>> -> memref<1x1x1x128xi32, #tpu.memory_space<hbm>>
        %dma_wait3A_86 = tpu.memref_squeeze %dma_wait3A_85 : memref<1x1x1x128xi32, #tpu.memory_space<hbm>> -> memref<1x128xi32, #tpu.memory_space<hbm>>
        tpu.wait_dma2 semaphore(%run_scoped3A_70 : memref<!tpu.dma_semaphore, #tpu.memory_space<semaphore_mem>>) src(%dma_wait3A_86 : memref<1x128xi32, #tpu.memory_space<hbm>>) dst(%arg8 : memref<1x128xi32, #tpu.memory_space<vmem>>)
        tpu.yield
      }) : () -> ()
      %dma_start3A_41 = arith.constant 0 : i32
      %dma_start3A_42 = arith.constant 0 : i32
      %dma_start3A_43 = tpu.memref_slice %arg7[%dma_start3A_41, %dma_start3A_42] : memref<1x128xi32, #tpu.memory_space<vmem>> -> memref<1x128xi32, #tpu.memory_space<vmem>>
      %dma_start3A_44 = tpu.memref_squeeze %dma_start3A_43 : memref<1x128xi32, #tpu.memory_space<vmem>> -> memref<128xi32, #tpu.memory_space<vmem>>
      %dma_start3A_45 = arith.constant 0 : i32
      %dma_start3A_46 = arith.constant 0 : i32
      %dma_start3A_47 = tpu.memref_slice %arg2[%dma_start3A_45, %dma_start3A_46] : memref<10000x128xf32, #tpu.memory_space<hbm>> -> memref<10000x128xf32, #tpu.memory_space<hbm>>
      tpu.enqueue_indirect_dma source(%dma_start3A_47 : memref<10000x128xf32, #tpu.memory_space<hbm>>) target(%arg9 : memref<128x128xf32, #tpu.memory_space<vmem>>) offsets(%dma_start3A_44 : memref<128xi32, #tpu.memory_space<vmem>>) semaphore(%arg12 : memref<!tpu.dma_semaphore, #tpu.memory_space<semaphore_mem>>)
      %dma_wait3A = arith.constant 0 : i32
      %dma_wait3A_48 = arith.constant 0 : i32
      %dma_wait3A_49 = tpu.memref_slice %arg7[%dma_wait3A, %dma_wait3A_48] : memref<1x128xi32, #tpu.memory_space<vmem>> -> memref<1x128xi32, #tpu.memory_space<vmem>>
      %dma_wait3A_50 = tpu.memref_squeeze %dma_wait3A_49 : memref<1x128xi32, #tpu.memory_space<vmem>> -> memref<128xi32, #tpu.memory_space<vmem>>
      %dma_wait3A_51 = arith.constant 0 : i32
      %dma_wait3A_52 = arith.constant 0 : i32
      %dma_wait3A_53 = tpu.memref_slice %arg2[%dma_wait3A_51, %dma_wait3A_52] : memref<10000x128xf32, #tpu.memory_space<hbm>> -> memref<10000x128xf32, #tpu.memory_space<hbm>>
      tpu.wait_indirect_dma semaphore(%arg12 : memref<!tpu.dma_semaphore, #tpu.memory_space<semaphore_mem>>) src(%dma_wait3A_53 : memref<10000x128xf32, #tpu.memory_space<hbm>>) dst(%arg9 : memref<128x128xf32, #tpu.memory_space<vmem>>)
      %dma_wait3A_54 = arith.constant 0 : i32
      %dma_wait3A_55 = arith.constant 0 : i32
      %dma_wait3A_56 = tpu.memref_slice %arg3[%add3A_33, %dma_wait3A_54, %dma_wait3A_55] : memref<2560x128x128xf32, #tpu.memory_space<hbm>> -> memref<1x128x128xf32, #tpu.memory_space<hbm>>
      %dma_wait3A_57 = tpu.memref_squeeze %dma_wait3A_56 : memref<1x128x128xf32, #tpu.memory_space<hbm>> -> memref<128x128xf32, #tpu.memory_space<hbm>>
      %dma_wait3A_58 = arith.constant 0 : i32
      %dma_wait3A_59 = arith.constant 0 : i32
      %dma_wait3A_60 = tpu.memref_slice %arg3[%add3A_33, %dma_wait3A_58, %dma_wait3A_59] : memref<2560x128x128xf32, #tpu.memory_space<hbm>> -> memref<1x128x128xf32, #tpu.memory_space<hbm>>
      %dma_wait3A_61 = tpu.memref_squeeze %dma_wait3A_60 : memref<1x128x128xf32, #tpu.memory_space<hbm>> -> memref<128x128xf32, #tpu.memory_space<hbm>>
      tpu.wait_dma2 semaphore(%arg13 : memref<!tpu.dma_semaphore, #tpu.memory_space<semaphore_mem>>) src(%dma_wait3A_61 : memref<128x128xf32, #tpu.memory_space<hbm>>) dst(%arg10 : memref<128x128xf32, #tpu.memory_space<vmem>>)
      %scan3A_62 = arith.constant 0 : i32
      %scan3A_63 = arith.constant 0 : i32
      %scan3A_64 = arith.constant 32 : i32
      %scan3A_65 = arith.addi %scan3A_63, %scan3A_64 : i32
      %scan3A_66 = arith.constant 1 : i32
      %scan3A_67 = scf.for %scan3A_70 = %scan3A_63 to %scan3A_65 step %scan3A_66 iter_args(%scan3A_71 = %scan3A_62) -> (i32)  : i32 {
        %mul3A_72 = arith.constant 4 : i32
        %mul3A_73 = arith.muli %scan3A_70, %mul3A_72 : i32
        %add3A_74 = arith.constant 0 : i32
        %add3A_75 = arith.addi %mul3A_73, %add3A_74 : i32
        %get3A = arith.index_cast %add3A_75 : i32 to index
        %get3A_76 = arith.constant 0 : index
        %get3A_77 = tpu.vector_load %arg9[%get3A, %get3A_76] {strides = array<i32>} : memref<128x128xf32, #tpu.memory_space<vmem>>, vector<1x16xf32>,
        %get3A_78 = vector.shape_cast %get3A_77 : vector<1x16xf32> to vector<16xf32>
        %get3A_79 = arith.index_cast %add3A_75 : i32 to index
        %get3A_80 = arith.constant 0 : index
        %get3A_81 = tpu.vector_load %arg10[%get3A_79, %get3A_80] {strides = array<i32>} : memref<128x128xf32, #tpu.memory_space<vmem>>, vector<1x16xf32>,
        %get3A_82 = vector.shape_cast %get3A_81 : vector<1x16xf32> to vector<16xf32>
        %mul3A_83 = arith.mulf %get3A_78, %get3A_82 : vector<16xf32>
        %swap3A = arith.index_cast %add3A_75 : i32 to index
        %swap3A_84 = arith.constant 0 : index
        %swap3A_85 = tpu.vector_load %arg9[%swap3A, %swap3A_84] {strides = array<i32>} : memref<128x128xf32, #tpu.memory_space<vmem>>, vector<1x16xf32>,
        %swap3A_86 = vector.shape_cast %swap3A_85 : vector<1x16xf32> to vector<16xf32>
        %swap3A_87 = vector.shape_cast %mul3A_83 : vector<16xf32> to vector<1x16xf32>
        tpu.vector_store %arg9[%swap3A, %swap3A_84], %swap3A_87 {strides = array<i32>} : memref<128x128xf32, #tpu.memory_space<vmem>>, vector<1x16xf32>,
        %get3A_88 = arith.index_cast %add3A_75 : i32 to index
        %get3A_89 = arith.constant 16 : index
        %get3A_90 = tpu.vector_load %arg9[%get3A_88, %get3A_89] {strides = array<i32>} : memref<128x128xf32, #tpu.memory_space<vmem>>, vector<1x16xf32>,
        %get3A_91 = vector.shape_cast %get3A_90 : vector<1x16xf32> to vector<16xf32>
        %get3A_92 = arith.index_cast %add3A_75 : i32 to index
        %get3A_93 = arith.constant 16 : index
        %get3A_94 = tpu.vector_load %arg10[%get3A_92, %get3A_93] {strides = array<i32>} : memref<128x128xf32, #tpu.memory_space<vmem>>, vector<1x16xf32>,
        %get3A_95 = vector.shape_cast %get3A_94 : vector<1x16xf32> to vector<16xf32>
        %mul3A_96 = arith.mulf %get3A_91, %get3A_95 : vector<16xf32>
        %swap3A_97 = arith.index_cast %add3A_75 : i32 to index
        %swap3A_98 = arith.constant 16 : index
        %swap3A_99 = tpu.vector_load %arg9[%swap3A_97, %swap3A_98] {strides = array<i32>} : memref<128x128xf32, #tpu.memory_space<vmem>>, vector<1x16xf32>,
        %swap3A_100 = vector.shape_cast %swap3A_99 : vector<1x16xf32> to vector<16xf32>
        %swap3A_101 = vector.shape_cast %mul3A_96 : vector<16xf32> to vector<1x16xf32>
        tpu.vector_store %arg9[%swap3A_97, %swap3A_98], %swap3A_101 {strides = array<i32>} : memref<128x128xf32, #tpu.memory_space<vmem>>, vector<1x16xf32>,
        %get3A_102 = arith.index_cast %add3A_75 : i32 to index
        %get3A_103 = arith.constant 32 : index
        %get3A_104 = tpu.vector_load %arg9[%get3A_102, %get3A_103] {strides = array<i32>} : memref<128x128xf32, #tpu.memory_space<vmem>>, vector<1x16xf32>,
        %get3A_105 = vector.shape_cast %get3A_104 : vector<1x16xf32> to vector<16xf32>
        %get3A_106 = arith.index_cast %add3A_75 : i32 to index
        %get3A_107 = arith.constant 32 : index
        %get3A_108 = tpu.vector_load %arg10[%get3A_106, %get3A_107] {strides = array<i32>} : memref<128x128xf32, #tpu.memory_space<vmem>>, vector<1x16xf32>,
        %get3A_109 = vector.shape_cast %get3A_108 : vector<1x16xf32> to vector<16xf32>
        %mul3A_110 = arith.mulf %get3A_105, %get3A_109 : vector<16xf32>
        %swap3A_111 = arith.index_cast %add3A_75 : i32 to index
        %swap3A_112 = arith.constant 32 : index
        %swap3A_113 = tpu.vector_load %arg9[%swap3A_111, %swap3A_112] {strides = array<i32>} : memref<128x128xf32, #tpu.memory_space<vmem>>, vector<1x16xf32>,
        %swap3A_114 = vector.shape_cast %swap3A_113 : vector<1x16xf32> to vector<16xf32>
        %swap3A_115 = vector.shape_cast %mul3A_110 : vector<16xf32> to vector<1x16xf32>
        tpu.vector_store %arg9[%swap3A_111, %swap3A_112], %swap3A_115 {strides = array<i32>} : memref<128x128xf32, #tpu.memory_space<vmem>>, vector<1x16xf32>,
        %get3A_116 = arith.index_cast %add3A_75 : i32 to index
        %get3A_117 = arith.constant 48 : index
        %get3A_118 = tpu.vector_load %arg9[%get3A_116, %get3A_117] {strides = array<i32>} : memref<128x128xf32, #tpu.memory_space<vmem>>, vector<1x16xf32>,
        %get3A_119 = vector.shape_cast %get3A_118 : vector<1x16xf32> to vector<16xf32>
        %get3A_120 = arith.index_cast %add3A_75 : i32 to index
        %get3A_121 = arith.constant 48 : index
        %get3A_122 = tpu.vector_load %arg10[%get3A_120, %get3A_121] {strides = array<i32>} : memref<128x128xf32, #tpu.memory_space<vmem>>, vector<1x16xf32>,
        %get3A_123 = vector.shape_cast %get3A_122 : vector<1x16xf32> to vector<16xf32>
        %mul3A_124 = arith.mulf %get3A_119, %get3A_123 : vector<16xf32>
        %swap3A_125 = arith.index_cast %add3A_75 : i32 to index
        %swap3A_126 = arith.constant 48 : index
        %swap3A_127 = tpu.vector_load %arg9[%swap3A_125, %swap3A_126] {strides = array<i32>} : memref<128x128xf32, #tpu.memory_space<vmem>>, vector<1x16xf32>,
        %swap3A_128 = vector.shape_cast %swap3A_127 : vector<1x16xf32> to vector<16xf32>
        %swap3A_129 = vector.shape_cast %mul3A_124 : vector<16xf32> to vector<1x16xf32>
        tpu.vector_store %arg9[%swap3A_125, %swap3A_126], %swap3A_129 {strides = array<i32>} : memref<128x128xf32, #tpu.memory_space<vmem>>, vector<1x16xf32>,
        %get3A_130 = arith.index_cast %add3A_75 : i32 to index
        %get3A_131 = arith.constant 64 : index
        %get3A_132 = tpu.vector_load %arg9[%get3A_130, %get3A_131] {strides = array<i32>} : memref<128x128xf32, #tpu.memory_space<vmem>>, vector<1x16xf32>,
        %get3A_133 = vector.shape_cast %get3A_132 : vector<1x16xf32> to vector<16xf32>
        %get3A_134 = arith.index_cast %add3A_75 : i32 to index
        %get3A_135 = arith.constant 64 : index
        %get3A_136 = tpu.vector_load %arg10[%get3A_134, %get3A_135] {strides = array<i32>} : memref<128x128xf32, #tpu.memory_space<vmem>>, vector<1x16xf32>,
        %get3A_137 = vector.shape_cast %get3A_136 : vector<1x16xf32> to vector<16xf32>
        %mul3A_138 = arith.mulf %get3A_133, %get3A_137 : vector<16xf32>
        %swap3A_139 = arith.index_cast %add3A_75 : i32 to index
        %swap3A_140 = arith.constant 64 : index
        %swap3A_141 = tpu.vector_load %arg9[%swap3A_139, %swap3A_140] {strides = array<i32>} : memref<128x128xf32, #tpu.memory_space<vmem>>, vector<1x16xf32>,
        %swap3A_142 = vector.shape_cast %swap3A_141 : vector<1x16xf32> to vector<16xf32>
        %swap3A_143 = vector.shape_cast %mul3A_138 : vector<16xf32> to vector<1x16xf32>
        tpu.vector_store %arg9[%swap3A_139, %swap3A_140], %swap3A_143 {strides = array<i32>} : memref<128x128xf32, #tpu.memory_space<vmem>>, vector<1x16xf32>,
        %get3A_144 = arith.index_cast %add3A_75 : i32 to index
        %get3A_145 = arith.constant 80 : index
        %get3A_146 = tpu.vector_load %arg9[%get3A_144, %get3A_145] {strides = array<i32>} : memref<128x128xf32, #tpu.memory_space<vmem>>, vector<1x16xf32>,
        %get3A_147 = vector.shape_cast %get3A_146 : vector<1x16xf32> to vector<16xf32>
        %get3A_148 = arith.index_cast %add3A_75 : i32 to index
        %get3A_149 = arith.constant 80 : index
        %get3A_150 = tpu.vector_load %arg10[%get3A_148, %get3A_149] {strides = array<i32>} : memref<128x128xf32, #tpu.memory_space<vmem>>, vector<1x16xf32>,
        %get3A_151 = vector.shape_cast %get3A_150 : vector<1x16xf32> to vector<16xf32>
        %mul3A_152 = arith.mulf %get3A_147, %get3A_151 : vector<16xf32>
        %swap3A_153 = arith.index_cast %add3A_75 : i32 to index
        %swap3A_154 = arith.constant 80 : index
        %swap3A_155 = tpu.vector_load %arg9[%swap3A_153, %swap3A_154] {strides = array<i32>} : memref<128x128xf32, #tpu.memory_space<vmem>>, vector<1x16xf32>,
        %swap3A_156 = vector.shape_cast %swap3A_155 : vector<1x16xf32> to vector<16xf32>
        %swap3A_157 = vector.shape_cast %mul3A_152 : vector<16xf32> to vector<1x16xf32>
        tpu.vector_store %arg9[%swap3A_153, %swap3A_154], %swap3A_157 {strides = array<i32>} : memref<128x128xf32, #tpu.memory_space<vmem>>, vector<1x16xf32>,
        %get3A_158 = arith.index_cast %add3A_75 : i32 to index
        %get3A_159 = arith.constant 96 : index
        %get3A_160 = tpu.vector_load %arg9[%get3A_158, %get3A_159] {strides = array<i32>} : memref<128x128xf32, #tpu.memory_space<vmem>>, vector<1x16xf32>,
        %get3A_161 = vector.shape_cast %get3A_160 : vector<1x16xf32> to vector<16xf32>
        %get3A_162 = arith.index_cast %add3A_75 : i32 to index
        %get3A_163 = arith.constant 96 : index
        %get3A_164 = tpu.vector_load %arg10[%get3A_162, %get3A_163] {strides = array<i32>} : memref<128x128xf32, #tpu.memory_space<vmem>>, vector<1x16xf32>,
        %get3A_165 = vector.shape_cast %get3A_164 : vector<1x16xf32> to vector<16xf32>
        %mul3A_166 = arith.mulf %get3A_161, %get3A_165 : vector<16xf32>
        %swap3A_167 = arith.index_cast %add3A_75 : i32 to index
        %swap3A_168 = arith.constant 96 : index
        %swap3A_169 = tpu.vector_load %arg9[%swap3A_167, %swap3A_168] {strides = array<i32>} : memref<128x128xf32, #tpu.memory_space<vmem>>, vector<1x16xf32>,
        %swap3A_170 = vector.shape_cast %swap3A_169 : vector<1x16xf32> to vector<16xf32>
        %swap3A_171 = vector.shape_cast %mul3A_166 : vector<16xf32> to vector<1x16xf32>
        tpu.vector_store %arg9[%swap3A_167, %swap3A_168], %swap3A_171 {strides = array<i32>} : memref<128x128xf32, #tpu.memory_space<vmem>>, vector<1x16xf32>,
        %get3A_172 = arith.index_cast %add3A_75 : i32 to index
        %get3A_173 = arith.constant 112 : index
        %get3A_174 = tpu.vector_load %arg9[%get3A_172, %get3A_173] {strides = array<i32>} : memref<128x128xf32, #tpu.memory_space<vmem>>, vector<1x16xf32>,
        %get3A_175 = vector.shape_cast %get3A_174 : vector<1x16xf32> to vector<16xf32>
        %get3A_176 = arith.index_cast %add3A_75 : i32 to index
        %get3A_177 = arith.constant 112 : index
        %get3A_178 = tpu.vector_load %arg10[%get3A_176, %get3A_177] {strides = array<i32>} : memref<128x128xf32, #tpu.memory_space<vmem>>, vector<1x16xf32>,
        %get3A_179 = vector.shape_cast %get3A_178 : vector<1x16xf32> to vector<16xf32>
        %mul3A_180 = arith.mulf %get3A_175, %get3A_179 : vector<16xf32>
        %swap3A_181 = arith.index_cast %add3A_75 : i32 to index
        %swap3A_182 = arith.constant 112 : index
        %swap3A_183 = tpu.vector_load %arg9[%swap3A_181, %swap3A_182] {strides = array<i32>} : memref<128x128xf32, #tpu.memory_space<vmem>>, vector<1x16xf32>,
        %swap3A_184 = vector.shape_cast %swap3A_183 : vector<1x16xf32> to vector<16xf32>
        %swap3A_185 = vector.shape_cast %mul3A_180 : vector<16xf32> to vector<1x16xf32>
        tpu.vector_store %arg9[%swap3A_181, %swap3A_182], %swap3A_185 {strides = array<i32>} : memref<128x128xf32, #tpu.memory_space<vmem>>, vector<1x16xf32>,
        %mul3A_186 = arith.constant 4 : i32
        %mul3A_187 = arith.muli %scan3A_70, %mul3A_186 : i32
        %add3A_188 = arith.constant 1 : i32
        %add3A_189 = arith.addi %mul3A_187, %add3A_188 : i32
        %get3A_190 = arith.index_cast %add3A_189 : i32 to index
        %get3A_191 = arith.constant 0 : index
        %get3A_192 = tpu.vector_load %arg9[%get3A_190, %get3A_191] {strides = array<i32>} : memref<128x128xf32, #tpu.memory_space<vmem>>, vector<1x16xf32>,
        %get3A_193 = vector.shape_cast %get3A_192 : vector<1x16xf32> to vector<16xf32>
        %get3A_194 = arith.index_cast %add3A_189 : i32 to index
        %get3A_195 = arith.constant 0 : index
        %get3A_196 = tpu.vector_load %arg10[%get3A_194, %get3A_195] {strides = array<i32>} : memref<128x128xf32, #tpu.memory_space<vmem>>, vector<1x16xf32>,
        %get3A_197 = vector.shape_cast %get3A_196 : vector<1x16xf32> to vector<16xf32>
        %mul3A_198 = arith.mulf %get3A_193, %get3A_197 : vector<16xf32>
        %swap3A_199 = arith.index_cast %add3A_189 : i32 to index
        %swap3A_200 = arith.constant 0 : index
        %swap3A_201 = tpu.vector_load %arg9[%swap3A_199, %swap3A_200] {strides = array<i32>} : memref<128x128xf32, #tpu.memory_space<vmem>>, vector<1x16xf32>,
        %swap3A_202 = vector.shape_cast %swap3A_201 : vector<1x16xf32> to vector<16xf32>
        %swap3A_203 = vector.shape_cast %mul3A_198 : vector<16xf32> to vector<1x16xf32>
        tpu.vector_store %arg9[%swap3A_199, %swap3A_200], %swap3A_203 {strides = array<i32>} : memref<128x128xf32, #tpu.memory_space<vmem>>, vector<1x16xf32>,
        %get3A_204 = arith.index_cast %add3A_189 : i32 to index
        %get3A_205 = arith.constant 16 : index
        %get3A_206 = tpu.vector_load %arg9[%get3A_204, %get3A_205] {strides = array<i32>} : memref<128x128xf32, #tpu.memory_space<vmem>>, vector<1x16xf32>,
        %get3A_207 = vector.shape_cast %get3A_206 : vector<1x16xf32> to vector<16xf32>
        %get3A_208 = arith.index_cast %add3A_189 : i32 to index
        %get3A_209 = arith.constant 16 : index
        %get3A_210 = tpu.vector_load %arg10[%get3A_208, %get3A_209] {strides = array<i32>} : memref<128x128xf32, #tpu.memory_space<vmem>>, vector<1x16xf32>,
        %get3A_211 = vector.shape_cast %get3A_210 : vector<1x16xf32> to vector<16xf32>
        %mul3A_212 = arith.mulf %get3A_207, %get3A_211 : vector<16xf32>
        %swap3A_213 = arith.index_cast %add3A_189 : i32 to index
        %swap3A_214 = arith.constant 16 : index
        %swap3A_215 = tpu.vector_load %arg9[%swap3A_213, %swap3A_214] {strides = array<i32>} : memref<128x128xf32, #tpu.memory_space<vmem>>, vector<1x16xf32>,
        %swap3A_216 = vector.shape_cast %swap3A_215 : vector<1x16xf32> to vector<16xf32>
        %swap3A_217 = vector.shape_cast %mul3A_212 : vector<16xf32> to vector<1x16xf32>
        tpu.vector_store %arg9[%swap3A_213, %swap3A_214], %swap3A_217 {strides = array<i32>} : memref<128x128xf32, #tpu.memory_space<vmem>>, vector<1x16xf32>,
        %get3A_218 = arith.index_cast %add3A_189 : i32 to index
        %get3A_219 = arith.constant 32 : index
        %get3A_220 = tpu.vector_load %arg9[%get3A_218, %get3A_219] {strides = array<i32>} : memref<128x128xf32, #tpu.memory_space<vmem>>, vector<1x16xf32>,
        %get3A_221 = vector.shape_cast %get3A_220 : vector<1x16xf32> to vector<16xf32>
        %get3A_222 = arith.index_cast %add3A_189 : i32 to index
        %get3A_223 = arith.constant 32 : index
        %get3A_224 = tpu.vector_load %arg10[%get3A_222, %get3A_223] {strides = array<i32>} : memref<128x128xf32, #tpu.memory_space<vmem>>, vector<1x16xf32>,
        %get3A_225 = vector.shape_cast %get3A_224 : vector<1x16xf32> to vector<16xf32>
        %mul3A_226 = arith.mulf %get3A_221, %get3A_225 : vector<16xf32>
        %swap3A_227 = arith.index_cast %add3A_189 : i32 to index
        %swap3A_228 = arith.constant 32 : index
        %swap3A_229 = tpu.vector_load %arg9[%swap3A_227, %swap3A_228] {strides = array<i32>} : memref<128x128xf32, #tpu.memory_space<vmem>>, vector<1x16xf32>,
        %swap3A_230 = vector.shape_cast %swap3A_229 : vector<1x16xf32> to vector<16xf32>
        %swap3A_231 = vector.shape_cast %mul3A_226 : vector<16xf32> to vector<1x16xf32>
        tpu.vector_store %arg9[%swap3A_227, %swap3A_228], %swap3A_231 {strides = array<i32>} : memref<128x128xf32, #tpu.memory_space<vmem>>, vector<1x16xf32>,
        %get3A_232 = arith.index_cast %add3A_189 : i32 to index
        %get3A_233 = arith.constant 48 : index
        %get3A_234 = tpu.vector_load %arg9[%get3A_232, %get3A_233] {strides = array<i32>} : memref<128x128xf32, #tpu.memory_space<vmem>>, vector<1x16xf32>,
        %get3A_235 = vector.shape_cast %get3A_234 : vector<1x16xf32> to vector<16xf32>
        %get3A_236 = arith.index_cast %add3A_189 : i32 to index
        %get3A_237 = arith.constant 48 : index
        %get3A_238 = tpu.vector_load %arg10[%get3A_236, %get3A_237] {strides = array<i32>} : memref<128x128xf32, #tpu.memory_space<vmem>>, vector<1x16xf32>,
        %get3A_239 = vector.shape_cast %get3A_238 : vector<1x16xf32> to vector<16xf32>
        %mul3A_240 = arith.mulf %get3A_235, %get3A_239 : vector<16xf32>
        %swap3A_241 = arith.index_cast %add3A_189 : i32 to index
        %swap3A_242 = arith.constant 48 : index
        %swap3A_243 = tpu.vector_load %arg9[%swap3A_241, %swap3A_242] {strides = array<i32>} : memref<128x128xf32, #tpu.memory_space<vmem>>, vector<1x16xf32>,
        %swap3A_244 = vector.shape_cast %swap3A_243 : vector<1x16xf32> to vector<16xf32>
        %swap3A_245 = vector.shape_cast %mul3A_240 : vector<16xf32> to vector<1x16xf32>
        tpu.vector_store %arg9[%swap3A_241, %swap3A_242], %swap3A_245 {strides = array<i32>} : memref<128x128xf32, #tpu.memory_space<vmem>>, vector<1x16xf32>,
        %get3A_246 = arith.index_cast %add3A_189 : i32 to index
        %get3A_247 = arith.constant 64 : index
        %get3A_248 = tpu.vector_load %arg9[%get3A_246, %get3A_247] {strides = array<i32>} : memref<128x128xf32, #tpu.memory_space<vmem>>, vector<1x16xf32>,
        %get3A_249 = vector.shape_cast %get3A_248 : vector<1x16xf32> to vector<16xf32>
        %get3A_250 = arith.index_cast %add3A_189 : i32 to index
        %get3A_251 = arith.constant 64 : index
        %get3A_252 = tpu.vector_load %arg10[%get3A_250, %get3A_251] {strides = array<i32>} : memref<128x128xf32, #tpu.memory_space<vmem>>, vector<1x16xf32>,
        %get3A_253 = vector.shape_cast %get3A_252 : vector<1x16xf32> to vector<16xf32>
        %mul3A_254 = arith.mulf %get3A_249, %get3A_253 : vector<16xf32>
        %swap3A_255 = arith.index_cast %add3A_189 : i32 to index
        %swap3A_256 = arith.constant 64 : index
        %swap3A_257 = tpu.vector_load %arg9[%swap3A_255, %swap3A_256] {strides = array<i32>} : memref<128x128xf32, #tpu.memory_space<vmem>>, vector<1x16xf32>,
        %swap3A_258 = vector.shape_cast %swap3A_257 : vector<1x16xf32> to vector<16xf32>
        %swap3A_259 = vector.shape_cast %mul3A_254 : vector<16xf32> to vector<1x16xf32>
        tpu.vector_store %arg9[%swap3A_255, %swap3A_256], %swap3A_259 {strides = array<i32>} : memref<128x128xf32, #tpu.memory_space<vmem>>, vector<1x16xf32>,
        %get3A_260 = arith.index_cast %add3A_189 : i32 to index
        %get3A_261 = arith.constant 80 : index
        %get3A_262 = tpu.vector_load %arg9[%get3A_260, %get3A_261] {strides = array<i32>} : memref<128x128xf32, #tpu.memory_space<vmem>>, vector<1x16xf32>,
        %get3A_263 = vector.shape_cast %get3A_262 : vector<1x16xf32> to vector<16xf32>
        %get3A_264 = arith.index_cast %add3A_189 : i32 to index
        %get3A_265 = arith.constant 80 : index
        %get3A_266 = tpu.vector_load %arg10[%get3A_264, %get3A_265] {strides = array<i32>} : memref<128x128xf32, #tpu.memory_space<vmem>>, vector<1x16xf32>,
        %get3A_267 = vector.shape_cast %get3A_266 : vector<1x16xf32> to vector<16xf32>
        %mul3A_268 = arith.mulf %get3A_263, %get3A_267 : vector<16xf32>
        %swap3A_269 = arith.index_cast %add3A_189 : i32 to index
        %swap3A_270 = arith.constant 80 : index
        %swap3A_271 = tpu.vector_load %arg9[%swap3A_269, %swap3A_270] {strides = array<i32>} : memref<128x128xf32, #tpu.memory_space<vmem>>, vector<1x16xf32>,
        %swap3A_272 = vector.shape_cast %swap3A_271 : vector<1x16xf32> to vector<16xf32>
        %swap3A_273 = vector.shape_cast %mul3A_268 : vector<16xf32> to vector<1x16xf32>
        tpu.vector_store %arg9[%swap3A_269, %swap3A_270], %swap3A_273 {strides = array<i32>} : memref<128x128xf32, #tpu.memory_space<vmem>>, vector<1x16xf32>,
        %get3A_274 = arith.index_cast %add3A_189 : i32 to index
        %get3A_275 = arith.constant 96 : index
        %get3A_276 = tpu.vector_load %arg9[%get3A_274, %get3A_275] {strides = array<i32>} : memref<128x128xf32, #tpu.memory_space<vmem>>, vector<1x16xf32>,
        %get3A_277 = vector.shape_cast %get3A_276 : vector<1x16xf32> to vector<16xf32>
        %get3A_278 = arith.index_cast %add3A_189 : i32 to index
        %get3A_279 = arith.constant 96 : index
        %get3A_280 = tpu.vector_load %arg10[%get3A_278, %get3A_279] {strides = array<i32>} : memref<128x128xf32, #tpu.memory_space<vmem>>, vector<1x16xf32>,
        %get3A_281 = vector.shape_cast %get3A_280 : vector<1x16xf32> to vector<16xf32>
        %mul3A_282 = arith.mulf %get3A_277, %get3A_281 : vector<16xf32>
        %swap3A_283 = arith.index_cast %add3A_189 : i32 to index
        %swap3A_284 = arith.constant 96 : index
        %swap3A_285 = tpu.vector_load %arg9[%swap3A_283, %swap3A_284] {strides = array<i32>} : memref<128x128xf32, #tpu.memory_space<vmem>>, vector<1x16xf32>,
        %swap3A_286 = vector.shape_cast %swap3A_285 : vector<1x16xf32> to vector<16xf32>
        %swap3A_287 = vector.shape_cast %mul3A_282 : vector<16xf32> to vector<1x16xf32>
        tpu.vector_store %arg9[%swap3A_283, %swap3A_284], %swap3A_287 {strides = array<i32>} : memref<128x128xf32, #tpu.memory_space<vmem>>, vector<1x16xf32>,
        %get3A_288 = arith.index_cast %add3A_189 : i32 to index
        %get3A_289 = arith.constant 112 : index
        %get3A_290 = tpu.vector_load %arg9[%get3A_288, %get3A_289] {strides = array<i32>} : memref<128x128xf32, #tpu.memory_space<vmem>>, vector<1x16xf32>,
        %get3A_291 = vector.shape_cast %get3A_290 : vector<1x16xf32> to vector<16xf32>
        %get3A_292 = arith.index_cast %add3A_189 : i32 to index
        %get3A_293 = arith.constant 112 : index
        %get3A_294 = tpu.vector_load %arg10[%get3A_292, %get3A_293] {strides = array<i32>} : memref<128x128xf32, #tpu.memory_space<vmem>>, vector<1x16xf32>,
        %get3A_295 = vector.shape_cast %get3A_294 : vector<1x16xf32> to vector<16xf32>
        %mul3A_296 = arith.mulf %get3A_291, %get3A_295 : vector<16xf32>
        %swap3A_297 = arith.index_cast %add3A_189 : i32 to index
        %swap3A_298 = arith.constant 112 : index
        %swap3A_299 = tpu.vector_load %arg9[%swap3A_297, %swap3A_298] {strides = array<i32>} : memref<128x128xf32, #tpu.memory_space<vmem>>, vector<1x16xf32>,
        %swap3A_300 = vector.shape_cast %swap3A_299 : vector<1x16xf32> to vector<16xf32>
        %swap3A_301 = vector.shape_cast %mul3A_296 : vector<16xf32> to vector<1x16xf32>
        tpu.vector_store %arg9[%swap3A_297, %swap3A_298], %swap3A_301 {strides = array<i32>} : memref<128x128xf32, #tpu.memory_space<vmem>>, vector<1x16xf32>,
        %mul3A_302 = arith.constant 4 : i32
        %mul3A_303 = arith.muli %scan3A_70, %mul3A_302 : i32
        %add3A_304 = arith.constant 2 : i32
        %add3A_305 = arith.addi %mul3A_303, %add3A_304 : i32
        %get3A_306 = arith.index_cast %add3A_305 : i32 to index
        %get3A_307 = arith.constant 0 : index
        %get3A_308 = tpu.vector_load %arg9[%get3A_306, %get3A_307] {strides = array<i32>} : memref<128x128xf32, #tpu.memory_space<vmem>>, vector<1x16xf32>,
        %get3A_309 = vector.shape_cast %get3A_308 : vector<1x16xf32> to vector<16xf32>
        %get3A_310 = arith.index_cast %add3A_305 : i32 to index
        %get3A_311 = arith.constant 0 : index
        %get3A_312 = tpu.vector_load %arg10[%get3A_310, %get3A_311] {strides = array<i32>} : memref<128x128xf32, #tpu.memory_space<vmem>>, vector<1x16xf32>,
        %get3A_313 = vector.shape_cast %get3A_312 : vector<1x16xf32> to vector<16xf32>
        %mul3A_314 = arith.mulf %get3A_309, %get3A_313 : vector<16xf32>
        %swap3A_315 = arith.index_cast %add3A_305 : i32 to index
        %swap3A_316 = arith.constant 0 : index
        %swap3A_317 = tpu.vector_load %arg9[%swap3A_315, %swap3A_316] {strides = array<i32>} : memref<128x128xf32, #tpu.memory_space<vmem>>, vector<1x16xf32>,
        %swap3A_318 = vector.shape_cast %swap3A_317 : vector<1x16xf32> to vector<16xf32>
        %swap3A_319 = vector.shape_cast %mul3A_314 : vector<16xf32> to vector<1x16xf32>
        tpu.vector_store %arg9[%swap3A_315, %swap3A_316], %swap3A_319 {strides = array<i32>} : memref<128x128xf32, #tpu.memory_space<vmem>>, vector<1x16xf32>,
        %get3A_320 = arith.index_cast %add3A_305 : i32 to index
        %get3A_321 = arith.constant 16 : index
        %get3A_322 = tpu.vector_load %arg9[%get3A_320, %get3A_321] {strides = array<i32>} : memref<128x128xf32, #tpu.memory_space<vmem>>, vector<1x16xf32>,
        %get3A_323 = vector.shape_cast %get3A_322 : vector<1x16xf32> to vector<16xf32>
        %get3A_324 = arith.index_cast %add3A_305 : i32 to index
        %get3A_325 = arith.constant 16 : index
        %get3A_326 = tpu.vector_load %arg10[%get3A_324, %get3A_325] {strides = array<i32>} : memref<128x128xf32, #tpu.memory_space<vmem>>, vector<1x16xf32>,
        %get3A_327 = vector.shape_cast %get3A_326 : vector<1x16xf32> to vector<16xf32>
        %mul3A_328 = arith.mulf %get3A_323, %get3A_327 : vector<16xf32>
        %swap3A_329 = arith.index_cast %add3A_305 : i32 to index
        %swap3A_330 = arith.constant 16 : index
        %swap3A_331 = tpu.vector_load %arg9[%swap3A_329, %swap3A_330] {strides = array<i32>} : memref<128x128xf32, #tpu.memory_space<vmem>>, vector<1x16xf32>,
        %swap3A_332 = vector.shape_cast %swap3A_331 : vector<1x16xf32> to vector<16xf32>
        %swap3A_333 = vector.shape_cast %mul3A_328 : vector<16xf32> to vector<1x16xf32>
        tpu.vector_store %arg9[%swap3A_329, %swap3A_330], %swap3A_333 {strides = array<i32>} : memref<128x128xf32, #tpu.memory_space<vmem>>, vector<1x16xf32>,
        %get3A_334 = arith.index_cast %add3A_305 : i32 to index
        %get3A_335 = arith.constant 32 : index
        %get3A_336 = tpu.vector_load %arg9[%get3A_334, %get3A_335] {strides = array<i32>} : memref<128x128xf32, #tpu.memory_space<vmem>>, vector<1x16xf32>,
        %get3A_337 = vector.shape_cast %get3A_336 : vector<1x16xf32> to vector<16xf32>
        %get3A_338 = arith.index_cast %add3A_305 : i32 to index
        %get3A_339 = arith.constant 32 : index
        %get3A_340 = tpu.vector_load %arg10[%get3A_338, %get3A_339] {strides = array<i32>} : memref<128x128xf32, #tpu.memory_space<vmem>>, vector<1x16xf32>,
        %get3A_341 = vector.shape_cast %get3A_340 : vector<1x16xf32> to vector<16xf32>
        %mul3A_342 = arith.mulf %get3A_337, %get3A_341 : vector<16xf32>
        %swap3A_343 = arith.index_cast %add3A_305 : i32 to index
        %swap3A_344 = arith.constant 32 : index
        %swap3A_345 = tpu.vector_load %arg9[%swap3A_343, %swap3A_344] {strides = array<i32>} : memref<128x128xf32, #tpu.memory_space<vmem>>, vector<1x16xf32>,
        %swap3A_346 = vector.shape_cast %swap3A_345 : vector<1x16xf32> to vector<16xf32>
        %swap3A_347 = vector.shape_cast %mul3A_342 : vector<16xf32> to vector<1x16xf32>
        tpu.vector_store %arg9[%swap3A_343, %swap3A_344], %swap3A_347 {strides = array<i32>} : memref<128x128xf32, #tpu.memory_space<vmem>>, vector<1x16xf32>,
        %get3A_348 = arith.index_cast %add3A_305 : i32 to index
        %get3A_349 = arith.constant 48 : index
        %get3A_350 = tpu.vector_load %arg9[%get3A_348, %get3A_349] {strides = array<i32>} : memref<128x128xf32, #tpu.memory_space<vmem>>, vector<1x16xf32>,
        %get3A_351 = vector.shape_cast %get3A_350 : vector<1x16xf32> to vector<16xf32>
        %get3A_352 = arith.index_cast %add3A_305 : i32 to index
        %get3A_353 = arith.constant 48 : index
        %get3A_354 = tpu.vector_load %arg10[%get3A_352, %get3A_353] {strides = array<i32>} : memref<128x128xf32, #tpu.memory_space<vmem>>, vector<1x16xf32>,
        %get3A_355 = vector.shape_cast %get3A_354 : vector<1x16xf32> to vector<16xf32>
        %mul3A_356 = arith.mulf %get3A_351, %get3A_355 : vector<16xf32>
        %swap3A_357 = arith.index_cast %add3A_305 : i32 to index
        %swap3A_358 = arith.constant 48 : index
        %swap3A_359 = tpu.vector_load %arg9[%swap3A_357, %swap3A_358] {strides = array<i32>} : memref<128x128xf32, #tpu.memory_space<vmem>>, vector<1x16xf32>,
        %swap3A_360 = vector.shape_cast %swap3A_359 : vector<1x16xf32> to vector<16xf32>
        %swap3A_361 = vector.shape_cast %mul3A_356 : vector<16xf32> to vector<1x16xf32>
        tpu.vector_store %arg9[%swap3A_357, %swap3A_358], %swap3A_361 {strides = array<i32>} : memref<128x128xf32, #tpu.memory_space<vmem>>, vector<1x16xf32>,
        %get3A_362 = arith.index_cast %add3A_305 : i32 to index
        %get3A_363 = arith.constant 64 : index
        %get3A_364 = tpu.vector_load %arg9[%get3A_362, %get3A_363] {strides = array<i32>} : memref<128x128xf32, #tpu.memory_space<vmem>>, vector<1x16xf32>,
        %get3A_365 = vector.shape_cast %get3A_364 : vector<1x16xf32> to vector<16xf32>
        %get3A_366 = arith.index_cast %add3A_305 : i32 to index
        %get3A_367 = arith.constant 64 : index
        %get3A_368 = tpu.vector_load %arg10[%get3A_366, %get3A_367] {strides = array<i32>} : memref<128x128xf32, #tpu.memory_space<vmem>>, vector<1x16xf32>,
        %get3A_369 = vector.shape_cast %get3A_368 : vector<1x16xf32> to vector<16xf32>
        %mul3A_370 = arith.mulf %get3A_365, %get3A_369 : vector<16xf32>
        %swap3A_371 = arith.index_cast %add3A_305 : i32 to index
        %swap3A_372 = arith.constant 64 : index
        %swap3A_373 = tpu.vector_load %arg9[%swap3A_371, %swap3A_372] {strides = array<i32>} : memref<128x128xf32, #tpu.memory_space<vmem>>, vector<1x16xf32>,
        %swap3A_374 = vector.shape_cast %swap3A_373 : vector<1x16xf32> to vector<16xf32>
        %swap3A_375 = vector.shape_cast %mul3A_370 : vector<16xf32> to vector<1x16xf32>
        tpu.vector_store %arg9[%swap3A_371, %swap3A_372], %swap3A_375 {strides = array<i32>} : memref<128x128xf32, #tpu.memory_space<vmem>>, vector<1x16xf32>,
        %get3A_376 = arith.index_cast %add3A_305 : i32 to index
        %get3A_377 = arith.constant 80 : index
        %get3A_378 = tpu.vector_load %arg9[%get3A_376, %get3A_377] {strides = array<i32>} : memref<128x128xf32, #tpu.memory_space<vmem>>, vector<1x16xf32>,
        %get3A_379 = vector.shape_cast %get3A_378 : vector<1x16xf32> to vector<16xf32>
        %get3A_380 = arith.index_cast %add3A_305 : i32 to index
        %get3A_381 = arith.constant 80 : index
        %get3A_382 = tpu.vector_load %arg10[%get3A_380, %get3A_381] {strides = array<i32>} : memref<128x128xf32, #tpu.memory_space<vmem>>, vector<1x16xf32>,
        %get3A_383 = vector.shape_cast %get3A_382 : vector<1x16xf32> to vector<16xf32>
        %mul3A_384 = arith.mulf %get3A_379, %get3A_383 : vector<16xf32>
        %swap3A_385 = arith.index_cast %add3A_305 : i32 to index
        %swap3A_386 = arith.constant 80 : index
        %swap3A_387 = tpu.vector_load %arg9[%swap3A_385, %swap3A_386] {strides = array<i32>} : memref<128x128xf32, #tpu.memory_space<vmem>>, vector<1x16xf32>,
        %swap3A_388 = vector.shape_cast %swap3A_387 : vector<1x16xf32> to vector<16xf32>
        %swap3A_389 = vector.shape_cast %mul3A_384 : vector<16xf32> to vector<1x16xf32>
        tpu.vector_store %arg9[%swap3A_385, %swap3A_386], %swap3A_389 {strides = array<i32>} : memref<128x128xf32, #tpu.memory_space<vmem>>, vector<1x16xf32>,
        %get3A_390 = arith.index_cast %add3A_305 : i32 to index
        %get3A_391 = arith.constant 96 : index
        %get3A_392 = tpu.vector_load %arg9[%get3A_390, %get3A_391] {strides = array<i32>} : memref<128x128xf32, #tpu.memory_space<vmem>>, vector<1x16xf32>,
        %get3A_393 = vector.shape_cast %get3A_392 : vector<1x16xf32> to vector<16xf32>
        %get3A_394 = arith.index_cast %add3A_305 : i32 to index
        %get3A_395 = arith.constant 96 : index
        %get3A_396 = tpu.vector_load %arg10[%get3A_394, %get3A_395] {strides = array<i32>} : memref<128x128xf32, #tpu.memory_space<vmem>>, vector<1x16xf32>,
        %get3A_397 = vector.shape_cast %get3A_396 : vector<1x16xf32> to vector<16xf32>
        %mul3A_398 = arith.mulf %get3A_393, %get3A_397 : vector<16xf32>
        %swap3A_399 = arith.index_cast %add3A_305 : i32 to index
        %swap3A_400 = arith.constant 96 : index
        %swap3A_401 = tpu.vector_load %arg9[%swap3A_399, %swap3A_400] {strides = array<i32>} : memref<128x128xf32, #tpu.memory_space<vmem>>, vector<1x16xf32>,
        %swap3A_402 = vector.shape_cast %swap3A_401 : vector<1x16xf32> to vector<16xf32>
        %swap3A_403 = vector.shape_cast %mul3A_398 : vector<16xf32> to vector<1x16xf32>
        tpu.vector_store %arg9[%swap3A_399, %swap3A_400], %swap3A_403 {strides = array<i32>} : memref<128x128xf32, #tpu.memory_space<vmem>>, vector<1x16xf32>,
        %get3A_404 = arith.index_cast %add3A_305 : i32 to index
        %get3A_405 = arith.constant 112 : index
        %get3A_406 = tpu.vector_load %arg9[%get3A_404, %get3A_405] {strides = array<i32>} : memref<128x128xf32, #tpu.memory_space<vmem>>, vector<1x16xf32>,
        %get3A_407 = vector.shape_cast %get3A_406 : vector<1x16xf32> to vector<16xf32>
        %get3A_408 = arith.index_cast %add3A_305 : i32 to index
        %get3A_409 = arith.constant 112 : index
        %get3A_410 = tpu.vector_load %arg10[%get3A_408, %get3A_409] {strides = array<i32>} : memref<128x128xf32, #tpu.memory_space<vmem>>, vector<1x16xf32>,
        %get3A_411 = vector.shape_cast %get3A_410 : vector<1x16xf32> to vector<16xf32>
        %mul3A_412 = arith.mulf %get3A_407, %get3A_411 : vector<16xf32>
        %swap3A_413 = arith.index_cast %add3A_305 : i32 to index
        %swap3A_414 = arith.constant 112 : index
        %swap3A_415 = tpu.vector_load %arg9[%swap3A_413, %swap3A_414] {strides = array<i32>} : memref<128x128xf32, #tpu.memory_space<vmem>>, vector<1x16xf32>,
        %swap3A_416 = vector.shape_cast %swap3A_415 : vector<1x16xf32> to vector<16xf32>
        %swap3A_417 = vector.shape_cast %mul3A_412 : vector<16xf32> to vector<1x16xf32>
        tpu.vector_store %arg9[%swap3A_413, %swap3A_414], %swap3A_417 {strides = array<i32>} : memref<128x128xf32, #tpu.memory_space<vmem>>, vector<1x16xf32>,
        %mul3A_418 = arith.constant 4 : i32
        %mul3A_419 = arith.muli %scan3A_70, %mul3A_418 : i32
        %add3A_420 = arith.constant 3 : i32
        %add3A_421 = arith.addi %mul3A_419, %add3A_420 : i32
        %get3A_422 = arith.index_cast %add3A_421 : i32 to index
        %get3A_423 = arith.constant 0 : index
        %get3A_424 = tpu.vector_load %arg9[%get3A_422, %get3A_423] {strides = array<i32>} : memref<128x128xf32, #tpu.memory_space<vmem>>, vector<1x16xf32>,
        %get3A_425 = vector.shape_cast %get3A_424 : vector<1x16xf32> to vector<16xf32>
        %get3A_426 = arith.index_cast %add3A_421 : i32 to index
        %get3A_427 = arith.constant 0 : index
        %get3A_428 = tpu.vector_load %arg10[%get3A_426, %get3A_427] {strides = array<i32>} : memref<128x128xf32, #tpu.memory_space<vmem>>, vector<1x16xf32>,
        %get3A_429 = vector.shape_cast %get3A_428 : vector<1x16xf32> to vector<16xf32>
        %mul3A_430 = arith.mulf %get3A_425, %get3A_429 : vector<16xf32>
        %swap3A_431 = arith.index_cast %add3A_421 : i32 to index
        %swap3A_432 = arith.constant 0 : index
        %swap3A_433 = tpu.vector_load %arg9[%swap3A_431, %swap3A_432] {strides = array<i32>} : memref<128x128xf32, #tpu.memory_space<vmem>>, vector<1x16xf32>,
        %swap3A_434 = vector.shape_cast %swap3A_433 : vector<1x16xf32> to vector<16xf32>
        %swap3A_435 = vector.shape_cast %mul3A_430 : vector<16xf32> to vector<1x16xf32>
        tpu.vector_store %arg9[%swap3A_431, %swap3A_432], %swap3A_435 {strides = array<i32>} : memref<128x128xf32, #tpu.memory_space<vmem>>, vector<1x16xf32>,
        %get3A_436 = arith.index_cast %add3A_421 : i32 to index
        %get3A_437 = arith.constant 16 : index
        %get3A_438 = tpu.vector_load %arg9[%get3A_436, %get3A_437] {strides = array<i32>} : memref<128x128xf32, #tpu.memory_space<vmem>>, vector<1x16xf32>,
        %get3A_439 = vector.shape_cast %get3A_438 : vector<1x16xf32> to vector<16xf32>
        %get3A_440 = arith.index_cast %add3A_421 : i32 to index
        %get3A_441 = arith.constant 16 : index
        %get3A_442 = tpu.vector_load %arg10[%get3A_440, %get3A_441] {strides = array<i32>} : memref<128x128xf32, #tpu.memory_space<vmem>>, vector<1x16xf32>,
        %get3A_443 = vector.shape_cast %get3A_442 : vector<1x16xf32> to vector<16xf32>
        %mul3A_444 = arith.mulf %get3A_439, %get3A_443 : vector<16xf32>
        %swap3A_445 = arith.index_cast %add3A_421 : i32 to index
        %swap3A_446 = arith.constant 16 : index
        %swap3A_447 = tpu.vector_load %arg9[%swap3A_445, %swap3A_446] {strides = array<i32>} : memref<128x128xf32, #tpu.memory_space<vmem>>, vector<1x16xf32>,
        %swap3A_448 = vector.shape_cast %swap3A_447 : vector<1x16xf32> to vector<16xf32>
        %swap3A_449 = vector.shape_cast %mul3A_444 : vector<16xf32> to vector<1x16xf32>
        tpu.vector_store %arg9[%swap3A_445, %swap3A_446], %swap3A_449 {strides = array<i32>} : memref<128x128xf32, #tpu.memory_space<vmem>>, vector<1x16xf32>,
        %get3A_450 = arith.index_cast %add3A_421 : i32 to index
        %get3A_451 = arith.constant 32 : index
        %get3A_452 = tpu.vector_load %arg9[%get3A_450, %get3A_451] {strides = array<i32>} : memref<128x128xf32, #tpu.memory_space<vmem>>, vector<1x16xf32>,
        %get3A_453 = vector.shape_cast %get3A_452 : vector<1x16xf32> to vector<16xf32>
        %get3A_454 = arith.index_cast %add3A_421 : i32 to index
        %get3A_455 = arith.constant 32 : index
        %get3A_456 = tpu.vector_load %arg10[%get3A_454, %get3A_455] {strides = array<i32>} : memref<128x128xf32, #tpu.memory_space<vmem>>, vector<1x16xf32>,
        %get3A_457 = vector.shape_cast %get3A_456 : vector<1x16xf32> to vector<16xf32>
        %mul3A_458 = arith.mulf %get3A_453, %get3A_457 : vector<16xf32>
        %swap3A_459 = arith.index_cast %add3A_421 : i32 to index
        %swap3A_460 = arith.constant 32 : index
        %swap3A_461 = tpu.vector_load %arg9[%swap3A_459, %swap3A_460] {strides = array<i32>} : memref<128x128xf32, #tpu.memory_space<vmem>>, vector<1x16xf32>,
        %swap3A_462 = vector.shape_cast %swap3A_461 : vector<1x16xf32> to vector<16xf32>
        %swap3A_463 = vector.shape_cast %mul3A_458 : vector<16xf32> to vector<1x16xf32>
        tpu.vector_store %arg9[%swap3A_459, %swap3A_460], %swap3A_463 {strides = array<i32>} : memref<128x128xf32, #tpu.memory_space<vmem>>, vector<1x16xf32>,
        %get3A_464 = arith.index_cast %add3A_421 : i32 to index
        %get3A_465 = arith.constant 48 : index
        %get3A_466 = tpu.vector_load %arg9[%get3A_464, %get3A_465] {strides = array<i32>} : memref<128x128xf32, #tpu.memory_space<vmem>>, vector<1x16xf32>,
        %get3A_467 = vector.shape_cast %get3A_466 : vector<1x16xf32> to vector<16xf32>
        %get3A_468 = arith.index_cast %add3A_421 : i32 to index
        %get3A_469 = arith.constant 48 : index
        %get3A_470 = tpu.vector_load %arg10[%get3A_468, %get3A_469] {strides = array<i32>} : memref<128x128xf32, #tpu.memory_space<vmem>>, vector<1x16xf32>,
        %get3A_471 = vector.shape_cast %get3A_470 : vector<1x16xf32> to vector<16xf32>
        %mul3A_472 = arith.mulf %get3A_467, %get3A_471 : vector<16xf32>
        %swap3A_473 = arith.index_cast %add3A_421 : i32 to index
        %swap3A_474 = arith.constant 48 : index
        %swap3A_475 = tpu.vector_load %arg9[%swap3A_473, %swap3A_474] {strides = array<i32>} : memref<128x128xf32, #tpu.memory_space<vmem>>, vector<1x16xf32>,
        %swap3A_476 = vector.shape_cast %swap3A_475 : vector<1x16xf32> to vector<16xf32>
        %swap3A_477 = vector.shape_cast %mul3A_472 : vector<16xf32> to vector<1x16xf32>
        tpu.vector_store %arg9[%swap3A_473, %swap3A_474], %swap3A_477 {strides = array<i32>} : memref<128x128xf32, #tpu.memory_space<vmem>>, vector<1x16xf32>,
        %get3A_478 = arith.index_cast %add3A_421 : i32 to index
        %get3A_479 = arith.constant 64 : index
        %get3A_480 = tpu.vector_load %arg9[%get3A_478, %get3A_479] {strides = array<i32>} : memref<128x128xf32, #tpu.memory_space<vmem>>, vector<1x16xf32>,
        %get3A_481 = vector.shape_cast %get3A_480 : vector<1x16xf32> to vector<16xf32>
        %get3A_482 = arith.index_cast %add3A_421 : i32 to index
        %get3A_483 = arith.constant 64 : index
        %get3A_484 = tpu.vector_load %arg10[%get3A_482, %get3A_483] {strides = array<i32>} : memref<128x128xf32, #tpu.memory_space<vmem>>, vector<1x16xf32>,
        %get3A_485 = vector.shape_cast %get3A_484 : vector<1x16xf32> to vector<16xf32>
        %mul3A_486 = arith.mulf %get3A_481, %get3A_485 : vector<16xf32>
        %swap3A_487 = arith.index_cast %add3A_421 : i32 to index
        %swap3A_488 = arith.constant 64 : index
        %swap3A_489 = tpu.vector_load %arg9[%swap3A_487, %swap3A_488] {strides = array<i32>} : memref<128x128xf32, #tpu.memory_space<vmem>>, vector<1x16xf32>,
        %swap3A_490 = vector.shape_cast %swap3A_489 : vector<1x16xf32> to vector<16xf32>
        %swap3A_491 = vector.shape_cast %mul3A_486 : vector<16xf32> to vector<1x16xf32>
        tpu.vector_store %arg9[%swap3A_487, %swap3A_488], %swap3A_491 {strides = array<i32>} : memref<128x128xf32, #tpu.memory_space<vmem>>, vector<1x16xf32>,
        %get3A_492 = arith.index_cast %add3A_421 : i32 to index
        %get3A_493 = arith.constant 80 : index
        %get3A_494 = tpu.vector_load %arg9[%get3A_492, %get3A_493] {strides = array<i32>} : memref<128x128xf32, #tpu.memory_space<vmem>>, vector<1x16xf32>,
        %get3A_495 = vector.shape_cast %get3A_494 : vector<1x16xf32> to vector<16xf32>
        %get3A_496 = arith.index_cast %add3A_421 : i32 to index
        %get3A_497 = arith.constant 80 : index
        %get3A_498 = tpu.vector_load %arg10[%get3A_496, %get3A_497] {strides = array<i32>} : memref<128x128xf32, #tpu.memory_space<vmem>>, vector<1x16xf32>,
        %get3A_499 = vector.shape_cast %get3A_498 : vector<1x16xf32> to vector<16xf32>
        %mul3A_500 = arith.mulf %get3A_495, %get3A_499 : vector<16xf32>
        %swap3A_501 = arith.index_cast %add3A_421 : i32 to index
        %swap3A_502 = arith.constant 80 : index
        %swap3A_503 = tpu.vector_load %arg9[%swap3A_501, %swap3A_502] {strides = array<i32>} : memref<128x128xf32, #tpu.memory_space<vmem>>, vector<1x16xf32>,
        %swap3A_504 = vector.shape_cast %swap3A_503 : vector<1x16xf32> to vector<16xf32>
        %swap3A_505 = vector.shape_cast %mul3A_500 : vector<16xf32> to vector<1x16xf32>
        tpu.vector_store %arg9[%swap3A_501, %swap3A_502], %swap3A_505 {strides = array<i32>} : memref<128x128xf32, #tpu.memory_space<vmem>>, vector<1x16xf32>,
        %get3A_506 = arith.index_cast %add3A_421 : i32 to index
        %get3A_507 = arith.constant 96 : index
        %get3A_508 = tpu.vector_load %arg9[%get3A_506, %get3A_507] {strides = array<i32>} : memref<128x128xf32, #tpu.memory_space<vmem>>, vector<1x16xf32>,
        %get3A_509 = vector.shape_cast %get3A_508 : vector<1x16xf32> to vector<16xf32>
        %get3A_510 = arith.index_cast %add3A_421 : i32 to index
        %get3A_511 = arith.constant 96 : index
        %get3A_512 = tpu.vector_load %arg10[%get3A_510, %get3A_511] {strides = array<i32>} : memref<128x128xf32, #tpu.memory_space<vmem>>, vector<1x16xf32>,
        %get3A_513 = vector.shape_cast %get3A_512 : vector<1x16xf32> to vector<16xf32>
        %mul3A_514 = arith.mulf %get3A_509, %get3A_513 : vector<16xf32>
        %swap3A_515 = arith.index_cast %add3A_421 : i32 to index
        %swap3A_516 = arith.constant 96 : index
        %swap3A_517 = tpu.vector_load %arg9[%swap3A_515, %swap3A_516] {strides = array<i32>} : memref<128x128xf32, #tpu.memory_space<vmem>>, vector<1x16xf32>,
        %swap3A_518 = vector.shape_cast %swap3A_517 : vector<1x16xf32> to vector<16xf32>
        %swap3A_519 = vector.shape_cast %mul3A_514 : vector<16xf32> to vector<1x16xf32>
        tpu.vector_store %arg9[%swap3A_515, %swap3A_516], %swap3A_519 {strides = array<i32>} : memref<128x128xf32, #tpu.memory_space<vmem>>, vector<1x16xf32>,
        %get3A_520 = arith.index_cast %add3A_421 : i32 to index
        %get3A_521 = arith.constant 112 : index
        %get3A_522 = tpu.vector_load %arg9[%get3A_520, %get3A_521] {strides = array<i32>} : memref<128x128xf32, #tpu.memory_space<vmem>>, vector<1x16xf32>,
        %get3A_523 = vector.shape_cast %get3A_522 : vector<1x16xf32> to vector<16xf32>
        %get3A_524 = arith.index_cast %add3A_421 : i32 to index
        %get3A_525 = arith.constant 112 : index
        %get3A_526 = tpu.vector_load %arg10[%get3A_524, %get3A_525] {strides = array<i32>} : memref<128x128xf32, #tpu.memory_space<vmem>>, vector<1x16xf32>,
        %get3A_527 = vector.shape_cast %get3A_526 : vector<1x16xf32> to vector<16xf32>
        %mul3A_528 = arith.mulf %get3A_523, %get3A_527 : vector<16xf32>
        %swap3A_529 = arith.index_cast %add3A_421 : i32 to index
        %swap3A_530 = arith.constant 112 : index
        %swap3A_531 = tpu.vector_load %arg9[%swap3A_529, %swap3A_530] {strides = array<i32>} : memref<128x128xf32, #tpu.memory_space<vmem>>, vector<1x16xf32>,
        %swap3A_532 = vector.shape_cast %swap3A_531 : vector<1x16xf32> to vector<16xf32>
        %swap3A_533 = vector.shape_cast %mul3A_528 : vector<16xf32> to vector<1x16xf32>
        tpu.vector_store %arg9[%swap3A_529, %swap3A_530], %swap3A_533 {strides = array<i32>} : memref<128x128xf32, #tpu.memory_space<vmem>>, vector<1x16xf32>,
        %scan3A_534 = arith.constant 0 : i32
        scf.yield %scan3A_534 : i32
      }
      %scan3A_68 = arith.constant 32 : i32
      %run_scoped3A = arith.constant 0 : i32
      "tpu.region"() ({
        %run_scoped3A_70 = tpu.sem_alloc : memref<!tpu.dma_semaphore, #tpu.memory_space<semaphore_mem>>
        %dma_start3A_71 = arith.constant 0 : i32
        %dma_start3A_72 = tpu.memref_slice %arg8[%run_scoped3A, %dma_start3A_71] : memref<1x128xi32, #tpu.memory_space<vmem>> -> memref<1x128xi32, #tpu.memory_space<vmem>>
        %dma_start3A_73 = tpu.memref_squeeze %dma_start3A_72 : memref<1x128xi32, #tpu.memory_space<vmem>> -> memref<128xi32, #tpu.memory_space<vmem>>
        %dma_start3A_74 = arith.constant 0 : i32
        %dma_start3A_75 = arith.constant 0 : i32
        %dma_start3A_76 = tpu.memref_slice %arg11[%dma_start3A_74, %dma_start3A_75] : memref<10016x128xf32, #tpu.memory_space<vmem_shared>> -> memref<10016x128xf32, #tpu.memory_space<vmem_shared>>
        tpu.enqueue_indirect_dma source(%arg9 : memref<128x128xf32, #tpu.memory_space<vmem>>) target(%dma_start3A_76 : memref<10016x128xf32, #tpu.memory_space<vmem_shared>>) offsets(%dma_start3A_73 : memref<128xi32, #tpu.memory_space<vmem>>) semaphore(%run_scoped3A_70 : memref<!tpu.dma_semaphore, #tpu.memory_space<semaphore_mem>>) {add = true}
        %dma_wait3A_77 = arith.constant 0 : i32
        %dma_wait3A_78 = tpu.memref_slice %arg8[%run_scoped3A, %dma_wait3A_77] : memref<1x128xi32, #tpu.memory_space<vmem>> -> memref<1x128xi32, #tpu.memory_space<vmem>>
        %dma_wait3A_79 = tpu.memref_squeeze %dma_wait3A_78 : memref<1x128xi32, #tpu.memory_space<vmem>> -> memref<128xi32, #tpu.memory_space<vmem>>
        %dma_wait3A_80 = arith.constant 0 : i32
        %dma_wait3A_81 = arith.constant 0 : i32
        %dma_wait3A_82 = tpu.memref_slice %arg11[%dma_wait3A_80, %dma_wait3A_81] : memref<10016x128xf32, #tpu.memory_space<vmem_shared>> -> memref<10016x128xf32, #tpu.memory_space<vmem_shared>>
        tpu.wait_indirect_dma semaphore(%run_scoped3A_70 : memref<!tpu.dma_semaphore, #tpu.memory_space<semaphore_mem>>) src(%arg9 : memref<128x128xf32, #tpu.memory_space<vmem>>) dst(%dma_wait3A_82 : memref<10016x128xf32, #tpu.memory_space<vmem_shared>>)
        tpu.yield
      }) : () -> ()
      %scan3A_69 = arith.constant 0 : i32
      scf.yield %scan3A_69 : i32
    }
    %scan3A_20 = arith.constant 80 : i32
    %barrier3A_21 = arith.constant 0 : index
    tpu.barrier barrier_id(%barrier3A_21)
    %scan3A_22 = arith.constant 0 : i32
    %scan3A_23 = arith.constant 0 : i32
    %scan3A_24 = arith.constant 40 : i32
    %scan3A_25 = arith.addi %scan3A_23, %scan3A_24 : i32
    %scan3A_26 = arith.constant 1 : i32
    %scan3A_27 = scf.for %scan3A_29 = %scan3A_23 to %scan3A_25 step %scan3A_26 iter_args(%scan3A_30 = %scan3A_22) -> (i32)  : i32 {
      %mul3A_31 = arith.constant 16 : i32
      %mul3A_32 = arith.muli %scan3A_29, %mul3A_31 : i32
      %add3A_33 = arith.addi %arg1, %mul3A_32 : i32
      %lt3A = arith.constant 625 : i32
      %lt3A_34 = arith.cmpi slt, %add3A_33, %lt3A : i32
      %convert_element_type3A = arith.extui %lt3A_34 : i1 to i32
      %cond3A = arith.constant 0 : i32
      %cond3A_35 = arith.cmpi ne, %convert_element_type3A, %cond3A : i32
      scf.if %cond3A_35 {
        %mul3A_37 = arith.constant 16 : i32
        %mul3A_38 = arith.muli %add3A_33, %mul3A_37 : i32
        %multiple_of3A = tpu.assume_multiple %mul3A_38, 16 : i32
        "tpu.region"() ({
          %run_scoped3A = tpu.sem_alloc : memref<!tpu.dma_semaphore, #tpu.memory_space<semaphore_mem>>
          %dma_start3A = arith.constant 0 : i32
          %dma_start3A_39 = arith.constant 0 : i32
          %dma_start3A_40 = tpu.memref_slice %arg6[%arg0, %add3A_33, %dma_start3A, %dma_start3A_39] : memref<2x625x16x128xf32, #tpu.memory_space<hbm>> -> memref<1x1x16x128xf32, #tpu.memory_space<hbm>>
          %dma_start3A_41 = tpu.memref_squeeze %dma_start3A_40 : memref<1x1x16x128xf32, #tpu.memory_space<hbm>> -> memref<16x128xf32, #tpu.memory_space<hbm>>
          %dma_start3A_42 = arith.constant 0 : i32
          %dma_start3A_43 = tpu.memref_slice %arg11[%multiple_of3A, %dma_start3A_42] : memref<10016x128xf32, #tpu.memory_space<vmem_shared>> -> memref<16x128xf32, #tpu.memory_space<vmem_shared>>
          tpu.enqueue_dma source(%dma_start3A_43 : memref<16x128xf32, #tpu.memory_space<vmem_shared>>) target(%dma_start3A_41 : memref<16x128xf32, #tpu.memory_space<hbm>>) target_semaphore(%run_scoped3A : memref<!tpu.dma_semaphore, #tpu.memory_space<semaphore_mem>>)
          %dma_wait3A = arith.constant 0 : i32
          %dma_wait3A_44 = arith.constant 0 : i32
          %dma_wait3A_45 = tpu.memref_slice %arg6[%arg0, %add3A_33, %dma_wait3A, %dma_wait3A_44] : memref<2x625x16x128xf32, #tpu.memory_space<hbm>> -> memref<1x1x16x128xf32, #tpu.memory_space<hbm>>
          %dma_wait3A_46 = tpu.memref_squeeze %dma_wait3A_45 : memref<1x1x16x128xf32, #tpu.memory_space<hbm>> -> memref<16x128xf32, #tpu.memory_space<hbm>>
          %dma_wait3A_47 = arith.constant 0 : i32
          %dma_wait3A_48 = tpu.memref_slice %arg11[%multiple_of3A, %dma_wait3A_47] : memref<10016x128xf32, #tpu.memory_space<vmem_shared>> -> memref<16x128xf32, #tpu.memory_space<vmem_shared>>
          tpu.wait_dma2 semaphore(%run_scoped3A : memref<!tpu.dma_semaphore, #tpu.memory_space<semaphore_mem>>) src(%dma_wait3A_48 : memref<16x128xf32, #tpu.memory_space<vmem_shared>>) dst(%dma_wait3A_46 : memref<16x128xf32, #tpu.memory_space<hbm>>)
          tpu.yield
        }) : () -> ()
      } else {
      }
      %scan3A_36 = arith.constant 0 : i32
      scf.yield %scan3A_36 : i32
    }
    %scan3A_28 = arith.constant 40 : i32
    return
  }
}

module attributes {stable_mosaic.version = 14 : i64} {
  func.func @_edge_tc_body(%arg0: i32, %arg1: memref<2048x16xf32, #tpu.memory_space<vmem>>, %arg2: memref<16x128xf32, #tpu.memory_space<vmem>>, %arg3: memref<1x128xf32, #tpu.memory_space<vmem>>, %arg4: memref<2048x128xf32, #tpu.memory_space<vmem>>) attributes {dimension_semantics = [#tpu.dimension_semantics<arbitrary>], iteration_bounds = array<i64: 160>, scalar_prefetch = 0 : i64, scratch_operands = 0 : i64, tpu.core_type = #tpu.core_type<tc>, window_params = [{transform_indices = @transform_0, window_bounds = array<i64: 2048, 16>}, {pipeline_mode = #tpu.pipeline_mode<synchronous>, transform_indices = @transform_1, window_bounds = array<i64: 16, 128>}, {pipeline_mode = #tpu.pipeline_mode<synchronous>, transform_indices = @transform_2, window_bounds = array<i64: 1, 128>}, {transform_indices = @transform_3, window_bounds = array<i64: 2048, 128>}]} {
    %get3A = arith.constant 0 : index
    %get3A_0 = arith.constant 0 : index
    %get3A_1 = vector.load %arg1[%get3A, %get3A_0] : memref<2048x16xf32, #tpu.memory_space<vmem>>, vector<2048x16xf32>
    %get3A_2 = arith.constant 0 : index
    %get3A_3 = arith.constant 0 : index
    %get3A_4 = vector.load %arg2[%get3A_2, %get3A_3] : memref<16x128xf32, #tpu.memory_space<vmem>>, vector<16x128xf32>
    %dot_general3A = arith.constant dense<0.000000e+00> : vector<2048x128xf32>
    %dot_general3A_5 = tpu.matmul %get3A_1, %get3A_4, %dot_general3A {dimension_numbers = #tpu.dot_dimension_numbers<[1], [0], [0], [1], [0, 0, 1, 1], [], []>, transpose_lhs_hint = false} : vector<2048x16xf32>, vector<16x128xf32>, vector<2048x128xf32> -> vector<2048x128xf32>
    %get3A_6 = arith.constant 0 : index
    %get3A_7 = arith.constant 0 : index
    %get3A_8 = vector.load %arg3[%get3A_6, %get3A_7] : memref<1x128xf32, #tpu.memory_space<vmem>>, vector<1x128xf32>
    %add3A = vector.broadcast %get3A_8 : vector<1x128xf32> to vector<2048x128xf32>
    %add3A_9 = arith.addf %dot_general3A_5, %add3A : vector<2048x128xf32>
    %max3A = arith.constant 0.000000e+00 : f32
    %max3A_10 = vector.broadcast %max3A : f32 to vector<2048x128xf32>
    %max3A_11 = arith.maximumf %add3A_9, %max3A_10 : vector<2048x128xf32>
    %swap3A = arith.constant 0 : index
    %swap3A_12 = arith.constant 0 : index
    %swap3A_13 = vector.load %arg4[%swap3A, %swap3A_12] : memref<2048x128xf32, #tpu.memory_space<vmem>>, vector<2048x128xf32>
    tpu.vector_store %arg4[%swap3A, %swap3A_12], %max3A_11 {strides = array<i32>} : memref<2048x128xf32, #tpu.memory_space<vmem>>, vector<2048x128xf32>,
    return
  }
  func.func @transform_0(%arg0: i32) -> (i32, i32) {
    %c0_i32 = arith.constant 0 : i32
    %c0_i32_0 = arith.constant 0 : i32
    return %arg0, %c0_i32 : i32, i32
  }
  func.func @transform_1(%arg0: i32) -> (i32, i32) {
    %c0_i32 = arith.constant 0 : i32
    %c0_i32_0 = arith.constant 0 : i32
    %c0_i32_1 = arith.constant 0 : i32
    return %c0_i32, %c0_i32_0 : i32, i32
  }
  func.func @transform_2(%arg0: i32) -> (i32, i32) {
    %c0_i32 = arith.constant 0 : i32
    %c0_i32_0 = arith.constant 0 : i32
    %c0_i32_1 = arith.constant 0 : i32
    return %c0_i32, %c0_i32_0 : i32, i32
  }
  func.func @transform_3(%arg0: i32) -> (i32, i32) {
    %c0_i32 = arith.constant 0 : i32
    %c0_i32_0 = arith.constant 0 : i32
    return %arg0, %c0_i32 : i32, i32
  }
}

module attributes {stable_mosaic.version = 14 : i64} {
  func.func @_pre_tc_body(%arg0: i32, %arg1: memref<1000x16xf32, #tpu.memory_space<vmem>>, %arg2: memref<16x128xf32, #tpu.memory_space<vmem>>, %arg3: memref<1x128xf32, #tpu.memory_space<vmem>>, %arg4: memref<128x128xf32, #tpu.memory_space<vmem>>, %arg5: memref<1x128xf32, #tpu.memory_space<vmem>>, %arg6: memref<1000x128xf32, #tpu.memory_space<vmem>>) attributes {dimension_semantics = [#tpu.dimension_semantics<arbitrary>], iteration_bounds = array<i64: 10>, scalar_prefetch = 0 : i64, scratch_operands = 0 : i64, tpu.core_type = #tpu.core_type<tc>, window_params = [{transform_indices = @transform_0, window_bounds = array<i64: 1000, 16>}, {pipeline_mode = #tpu.pipeline_mode<synchronous>, transform_indices = @transform_1, window_bounds = array<i64: 16, 128>}, {pipeline_mode = #tpu.pipeline_mode<synchronous>, transform_indices = @transform_2, window_bounds = array<i64: 1, 128>}, {pipeline_mode = #tpu.pipeline_mode<synchronous>, transform_indices = @transform_3, window_bounds = array<i64: 128, 128>}, {pipeline_mode = #tpu.pipeline_mode<synchronous>, transform_indices = @transform_4, window_bounds = array<i64: 1, 128>}, {transform_indices = @transform_5, window_bounds = array<i64: 1000, 128>}]} {
    %get3A = arith.constant 0 : index
    %get3A_0 = arith.constant 0 : index
    %get3A_1 = vector.load %arg1[%get3A, %get3A_0] : memref<1000x16xf32, #tpu.memory_space<vmem>>, vector<1000x16xf32>
    %get3A_2 = arith.constant 0 : index
    %get3A_3 = arith.constant 0 : index
    %get3A_4 = vector.load %arg2[%get3A_2, %get3A_3] : memref<16x128xf32, #tpu.memory_space<vmem>>, vector<16x128xf32>
    %dot_general3A = arith.constant dense<0.000000e+00> : vector<1000x128xf32>
    %dot_general3A_5 = tpu.matmul %get3A_1, %get3A_4, %dot_general3A {dimension_numbers = #tpu.dot_dimension_numbers<[1], [0], [0], [1], [0, 0, 1, 1], [], []>, transpose_lhs_hint = false} : vector<1000x16xf32>, vector<16x128xf32>, vector<1000x128xf32> -> vector<1000x128xf32>
    %get3A_6 = arith.constant 0 : index
    %get3A_7 = arith.constant 0 : index
    %get3A_8 = vector.load %arg3[%get3A_6, %get3A_7] : memref<1x128xf32, #tpu.memory_space<vmem>>, vector<1x128xf32>
    %add3A = vector.broadcast %get3A_8 : vector<1x128xf32> to vector<1000x128xf32>
    %add3A_9 = arith.addf %dot_general3A_5, %add3A : vector<1000x128xf32>
    %max3A = arith.constant 0.000000e+00 : f32
    %max3A_10 = vector.broadcast %max3A : f32 to vector<1000x128xf32>
    %max3A_11 = arith.maximumf %add3A_9, %max3A_10 : vector<1000x128xf32>
    %neg3A = arith.constant 0.000000e+00 : f32
    %neg3A_12 = vector.broadcast %neg3A : f32 to vector<1000x128xf32>
    %neg3A_13 = arith.subf %neg3A_12, %dot_general3A_5 : vector<1000x128xf32>
    %get3A_14 = arith.constant 0 : index
    %get3A_15 = arith.constant 0 : index
    %get3A_16 = vector.load %arg3[%get3A_14, %get3A_15] : memref<1x128xf32, #tpu.memory_space<vmem>>, vector<1x128xf32>
    %add3A_17 = vector.broadcast %get3A_16 : vector<1x128xf32> to vector<1000x128xf32>
    %add3A_18 = arith.addf %neg3A_13, %add3A_17 : vector<1000x128xf32>
    %max3A_19 = arith.constant 0.000000e+00 : f32
    %max3A_20 = vector.broadcast %max3A_19 : f32 to vector<1000x128xf32>
    %max3A_21 = arith.maximumf %add3A_18, %max3A_20 : vector<1000x128xf32>
    %add3A_22 = arith.addf %max3A_11, %max3A_21 : vector<1000x128xf32>
    %get3A_23 = arith.constant 0 : index
    %get3A_24 = arith.constant 0 : index
    %get3A_25 = vector.load %arg4[%get3A_23, %get3A_24] : memref<128x128xf32, #tpu.memory_space<vmem>>, vector<128x128xf32>
    %dot_general3A_26 = arith.constant dense<0.000000e+00> : vector<1000x128xf32>
    %dot_general3A_27 = tpu.matmul %add3A_22, %get3A_25, %dot_general3A_26 {dimension_numbers = #tpu.dot_dimension_numbers<[1], [0], [0], [1], [0, 0, 1, 1], [], []>, transpose_lhs_hint = false} : vector<1000x128xf32>, vector<128x128xf32>, vector<1000x128xf32> -> vector<1000x128xf32>
    %get3A_28 = arith.constant 0 : index
    %get3A_29 = arith.constant 0 : index
    %get3A_30 = vector.load %arg5[%get3A_28, %get3A_29] : memref<1x128xf32, #tpu.memory_space<vmem>>, vector<1x128xf32>
    %add3A_31 = vector.broadcast %get3A_30 : vector<1x128xf32> to vector<1000x128xf32>
    %add3A_32 = arith.addf %dot_general3A_27, %add3A_31 : vector<1000x128xf32>
    %swap3A = arith.constant 0 : index
    %swap3A_33 = arith.constant 0 : index
    %swap3A_34 = vector.load %arg6[%swap3A, %swap3A_33] : memref<1000x128xf32, #tpu.memory_space<vmem>>, vector<1000x128xf32>
    tpu.vector_store %arg6[%swap3A, %swap3A_33], %add3A_32 {strides = array<i32>} : memref<1000x128xf32, #tpu.memory_space<vmem>>, vector<1000x128xf32>,
    return
  }
  func.func @transform_0(%arg0: i32) -> (i32, i32) {
    %c0_i32 = arith.constant 0 : i32
    %c0_i32_0 = arith.constant 0 : i32
    return %arg0, %c0_i32 : i32, i32
  }
  func.func @transform_1(%arg0: i32) -> (i32, i32) {
    %c0_i32 = arith.constant 0 : i32
    %c0_i32_0 = arith.constant 0 : i32
    %c0_i32_1 = arith.constant 0 : i32
    return %c0_i32, %c0_i32_0 : i32, i32
  }
  func.func @transform_2(%arg0: i32) -> (i32, i32) {
    %c0_i32 = arith.constant 0 : i32
    %c0_i32_0 = arith.constant 0 : i32
    %c0_i32_1 = arith.constant 0 : i32
    return %c0_i32, %c0_i32_0 : i32, i32
  }
  func.func @transform_3(%arg0: i32) -> (i32, i32) {
    %c0_i32 = arith.constant 0 : i32
    %c0_i32_0 = arith.constant 0 : i32
    %c0_i32_1 = arith.constant 0 : i32
    return %c0_i32, %c0_i32_0 : i32, i32
  }
  func.func @transform_4(%arg0: i32) -> (i32, i32) {
    %c0_i32 = arith.constant 0 : i32
    %c0_i32_0 = arith.constant 0 : i32
    %c0_i32_1 = arith.constant 0 : i32
    return %c0_i32, %c0_i32_0 : i32, i32
  }
  func.func @transform_5(%arg0: i32) -> (i32, i32) {
    %c0_i32 = arith.constant 0 : i32
    %c0_i32_0 = arith.constant 0 : i32
    return %arg0, %c0_i32 : i32, i32
  }
}

module attributes {stable_mosaic.version = 14 : i64} {
  func.func @_qkv_tc_body(%arg0: i32, %arg1: memref<1000x128xf32, #tpu.memory_space<vmem>>, %arg2: memref<1000x128xf32, #tpu.memory_space<vmem>>, %arg3: memref<1000x128xf32, #tpu.memory_space<vmem>>, %arg4: memref<1000x128xf32, #tpu.memory_space<vmem>>, %arg5: memref<128x128xf32, #tpu.memory_space<vmem>>, %arg6: memref<1x128xf32, #tpu.memory_space<vmem>>, %arg7: memref<128x128xf32, #tpu.memory_space<vmem>>, %arg8: memref<1x128xf32, #tpu.memory_space<vmem>>, %arg9: memref<128x128xf32, #tpu.memory_space<vmem>>, %arg10: memref<1x128xf32, #tpu.memory_space<vmem>>, %arg11: memref<1000x128xf32, #tpu.memory_space<vmem>>, %arg12: memref<1000x128xf32, #tpu.memory_space<vmem>>, %arg13: memref<1000x128xf32, #tpu.memory_space<vmem>>) attributes {dimension_semantics = [#tpu.dimension_semantics<arbitrary>], iteration_bounds = array<i64: 10>, scalar_prefetch = 0 : i64, scratch_operands = 0 : i64, tpu.core_type = #tpu.core_type<tc>, window_params = [{transform_indices = @transform_0, window_bounds = array<i64: 1000, 128>}, {transform_indices = @transform_1, window_bounds = array<i64: 1000, 128>}, {transform_indices = @transform_2, window_bounds = array<i64: 1000, 128>}, {transform_indices = @transform_3, window_bounds = array<i64: 1000, 128>}, {pipeline_mode = #tpu.pipeline_mode<synchronous>, transform_indices = @transform_4, window_bounds = array<i64: 128, 128>}, {pipeline_mode = #tpu.pipeline_mode<synchronous>, transform_indices = @transform_5, window_bounds = array<i64: 1, 128>}, {pipeline_mode = #tpu.pipeline_mode<synchronous>, transform_indices = @transform_6, window_bounds = array<i64: 128, 128>}, {pipeline_mode = #tpu.pipeline_mode<synchronous>, transform_indices = @transform_7, window_bounds = array<i64: 1, 128>}, {pipeline_mode = #tpu.pipeline_mode<synchronous>, transform_indices = @transform_8, window_bounds = array<i64: 128, 128>}, {pipeline_mode = #tpu.pipeline_mode<synchronous>, transform_indices = @transform_9, window_bounds = array<i64: 1, 128>}, {transform_indices = @transform_10, window_bounds = array<i64: 1000, 128>}, {transform_indices = @transform_11, window_bounds = array<i64: 1000, 128>}, {transform_indices = @transform_12, window_bounds = array<i64: 1000, 128>}]} {
    %get3A = arith.constant 0 : index
    %get3A_0 = arith.constant 0 : index
    %get3A_1 = vector.load %arg1[%get3A, %get3A_0] : memref<1000x128xf32, #tpu.memory_space<vmem>>, vector<1000x128xf32>
    %get3A_2 = arith.constant 0 : index
    %get3A_3 = arith.constant 0 : index
    %get3A_4 = vector.load %arg2[%get3A_2, %get3A_3] : memref<1000x128xf32, #tpu.memory_space<vmem>>, vector<1000x128xf32>
    %add3A = arith.addf %get3A_1, %get3A_4 : vector<1000x128xf32>
    %get3A_5 = arith.constant 0 : index
    %get3A_6 = arith.constant 0 : index
    %get3A_7 = vector.load %arg3[%get3A_5, %get3A_6] : memref<1000x128xf32, #tpu.memory_space<vmem>>, vector<1000x128xf32>
    %add3A_8 = arith.addf %add3A, %get3A_7 : vector<1000x128xf32>
    %get3A_9 = arith.constant 0 : index
    %get3A_10 = arith.constant 0 : index
    %get3A_11 = vector.load %arg4[%get3A_9, %get3A_10] : memref<1000x128xf32, #tpu.memory_space<vmem>>, vector<1000x128xf32>
    %add3A_12 = arith.addf %add3A_8, %get3A_11 : vector<1000x128xf32>
    %get3A_13 = arith.constant 0 : index
    %get3A_14 = arith.constant 0 : index
    %get3A_15 = vector.load %arg5[%get3A_13, %get3A_14] : memref<128x128xf32, #tpu.memory_space<vmem>>, vector<128x128xf32>
    %dot_general3A = arith.constant dense<0.000000e+00> : vector<1000x128xf32>
    %dot_general3A_16 = tpu.matmul %add3A_12, %get3A_15, %dot_general3A {dimension_numbers = #tpu.dot_dimension_numbers<[1], [0], [0], [1], [0, 0, 1, 1], [], []>, transpose_lhs_hint = false} : vector<1000x128xf32>, vector<128x128xf32>, vector<1000x128xf32> -> vector<1000x128xf32>
    %get3A_17 = arith.constant 0 : index
    %get3A_18 = arith.constant 0 : index
    %get3A_19 = vector.load %arg6[%get3A_17, %get3A_18] : memref<1x128xf32, #tpu.memory_space<vmem>>, vector<1x128xf32>
    %add3A_20 = vector.broadcast %get3A_19 : vector<1x128xf32> to vector<1000x128xf32>
    %add3A_21 = arith.addf %dot_general3A_16, %add3A_20 : vector<1000x128xf32>
    %swap3A = arith.constant 0 : index
    %swap3A_22 = arith.constant 0 : index
    %swap3A_23 = vector.load %arg11[%swap3A, %swap3A_22] : memref<1000x128xf32, #tpu.memory_space<vmem>>, vector<1000x128xf32>
    tpu.vector_store %arg11[%swap3A, %swap3A_22], %add3A_21 {strides = array<i32>} : memref<1000x128xf32, #tpu.memory_space<vmem>>, vector<1000x128xf32>,
    %get3A_24 = arith.constant 0 : index
    %get3A_25 = arith.constant 0 : index
    %get3A_26 = vector.load %arg7[%get3A_24, %get3A_25] : memref<128x128xf32, #tpu.memory_space<vmem>>, vector<128x128xf32>
    %dot_general3A_27 = arith.constant dense<0.000000e+00> : vector<1000x128xf32>
    %dot_general3A_28 = tpu.matmul %add3A_12, %get3A_26, %dot_general3A_27 {dimension_numbers = #tpu.dot_dimension_numbers<[1], [0], [0], [1], [0, 0, 1, 1], [], []>, transpose_lhs_hint = false} : vector<1000x128xf32>, vector<128x128xf32>, vector<1000x128xf32> -> vector<1000x128xf32>
    %get3A_29 = arith.constant 0 : index
    %get3A_30 = arith.constant 0 : index
    %get3A_31 = vector.load %arg8[%get3A_29, %get3A_30] : memref<1x128xf32, #tpu.memory_space<vmem>>, vector<1x128xf32>
    %add3A_32 = vector.broadcast %get3A_31 : vector<1x128xf32> to vector<1000x128xf32>
    %add3A_33 = arith.addf %dot_general3A_28, %add3A_32 : vector<1000x128xf32>
    %swap3A_34 = arith.constant 0 : index
    %swap3A_35 = arith.constant 0 : index
    %swap3A_36 = vector.load %arg12[%swap3A_34, %swap3A_35] : memref<1000x128xf32, #tpu.memory_space<vmem>>, vector<1000x128xf32>
    tpu.vector_store %arg12[%swap3A_34, %swap3A_35], %add3A_33 {strides = array<i32>} : memref<1000x128xf32, #tpu.memory_space<vmem>>, vector<1000x128xf32>,
    %get3A_37 = arith.constant 0 : index
    %get3A_38 = arith.constant 0 : index
    %get3A_39 = vector.load %arg9[%get3A_37, %get3A_38] : memref<128x128xf32, #tpu.memory_space<vmem>>, vector<128x128xf32>
    %dot_general3A_40 = arith.constant dense<0.000000e+00> : vector<1000x128xf32>
    %dot_general3A_41 = tpu.matmul %add3A_12, %get3A_39, %dot_general3A_40 {dimension_numbers = #tpu.dot_dimension_numbers<[1], [0], [0], [1], [0, 0, 1, 1], [], []>, transpose_lhs_hint = false} : vector<1000x128xf32>, vector<128x128xf32>, vector<1000x128xf32> -> vector<1000x128xf32>
    %get3A_42 = arith.constant 0 : index
    %get3A_43 = arith.constant 0 : index
    %get3A_44 = vector.load %arg10[%get3A_42, %get3A_43] : memref<1x128xf32, #tpu.memory_space<vmem>>, vector<1x128xf32>
    %add3A_45 = vector.broadcast %get3A_44 : vector<1x128xf32> to vector<1000x128xf32>
    %add3A_46 = arith.addf %dot_general3A_41, %add3A_45 : vector<1000x128xf32>
    %swap3A_47 = arith.constant 0 : index
    %swap3A_48 = arith.constant 0 : index
    %swap3A_49 = vector.load %arg13[%swap3A_47, %swap3A_48] : memref<1000x128xf32, #tpu.memory_space<vmem>>, vector<1000x128xf32>
    tpu.vector_store %arg13[%swap3A_47, %swap3A_48], %add3A_46 {strides = array<i32>} : memref<1000x128xf32, #tpu.memory_space<vmem>>, vector<1000x128xf32>,
    return
  }
  func.func @transform_0(%arg0: i32) -> (i32, i32) {
    %c0_i32 = arith.constant 0 : i32
    %c0_i32_0 = arith.constant 0 : i32
    return %arg0, %c0_i32 : i32, i32
  }
  func.func @transform_1(%arg0: i32) -> (i32, i32) {
    %c0_i32 = arith.constant 0 : i32
    %c0_i32_0 = arith.constant 0 : i32
    return %arg0, %c0_i32 : i32, i32
  }
  func.func @transform_2(%arg0: i32) -> (i32, i32) {
    %c0_i32 = arith.constant 0 : i32
    %c0_i32_0 = arith.constant 0 : i32
    return %arg0, %c0_i32 : i32, i32
  }
  func.func @transform_3(%arg0: i32) -> (i32, i32) {
    %c0_i32 = arith.constant 0 : i32
    %c0_i32_0 = arith.constant 0 : i32
    return %arg0, %c0_i32 : i32, i32
  }
  func.func @transform_4(%arg0: i32) -> (i32, i32) {
    %c0_i32 = arith.constant 0 : i32
    %c0_i32_0 = arith.constant 0 : i32
    %c0_i32_1 = arith.constant 0 : i32
    return %c0_i32, %c0_i32_0 : i32, i32
  }
  func.func @transform_5(%arg0: i32) -> (i32, i32) {
    %c0_i32 = arith.constant 0 : i32
    %c0_i32_0 = arith.constant 0 : i32
    %c0_i32_1 = arith.constant 0 : i32
    return %c0_i32, %c0_i32_0 : i32, i32
  }
  func.func @transform_6(%arg0: i32) -> (i32, i32) {
    %c0_i32 = arith.constant 0 : i32
    %c0_i32_0 = arith.constant 0 : i32
    %c0_i32_1 = arith.constant 0 : i32
    return %c0_i32, %c0_i32_0 : i32, i32
  }
  func.func @transform_7(%arg0: i32) -> (i32, i32) {
    %c0_i32 = arith.constant 0 : i32
    %c0_i32_0 = arith.constant 0 : i32
    %c0_i32_1 = arith.constant 0 : i32
    return %c0_i32, %c0_i32_0 : i32, i32
  }
  func.func @transform_8(%arg0: i32) -> (i32, i32) {
    %c0_i32 = arith.constant 0 : i32
    %c0_i32_0 = arith.constant 0 : i32
    %c0_i32_1 = arith.constant 0 : i32
    return %c0_i32, %c0_i32_0 : i32, i32
  }
  func.func @transform_9(%arg0: i32) -> (i32, i32) {
    %c0_i32 = arith.constant 0 : i32
    %c0_i32_0 = arith.constant 0 : i32
    %c0_i32_1 = arith.constant 0 : i32
    return %c0_i32, %c0_i32_0 : i32, i32
  }
  func.func @transform_10(%arg0: i32) -> (i32, i32) {
    %c0_i32 = arith.constant 0 : i32
    %c0_i32_0 = arith.constant 0 : i32
    return %arg0, %c0_i32 : i32, i32
  }
  func.func @transform_11(%arg0: i32) -> (i32, i32) {
    %c0_i32 = arith.constant 0 : i32
    %c0_i32_0 = arith.constant 0 : i32
    return %arg0, %c0_i32 : i32, i32
  }
  func.func @transform_12(%arg0: i32) -> (i32, i32) {
    %c0_i32 = arith.constant 0 : i32
    %c0_i32_0 = arith.constant 0 : i32
    return %arg0, %c0_i32 : i32, i32
  }
}

module attributes {stable_mosaic.version = 14 : i64} {
  func.func @_ex_tc_body(%arg0: i32, %arg1: memref<2048x128xf32, #tpu.memory_space<vmem>>, %arg2: memref<2048x128xf32, #tpu.memory_space<vmem>>) attributes {dimension_semantics = [#tpu.dimension_semantics<arbitrary>], iteration_bounds = array<i64: 160>, scalar_prefetch = 0 : i64, scratch_operands = 0 : i64, tpu.core_type = #tpu.core_type<tc>, window_params = [{transform_indices = @transform_0, window_bounds = array<i64: 2048, 128>}, {transform_indices = @transform_1, window_bounds = array<i64: 2048, 128>}]} {
    %iota3A = tpu.iota {dimensions = array<i32: 0>} : vector<128x8xi32>
    %jit3A = arith.constant 16 : i32
    %div3A = vector.broadcast %jit3A : i32 to vector<128x8xi32>
    %div3A_0 = arith.divsi %iota3A, %div3A : vector<128x8xi32>
    %sign3A = arith.constant 0 : i32
    %sign3A_1 = vector.broadcast %sign3A : i32 to vector<128x8xi32>
    %sign3A_2 = arith.cmpi sgt, %iota3A, %sign3A_1 : vector<128x8xi32>
    %sign3A_3 = arith.extui %sign3A_2 : vector<128x8xi1> to vector<128x8xi32>
    %sign3A_4 = arith.constant 0 : i32
    %sign3A_5 = vector.broadcast %sign3A_4 : i32 to vector<128x8xi32>
    %sign3A_6 = arith.cmpi slt, %iota3A, %sign3A_5 : vector<128x8xi32>
    %sign3A_7 = arith.extui %sign3A_6 : vector<128x8xi1> to vector<128x8xi32>
    %sign3A_8 = arith.subi %sign3A_3, %sign3A_7 : vector<128x8xi32>
    %sign3A_9 = arith.constant 0 : i32
    %sign3A_10 = arith.cmpi sgt, %jit3A, %sign3A_9 : i32
    %sign3A_11 = arith.extui %sign3A_10 : i1 to i32
    %sign3A_12 = arith.constant 0 : i32
    %sign3A_13 = arith.cmpi slt, %jit3A, %sign3A_12 : i32
    %sign3A_14 = arith.extui %sign3A_13 : i1 to i32
    %sign3A_15 = arith.subi %sign3A_11, %sign3A_14 : i32
    %ne3A = vector.broadcast %sign3A_15 : i32 to vector<128x8xi32>
    %ne3A_16 = arith.cmpi ne, %sign3A_8, %ne3A : vector<128x8xi32>
    %rem3A = vector.broadcast %jit3A : i32 to vector<128x8xi32>
    %rem3A_17 = arith.remsi %iota3A, %rem3A : vector<128x8xi32>
    %ne3A_18 = arith.constant 0 : i32
    %ne3A_19 = vector.broadcast %ne3A_18 : i32 to vector<128x8xi32>
    %ne3A_20 = arith.cmpi ne, %rem3A_17, %ne3A_19 : vector<128x8xi32>
    %and3A = arith.andi %ne3A_16, %ne3A_20 : vector<128x8xi1>
    %sub3A = arith.constant 1 : i32
    %sub3A_21 = vector.broadcast %sub3A : i32 to vector<128x8xi32>
    %sub3A_22 = arith.subi %div3A_0, %sub3A_21 : vector<128x8xi32>
    %select_n3A = arith.select %and3A, %sub3A_22, %div3A_0 : vector<128x8xi1>, vector<128x8xi32>
    %iota3A_23 = tpu.iota {dimensions = array<i32: 1>} : vector<128x8xi32>
    %eq3A = arith.cmpi eq, %select_n3A, %iota3A_23 : vector<128x8xi32>
    %convert_element_type3A = arith.extui %eq3A : vector<128x8xi1> to vector<128x8xi32>
    %convert_element_type3A_24 = arith.sitofp %convert_element_type3A : vector<128x8xi32> to vector<128x8xf32>
    %get3A = arith.constant 0 : index
    %get3A_25 = arith.constant 0 : index
    %get3A_26 = vector.load %arg1[%get3A, %get3A_25] : memref<2048x128xf32, #tpu.memory_space<vmem>>, vector<2048x128xf32>
    %dot_general3A = arith.constant dense<0.000000e+00> : vector<2048x8xf32>
    %dot_general3A_27 = tpu.matmul %get3A_26, %convert_element_type3A_24, %dot_general3A {dimension_numbers = #tpu.dot_dimension_numbers<[1], [0], [0], [1], [0, 0, 1, 1], [], []>, precision = #tpu.contract_precision<fp32>, transpose_lhs_hint = false} : vector<2048x128xf32>, vector<128x8xf32>, vector<2048x8xf32> -> vector<2048x8xf32>
    %mul3A = arith.constant 2.500000e-01 : f32
    %mul3A_28 = vector.broadcast %mul3A : f32 to vector<2048x8xf32>
    %mul3A_29 = arith.mulf %dot_general3A_27, %mul3A_28 : vector<2048x8xf32>
    %exp3A = math.exp %mul3A_29 : vector<2048x8xf32>
    %iota3A_30 = tpu.iota {dimensions = array<i32: 0>} : vector<8x128xi32>
    %iota3A_31 = tpu.iota {dimensions = array<i32: 1>} : vector<8x128xi32>
    %jit3A_32 = arith.constant 16 : i32
    %div3A_33 = vector.broadcast %jit3A_32 : i32 to vector<8x128xi32>
    %div3A_34 = arith.divsi %iota3A_31, %div3A_33 : vector<8x128xi32>
    %sign3A_35 = arith.constant 0 : i32
    %sign3A_36 = vector.broadcast %sign3A_35 : i32 to vector<8x128xi32>
    %sign3A_37 = arith.cmpi sgt, %iota3A_31, %sign3A_36 : vector<8x128xi32>
    %sign3A_38 = arith.extui %sign3A_37 : vector<8x128xi1> to vector<8x128xi32>
    %sign3A_39 = arith.constant 0 : i32
    %sign3A_40 = vector.broadcast %sign3A_39 : i32 to vector<8x128xi32>
    %sign3A_41 = arith.cmpi slt, %iota3A_31, %sign3A_40 : vector<8x128xi32>
    %sign3A_42 = arith.extui %sign3A_41 : vector<8x128xi1> to vector<8x128xi32>
    %sign3A_43 = arith.subi %sign3A_38, %sign3A_42 : vector<8x128xi32>
    %sign3A_44 = arith.constant 0 : i32
    %sign3A_45 = arith.cmpi sgt, %jit3A_32, %sign3A_44 : i32
    %sign3A_46 = arith.extui %sign3A_45 : i1 to i32
    %sign3A_47 = arith.constant 0 : i32
    %sign3A_48 = arith.cmpi slt, %jit3A_32, %sign3A_47 : i32
    %sign3A_49 = arith.extui %sign3A_48 : i1 to i32
    %sign3A_50 = arith.subi %sign3A_46, %sign3A_49 : i32
    %ne3A_51 = vector.broadcast %sign3A_50 : i32 to vector<8x128xi32>
    %ne3A_52 = arith.cmpi ne, %sign3A_43, %ne3A_51 : vector<8x128xi32>
    %rem3A_53 = vector.broadcast %jit3A_32 : i32 to vector<8x128xi32>
    %rem3A_54 = arith.remsi %iota3A_31, %rem3A_53 : vector<8x128xi32>
    %ne3A_55 = arith.constant 0 : i32
    %ne3A_56 = vector.broadcast %ne3A_55 : i32 to vector<8x128xi32>
    %ne3A_57 = arith.cmpi ne, %rem3A_54, %ne3A_56 : vector<8x128xi32>
    %and3A_58 = arith.andi %ne3A_52, %ne3A_57 : vector<8x128xi1>
    %sub3A_59 = arith.constant 1 : i32
    %sub3A_60 = vector.broadcast %sub3A_59 : i32 to vector<8x128xi32>
    %sub3A_61 = arith.subi %div3A_34, %sub3A_60 : vector<8x128xi32>
    %select_n3A_62 = arith.select %and3A_58, %sub3A_61, %div3A_34 : vector<8x128xi1>, vector<8x128xi32>
    %eq3A_63 = arith.cmpi eq, %iota3A_30, %select_n3A_62 : vector<8x128xi32>
    %convert_element_type3A_64 = arith.extui %eq3A_63 : vector<8x128xi1> to vector<8x128xi32>
    %convert_element_type3A_65 = arith.sitofp %convert_element_type3A_64 : vector<8x128xi32> to vector<8x128xf32>
    %dot_general3A_66 = arith.constant dense<0.000000e+00> : vector<2048x128xf32>
    %dot_general3A_67 = tpu.matmul %exp3A, %convert_element_type3A_65, %dot_general3A_66 {dimension_numbers = #tpu.dot_dimension_numbers<[1], [0], [0], [1], [0, 0, 1, 1], [], []>, precision = #tpu.contract_precision<fp32>, transpose_lhs_hint = false} : vector<2048x8xf32>, vector<8x128xf32>, vector<2048x128xf32> -> vector<2048x128xf32>
    %swap3A = arith.constant 0 : index
    %swap3A_68 = arith.constant 0 : index
    %swap3A_69 = vector.load %arg2[%swap3A, %swap3A_68] : memref<2048x128xf32, #tpu.memory_space<vmem>>, vector<2048x128xf32>
    tpu.vector_store %arg2[%swap3A, %swap3A_68], %dot_general3A_67 {strides = array<i32>} : memref<2048x128xf32, #tpu.memory_space<vmem>>, vector<2048x128xf32>,
    return
  }
  func.func @transform_0(%arg0: i32) -> (i32, i32) {
    %c0_i32 = arith.constant 0 : i32
    %c0_i32_0 = arith.constant 0 : i32
    return %arg0, %c0_i32 : i32, i32
  }
  func.func @transform_1(%arg0: i32) -> (i32, i32) {
    %c0_i32 = arith.constant 0 : i32
    %c0_i32_0 = arith.constant 0 : i32
    return %arg0, %c0_i32 : i32, i32
  }
}

module attributes {stable_mosaic.version = 14 : i64} {
  func.func @_fin_tc_body(%arg0: i32, %arg1: memref<1000x128xf32, #tpu.memory_space<vmem>>, %arg2: memref<1000x128xf32, #tpu.memory_space<vmem>>, %arg3: memref<1x1x1000xi32, #tpu.memory_space<vmem>>, %arg4: memref<128x64xf32, #tpu.memory_space<vmem>>, %arg5: memref<1x64xf32, #tpu.memory_space<vmem>>, %arg6: memref<64x1xf32, #tpu.memory_space<vmem>>, %arg7: memref<1x1xf32, #tpu.memory_space<vmem>>, %arg8: memref<256x1xf32, #tpu.memory_space<vmem>>, %arg9: memref<256x128xf32, #tpu.memory_space<vmem>>, %arg10: memref<256x128xf32, #tpu.memory_space<vmem>>) attributes {dimension_semantics = [#tpu.dimension_semantics<arbitrary>], iteration_bounds = array<i64: 10>, scalar_prefetch = 0 : i64, scratch_operands = 2 : i64, tpu.core_type = #tpu.core_type<tc>, window_params = [{transform_indices = @transform_0, window_bounds = array<i64: 1000, 128>}, {transform_indices = @transform_1, window_bounds = array<i64: 1000, 128>}, {transform_indices = @transform_2, window_bounds = array<i64: 1, 1, 1000>}, {pipeline_mode = #tpu.pipeline_mode<synchronous>, transform_indices = @transform_3, window_bounds = array<i64: 128, 64>}, {pipeline_mode = #tpu.pipeline_mode<synchronous>, transform_indices = @transform_4, window_bounds = array<i64: 1, 64>}, {pipeline_mode = #tpu.pipeline_mode<synchronous>, transform_indices = @transform_5, window_bounds = array<i64: 64, 1>}, {pipeline_mode = #tpu.pipeline_mode<synchronous>, transform_indices = @transform_6, window_bounds = array<i64: 1, 1>}, {pipeline_mode = #tpu.pipeline_mode<synchronous>, transform_indices = @transform_7, window_bounds = array<i64: 256, 1>}]} {
    %get3A = arith.constant 0 : index
    %get3A_0 = arith.constant 0 : index
    %get3A_1 = vector.load %arg1[%get3A, %get3A_0] : memref<1000x128xf32, #tpu.memory_space<vmem>>, vector<1000x128xf32>
    %get3A_2 = arith.constant 0 : index
    %get3A_3 = arith.constant 0 : index
    %get3A_4 = vector.load %arg2[%get3A_2, %get3A_3] : memref<1000x128xf32, #tpu.memory_space<vmem>>, vector<1000x128xf32>
    %add3A = arith.constant 1.000000e-16 : f32
    %add3A_5 = vector.broadcast %add3A : f32 to vector<1000x128xf32>
    %add3A_6 = arith.addf %get3A_4, %add3A_5 : vector<1000x128xf32>
    %div3A = arith.divf %get3A_1, %add3A_6 : vector<1000x128xf32>
    %get3A_7 = arith.constant 0 : index
    %get3A_8 = arith.constant 0 : index
    %get3A_9 = arith.constant 0 : index
    %get3A_10 = vector.load %arg3[%get3A_7, %get3A_8, %get3A_9] : memref<1x1x1000xi32, #tpu.memory_space<vmem>>, vector<1x1x1000xi32>
    %get3A_11 = vector.shape_cast %get3A_10 : vector<1x1x1000xi32> to vector<1000xi32>
    %iota3A = tpu.iota {dimensions = array<i32: 0>} : vector<256x1000xi32>
    %broadcast_in_dim3A = vector.shape_cast %get3A_11 : vector<1000xi32> to vector<1x1000xi32>
    %eq3A = vector.broadcast %broadcast_in_dim3A : vector<1x1000xi32> to vector<256x1000xi32>
    %eq3A_12 = arith.cmpi eq, %iota3A, %eq3A : vector<256x1000xi32>
    %convert_element_type3A = arith.extui %eq3A_12 : vector<256x1000xi1> to vector<256x1000xi32>
    %convert_element_type3A_13 = arith.sitofp %convert_element_type3A : vector<256x1000xi32> to vector<256x1000xf32>
    %dot_general3A = arith.constant dense<0.000000e+00> : vector<256x128xf32>
    %dot_general3A_14 = tpu.matmul %convert_element_type3A_13, %div3A, %dot_general3A {dimension_numbers = #tpu.dot_dimension_numbers<[1], [0], [0], [1], [0, 0, 1, 1], [], []>, precision = #tpu.contract_precision<fp32>, transpose_lhs_hint = false} : vector<256x1000xf32>, vector<1000x128xf32>, vector<256x128xf32> -> vector<256x128xf32>
    %broadcast_in_dim3A_15 = arith.constant 1.000000e+00 : f32
    %broadcast_in_dim3A_16 = vector.broadcast %broadcast_in_dim3A_15 : f32 to vector<1000x128xf32>
    %dot_general3A_17 = arith.constant dense<0.000000e+00> : vector<256x128xf32>
    %dot_general3A_18 = tpu.matmul %convert_element_type3A_13, %broadcast_in_dim3A_16, %dot_general3A_17 {dimension_numbers = #tpu.dot_dimension_numbers<[1], [0], [0], [1], [0, 0, 1, 1], [], []>, precision = #tpu.contract_precision<fp32>, transpose_lhs_hint = false} : vector<256x1000xf32>, vector<1000x128xf32>, vector<256x128xf32> -> vector<256x128xf32>
    %eq3A_19 = arith.constant 0 : i32
    %eq3A_20 = arith.cmpi eq, %arg0, %eq3A_19 : i32
    %convert_element_type3A_21 = arith.extui %eq3A_20 : i1 to i32
    %cond3A = arith.constant 0 : i32
    %cond3A_22 = arith.cmpi ne, %convert_element_type3A_21, %cond3A : i32
    scf.if %cond3A_22 {
      %swap3A = arith.constant 0 : index
      %swap3A_32 = arith.constant 0 : index
      %swap3A_33 = vector.load %arg9[%swap3A, %swap3A_32] : memref<256x128xf32, #tpu.memory_space<vmem>>, vector<256x128xf32>
      tpu.vector_store %arg9[%swap3A, %swap3A_32], %dot_general3A_14 {strides = array<i32>} : memref<256x128xf32, #tpu.memory_space<vmem>>, vector<256x128xf32>,
      %swap3A_34 = arith.constant 0 : index
      %swap3A_35 = arith.constant 0 : index
      %swap3A_36 = vector.load %arg10[%swap3A_34, %swap3A_35] : memref<256x128xf32, #tpu.memory_space<vmem>>, vector<256x128xf32>
      tpu.vector_store %arg10[%swap3A_34, %swap3A_35], %dot_general3A_18 {strides = array<i32>} : memref<256x128xf32, #tpu.memory_space<vmem>>, vector<256x128xf32>,
    } else {
    }
    %gt3A = arith.constant 0 : i32
    %gt3A_23 = arith.cmpi sgt, %arg0, %gt3A : i32
    %convert_element_type3A_24 = arith.extui %gt3A_23 : i1 to i32
    %cond3A_25 = arith.constant 0 : i32
    %cond3A_26 = arith.cmpi ne, %convert_element_type3A_24, %cond3A_25 : i32
    scf.if %cond3A_26 {
      %get3A_32 = arith.constant 0 : index
      %get3A_33 = arith.constant 0 : index
      %get3A_34 = vector.load %arg9[%get3A_32, %get3A_33] : memref<256x128xf32, #tpu.memory_space<vmem>>, vector<256x128xf32>
      %add3A_35 = arith.addf %get3A_34, %dot_general3A_14 : vector<256x128xf32>
      %swap3A = arith.constant 0 : index
      %swap3A_36 = arith.constant 0 : index
      %swap3A_37 = vector.load %arg9[%swap3A, %swap3A_36] : memref<256x128xf32, #tpu.memory_space<vmem>>, vector<256x128xf32>
      tpu.vector_store %arg9[%swap3A, %swap3A_36], %add3A_35 {strides = array<i32>} : memref<256x128xf32, #tpu.memory_space<vmem>>, vector<256x128xf32>,
      %get3A_38 = arith.constant 0 : index
      %get3A_39 = arith.constant 0 : index
      %get3A_40 = vector.load %arg10[%get3A_38, %get3A_39] : memref<256x128xf32, #tpu.memory_space<vmem>>, vector<256x128xf32>
      %add3A_41 = arith.addf %get3A_40, %dot_general3A_18 : vector<256x128xf32>
      %swap3A_42 = arith.constant 0 : index
      %swap3A_43 = arith.constant 0 : index
      %swap3A_44 = vector.load %arg10[%swap3A_42, %swap3A_43] : memref<256x128xf32, #tpu.memory_space<vmem>>, vector<256x128xf32>
      tpu.vector_store %arg10[%swap3A_42, %swap3A_43], %add3A_41 {strides = array<i32>} : memref<256x128xf32, #tpu.memory_space<vmem>>, vector<256x128xf32>,
    } else {
    }
    %eq3A_27 = arith.constant 9 : i32
    %eq3A_28 = arith.cmpi eq, %arg0, %eq3A_27 : i32
    %convert_element_type3A_29 = arith.extui %eq3A_28 : i1 to i32
    %cond3A_30 = arith.constant 0 : i32
    %cond3A_31 = arith.cmpi ne, %convert_element_type3A_29, %cond3A_30 : i32
    scf.if %cond3A_31 {
      %get3A_32 = arith.constant 0 : index
      %get3A_33 = arith.constant 0 : index
      %get3A_34 = vector.load %arg9[%get3A_32, %get3A_33] : memref<256x128xf32, #tpu.memory_space<vmem>>, vector<256x128xf32>
      %get3A_35 = arith.constant 0 : index
      %get3A_36 = arith.constant 0 : index
      %get3A_37 = vector.load %arg10[%get3A_35, %get3A_36] : memref<256x128xf32, #tpu.memory_space<vmem>>, vector<256x128xf32>
      %max3A = arith.constant 1.000000e+00 : f32
      %max3A_38 = vector.broadcast %max3A : f32 to vector<256x128xf32>
      %max3A_39 = arith.maximumf %get3A_37, %max3A_38 : vector<256x128xf32>
      %div3A_40 = arith.divf %get3A_34, %max3A_39 : vector<256x128xf32>
      %get3A_41 = arith.constant 0 : index
      %get3A_42 = arith.constant 0 : index
      %get3A_43 = vector.load %arg4[%get3A_41, %get3A_42] : memref<128x64xf32, #tpu.memory_space<vmem>>, vector<128x64xf32>
      %dot_general3A_44 = arith.constant dense<0.000000e+00> : vector<256x64xf32>
      %dot_general3A_45 = tpu.matmul %div3A_40, %get3A_43, %dot_general3A_44 {dimension_numbers = #tpu.dot_dimension_numbers<[1], [0], [0], [1], [0, 0, 1, 1], [], []>, transpose_lhs_hint = false} : vector<256x128xf32>, vector<128x64xf32>, vector<256x64xf32> -> vector<256x64xf32>
      %get3A_46 = arith.constant 0 : index
      %get3A_47 = arith.constant 0 : index
      %get3A_48 = vector.load %arg5[%get3A_46, %get3A_47] : memref<1x64xf32, #tpu.memory_space<vmem>>, vector<1x64xf32>
      %add3A_49 = vector.broadcast %get3A_48 : vector<1x64xf32> to vector<256x64xf32>
      %add3A_50 = arith.addf %dot_general3A_45, %add3A_49 : vector<256x64xf32>
      %max3A_51 = arith.constant 0.000000e+00 : f32
      %max3A_52 = vector.broadcast %max3A_51 : f32 to vector<256x64xf32>
      %max3A_53 = arith.maximumf %add3A_50, %max3A_52 : vector<256x64xf32>
      %get3A_54 = arith.constant 0 : index
      %get3A_55 = arith.constant 0 : index
      %get3A_56 = vector.load %arg6[%get3A_54, %get3A_55] : memref<64x1xf32, #tpu.memory_space<vmem>>, vector<64x1xf32>
      %dot_general3A_57 = arith.constant dense<0.000000e+00> : vector<256x1xf32>
      %dot_general3A_58 = tpu.matmul %max3A_53, %get3A_56, %dot_general3A_57 {dimension_numbers = #tpu.dot_dimension_numbers<[1], [0], [0], [1], [0, 0, 1, 1], [], []>, transpose_lhs_hint = false} : vector<256x64xf32>, vector<64x1xf32>, vector<256x1xf32> -> vector<256x1xf32>
      %get3A_59 = arith.constant 0 : index
      %get3A_60 = arith.constant 0 : index
      %get3A_61 = vector.load %arg7[%get3A_59, %get3A_60] : memref<1x1xf32, #tpu.memory_space<vmem>>, vector<1x1xf32>
      %add3A_62 = vector.broadcast %get3A_61 : vector<1x1xf32> to vector<256x1xf32>
      %add3A_63 = arith.addf %dot_general3A_58, %add3A_62 : vector<256x1xf32>
      %swap3A = arith.constant 0 : index
      %swap3A_64 = arith.constant 0 : index
      %swap3A_65 = vector.load %arg8[%swap3A, %swap3A_64] : memref<256x1xf32, #tpu.memory_space<vmem>>, vector<256x1xf32>
      tpu.vector_store %arg8[%swap3A, %swap3A_64], %add3A_63 {strides = array<i32>} : memref<256x1xf32, #tpu.memory_space<vmem>>, vector<256x1xf32>,
    } else {
    }
    return
  }
  func.func @transform_0(%arg0: i32) -> (i32, i32) {
    %c0_i32 = arith.constant 0 : i32
    %c0_i32_0 = arith.constant 0 : i32
    return %arg0, %c0_i32 : i32, i32
  }
  func.func @transform_1(%arg0: i32) -> (i32, i32) {
    %c0_i32 = arith.constant 0 : i32
    %c0_i32_0 = arith.constant 0 : i32
    return %arg0, %c0_i32 : i32, i32
  }
  func.func @transform_2(%arg0: i32) -> (i32, i32, i32) {
    %c0_i32 = arith.constant 0 : i32
    %c0_i32_0 = arith.constant 0 : i32
    %c0_i32_1 = arith.constant 0 : i32
    return %arg0, %c0_i32, %c0_i32_0 : i32, i32, i32
  }
  func.func @transform_3(%arg0: i32) -> (i32, i32) {
    %c0_i32 = arith.constant 0 : i32
    %c0_i32_0 = arith.constant 0 : i32
    %c0_i32_1 = arith.constant 0 : i32
    return %c0_i32, %c0_i32_0 : i32, i32
  }
  func.func @transform_4(%arg0: i32) -> (i32, i32) {
    %c0_i32 = arith.constant 0 : i32
    %c0_i32_0 = arith.constant 0 : i32
    %c0_i32_1 = arith.constant 0 : i32
    return %c0_i32, %c0_i32_0 : i32, i32
  }
  func.func @transform_5(%arg0: i32) -> (i32, i32) {
    %c0_i32 = arith.constant 0 : i32
    %c0_i32_0 = arith.constant 0 : i32
    %c0_i32_1 = arith.constant 0 : i32
    return %c0_i32, %c0_i32_0 : i32, i32
  }
  func.func @transform_6(%arg0: i32) -> (i32, i32) {
    %c0_i32 = arith.constant 0 : i32
    %c0_i32_0 = arith.constant 0 : i32
    %c0_i32_1 = arith.constant 0 : i32
    return %c0_i32, %c0_i32_0 : i32, i32
  }
  func.func @transform_7(%arg0: i32) -> (i32, i32) {
    %c0_i32 = arith.constant 0 : i32
    %c0_i32_0 = arith.constant 0 : i32
    %c0_i32_1 = arith.constant 0 : i32
    return %c0_i32, %c0_i32_0 : i32, i32
  }
}

</mosaic_0001>

<sc_bundles>
// kernel: kernel.11.cloned.1.call-start
scs
__scs_entry_jumppad:
0x0: {  	(pc) =	sbr.rel $0x88, $3  }
0x1: {  	(tag) =	ssettag $0x0;
	lr =	simm.s32 $0x1  }
0x2: {  	[smem:$0x3F8C] =	sst lr;
	_ =	strace $0xD0000000  }
0x3: {  	_ = 	snop  }
0x4: {  	_ = 	snop  }
0x5: {  	_ = 	snop  }
0x6: {  	_ = 	snop  }
0x7: {  	_ = 	snop  }
__scs_overlays_trampoline_lowered:
0x8: {  	[smem:$0x3F9B] =	sst s0  }
0x9: {  	[smem:$0x3F9C] =	sst s1  }
0xa: {  	[smem:$0x3F9D] =	sst s2  }
0xb: {  	[smem:$0x3F9E] =	sst s3  }
0xc: {  	[smem:$0x3F9F] =	sst s4  }
0xd: {  	[smem:$0x3FA0] =	sst s5  }
0xe: {  	[smem:$0x3FA1] =	sst s6  }
0xf: {  	[smem:$0x3FA2] =	sst s7  }
0x10: {  	[smem:$0x3FA3] =	sst s8  }
0x11: {  	[smem:$0x3FA4] =	sst s9;
	s0 =	simm.s32 @!p0 $0x0  }
0x12: {  	s1 =	sld [smem:$0x3F8A];
	s0 =	simm.s32 @p0 $0x1  }
0x13: {  	[smem:$0x3FA5] =	sst s0;
	s0 =	simm.s32 @!p1 $0x0  }
0x14: {  	s2 =	sld [smem:$0x3F89];
	s0 =	simm.s32 @p1 $0x1  }
0x15: {  	[smem:$0x3FA6] =	sst s0;
	s0 =	simm.s32 @!p2 $0x0  }
0x16: {  	s3 =	sld [smem:$0x3FDB];
	s0 =	simm.s32 @p2 $0x1  }
0x17: {  	s4 =	simm.s32 $0x1BF5;
	[smem:$0x3FA8] =	sst s0  }
0x18: {  	s0 =	sld [smem:$0x3F8B];
	_ =	swait.ge [sflag:s4], $0x0  }
0x19: {  	s7 =	sld [smem:$0x3F8C]  }
0x1a: {  	s8 =	sadd.s32 $0xFFFFE003, lr  }
0x1b: {  	s9 =	sadd.s32 $0xFFFFFEF7, lr;
	s5 =	simm.s32 $0xFFFFFFFF;
	p2 =	slt.u32 s8, $0xFFFFF086  }
0x1c: {  	p1 =	slt.u32 s9, $0xF7A;
	s5 =	simm.s32 @!p2 $0x0  }
0x1d: {  	s5 =	simm.s32 @p1 $0x1;
	p0 =	seq.s32 s7, s2  }
0x1e: {  	s7 =	smul.u32 @!p0 $0xF7A, s2;
	p2 =	seq.s32 @!p0 s5, $0x0  }
0x1f: {  	s9 =	smul.u32 $0xF7A, s1;
	s8 =	simm.s32 @!p0 $0x1BF5;
	p2 =	por !p2, p0  }
0x20: {  	[sflag:s8] =	ssyncset.s32 @!p0 $0xFFFFF086;
	s6 =	sadd.s32 @!p0 s3, s7;
	s7 =	simm.s32 @!p0 $0x108  }
0x21: {  	s3 =	sadd.s32 s3, s9;
	s6 =	sadd.s32 @!p0 $0x88, s6;
	s7 =	simm.s32 @p2 $0x1082  }
0x22: {  	[simem:s7], [sflag:s8] =	dma.local @!p0 [hbm:s6], $0xF7A  }
0x23: {  	s9 =	sor.u32 $0xD0000000, s2;
	s6 =	simm.s32 $0x108;
	_ =	swait.ge @!p0 [sflag:s8], $0x0  }
0x24: {  	s3 =	sadd.s32 $0x88, s3;
	s6 =	simm.s32 @!p1 $0x1082;
	[sflag:s4] =	ssyncset.s32 $0xFFFFF086  }
0x25: {  	[simem:s6], [sflag:s4] =	dma.local [hbm:s3], $0xF7A  }
0x26: {  	[smem:$0x3F8C] =	sst s1;
	(tag) =	ssettag s2;
	_ =	strace s9  }
0x27: {  	s1 =	sld [smem:$0x3F9C]  }
0x28: {  	s2 =	sld [smem:$0x3F9D]  }
0x29: {  	s4 =	sld [smem:$0x3F9F]  }
0x2a: {  	p0 =	seq.s32 s5, $0x0;
	s5 =	sld [smem:$0x3FA0]  }
0x2b: {  	s6 =	sld [smem:$0x3FA1]  }
0x2c: {  	s7 =	sld [smem:$0x3FA2]  }
0x2d: {  	s3 =	simm.s32 $0x108;
	s8 =	sld [smem:$0x3FA3]  }
0x2e: {  	s3 =	simm.s32 @!p0 $0x1082;
	s9 =	sld [smem:$0x3FA4]  }
0x2f: {  	lr =	sadd.s32 s0, s3;
	s0 =	sld [smem:$0x3F9B]  }
0x30: {  	s3 =	sld [smem:$0x3F9E]  }
0x31: {  	[smem:$0x3FA7] =	sst s10  }
0x32: {  	s10 =	sld [smem:$0x3FA5];
	_ =	sdelay $0x3  }
0x33: {  	p0 =	seq.s32 s10, $0x1;
	s10 =	sld [smem:$0x3FA7];
	_ =	sdelay $0x3  }
0x34: {  	[smem:$0x3FA7] =	sst s10  }
0x35: {  	s10 =	sld [smem:$0x3FA6];
	_ =	sdelay $0x3  }
0x36: {  	p1 =	seq.s32 s10, $0x1;
	s10 =	sld [smem:$0x3FA7];
	_ =	sdelay $0x3  }
0x37: {  	[smem:$0x3FA7] =	sst s10  }
0x38: {  	s10 =	sld [smem:$0x3FA8]  }
0x39: {  	_ = 	snop;
	(pc) =	sbr.ind lr, $3  }
0x3a: {  	_ = 	snop  }
0x3b: {  	_ = 	snop  }
0x3c: {  	p2 =	seq.s32 s10, $0x1;
	s10 =	sld [smem:$0x3FA7]  }
0x3d: {  	_ =	shalt  }
0x3e: {  	_ =	shalt  }
0x3f: {  	_ =	shalt  }
0x40: {  	_ =	shalt  }
0x41: {  	_ =	shalt  }
0x42: {  	_ =	shalt  }
0x43: {  	_ =	shalt  }
0x44: {  	_ =	shalt  }
0x45: {  	_ =	shalt  }
0x46: {  	_ =	shalt  }
0x47: {  	_ =	shalt  }
0x48: {  	_ =	shalt  }
0x49: {  	_ =	shalt  }
0x4a: {  	_ =	shalt  }
0x4b: {  	_ =	shalt  }
0x4c: {  	_ =	shalt  }
0x4d: {  	_ =	shalt  }
0x4e: {  	_ =	shalt  }
0x4f: {  	_ =	shalt  }
0x50: {  	_ =	shalt  }
0x51: {  	_ =	shalt  }
0x52: {  	_ =	shalt  }
0x53: {  	_ =	shalt  }
0x54: {  	_ =	shalt  }
0x55: {  	_ =	shalt  }
0x56: {  	_ =	shalt  }
0x57: {  	_ =	shalt  }
0x58: {  	_ =	shalt  }
0x59: {  	_ =	shalt  }
0x5a: {  	_ =	shalt  }
0x5b: {  	_ =	shalt  }
0x5c: {  	_ =	shalt  }
0x5d: {  	_ =	shalt  }
0x5e: {  	_ =	shalt  }
0x5f: {  	_ =	shalt  }
0x60: {  	_ =	shalt  }
0x61: {  	_ =	shalt  }
0x62: {  	_ =	shalt  }
0x63: {  	_ =	shalt  }
0x64: {  	_ =	shalt  }
0x65: {  	_ =	shalt  }
0x66: {  	_ =	shalt  }
0x67: {  	_ =	shalt  }
0x68: {  	_ =	shalt  }
0x69: {  	_ =	shalt  }
0x6a: {  	_ =	shalt  }
0x6b: {  	_ =	shalt  }
0x6c: {  	_ =	shalt  }
0x6d: {  	_ =	shalt  }
0x6e: {  	_ =	shalt  }
0x6f: {  	_ =	shalt  }
0x70: {  	_ =	shalt  }
0x71: {  	_ =	shalt  }
0x72: {  	_ =	shalt  }
0x73: {  	_ =	shalt  }
0x74: {  	_ =	shalt  }
0x75: {  	_ =	shalt  }
0x76: {  	_ =	shalt  }
0x77: {  	_ =	shalt  }
0x78: {  	_ =	shalt  }
0x79: {  	_ =	shalt  }
0x7a: {  	_ =	shalt  }
0x7b: {  	_ =	shalt  }
0x7c: {  	_ =	shalt  }
0x7d: {  	_ =	shalt  }
0x7e: {  	_ =	shalt  }
0x7f: {  	_ =	shalt  }
0x80: {  	_ =	shalt  }
0x81: {  	_ =	shalt  }
0x82: {  	_ =	shalt  }
0x83: {  	_ =	shalt  }
0x84: {  	_ =	shalt  }
0x85: {  	_ =	shalt  }
0x86: {  	_ =	shalt  }
0x87: {  	_ =	shalt  }
.Lfunc_end0:
.L_simem_size_0:
called_computation_lowered:
.L_overlay_start_0:
0x88: {  	s2 =	sld [smem:$0x3FD9]  }
0x89: {  	s3 =	sld [smem:$0x3FFE];
	_ =	sdelay $0x1  }
0x8a: {  	s1 =	srdreg.scid  }
0x8b: {  	s0 =	sand.u32 $0x1, s1  }
0x8c: {  	s16 =	sshll.u32 s0, $0xA;
	s2 =	sadd.s32 s3, s2  }
0x8d: {  	s2 =	sadd.s32 s2, s16  }
0x8e: {  	[smem:$0x3FB3] =	sst s2  }
0x8f: {  	_ = 	snop  }
0x90: {  	(tm) =	ssettm $0x1  }
0x91: {  	s17 =	sld [smem:$0x3FFB];
	_ =	sdelay $0x3  }
0x92: {  	_ =	strace s17  }
0x93: {  	s2 =	sld [smem:$0x3FFC];
	_ =	sdelay $0x3  }
0x94: {  	_ =	strace s2  }
0x95: {  	s2 =	sld [smem:$0x3FFD];
	_ =	sdelay $0x3  }
0x96: {  	_ =	strace s2  }
0x97: {  	_ =	strace $0x8FFFFFFF  }
0x98: {  	s18 =	sld [smem:$0x3FDB];
	_ =	sdelay $0x1  }
0x99: {  	s19 =	simm.s32 $_scs_section_size  }
0x9a: {  	s4 =	simm.s32 $_size__tile_overlayer_lowered;
	s5 =	simm.s32 $_tile_overlayer_lowered  }
0x9b: {  	s22 =	simm.s32 $0x1BFF;
	s21 =	sshll.u32 s5, $0x1;
	s2 =	sadd.s32 s19, s18  }
0x9c: {  	s6 =	simm.s32 $0x0;
	s20 =	sshll.u32 s4, $0x1;
	s4 =	sadd.s32 s21, s2  }
0x9d: {  	[timem:s6], [sflag:s22] =	dma.local [hbm:s4], s20  }
0x9e: {  	_ =	swait.ge [sflag:s22], s20  }
0x9f: {  	s3 =	ssub.s32 $0x0, s20;
	[sflag:s22] =	ssyncset.done $0x0  }
0xa0: {  	[sflag:s22] =	ssyncadd.s32 s3;
	_ =	sdelay $0x1  }
0xa1: {  	s23 =	simm.s32 $0x1B8B  }
0xa2: {  	_ =	swait.ge [sflag:s23], $0x1  }
0xa3: {  	[sflag:s23] =	ssyncset.done $0x0  }
0xa4: {  	s25 =	simm.s32 $0x1B8E;
	s24 =	sld [smem:$0x3FFE];
	[sflag:s23] =	ssyncadd.s32 $0xFFFFFFFF  }
0xa5: {  	s26 =	simm.s32 $execute0_lowered;
	[smem:$0x3FD2] =	sst s25  }
0xa6: {  	s4 =	sshll.u32 s26, $0x1;
	_ =	strace $0x80000046;
	[dreg:$0x1] =	wrdreg $0xFFFFFFFF  }
0xa7: {  	s28 =	simm.s32 $_size_execute0_lowered;
	s2 =	sadd.s32 s2, s4;
	[dreg:$0x0] =	wrdreg $0x0  }
0xa8: {  	s4 =	sshll.u32 s28, $0x1;
	[dreg:$0x2] =	wrdreg s2  }
0xa9: {  	[dreg:$0x3] =	wrdreg s4  }
0xaa: {  	[dreg:$0x4] =	wrdreg $0xC0  }
0xab: {  	_ =	task [dreg:s6], $0x5FFFF  }
0xac: {  	[dreg:$0x1] =	wrdreg $0xFFFFFFFF  }
0xad: {  	[dreg:$0x0] =	wrdreg $0x60  }
0xae: {  	[dreg:$0x2] =	wrdreg s24  }
0xaf: {  	[dreg:$0x3] =	wrdreg $0x81000  }
0xb0: {  	[dreg:$0x4] =	wrdreg $0x9  }
0xb1: {  	_ =	task.clear_ibuf [dreg:s6], $0x5FFFF;
	_ =	strace $0x90000046  }
0xb2: {  	s29 =	simm.s32 $0x9;
	_ =	strace $0x80000048  }
0xb3: {  	_ =	swait.ge [sflag:s29], $0x1  }
0xb4: {  	[sflag:s29] =	ssyncadd.s32 $0xFFFFFFFF  }
0xb5: {  	_ =	strace $0x90000048  }
0xb6: {  	_ =	sfence  }
0xb7: {  	s30 =	sld [smem:$0x0];
	_ =	sdelay $0x2  }
0xb8: {  	s31 =	sshll.u32 s1, $0xD;
	s1 =	sshrl.u32 s1, $0x2  }
0xb9: {  	s3 =	sand.u32 $0x4000, s31;
	s1 =	sadd.s32 s1, s30  }
0xba: {  	s0 =	sor.u32 s3, s0;
	s1 =	sshll.u32 s1, $0x11  }
0xbb: {  	s0 =	sor.u32 s1, s0  }
0xbc: {  	s0 =	sadd.s32 $0x8F2B, s0  }
0xbd: {  	[sflag:s0] =	ssyncadd.remote.s32 $0x1  }
0xbe: {  	_ =	sfence.sel $0xFFFF  }
0xbf: {  	[dreg:$0x0] =	wrdreg $0xFFFFFFFF;
	(pc) =	sbr.abs _section_cstart, $3  }
0xc0: {  	[dreg:$0x1] =	wrdreg $0xFFFFFFFF  }
0xc1: {  	_ =	task.clear_ibuf [dreg:s6], $0x2FFFF;
	_ =	strace $0x9FFFFFFF  }
0xc2: {  	(tm) =	ssettm $0x7FFFFFFF  }
0xc3: {  	_ =	shalt  }
tec
execute0_lowered:
.L_overlay_start_1:
0x0: {  	(tag) =	ssettag $0x1  }
0x1: {  	s9 =	rddreg [dreg:$0x0]  }
0x2: {  	s1 =	rddreg [dreg:$0x1]  }
0x3: {  	s0 =	rddreg [dreg:$0x2];
	s2 =	simm.s32 $0x0  }
0x4: {  	s3 =	srdreg.scid;
	s16 =	simm.s32 $0x100;
	s17 =	simm.s32 $0x1  }
0x5: {  	s18 =	simm.s32 $0x2;
	[smem:$0x7FF] =	sst s2;
	s4 =	sadd.s32 $0x521000, s9  }
0x6: {  	s5 =	sadd.s32 $0xA21000, s9;
	s8 =	sand.u32 $0x1, s3;
	s6 =	sadd.s32 $0x517000, s9  }
0x7: {  	s3 =	stileid.u32;
	s7 =	sadd.s32 $0x50D000, s9;
	_ =	strace $0x80000047  }
0x8: {  	s10 =	smul.u32 $0x138800, s8;
	s12 =	sshll.u32 s8, $0x4;
	s13 =	ssub.s32 $0x2, s8  }
0x9: {  	s11 =	sshll.u32 s3, $0xB;
	s12 =	sor.u32 s3, s12;
	s14 =	sshrl.u32 s13, $0x1  }
0xa: {  	s10 =	sadd.s32 s11, s10;
	s8 =	smul.u32 $0x50, s12;
	s31 =	ssub.s32 s13, s14  }
0xb: {  	s11 =	sadd.s32 s11, s1;
	s13 =	simm.s32 $0x4100;
	s10 =	sshrl.u32 s10, $0x3  }
0xc: {  	s14 =	simm.s32 $0x3;
	s15 =	sadd.s32 s10, s9;
	s9 =	smul.u32 $0x2800, s12  }
0xd: {  	v0 =	vimm.f32 $0.0e+00;
	s10 =	smax.u32 s31, $0x1;
	s12 =	sadd.s32 $0x548200, s15;
	s15 =	simm.s32 $0x80  }
.LBB2_1:
0xe: {  	s19 =	simm.s32 $0x0;
	s20 =	simm.s32 $0x0  }
.LBB2_2:
0xf: {  	p0 =	sne.s32 s20, $0x1FC0  }
.Ltmp0:
0x10: {  	_ = 	snop;
	(pc) =	sbr.rel @p0 .LBB2_2-.Ltmp0, $4  }
0x11: {  	s21 =	sand.u32 $0x1E00, s20  }
0x12: {  	s22 =	sand.u32 $0x70, s19;
	s21 =	sshrl.u32 s21, $0x2  }
0x13: {  	s21 =	sor.u32 s22, s21  }
0x14: {  	s19 =	sadd.s32 $0x10, s19;
	s20 =	sadd.s32 $0x40, s20;
	[tilespmem:s21+$0x4100] =	vst v0  }
0x15: {  	s19 =	sadd.s32 $0x0, s3  }
0x16: {  	p0 =	sgt.u32 s19, $0x271  }
0x17: {  	s19 =	simm.s32 @!p0 $0x4100;
	s22 =	simm.s32 @!p0 $0x3  }
0x18: {  	[spmem:s11] =	stream.linear.scatter @!p0 [tilespmem:s19], [sflag:$0x3], $0x800, $0x38;
	[tilespmem:$0x1BA00] =	vst v63  }
0x19: {  	s20 =	simm.s32 $0x10;
	_ =	swait.ge @!p0 [sflag:s22], $0x800  }
0x1a: {  	s21 =	simm.s32 $0x20;
	s19 =	sadd.s32 $0x8000, s11;
	[sflag:s22] =	ssyncset.done @!p0 $0x0  }
.LBB2_4:
0x1b: {  	s23 =	sadd.s32 s20, s3;
	s20 =	smov.u32 s21;
	s21 =	sadd.s32 $0x10, s21  }
0x1c: {  	[sflag:s22] =	ssyncadd.s32 @!p0 $0xFFFFF800;
	p1 =	sne.s32 s21, $0x280  }
.Ltmp1:
0x1d: {  	p0 =	sgt.u32 s23, $0x271;
	(pc) =	sbr.rel @p1 .LBB2_4-.Ltmp1, $4  }
0x1e: {  	s23 =	simm.s32 @!p0 $0x4100;
	s22 =	simm.s32 @!p0 $0x3  }
0x1f: {  	[spmem:s19] =	stream.linear.scatter @!p0 [tilespmem:s23], [sflag:$0x3], $0x800, $0x38;
	[tilespmem:$0x1BA00] =	vst v63  }
0x20: {  	_ =	swait.ge @!p0 [sflag:s22], $0x800  }
0x21: {  	s19 =	sadd.s32 $0x8000, s19;
	[sflag:s22] =	ssyncset.done @!p0 $0x0  }
0x22: {  	s20 =	sadd.s32 s20, s3  }
0x23: {  	p1 =	sgt.u32 s20, $0x271  }
0x24: {  	[sflag:s22] =	ssyncadd.s32 @!p0 $0xFFFFF800;
	s20 =	simm.s32 @!p1 $0x4100;
	s21 =	simm.s32 @!p1 $0x3  }
0x25: {  	[spmem:s19] =	stream.linear.scatter @!p1 [tilespmem:s20], [sflag:$0x3], $0x800, $0x38;
	[tilespmem:$0x1BA00] =	vst v63  }
0x26: {  	_ =	swait.ge @!p1 [sflag:s21], $0x800  }
0x27: {  	[sflag:s21] =	ssyncset.done @!p1 $0x0  }
0x28: {  	[sflag:s21] =	ssyncadd.s32 @!p1 $0xFFFFF800  }
0x29: {  	s19 =	simm.s32 $0x0;
	s20 =	simm.s32 $0x0;
	[bflag:$0x0] =	sbarrier.arrive $0xFFFF  }
.LBB2_6:
0x2a: {  	s21 =	sadd.s32 s8, s20  }
0x2b: {  	s21 =	sshll.u32 s21, $0xB  }
0x2c: {  	s31 =	sshll.u32 s20, $0x7;
	s21 =	sadd.s32 s5, s21  }
0x2d: {  	[tilespmem:s13], [sflag:$0x2] =	stream.linear.gather [hbm4b:s21+s19], $0x4000, $0x38;
	[tilespmem:$0x1BA00] =	vst v63  }
0x2e: {  	s21 =	sadd.s32 s9, s31  }
0x2f: {  	s21 =	sshrl.u32 s21, $0x3  }
0x30: {  	s22 =	sadd.s32 s6, s21  }
0x31: {  	[tilespmem:s19], [sflag:$0x3] =	stream.linear.gather [hbm4b:s22+s19], $0x80, $0x38;
	[tilespmem:$0x1BA00] =	vst v63  }
0x32: {  	_ =	swait.ge [sflag:s14], $0x80  }
0x33: {  	[sflag:s14] =	ssyncset.done $0x0  }
0x34: {  	s21 =	sadd.s32 s7, s21;
	[sflag:s14] =	ssyncadd.s32 $0xFFFFFF80  }
0x35: {  	[tilespmem:s15], [sflag:$0x3] =	stream.linear.gather [hbm4b:s21+s19], $0x80, $0x38;
	[tilespmem:$0x1BA00] =	vst v63  }
0x36: {  	_ =	swait.ge [sflag:s14], $0x80  }
0x37: {  	[sflag:s14] =	ssyncset.done $0x0  }
0x38: {  	[sflag:s14] =	ssyncadd.s32 $0xFFFFFF80  }
0x39: {  	[tilespmem:s16], [sflag:$0x1] =	stream.indirect.gather [hbm4b:s4+s15], $0x80, s19, s15, $0xb8;
	[tilespmem:$0x1BA00] =	vst v63  }
0x3a: {  	_ =	swait.ge [sflag:s17], $0x4000  }
0x3b: {  	[sflag:s17] =	ssyncset.done $0x0  }
0x3c: {  	[sflag:s17] =	ssyncadd.s32 $0xFFFFC000  }
0x3d: {  	_ =	swait.ge [sflag:s18], $0x4000  }
0x3e: {  	[sflag:s18] =	ssyncset.done $0x0  }
0x3f: {  	s21 =	simm.s32 $0x0;
	[sflag:s18] =	ssyncadd.s32 $0xFFFFC000  }
0x40: {  	v7 =	vld [tilespmem:s21+$0x4100]  }
0x41: {  	v8 =	vld [tilespmem:s21+$0x4110]  }
0x42: {  	v9 =	vld [tilespmem:s21+$0x4120]  }
0x43: {  	v10 =	vld [tilespmem:s21+$0x4130]  }
0x44: {  	v11 =	vld [tilespmem:s21+$0x4140]  }
0x45: {  	v12 =	vld [tilespmem:s21+$0x4150]  }
0x46: {  	v13 =	vld [tilespmem:s21+$0x4160]  }
0x47: {  	v14 =	vld [tilespmem:s21+$0x4170]  }
0x48: {  	v15 =	vld [tilespmem:s21+$0x4180]  }
0x49: {  	v16 =	vld [tilespmem:s21+$0x4190]  }
0x4a: {  	v17 =	vld [tilespmem:s21+$0x41A0]  }
0x4b: {  	v18 =	vld [tilespmem:s21+$0x41B0]  }
0x4c: {  	v19 =	vld [tilespmem:s21+$0x41C0]  }
0x4d: {  	v20 =	vld [tilespmem:s21+$0x41D0]  }
0x4e: {  	v21 =	vld [tilespmem:s21+$0x41E0]  }
0x4f: {  	v22 =	vld [tilespmem:s21+$0x41F0]  }
0x50: {  	v23 =	vld [tilespmem:s21+$0x4200]  }
0x51: {  	v24 =	vld [tilespmem:s21+$0x4210]  }
0x52: {  	v25 =	vld [tilespmem:s21+$0x4220]  }
0x53: {  	v26 =	vld [tilespmem:s21+$0x4230]  }
0x54: {  	v27 =	vld [tilespmem:s21+$0x4240]  }
0x55: {  	v28 =	vld [tilespmem:s21+$0x4250]  }
0x56: {  	v29 =	vld [tilespmem:s21+$0x4260]  }
0x57: {  	v30 =	vld [tilespmem:s21+$0x4270]  }
0x58: {  	v31 =	vld [tilespmem:s21+$0x4280]  }
0x59: {  	v32 =	vld [tilespmem:s21+$0x4290]  }
0x5a: {  	v6 =	vld [tilespmem:s21+$0x42A0]  }
0x5b: {  	v5 =	vld [tilespmem:s21+$0x42B0]  }
0x5c: {  	v4 =	vld [tilespmem:s21+$0x42C0]  }
0x5d: {  	v3 =	vld [tilespmem:s21+$0x42D0]  }
0x5e: {  	v2 =	vld [tilespmem:s21+$0x42E0]  }
0x5f: {  	v33 =	vld [tilespmem:s21+$0x100]  }
0x60: {  	v34 =	vld [tilespmem:s21+$0x110]  }
0x61: {  	v35 =	vld [tilespmem:s21+$0x120]  }
0x62: {  	v36 =	vld [tilespmem:s21+$0x130]  }
0x63: {  	v37 =	vld [tilespmem:s21+$0x140]  }
0x64: {  	v63 =	vld [tilespmem:s21+$0x150];
	v7 =	vmul.f32 v7, v33  }
0x65: {  	v38 =	vld [tilespmem:s21+$0x160];
	v8 =	vmul.f32 v8, v34  }
0x66: {  	v9 =	vmul.f32 v9, v35;
	[tilespmem:s21+$0x100] =	vst v7;
	v7 =	vld [tilespmem:s21+$0x170]  }
0x67: {  	v10 =	vmul.f32 v10, v36;
	[tilespmem:s21+$0x110] =	vst v8;
	v8 =	vld [tilespmem:s21+$0x180]  }
0x68: {  	v11 =	vmul.f32 v11, v37;
	[tilespmem:s21+$0x120] =	vst v9;
	v9 =	vld [tilespmem:s21+$0x190]  }
0x69: {  	v12 =	vmul.f32 v12, v63;
	[tilespmem:s21+$0x130] =	vst v10;
	v10 =	vld [tilespmem:s21+$0x1A0]  }
0x6a: {  	v13 =	vmul.f32 v13, v38;
	[tilespmem:s21+$0x140] =	vst v11;
	v11 =	vld [tilespmem:s21+$0x1B0]  }
0x6b: {  	[tilespmem:s21+$0x150] =	vst v12;
	v12 =	vld [tilespmem:s21+$0x1C0];
	v7 =	vmul.f32 v14, v7  }
0x6c: {  	[tilespmem:s21+$0x160] =	vst v13;
	v13 =	vld [tilespmem:s21+$0x1D0];
	v8 =	vmul.f32 v15, v8  }
0x6d: {  	v9 =	vmul.f32 v16, v9;
	[tilespmem:s21+$0x170] =	vst v7;
	v7 =	vld [tilespmem:s21+$0x1E0]  }
0x6e: {  	v10 =	vmul.f32 v17, v10;
	[tilespmem:s21+$0x180] =	vst v8;
	v8 =	vld [tilespmem:s21+$0x1F0]  }
0x6f: {  	v11 =	vmul.f32 v18, v11;
	[tilespmem:s21+$0x190] =	vst v9;
	v9 =	vld [tilespmem:s21+$0x200]  }
0x70: {  	v12 =	vmul.f32 v19, v12;
	[tilespmem:s21+$0x1A0] =	vst v10;
	v10 =	vld [tilespmem:s21+$0x210]  }
0x71: {  	v13 =	vmul.f32 v20, v13;
	[tilespmem:s21+$0x1B0] =	vst v11;
	v11 =	vld [tilespmem:s21+$0x220]  }
0x72: {  	[tilespmem:s21+$0x1C0] =	vst v12;
	v12 =	vld [tilespmem:s21+$0x230];
	v7 =	vmul.f32 v21, v7  }
0x73: {  	[tilespmem:s21+$0x1D0] =	vst v13;
	v13 =	vld [tilespmem:s21+$0x240]  }
0x74: {  	v8 =	vmul.f32 v22, v8;
	[tilespmem:s21+$0x1E0] =	vst v7;
	v7 =	vld [tilespmem:s21+$0x250]  }
0x75: {  	v1 =	vld [tilespmem:s21+$0x42F0];
	v9 =	vmul.f32 v23, v9  }
0x76: {  	[tilespmem:s21+$0x1F0] =	vst v8;
	v8 =	vmul.f32 v24, v10;
	v10 =	vld [tilespmem:s21+$0x270]  }
0x77: {  	v14 =	vld [tilespmem:s21+$0x260];
	[tilespmem:s21+$0x200] =	vst v9;
	v9 =	vmul.f32 v25, v11  }
0x78: {  	v11 =	vld [tilespmem:s21+$0x280];
	[tilespmem:s21+$0x210] =	vst v8;
	v8 =	vmul.f32 v26, v12  }
0x79: {  	[tilespmem:s21+$0x220] =	vst v9;
	v12 =	vld [tilespmem:s21+$0x290];
	v9 =	vmul.f32 v27, v13;
	v13 =	vmul.f32 v28, v7  }
0x7a: {  	[tilespmem:s21+$0x230] =	vst v8;
	v8 =	vld [tilespmem:s21+$0x2A0]  }
0x7b: {  	v7 =	vld [tilespmem:s21+$0x2B0];
	[tilespmem:s21+$0x250] =	vst v13;
	v13 =	vmul.f32 v30, v10  }
0x7c: {  	v14 =	vmul.f32 v29, v14;
	[tilespmem:s21+$0x240] =	vst v9;
	v9 =	vld [tilespmem:s21+$0x2C0]  }
0x7d: {  	v10 =	vld [tilespmem:s21+$0x2D0];
	[tilespmem:s21+$0x270] =	vst v13;
	v13 =	vmul.f32 v31, v11  }
0x7e: {  	s22 =	simm.s32 $0x800;
	[tilespmem:s21+$0x260] =	vst v14;
	v12 =	vmul.f32 v32, v12;
	v11 =	vld [tilespmem:s21+$0x2E0]  }
.LBB2_7:
0x7f: {  	s23 =	sshra.s32 s22, $0x2;
	p0 =	sne.s32 s22, $0xF800;
	[tilespmem:s21+$0x280] =	vst v13;
	v6 =	vmul.f32 v6, v8;
	v8 =	vld [tilespmem:s21+$0x2F0]  }
0x80: {  	v13 =	vld [tilespmem:s23+$0x4100];
	[tilespmem:s21+$0x290] =	vst v12;
	v5 =	vmul.f32 v5, v7  }
0x81: {  	v7 =	vld [tilespmem:s23+$0x4110];
	[tilespmem:s21+$0x2A0] =	vst v6;
	v4 =	vmul.f32 v4, v9  }
0x82: {  	v9 =	vld [tilespmem:s23+$0x4120];
	[tilespmem:s21+$0x2B0] =	vst v5;
	v3 =	vmul.f32 v3, v10  }
0x83: {  	v10 =	vld [tilespmem:s23+$0x4130];
	[tilespmem:s21+$0x2C0] =	vst v4;
	v2 =	vmul.f32 v2, v11  }
0x84: {  	v11 =	vld [tilespmem:s23+$0x4140];
	[tilespmem:s21+$0x2D0] =	vst v3;
	v1 =	vmul.f32 v1, v8  }
0x85: {  	v8 =	vld [tilespmem:s23+$0x4150];
	[tilespmem:s21+$0x2E0] =	vst v2  }
0x86: {  	v12 =	vld [tilespmem:s23+$0x4160];
	[tilespmem:s21+$0x2F0] =	vst v1;
	s21 =	smov.u32 s23  }
0x87: {  	v14 =	vld [tilespmem:s21+$0x4170]  }
0x88: {  	v15 =	vld [tilespmem:s21+$0x4180]  }
0x89: {  	v16 =	vld [tilespmem:s21+$0x4190]  }
0x8a: {  	v17 =	vld [tilespmem:s21+$0x41A0]  }
0x8b: {  	v18 =	vld [tilespmem:s21+$0x41B0]  }
0x8c: {  	v19 =	vld [tilespmem:s21+$0x41C0]  }
0x8d: {  	v20 =	vld [tilespmem:s21+$0x41D0]  }
0x8e: {  	v21 =	vld [tilespmem:s21+$0x41E0]  }
0x8f: {  	v22 =	vld [tilespmem:s21+$0x41F0]  }
0x90: {  	v23 =	vld [tilespmem:s21+$0x4200]  }
0x91: {  	v24 =	vld [tilespmem:s21+$0x4210]  }
0x92: {  	v25 =	vld [tilespmem:s21+$0x4220]  }
0x93: {  	v26 =	vld [tilespmem:s21+$0x4230]  }
0x94: {  	v27 =	vld [tilespmem:s21+$0x4240]  }
0x95: {  	v28 =	vld [tilespmem:s21+$0x4250]  }
0x96: {  	v29 =	vld [tilespmem:s21+$0x4260]  }
0x97: {  	v30 =	vld [tilespmem:s21+$0x4270]  }
0x98: {  	v31 =	vld [tilespmem:s21+$0x4280]  }
0x99: {  	v32 =	vld [tilespmem:s21+$0x4290]  }
0x9a: {  	v6 =	vld [tilespmem:s21+$0x42A0]  }
0x9b: {  	v5 =	vld [tilespmem:s21+$0x42B0]  }
0x9c: {  	v4 =	vld [tilespmem:s21+$0x42C0]  }
0x9d: {  	v3 =	vld [tilespmem:s21+$0x42D0]  }
0x9e: {  	v2 =	vld [tilespmem:s21+$0x42E0]  }
0x9f: {  	v1 =	vld [tilespmem:s21+$0x42F0]  }
0xa0: {  	v33 =	vld [tilespmem:s21+$0x100]  }
0xa1: {  	v34 =	vld [tilespmem:s21+$0x110]  }
0xa2: {  	v35 =	vld [tilespmem:s21+$0x120]  }
0xa3: {  	v36 =	vld [tilespmem:s21+$0x130]  }
0xa4: {  	v37 =	vld [tilespmem:s21+$0x140]  }
0xa5: {  	v13 =	vmul.f32 v13, v33;
	v33 =	vld [tilespmem:s21+$0x150]  }
0xa6: {  	v7 =	vmul.f32 v7, v34;
	v34 =	vld [tilespmem:s21+$0x160]  }
0xa7: {  	[tilespmem:s21+$0x100] =	vst v13;
	v9 =	vmul.f32 v9, v35;
	v13 =	vld [tilespmem:s21+$0x170]  }
0xa8: {  	[tilespmem:s21+$0x110] =	vst v7;
	v7 =	vmul.f32 v10, v36;
	v10 =	vld [tilespmem:s21+$0x180]  }
0xa9: {  	[tilespmem:s21+$0x120] =	vst v9;
	v9 =	vmul.f32 v11, v37;
	v11 =	vld [tilespmem:s21+$0x190]  }
0xaa: {  	[tilespmem:s21+$0x130] =	vst v7;
	v7 =	vmul.f32 v8, v33;
	v8 =	vld [tilespmem:s21+$0x1A0]  }
0xab: {  	[tilespmem:s21+$0x140] =	vst v9;
	v9 =	vmul.f32 v12, v34;
	v12 =	vld [tilespmem:s21+$0x1B0]  }
0xac: {  	[tilespmem:s21+$0x150] =	vst v7;
	v7 =	vmul.f32 v14, v13;
	v13 =	vld [tilespmem:s21+$0x1C0]  }
0xad: {  	[tilespmem:s21+$0x160] =	vst v9;
	v9 =	vmul.f32 v15, v10;
	v10 =	vld [tilespmem:s21+$0x1D0]  }
0xae: {  	[tilespmem:s21+$0x170] =	vst v7;
	v7 =	vmul.f32 v16, v11;
	v11 =	vld [tilespmem:s21+$0x1E0]  }
0xaf: {  	[tilespmem:s21+$0x180] =	vst v9;
	v8 =	vmul.f32 v17, v8;
	v9 =	vld [tilespmem:s21+$0x1F0]  }
0xb0: {  	[tilespmem:s21+$0x190] =	vst v7;
	v7 =	vmul.f32 v18, v12;
	v12 =	vld [tilespmem:s21+$0x200]  }
0xb1: {  	[tilespmem:s21+$0x1A0] =	vst v8;
	v8 =	vmul.f32 v19, v13;
	v13 =	vld [tilespmem:s21+$0x210]  }
0xb2: {  	[tilespmem:s21+$0x1B0] =	vst v7;
	v7 =	vmul.f32 v20, v10;
	v10 =	vld [tilespmem:s21+$0x220]  }
0xb3: {  	[tilespmem:s21+$0x1C0] =	vst v8;
	v8 =	vmul.f32 v21, v11;
	v11 =	vld [tilespmem:s21+$0x230]  }
0xb4: {  	[tilespmem:s21+$0x1D0] =	vst v7;
	v7 =	vmul.f32 v22, v9;
	v9 =	vld [tilespmem:s21+$0x240]  }
0xb5: {  	[tilespmem:s21+$0x1E0] =	vst v8;
	v8 =	vmul.f32 v23, v12;
	v12 =	vld [tilespmem:s21+$0x250]  }
0xb6: {  	[tilespmem:s21+$0x1F0] =	vst v7;
	v7 =	vmul.f32 v24, v13;
	v13 =	vld [tilespmem:s21+$0x260]  }
0xb7: {  	[tilespmem:s21+$0x200] =	vst v8;
	v8 =	vmul.f32 v25, v10;
	v10 =	vld [tilespmem:s21+$0x270]  }
0xb8: {  	[tilespmem:s21+$0x210] =	vst v7;
	v7 =	vmul.f32 v26, v11;
	v11 =	vld [tilespmem:s21+$0x280]  }
0xb9: {  	[tilespmem:s21+$0x220] =	vst v8;
	v9 =	vmul.f32 v27, v9;
	v14 =	vld [tilespmem:s21+$0x290]  }
.Ltmp2:
0xba: {  	[tilespmem:s21+$0x230] =	vst v7;
	v12 =	vmul.f32 v28, v12;
	v8 =	vld [tilespmem:s21+$0x2A0];
	(pc) =	sbr.rel @p0 .LBB2_7-.Ltmp2, $4  }
0xbb: {  	[tilespmem:s21+$0x240] =	vst v9;
	v13 =	vmul.f32 v29, v13;
	v7 =	vld [tilespmem:s21+$0x2B0]  }
0xbc: {  	[tilespmem:s21+$0x250] =	vst v12;
	v12 =	vmul.f32 v30, v10;
	v9 =	vld [tilespmem:s21+$0x2C0]  }
0xbd: {  	[tilespmem:s21+$0x260] =	vst v13;
	v13 =	vmul.f32 v31, v11;
	v10 =	vld [tilespmem:s21+$0x2D0]  }
0xbe: {  	s22 =	sadd.s32 $0x800, s22;
	[tilespmem:s21+$0x270] =	vst v12;
	v12 =	vmul.f32 v32, v14;
	v11 =	vld [tilespmem:s21+$0x2E0]  }
0xbf: {  	[tilespmem:s21+$0x280] =	vst v13;
	v6 =	vmul.f32 v6, v8;
	v63 =	vld [tilespmem:s21+$0x2F0]  }
0xc0: {  	[tilespmem:s21+$0x290] =	vst v12;
	v5 =	vmul.f32 v5, v7  }
0xc1: {  	[tilespmem:s21+$0x2A0] =	vst v6;
	v4 =	vmul.f32 v4, v9  }
0xc2: {  	[tilespmem:s21+$0x2B0] =	vst v5;
	v3 =	vmul.f32 v3, v10  }
0xc3: {  	[tilespmem:s21+$0x2C0] =	vst v4;
	v2 =	vmul.f32 v2, v11  }
0xc4: {  	s20 =	sadd.s32 $0x1, s20;
	[tilespmem:s21+$0x2D0] =	vst v3;
	v1 =	vmul.f32 v1, v63  }
0xc5: {  	p0 =	sne.s32 s20, $0x50;
	[tilespmem:s21+$0x2E0] =	vst v2  }
.Ltmp3:
0xc6: {  	[tilespmem:s21+$0x2F0] =	vst v1;
	(pc) =	sbr.rel @p0 .LBB2_6-.Ltmp3, $4  }
0xc7: {  	[spmem:s1] =	stream.indirect.scatter.add.f32 [tilespmem:s16], [sflag:$0x3], $0x80, s15, s15, $0xb8;
	[tilespmem:$0x1BA00] =	vst v63  }
0xc8: {  	_ =	swait.ge [sflag:s14], $0x4000  }
0xc9: {  	[sflag:s14] =	ssyncset.done $0x0  }
0xca: {  	[sflag:s14] =	ssyncadd.s32 $0xFFFFC000  }
0xcb: {  	s19 =	sadd.s32 $0x0, s3  }
0xcc: {  	p0 =	sgt.u32 s19, $0x270  }
0xcd: {  	[bflag:$0x0] =	sbarrier.arrive $0xFFFF;
	s19 =	sshll.u32 @!p0 s3, $0x6  }
0xce: {  	s20 =	sshrl.u32 @!p0 s11, $0x3;
	s22 =	simm.s32 @!p0 $0x3;
	s19 =	sor.u32 @!p0 $0x1C03, s19  }
0xcf: {  	[hbm:s12], [sflag:s19] =	dma.local @!p0 [spmem:s20], $0x100  }
0xd0: {  	s21 =	simm.s32 $0x20;
	s23 =	sadd.s32 $0x10, s3;
	_ =	swait.ge @!p0 [sflag:s22], $0x100  }
0xd1: {  	s19 =	sadd.s32 $0x8000, s11;
	s20 =	sadd.s32 $0x1000, s12;
	[sflag:s22] =	ssyncset.done @!p0 $0x0  }
.LBB2_10:
0xd2: {  	[sflag:s22] =	ssyncadd.s32 @!p0 $0xFFFFFF00  }
0xd3: {  	p0 =	sgt.u32 s23, $0x270;
	s23 =	smov.u32 s21;
	s21 =	sadd.s32 $0x10, s21  }
0xd4: {  	p1 =	sne.s32 s21, $0x280  }
.Ltmp4:
0xd5: {  	s22 =	sshll.u32 @!p0 s3, $0x6;
	s24 =	sshrl.u32 @!p0 s19, $0x3;
	(pc) =	sbr.rel @p1 .LBB2_10-.Ltmp4, $4  }
0xd6: {  	s25 =	sor.u32 @!p0 $0x1C03, s22;
	s22 =	simm.s32 @!p0 $0x3  }
0xd7: {  	[hbm:s20], [sflag:s25] =	dma.local @!p0 [spmem:s24], $0x100  }
0xd8: {  	s19 =	sadd.s32 $0x8000, s19;
	_ =	swait.ge @!p0 [sflag:s22], $0x100  }
0xd9: {  	s23 =	sadd.s32 s23, s3;
	s20 =	sadd.s32 $0x1000, s20;
	[sflag:s22] =	ssyncset.done @!p0 $0x0  }
0xda: {  	p1 =	sgt.u32 s23, $0x270;
	[sflag:s22] =	ssyncadd.s32 @!p0 $0xFFFFFF00;
	s2 =	sadd.s32 $0x1, s2  }
0xdb: {  	s21 =	sshll.u32 @!p1 s3, $0x6;
	s19 =	sshrl.u32 @!p1 s19, $0x3;
	p0 =	sne.s32 s2, s10  }
.Ltmp5:
0xdc: {  	s22 =	simm.s32 @!p1 $0x3;
	s21 =	sor.u32 @!p1 $0x1C03, s21;
	(pc) =	sbr.rel @p0 .LBB2_1-.Ltmp5, $4  }
0xdd: {  	[hbm:s20], [sflag:s21] =	dma.local @!p1 [spmem:s19], $0x100  }
0xde: {  	_ =	swait.ge @!p1 [sflag:s22], $0x100  }
0xdf: {  	[sflag:s22] =	ssyncset.done @!p1 $0x0  }
0xe0: {  	[sflag:s22] =	ssyncadd.s32 @!p1 $0xFFFFFF00  }
0xe1: {  	_ =	sfence.sel $0x180000  }
0xe2: {  	[bflag:$0x0] =	sbarrier.arrive $0xFFFF  }
0xe3: {  	p0 =	sne.s32 s3, $0x0;
	_ =	strace $0x90000047  }
0xe4: {  	s0 =	sadd.s32 @!p0 $0x100000, s0;
	[bflag:$0x2] =	sbarrier.arrive $0xFFFF  }
0xe5: {  	[sflag:s0] =	ssyncadd.tile.s32 @!p0 $0x1;
	_ =	shalt  }
.Lfunc_end2:
_tile_overlayer_lowered:
.L_overlay_start_2:
0xe6: {  	(tag) =	ssettag $0x2  }
0xe7: {  	s0 =	rddreg [dreg:$0x0];
	s2 =	stileid.u32  }
0xe8: {  	s1 =	rddreg [dreg:$0x1];
	p0 =	sne.s32 s2, $0x0  }
0xe9: {  	s3 =	rddreg [dreg:$0x2];
	[bflag:$0x3] =	sbarrier.arrive $0xFFFF;
	s2 =	simm.s32 @!p0 $0x1C03  }
0xea: {  	[timem:s3], [sflag:s2] =	dma.local @!p0 [hbm:s0], s1  }
0xeb: {  	s0 =	simm.s32 @!p0 $0x3  }
0xec: {  	_ =	swait.ge @!p0 [sflag:s0], s1  }
0xed: {  	s1 =	ssub.s32 @!p0 $0x0, s1;
	[sflag:s0] =	ssyncset.done @!p0 $0x0  }
0xee: {  	[sflag:s0] =	ssyncadd.s32 @!p0 s1  }
0xef: {  	[bflag:$0x3] =	sbarrier.arrive $0xFFFF  }
0xf0: {  	_ =	shalt  }

// kernel: kernel.14.cloned.1.call-start
scs
__scs_entry_jumppad:
0x0: {  	(pc) =	sbr.rel $0x88, $3  }
0x1: {  	(tag) =	ssettag $0x0;
	lr =	simm.s32 $0x1  }
0x2: {  	[smem:$0x3F8C] =	sst lr;
	_ =	strace $0xD0000000  }
0x3: {  	_ = 	snop  }
0x4: {  	_ = 	snop  }
0x5: {  	_ = 	snop  }
0x6: {  	_ = 	snop  }
0x7: {  	_ = 	snop  }
__scs_overlays_trampoline_lowered:
0x8: {  	[smem:$0x3F9B] =	sst s0  }
0x9: {  	[smem:$0x3F9C] =	sst s1  }
0xa: {  	[smem:$0x3F9D] =	sst s2  }
0xb: {  	[smem:$0x3F9E] =	sst s3  }
0xc: {  	[smem:$0x3F9F] =	sst s4  }
0xd: {  	[smem:$0x3FA0] =	sst s5  }
0xe: {  	[smem:$0x3FA1] =	sst s6  }
0xf: {  	[smem:$0x3FA2] =	sst s7  }
0x10: {  	[smem:$0x3FA3] =	sst s8  }
0x11: {  	[smem:$0x3FA4] =	sst s9;
	s0 =	simm.s32 @!p0 $0x0  }
0x12: {  	s1 =	sld [smem:$0x3F8A];
	s0 =	simm.s32 @p0 $0x1  }
0x13: {  	[smem:$0x3FA5] =	sst s0;
	s0 =	simm.s32 @!p1 $0x0  }
0x14: {  	s2 =	sld [smem:$0x3F89];
	s0 =	simm.s32 @p1 $0x1  }
0x15: {  	[smem:$0x3FA6] =	sst s0;
	s0 =	simm.s32 @!p2 $0x0  }
0x16: {  	s3 =	sld [smem:$0x3FDB];
	s0 =	simm.s32 @p2 $0x1  }
0x17: {  	s4 =	simm.s32 $0x1BF5;
	[smem:$0x3FA8] =	sst s0  }
0x18: {  	s0 =	sld [smem:$0x3F8B];
	_ =	swait.ge [sflag:s4], $0x0  }
0x19: {  	s7 =	sld [smem:$0x3F8C]  }
0x1a: {  	s8 =	sadd.s32 $0xFFFFE003, lr  }
0x1b: {  	s9 =	sadd.s32 $0xFFFFFEF7, lr;
	s5 =	simm.s32 $0xFFFFFFFF;
	p2 =	slt.u32 s8, $0xFFFFF086  }
0x1c: {  	p1 =	slt.u32 s9, $0xF7A;
	s5 =	simm.s32 @!p2 $0x0  }
0x1d: {  	s5 =	simm.s32 @p1 $0x1;
	p0 =	seq.s32 s7, s2  }
0x1e: {  	s7 =	smul.u32 @!p0 $0xF7A, s2;
	p2 =	seq.s32 @!p0 s5, $0x0  }
0x1f: {  	s9 =	smul.u32 $0xF7A, s1;
	s8 =	simm.s32 @!p0 $0x1BF5;
	p2 =	por !p2, p0  }
0x20: {  	[sflag:s8] =	ssyncset.s32 @!p0 $0xFFFFF086;
	s6 =	sadd.s32 @!p0 s3, s7;
	s7 =	simm.s32 @!p0 $0x108  }
0x21: {  	s3 =	sadd.s32 s3, s9;
	s6 =	sadd.s32 @!p0 $0x88, s6;
	s7 =	simm.s32 @p2 $0x1082  }
0x22: {  	[simem:s7], [sflag:s8] =	dma.local @!p0 [hbm:s6], $0xF7A  }
0x23: {  	s9 =	sor.u32 $0xD0000000, s2;
	s6 =	simm.s32 $0x108;
	_ =	swait.ge @!p0 [sflag:s8], $0x0  }
0x24: {  	s3 =	sadd.s32 $0x88, s3;
	s6 =	simm.s32 @!p1 $0x1082;
	[sflag:s4] =	ssyncset.s32 $0xFFFFF086  }
0x25: {  	[simem:s6], [sflag:s4] =	dma.local [hbm:s3], $0xF7A  }
0x26: {  	[smem:$0x3F8C] =	sst s1;
	(tag) =	ssettag s2;
	_ =	strace s9  }
0x27: {  	s1 =	sld [smem:$0x3F9C]  }
0x28: {  	s2 =	sld [smem:$0x3F9D]  }
0x29: {  	s4 =	sld [smem:$0x3F9F]  }
0x2a: {  	p0 =	seq.s32 s5, $0x0;
	s5 =	sld [smem:$0x3FA0]  }
0x2b: {  	s6 =	sld [smem:$0x3FA1]  }
0x2c: {  	s7 =	sld [smem:$0x3FA2]  }
0x2d: {  	s3 =	simm.s32 $0x108;
	s8 =	sld [smem:$0x3FA3]  }
0x2e: {  	s3 =	simm.s32 @!p0 $0x1082;
	s9 =	sld [smem:$0x3FA4]  }
0x2f: {  	lr =	sadd.s32 s0, s3;
	s0 =	sld [smem:$0x3F9B]  }
0x30: {  	s3 =	sld [smem:$0x3F9E]  }
0x31: {  	[smem:$0x3FA7] =	sst s10  }
0x32: {  	s10 =	sld [smem:$0x3FA5];
	_ =	sdelay $0x3  }
0x33: {  	p0 =	seq.s32 s10, $0x1;
	s10 =	sld [smem:$0x3FA7];
	_ =	sdelay $0x3  }
0x34: {  	[smem:$0x3FA7] =	sst s10  }
0x35: {  	s10 =	sld [smem:$0x3FA6];
	_ =	sdelay $0x3  }
0x36: {  	p1 =	seq.s32 s10, $0x1;
	s10 =	sld [smem:$0x3FA7];
	_ =	sdelay $0x3  }
0x37: {  	[smem:$0x3FA7] =	sst s10  }
0x38: {  	s10 =	sld [smem:$0x3FA8]  }
0x39: {  	_ = 	snop;
	(pc) =	sbr.ind lr, $3  }
0x3a: {  	_ = 	snop  }
0x3b: {  	_ = 	snop  }
0x3c: {  	p2 =	seq.s32 s10, $0x1;
	s10 =	sld [smem:$0x3FA7]  }
0x3d: {  	_ =	shalt  }
0x3e: {  	_ =	shalt  }
0x3f: {  	_ =	shalt  }
0x40: {  	_ =	shalt  }
0x41: {  	_ =	shalt  }
0x42: {  	_ =	shalt  }
0x43: {  	_ =	shalt  }
0x44: {  	_ =	shalt  }
0x45: {  	_ =	shalt  }
0x46: {  	_ =	shalt  }
0x47: {  	_ =	shalt  }
0x48: {  	_ =	shalt  }
0x49: {  	_ =	shalt  }
0x4a: {  	_ =	shalt  }
0x4b: {  	_ =	shalt  }
0x4c: {  	_ =	shalt  }
0x4d: {  	_ =	shalt  }
0x4e: {  	_ =	shalt  }
0x4f: {  	_ =	shalt  }
0x50: {  	_ =	shalt  }
0x51: {  	_ =	shalt  }
0x52: {  	_ =	shalt  }
0x53: {  	_ =	shalt  }
0x54: {  	_ =	shalt  }
0x55: {  	_ =	shalt  }
0x56: {  	_ =	shalt  }
0x57: {  	_ =	shalt  }
0x58: {  	_ =	shalt  }
0x59: {  	_ =	shalt  }
0x5a: {  	_ =	shalt  }
0x5b: {  	_ =	shalt  }
0x5c: {  	_ =	shalt  }
0x5d: {  	_ =	shalt  }
0x5e: {  	_ =	shalt  }
0x5f: {  	_ =	shalt  }
0x60: {  	_ =	shalt  }
0x61: {  	_ =	shalt  }
0x62: {  	_ =	shalt  }
0x63: {  	_ =	shalt  }
0x64: {  	_ =	shalt  }
0x65: {  	_ =	shalt  }
0x66: {  	_ =	shalt  }
0x67: {  	_ =	shalt  }
0x68: {  	_ =	shalt  }
0x69: {  	_ =	shalt  }
0x6a: {  	_ =	shalt  }
0x6b: {  	_ =	shalt  }
0x6c: {  	_ =	shalt  }
0x6d: {  	_ =	shalt  }
0x6e: {  	_ =	shalt  }
0x6f: {  	_ =	shalt  }
0x70: {  	_ =	shalt  }
0x71: {  	_ =	shalt  }
0x72: {  	_ =	shalt  }
0x73: {  	_ =	shalt  }
0x74: {  	_ =	shalt  }
0x75: {  	_ =	shalt  }
0x76: {  	_ =	shalt  }
0x77: {  	_ =	shalt  }
0x78: {  	_ =	shalt  }
0x79: {  	_ =	shalt  }
0x7a: {  	_ =	shalt  }
0x7b: {  	_ =	shalt  }
0x7c: {  	_ =	shalt  }
0x7d: {  	_ =	shalt  }
0x7e: {  	_ =	shalt  }
0x7f: {  	_ =	shalt  }
0x80: {  	_ =	shalt  }
0x81: {  	_ =	shalt  }
0x82: {  	_ =	shalt  }
0x83: {  	_ =	shalt  }
0x84: {  	_ =	shalt  }
0x85: {  	_ =	shalt  }
0x86: {  	_ =	shalt  }
0x87: {  	_ =	shalt  }
.Lfunc_end0:
.L_simem_size_0:
called_computation.1_lowered:
.L_overlay_start_0:
0x88: {  	s2 =	sld [smem:$0x3FD9]  }
0x89: {  	s3 =	sld [smem:$0x3FFE];
	_ =	sdelay $0x1  }
0x8a: {  	s1 =	srdreg.scid  }
0x8b: {  	s0 =	sand.u32 $0x1, s1  }
0x8c: {  	s16 =	sshll.u32 s0, $0xA;
	s2 =	sadd.s32 s3, s2  }
0x8d: {  	s2 =	sadd.s32 s2, s16  }
0x8e: {  	[smem:$0x3FB3] =	sst s2  }
0x8f: {  	_ = 	snop  }
0x90: {  	(tm) =	ssettm $0x1  }
0x91: {  	s17 =	sld [smem:$0x3FFB];
	_ =	sdelay $0x3  }
0x92: {  	_ =	strace s17  }
0x93: {  	s2 =	sld [smem:$0x3FFC];
	_ =	sdelay $0x3  }
0x94: {  	_ =	strace s2  }
0x95: {  	s2 =	sld [smem:$0x3FFD];
	_ =	sdelay $0x3  }
0x96: {  	_ =	strace s2  }
0x97: {  	_ =	strace $0x8FFFFFFF  }
0x98: {  	s18 =	sld [smem:$0x3FDB];
	_ =	sdelay $0x1  }
0x99: {  	s19 =	simm.s32 $_scs_section_size  }
0x9a: {  	s4 =	simm.s32 $_size__tile_overlayer_lowered;
	s5 =	simm.s32 $_tile_overlayer_lowered  }
0x9b: {  	s22 =	simm.s32 $0x1BFF;
	s21 =	sshll.u32 s5, $0x1;
	s2 =	sadd.s32 s19, s18  }
0x9c: {  	s6 =	simm.s32 $0x0;
	s20 =	sshll.u32 s4, $0x1;
	s4 =	sadd.s32 s21, s2  }
0x9d: {  	[timem:s6], [sflag:s22] =	dma.local [hbm:s4], s20  }
0x9e: {  	_ =	swait.ge [sflag:s22], s20  }
0x9f: {  	s3 =	ssub.s32 $0x0, s20;
	[sflag:s22] =	ssyncset.done $0x0  }
0xa0: {  	[sflag:s22] =	ssyncadd.s32 s3;
	_ =	sdelay $0x1  }
0xa1: {  	s23 =	simm.s32 $0x1B8B  }
0xa2: {  	_ =	swait.ge [sflag:s23], $0x1  }
0xa3: {  	[sflag:s23] =	ssyncset.done $0x0  }
0xa4: {  	s25 =	simm.s32 $0x1B8E;
	s24 =	sld [smem:$0x3FFE];
	[sflag:s23] =	ssyncadd.s32 $0xFFFFFFFF  }
0xa5: {  	s26 =	simm.s32 $execute0_lowered;
	[smem:$0x3FD2] =	sst s25  }
0xa6: {  	s4 =	sshll.u32 s26, $0x1;
	_ =	strace $0x80000049;
	[dreg:$0x1] =	wrdreg $0xFFFFFFFF  }
0xa7: {  	s28 =	simm.s32 $_size_execute0_lowered;
	s2 =	sadd.s32 s2, s4;
	[dreg:$0x0] =	wrdreg $0x0  }
0xa8: {  	s4 =	sshll.u32 s28, $0x1;
	[dreg:$0x2] =	wrdreg s2  }
0xa9: {  	[dreg:$0x3] =	wrdreg s4  }
0xaa: {  	[dreg:$0x4] =	wrdreg $0xC0  }
0xab: {  	_ =	task [dreg:s6], $0x5FFFF  }
0xac: {  	[dreg:$0x1] =	wrdreg $0xFFFFFFFF  }
0xad: {  	[dreg:$0x0] =	wrdreg $0x60  }
0xae: {  	[dreg:$0x2] =	wrdreg s24  }
0xaf: {  	[dreg:$0x3] =	wrdreg $0x9  }
0xb0: {  	_ =	task.clear_ibuf [dreg:s6], $0x4FFFF;
	_ =	strace $0x90000049  }
0xb1: {  	s29 =	simm.s32 $0x9;
	_ =	strace $0x8000004B  }
0xb2: {  	_ =	swait.ge [sflag:s29], $0x1  }
0xb3: {  	[sflag:s29] =	ssyncadd.s32 $0xFFFFFFFF  }
0xb4: {  	_ =	strace $0x9000004B  }
0xb5: {  	_ =	sfence  }
0xb6: {  	s30 =	sld [smem:$0x0];
	_ =	sdelay $0x2  }
0xb7: {  	s31 =	sshll.u32 s1, $0xD;
	s1 =	sshrl.u32 s1, $0x2  }
0xb8: {  	s3 =	sand.u32 $0x4000, s31;
	s1 =	sadd.s32 s1, s30  }
0xb9: {  	s0 =	sor.u32 s3, s0;
	s1 =	sshll.u32 s1, $0x11  }
0xba: {  	s0 =	sor.u32 s1, s0  }
0xbb: {  	s0 =	sadd.s32 $0x8F2B, s0  }
0xbc: {  	[sflag:s0] =	ssyncadd.remote.s32 $0x1  }
0xbd: {  	_ =	sfence.sel $0xFFFF  }
0xbe: {  	[dreg:$0x0] =	wrdreg $0xFFFFFFFF;
	(pc) =	sbr.abs _section_cstart, $3  }
0xbf: {  	[dreg:$0x1] =	wrdreg $0xFFFFFFFF  }
0xc0: {  	_ =	task.clear_ibuf [dreg:s6], $0x2FFFF;
	_ =	strace $0x9FFFFFFF  }
0xc1: {  	(tm) =	ssettm $0x7FFFFFFF  }
tec
execute0_lowered:
.L_overlay_start_1:
0x0: {  	(tag) =	ssettag $0x1  }
0x1: {  	s8 =	rddreg [dreg:$0x0]  }
0x2: {  	s0 =	rddreg [dreg:$0x1];
	s1 =	simm.s32 $0x0  }
0x3: {  	s2 =	srdreg.scid;
	s12 =	simm.s32 $0x80;
	s13 =	simm.s32 $0x100  }
0x4: {  	s14 =	simm.s32 $0x4100;
	s15 =	simm.s32 $0x1;
	s16 =	simm.s32 $0x0  }
0x5: {  	[smem:$0x7FF] =	sst s1;
	s3 =	sadd.s32 $0x2B000, s8;
	s4 =	sadd.s32 $0x52200, s8  }
0x6: {  	s5 =	sand.u32 $0x1, s2;
	s2 =	stileid.u32;
	_ =	strace $0x8000004A  }
0x7: {  	s7 =	ssub.s32 $0x2, s5;
	s6 =	sshll.u32 s5, $0x4;
	s5 =	sadd.s32 $0x517000, s8  }
0x8: {  	s9 =	sshrl.u32 s7, $0x1;
	s10 =	sor.u32 s2, s6;
	s6 =	sadd.s32 $0x50D000, s8  }
0x9: {  	s8 =	sadd.s32 $0x521000, s8;
	s11 =	ssub.s32 s7, s9;
	s7 =	smul.u32 $0x2800, s10  }
0xa: {  	s9 =	smul.u32 $0x50, s10;
	s10 =	smax.u32 s11, $0x1;
	s11 =	simm.s32 $0x2  }
.LBB2_1:
0xb: {  	s17 =	simm.s32 $0x0  }
.LBB2_2:
0xc: {  	s18 =	sshll.u32 s17, $0x7  }
0xd: {  	s18 =	sadd.s32 s7, s18  }
0xe: {  	s18 =	sshrl.u32 s18, $0x3  }
0xf: {  	s20 =	simm.s32 $0x0;
	s19 =	sadd.s32 s5, s18  }
0x10: {  	[tilespmem:s20], [sflag:$0x2] =	stream.linear.gather [hbm4b:s19+s20], $0x80, $0x38;
	[tilespmem:$0x8100] =	vst v63  }
0x11: {  	_ =	swait.ge [sflag:s11], $0x80  }
0x12: {  	[sflag:s11] =	ssyncset.done $0x0  }
0x13: {  	s18 =	sadd.s32 s6, s18;
	[sflag:s11] =	ssyncadd.s32 $0xFFFFFF80  }
0x14: {  	[tilespmem:s12], [sflag:$0x2] =	stream.linear.gather [hbm4b:s18+s20], $0x80, $0x38;
	[tilespmem:$0x8100] =	vst v63  }
0x15: {  	_ =	swait.ge [sflag:s11], $0x80  }
0x16: {  	[sflag:s11] =	ssyncset.done $0x0  }
0x17: {  	[sflag:s11] =	ssyncadd.s32 $0xFFFFFF80  }
0x18: {  	[tilespmem:s13], [sflag:$0x1] =	stream.indirect.gather [hbm4b:s3+s12], $0x80, s12, s12, $0xb8;
	[tilespmem:$0x8100] =	vst v63  }
0x19: {  	_ = 	snop  }
0x1a: {  	[tilespmem:s14], [sflag:$0x1] =	stream.indirect.gather [hbm4b:s4+s12], $0x80, s20, s12, $0xb8;
	[tilespmem:$0x8100] =	vst v63  }
0x1b: {  	_ =	swait.ge [sflag:s15], $0x4000  }
0x1c: {  	[sflag:s15] =	ssyncset.done $0x0  }
0x1d: {  	[sflag:s15] =	ssyncadd.s32 $0xFFFFC000  }
0x1e: {  	_ =	swait.ge [sflag:s15], $0x4000  }
0x1f: {  	[sflag:s15] =	ssyncset.done $0x0  }
0x20: {  	s18 =	simm.s32 $0x0;
	[sflag:s15] =	ssyncadd.s32 $0xFFFFC000  }
0x21: {  	v6 =	vld [tilespmem:s18+$0x4100]  }
0x22: {  	v7 =	vld [tilespmem:s18+$0x4110]  }
0x23: {  	v8 =	vld [tilespmem:s18+$0x4120]  }
0x24: {  	v9 =	vld [tilespmem:s18+$0x4130]  }
0x25: {  	v10 =	vld [tilespmem:s18+$0x4140]  }
0x26: {  	v11 =	vld [tilespmem:s18+$0x4150]  }
0x27: {  	v12 =	vld [tilespmem:s18+$0x4160]  }
0x28: {  	v13 =	vld [tilespmem:s18+$0x4170]  }
0x29: {  	v14 =	vld [tilespmem:s18+$0x4180]  }
0x2a: {  	v15 =	vld [tilespmem:s18+$0x4190]  }
0x2b: {  	v16 =	vld [tilespmem:s18+$0x41A0]  }
0x2c: {  	v17 =	vld [tilespmem:s18+$0x41B0]  }
0x2d: {  	v18 =	vld [tilespmem:s18+$0x41C0]  }
0x2e: {  	v19 =	vld [tilespmem:s18+$0x41D0]  }
0x2f: {  	v20 =	vld [tilespmem:s18+$0x41E0]  }
0x30: {  	v21 =	vld [tilespmem:s18+$0x41F0]  }
0x31: {  	v22 =	vld [tilespmem:s18+$0x4200]  }
0x32: {  	v23 =	vld [tilespmem:s18+$0x4210]  }
0x33: {  	v24 =	vld [tilespmem:s18+$0x4220]  }
0x34: {  	v25 =	vld [tilespmem:s18+$0x4230]  }
0x35: {  	v26 =	vld [tilespmem:s18+$0x4240]  }
0x36: {  	v27 =	vld [tilespmem:s18+$0x4250]  }
0x37: {  	v28 =	vld [tilespmem:s18+$0x4260]  }
0x38: {  	v29 =	vld [tilespmem:s18+$0x4270]  }
0x39: {  	v30 =	vld [tilespmem:s18+$0x4280]  }
0x3a: {  	v31 =	vld [tilespmem:s18+$0x4290]  }
0x3b: {  	v5 =	vld [tilespmem:s18+$0x42A0]  }
0x3c: {  	v4 =	vld [tilespmem:s18+$0x42B0]  }
0x3d: {  	v3 =	vld [tilespmem:s18+$0x42C0]  }
0x3e: {  	v2 =	vld [tilespmem:s18+$0x42D0]  }
0x3f: {  	v1 =	vld [tilespmem:s18+$0x42E0]  }
0x40: {  	v32 =	vld [tilespmem:s18+$0x100]  }
0x41: {  	v33 =	vld [tilespmem:s18+$0x110]  }
0x42: {  	v34 =	vld [tilespmem:s18+$0x120]  }
0x43: {  	v35 =	vld [tilespmem:s18+$0x130]  }
0x44: {  	v36 =	vld [tilespmem:s18+$0x140]  }
0x45: {  	v63 =	vld [tilespmem:s18+$0x150];
	v6 =	vmul.f32 v6, v32  }
0x46: {  	v37 =	vld [tilespmem:s18+$0x160];
	v7 =	vmul.f32 v7, v33  }
0x47: {  	v8 =	vmul.f32 v8, v34;
	[tilespmem:s18+$0x100] =	vst v6;
	v6 =	vld [tilespmem:s18+$0x170]  }
0x48: {  	v9 =	vmul.f32 v9, v35;
	[tilespmem:s18+$0x110] =	vst v7;
	v7 =	vld [tilespmem:s18+$0x180]  }
0x49: {  	v10 =	vmul.f32 v10, v36;
	[tilespmem:s18+$0x120] =	vst v8;
	v8 =	vld [tilespmem:s18+$0x190]  }
0x4a: {  	v11 =	vmul.f32 v11, v63;
	[tilespmem:s18+$0x130] =	vst v9;
	v9 =	vld [tilespmem:s18+$0x1A0]  }
0x4b: {  	v12 =	vmul.f32 v12, v37;
	[tilespmem:s18+$0x140] =	vst v10;
	v10 =	vld [tilespmem:s18+$0x1B0]  }
0x4c: {  	[tilespmem:s18+$0x150] =	vst v11;
	v11 =	vld [tilespmem:s18+$0x1C0];
	v6 =	vmul.f32 v13, v6  }
0x4d: {  	[tilespmem:s18+$0x160] =	vst v12;
	v12 =	vld [tilespmem:s18+$0x1D0];
	v7 =	vmul.f32 v14, v7  }
0x4e: {  	v8 =	vmul.f32 v15, v8;
	[tilespmem:s18+$0x170] =	vst v6;
	v6 =	vld [tilespmem:s18+$0x1E0]  }
0x4f: {  	v9 =	vmul.f32 v16, v9;
	[tilespmem:s18+$0x180] =	vst v7;
	v7 =	vld [tilespmem:s18+$0x1F0]  }
0x50: {  	v10 =	vmul.f32 v17, v10;
	[tilespmem:s18+$0x190] =	vst v8;
	v8 =	vld [tilespmem:s18+$0x200]  }
0x51: {  	v11 =	vmul.f32 v18, v11;
	[tilespmem:s18+$0x1A0] =	vst v9;
	v9 =	vld [tilespmem:s18+$0x210]  }
0x52: {  	v12 =	vmul.f32 v19, v12;
	[tilespmem:s18+$0x1B0] =	vst v10;
	v10 =	vld [tilespmem:s18+$0x220]  }
0x53: {  	[tilespmem:s18+$0x1C0] =	vst v11;
	v11 =	vld [tilespmem:s18+$0x230];
	v6 =	vmul.f32 v20, v6  }
0x54: {  	[tilespmem:s18+$0x1D0] =	vst v12;
	v12 =	vld [tilespmem:s18+$0x240]  }
0x55: {  	v7 =	vmul.f32 v21, v7;
	[tilespmem:s18+$0x1E0] =	vst v6;
	v6 =	vld [tilespmem:s18+$0x250]  }
0x56: {  	v0 =	vld [tilespmem:s18+$0x42F0];
	v8 =	vmul.f32 v22, v8  }
0x57: {  	[tilespmem:s18+$0x1F0] =	vst v7;
	v7 =	vmul.f32 v23, v9;
	v9 =	vld [tilespmem:s18+$0x270]  }
0x58: {  	v13 =	vld [tilespmem:s18+$0x260];
	[tilespmem:s18+$0x200] =	vst v8;
	v8 =	vmul.f32 v24, v10  }
0x59: {  	v10 =	vld [tilespmem:s18+$0x280];
	[tilespmem:s18+$0x210] =	vst v7;
	v7 =	vmul.f32 v25, v11  }
0x5a: {  	[tilespmem:s18+$0x220] =	vst v8;
	v11 =	vld [tilespmem:s18+$0x290];
	v8 =	vmul.f32 v26, v12;
	v12 =	vmul.f32 v27, v6  }
0x5b: {  	[tilespmem:s18+$0x230] =	vst v7;
	v7 =	vld [tilespmem:s18+$0x2A0]  }
0x5c: {  	v6 =	vld [tilespmem:s18+$0x2B0];
	[tilespmem:s18+$0x250] =	vst v12;
	v12 =	vmul.f32 v29, v9  }
0x5d: {  	v13 =	vmul.f32 v28, v13;
	[tilespmem:s18+$0x240] =	vst v8;
	v8 =	vld [tilespmem:s18+$0x2C0]  }
0x5e: {  	v9 =	vld [tilespmem:s18+$0x2D0];
	[tilespmem:s18+$0x270] =	vst v12;
	v12 =	vmul.f32 v30, v10  }
0x5f: {  	s19 =	simm.s32 $0x800;
	[tilespmem:s18+$0x260] =	vst v13;
	v11 =	vmul.f32 v31, v11;
	v10 =	vld [tilespmem:s18+$0x2E0]  }
.LBB2_3:
0x60: {  	s20 =	sshra.s32 s19, $0x2;
	p0 =	sne.s32 s19, $0xF800;
	[tilespmem:s18+$0x280] =	vst v12;
	v5 =	vmul.f32 v5, v7;
	v7 =	vld [tilespmem:s18+$0x2F0]  }
0x61: {  	v12 =	vld [tilespmem:s20+$0x4100];
	[tilespmem:s18+$0x290] =	vst v11;
	v4 =	vmul.f32 v4, v6  }
0x62: {  	v6 =	vld [tilespmem:s20+$0x4110];
	[tilespmem:s18+$0x2A0] =	vst v5;
	v3 =	vmul.f32 v3, v8  }
0x63: {  	v8 =	vld [tilespmem:s20+$0x4120];
	[tilespmem:s18+$0x2B0] =	vst v4;
	v2 =	vmul.f32 v2, v9  }
0x64: {  	v9 =	vld [tilespmem:s20+$0x4130];
	[tilespmem:s18+$0x2C0] =	vst v3;
	v1 =	vmul.f32 v1, v10  }
0x65: {  	v10 =	vld [tilespmem:s20+$0x4140];
	[tilespmem:s18+$0x2D0] =	vst v2;
	v0 =	vmul.f32 v0, v7  }
0x66: {  	v7 =	vld [tilespmem:s20+$0x4150];
	[tilespmem:s18+$0x2E0] =	vst v1  }
0x67: {  	v11 =	vld [tilespmem:s20+$0x4160];
	[tilespmem:s18+$0x2F0] =	vst v0;
	s18 =	smov.u32 s20  }
0x68: {  	v13 =	vld [tilespmem:s18+$0x4170]  }
0x69: {  	v14 =	vld [tilespmem:s18+$0x4180]  }
0x6a: {  	v15 =	vld [tilespmem:s18+$0x4190]  }
0x6b: {  	v16 =	vld [tilespmem:s18+$0x41A0]  }
0x6c: {  	v17 =	vld [tilespmem:s18+$0x41B0]  }
0x6d: {  	v18 =	vld [tilespmem:s18+$0x41C0]  }
0x6e: {  	v19 =	vld [tilespmem:s18+$0x41D0]  }
0x6f: {  	v20 =	vld [tilespmem:s18+$0x41E0]  }
0x70: {  	v21 =	vld [tilespmem:s18+$0x41F0]  }
0x71: {  	v22 =	vld [tilespmem:s18+$0x4200]  }
0x72: {  	v23 =	vld [tilespmem:s18+$0x4210]  }
0x73: {  	v24 =	vld [tilespmem:s18+$0x4220]  }
0x74: {  	v25 =	vld [tilespmem:s18+$0x4230]  }
0x75: {  	v26 =	vld [tilespmem:s18+$0x4240]  }
0x76: {  	v27 =	vld [tilespmem:s18+$0x4250]  }
0x77: {  	v28 =	vld [tilespmem:s18+$0x4260]  }
0x78: {  	v29 =	vld [tilespmem:s18+$0x4270]  }
0x79: {  	v30 =	vld [tilespmem:s18+$0x4280]  }
0x7a: {  	v31 =	vld [tilespmem:s18+$0x4290]  }
0x7b: {  	v5 =	vld [tilespmem:s18+$0x42A0]  }
0x7c: {  	v4 =	vld [tilespmem:s18+$0x42B0]  }
0x7d: {  	v3 =	vld [tilespmem:s18+$0x42C0]  }
0x7e: {  	v2 =	vld [tilespmem:s18+$0x42D0]  }
0x7f: {  	v1 =	vld [tilespmem:s18+$0x42E0]  }
0x80: {  	v0 =	vld [tilespmem:s18+$0x42F0]  }
0x81: {  	v32 =	vld [tilespmem:s18+$0x100]  }
0x82: {  	v33 =	vld [tilespmem:s18+$0x110]  }
0x83: {  	v34 =	vld [tilespmem:s18+$0x120]  }
0x84: {  	v35 =	vld [tilespmem:s18+$0x130]  }
0x85: {  	v36 =	vld [tilespmem:s18+$0x140]  }
0x86: {  	v12 =	vmul.f32 v12, v32;
	v32 =	vld [tilespmem:s18+$0x150]  }
0x87: {  	v6 =	vmul.f32 v6, v33;
	v33 =	vld [tilespmem:s18+$0x160]  }
0x88: {  	[tilespmem:s18+$0x100] =	vst v12;
	v8 =	vmul.f32 v8, v34;
	v12 =	vld [tilespmem:s18+$0x170]  }
0x89: {  	[tilespmem:s18+$0x110] =	vst v6;
	v6 =	vmul.f32 v9, v35;
	v9 =	vld [tilespmem:s18+$0x180]  }
0x8a: {  	[tilespmem:s18+$0x120] =	vst v8;
	v8 =	vmul.f32 v10, v36;
	v10 =	vld [tilespmem:s18+$0x190]  }
0x8b: {  	[tilespmem:s18+$0x130] =	vst v6;
	v6 =	vmul.f32 v7, v32;
	v7 =	vld [tilespmem:s18+$0x1A0]  }
0x8c: {  	[tilespmem:s18+$0x140] =	vst v8;
	v8 =	vmul.f32 v11, v33;
	v11 =	vld [tilespmem:s18+$0x1B0]  }
0x8d: {  	[tilespmem:s18+$0x150] =	vst v6;
	v6 =	vmul.f32 v13, v12;
	v12 =	vld [tilespmem:s18+$0x1C0]  }
0x8e: {  	[tilespmem:s18+$0x160] =	vst v8;
	v8 =	vmul.f32 v14, v9;
	v9 =	vld [tilespmem:s18+$0x1D0]  }
0x8f: {  	[tilespmem:s18+$0x170] =	vst v6;
	v6 =	vmul.f32 v15, v10;
	v10 =	vld [tilespmem:s18+$0x1E0]  }
0x90: {  	[tilespmem:s18+$0x180] =	vst v8;
	v7 =	vmul.f32 v16, v7;
	v8 =	vld [tilespmem:s18+$0x1F0]  }
0x91: {  	[tilespmem:s18+$0x190] =	vst v6;
	v6 =	vmul.f32 v17, v11;
	v11 =	vld [tilespmem:s18+$0x200]  }
0x92: {  	[tilespmem:s18+$0x1A0] =	vst v7;
	v7 =	vmul.f32 v18, v12;
	v12 =	vld [tilespmem:s18+$0x210]  }
0x93: {  	[tilespmem:s18+$0x1B0] =	vst v6;
	v6 =	vmul.f32 v19, v9;
	v9 =	vld [tilespmem:s18+$0x220]  }
0x94: {  	[tilespmem:s18+$0x1C0] =	vst v7;
	v7 =	vmul.f32 v20, v10;
	v10 =	vld [tilespmem:s18+$0x230]  }
0x95: {  	[tilespmem:s18+$0x1D0] =	vst v6;
	v6 =	vmul.f32 v21, v8;
	v8 =	vld [tilespmem:s18+$0x240]  }
0x96: {  	[tilespmem:s18+$0x1E0] =	vst v7;
	v7 =	vmul.f32 v22, v11;
	v11 =	vld [tilespmem:s18+$0x250]  }
0x97: {  	[tilespmem:s18+$0x1F0] =	vst v6;
	v6 =	vmul.f32 v23, v12;
	v12 =	vld [tilespmem:s18+$0x260]  }
0x98: {  	[tilespmem:s18+$0x200] =	vst v7;
	v7 =	vmul.f32 v24, v9;
	v9 =	vld [tilespmem:s18+$0x270]  }
0x99: {  	[tilespmem:s18+$0x210] =	vst v6;
	v6 =	vmul.f32 v25, v10;
	v10 =	vld [tilespmem:s18+$0x280]  }
0x9a: {  	[tilespmem:s18+$0x220] =	vst v7;
	v8 =	vmul.f32 v26, v8;
	v13 =	vld [tilespmem:s18+$0x290]  }
.Ltmp0:
0x9b: {  	[tilespmem:s18+$0x230] =	vst v6;
	v11 =	vmul.f32 v27, v11;
	v7 =	vld [tilespmem:s18+$0x2A0];
	(pc) =	sbr.rel @p0 .LBB2_3-.Ltmp0, $4  }
0x9c: {  	[tilespmem:s18+$0x240] =	vst v8;
	v12 =	vmul.f32 v28, v12;
	v6 =	vld [tilespmem:s18+$0x2B0]  }
0x9d: {  	[tilespmem:s18+$0x250] =	vst v11;
	v11 =	vmul.f32 v29, v9;
	v8 =	vld [tilespmem:s18+$0x2C0]  }
0x9e: {  	[tilespmem:s18+$0x260] =	vst v12;
	v12 =	vmul.f32 v30, v10;
	v9 =	vld [tilespmem:s18+$0x2D0]  }
0x9f: {  	s19 =	sadd.s32 $0x800, s19;
	[tilespmem:s18+$0x270] =	vst v11;
	v11 =	vmul.f32 v31, v13;
	v10 =	vld [tilespmem:s18+$0x2E0]  }
0xa0: {  	[tilespmem:s18+$0x280] =	vst v12;
	v5 =	vmul.f32 v5, v7;
	v63 =	vld [tilespmem:s18+$0x2F0]  }
0xa1: {  	[tilespmem:s18+$0x290] =	vst v11;
	v4 =	vmul.f32 v4, v6  }
0xa2: {  	[tilespmem:s18+$0x2A0] =	vst v5;
	v3 =	vmul.f32 v3, v8  }
0xa3: {  	[tilespmem:s18+$0x2B0] =	vst v4;
	v2 =	vmul.f32 v2, v9  }
0xa4: {  	[tilespmem:s18+$0x2C0] =	vst v3;
	v1 =	vmul.f32 v1, v10  }
0xa5: {  	s19 =	sadd.s32 s9, s17;
	s17 =	sadd.s32 $0x1, s17;
	[tilespmem:s18+$0x2D0] =	vst v2;
	v0 =	vmul.f32 v0, v63  }
0xa6: {  	s19 =	sshll.u32 s19, $0xB;
	p0 =	sne.s32 s17, $0x50;
	[tilespmem:s18+$0x2E0] =	vst v1  }
.Ltmp1:
0xa7: {  	s31 =	sadd.s32 s8, s19;
	[tilespmem:s18+$0x2F0] =	vst v0;
	(pc) =	sbr.rel @p0 .LBB2_2-.Ltmp1, $4  }
0xa8: {  	[hbm4b:s31+s1] =	stream.linear.scatter [tilespmem:s13], [sflag:$0x2], $0x4000, $0x38;
	[tilespmem:$0x8100] =	vst v63  }
0xa9: {  	_ =	swait.ge [sflag:s11], $0x4000  }
0xaa: {  	[sflag:s11] =	ssyncset.done $0x0  }
0xab: {  	[sflag:s11] =	ssyncadd.s32 $0xFFFFC000  }
0xac: {  	s16 =	sadd.s32 $0x1, s16  }
0xad: {  	p0 =	sne.s32 s16, s10  }
.Ltmp2:
0xae: {  	_ = 	snop;
	(pc) =	sbr.rel @p0 .LBB2_1-.Ltmp2, $1  }
0xaf: {  	_ =	sdelay $0x3  }
0xb0: {  	_ =	sfence.sel $0x180000  }
0xb1: {  	[bflag:$0x0] =	sbarrier.arrive $0xFFFF  }
0xb2: {  	p0 =	sne.s32 s2, $0x0;
	_ =	strace $0x9000004A  }
0xb3: {  	s0 =	sadd.s32 @!p0 $0x100000, s0;
	[bflag:$0x2] =	sbarrier.arrive $0xFFFF  }
0xb4: {  	[sflag:s0] =	ssyncadd.tile.s32 @!p0 $0x1;
	_ =	shalt  }
.Lfunc_end2:
_tile_overlayer_lowered:
.L_overlay_start_2:
0xb5: {  	(tag) =	ssettag $0x2  }
0xb6: {  	s0 =	rddreg [dreg:$0x0];
	s2 =	stileid.u32  }
0xb7: {  	s1 =	rddreg [dreg:$0x1];
	p0 =	sne.s32 s2, $0x0  }
0xb8: {  	s3 =	rddreg [dreg:$0x2];
	[bflag:$0x3] =	sbarrier.arrive $0xFFFF;
	s2 =	simm.s32 @!p0 $0x1C02  }
0xb9: {  	[timem:s3], [sflag:s2] =	dma.local @!p0 [hbm:s0], s1  }
0xba: {  	s0 =	simm.s32 @!p0 $0x2  }
0xbb: {  	_ =	swait.ge @!p0 [sflag:s0], s1  }
0xbc: {  	s1 =	ssub.s32 @!p0 $0x0, s1;
	[sflag:s0] =	ssyncset.done @!p0 $0x0  }
0xbd: {  	[sflag:s0] =	ssyncadd.s32 @!p0 s1  }
0xbe: {  	[bflag:$0x3] =	sbarrier.arrive $0xFFFF  }
0xbf: {  	_ =	shalt  }

// kernel: kernel.17.cloned.1.call-start
scs
__scs_entry_jumppad:
0x0: {  	(pc) =	sbr.rel $0x88, $3  }
0x1: {  	(tag) =	ssettag $0x0;
	lr =	simm.s32 $0x1  }
0x2: {  	[smem:$0x3F8C] =	sst lr;
	_ =	strace $0xD0000000  }
0x3: {  	_ = 	snop  }
0x4: {  	_ = 	snop  }
0x5: {  	_ = 	snop  }
0x6: {  	_ = 	snop  }
0x7: {  	_ = 	snop  }
__scs_overlays_trampoline_lowered:
0x8: {  	[smem:$0x3F9B] =	sst s0  }
0x9: {  	[smem:$0x3F9C] =	sst s1  }
0xa: {  	[smem:$0x3F9D] =	sst s2  }
0xb: {  	[smem:$0x3F9E] =	sst s3  }
0xc: {  	[smem:$0x3F9F] =	sst s4  }
0xd: {  	[smem:$0x3FA0] =	sst s5  }
0xe: {  	[smem:$0x3FA1] =	sst s6  }
0xf: {  	[smem:$0x3FA2] =	sst s7  }
0x10: {  	[smem:$0x3FA3] =	sst s8  }
0x11: {  	[smem:$0x3FA4] =	sst s9;
	s0 =	simm.s32 @!p0 $0x0  }
0x12: {  	s1 =	sld [smem:$0x3F8A];
	s0 =	simm.s32 @p0 $0x1  }
0x13: {  	[smem:$0x3FA5] =	sst s0;
	s0 =	simm.s32 @!p1 $0x0  }
0x14: {  	s2 =	sld [smem:$0x3F89];
	s0 =	simm.s32 @p1 $0x1  }
0x15: {  	[smem:$0x3FA6] =	sst s0;
	s0 =	simm.s32 @!p2 $0x0  }
0x16: {  	s3 =	sld [smem:$0x3FDB];
	s0 =	simm.s32 @p2 $0x1  }
0x17: {  	s4 =	simm.s32 $0x1BF5;
	[smem:$0x3FA8] =	sst s0  }
0x18: {  	s0 =	sld [smem:$0x3F8B];
	_ =	swait.ge [sflag:s4], $0x0  }
0x19: {  	s7 =	sld [smem:$0x3F8C]  }
0x1a: {  	s8 =	sadd.s32 $0xFFFFE003, lr  }
0x1b: {  	s9 =	sadd.s32 $0xFFFFFEF7, lr;
	s5 =	simm.s32 $0xFFFFFFFF;
	p2 =	slt.u32 s8, $0xFFFFF086  }
0x1c: {  	p1 =	slt.u32 s9, $0xF7A;
	s5 =	simm.s32 @!p2 $0x0  }
0x1d: {  	s5 =	simm.s32 @p1 $0x1;
	p0 =	seq.s32 s7, s2  }
0x1e: {  	s7 =	smul.u32 @!p0 $0xF7A, s2;
	p2 =	seq.s32 @!p0 s5, $0x0  }
0x1f: {  	s9 =	smul.u32 $0xF7A, s1;
	s8 =	simm.s32 @!p0 $0x1BF5;
	p2 =	por !p2, p0  }
0x20: {  	[sflag:s8] =	ssyncset.s32 @!p0 $0xFFFFF086;
	s6 =	sadd.s32 @!p0 s3, s7;
	s7 =	simm.s32 @!p0 $0x108  }
0x21: {  	s3 =	sadd.s32 s3, s9;
	s6 =	sadd.s32 @!p0 $0x88, s6;
	s7 =	simm.s32 @p2 $0x1082  }
0x22: {  	[simem:s7], [sflag:s8] =	dma.local @!p0 [hbm:s6], $0xF7A  }
0x23: {  	s9 =	sor.u32 $0xD0000000, s2;
	s6 =	simm.s32 $0x108;
	_ =	swait.ge @!p0 [sflag:s8], $0x0  }
0x24: {  	s3 =	sadd.s32 $0x88, s3;
	s6 =	simm.s32 @!p1 $0x1082;
	[sflag:s4] =	ssyncset.s32 $0xFFFFF086  }
0x25: {  	[simem:s6], [sflag:s4] =	dma.local [hbm:s3], $0xF7A  }
0x26: {  	[smem:$0x3F8C] =	sst s1;
	(tag) =	ssettag s2;
	_ =	strace s9  }
0x27: {  	s1 =	sld [smem:$0x3F9C]  }
0x28: {  	s2 =	sld [smem:$0x3F9D]  }
0x29: {  	s4 =	sld [smem:$0x3F9F]  }
0x2a: {  	p0 =	seq.s32 s5, $0x0;
	s5 =	sld [smem:$0x3FA0]  }
0x2b: {  	s6 =	sld [smem:$0x3FA1]  }
0x2c: {  	s7 =	sld [smem:$0x3FA2]  }
0x2d: {  	s3 =	simm.s32 $0x108;
	s8 =	sld [smem:$0x3FA3]  }
0x2e: {  	s3 =	simm.s32 @!p0 $0x1082;
	s9 =	sld [smem:$0x3FA4]  }
0x2f: {  	lr =	sadd.s32 s0, s3;
	s0 =	sld [smem:$0x3F9B]  }
0x30: {  	s3 =	sld [smem:$0x3F9E]  }
0x31: {  	[smem:$0x3FA7] =	sst s10  }
0x32: {  	s10 =	sld [smem:$0x3FA5];
	_ =	sdelay $0x3  }
0x33: {  	p0 =	seq.s32 s10, $0x1;
	s10 =	sld [smem:$0x3FA7];
	_ =	sdelay $0x3  }
0x34: {  	[smem:$0x3FA7] =	sst s10  }
0x35: {  	s10 =	sld [smem:$0x3FA6];
	_ =	sdelay $0x3  }
0x36: {  	p1 =	seq.s32 s10, $0x1;
	s10 =	sld [smem:$0x3FA7];
	_ =	sdelay $0x3  }
0x37: {  	[smem:$0x3FA7] =	sst s10  }
0x38: {  	s10 =	sld [smem:$0x3FA8]  }
0x39: {  	_ = 	snop;
	(pc) =	sbr.ind lr, $3  }
0x3a: {  	_ = 	snop  }
0x3b: {  	_ = 	snop  }
0x3c: {  	p2 =	seq.s32 s10, $0x1;
	s10 =	sld [smem:$0x3FA7]  }
0x3d: {  	_ =	shalt  }
0x3e: {  	_ =	shalt  }
0x3f: {  	_ =	shalt  }
0x40: {  	_ =	shalt  }
0x41: {  	_ =	shalt  }
0x42: {  	_ =	shalt  }
0x43: {  	_ =	shalt  }
0x44: {  	_ =	shalt  }
0x45: {  	_ =	shalt  }
0x46: {  	_ =	shalt  }
0x47: {  	_ =	shalt  }
0x48: {  	_ =	shalt  }
0x49: {  	_ =	shalt  }
0x4a: {  	_ =	shalt  }
0x4b: {  	_ =	shalt  }
0x4c: {  	_ =	shalt  }
0x4d: {  	_ =	shalt  }
0x4e: {  	_ =	shalt  }
0x4f: {  	_ =	shalt  }
0x50: {  	_ =	shalt  }
0x51: {  	_ =	shalt  }
0x52: {  	_ =	shalt  }
0x53: {  	_ =	shalt  }
0x54: {  	_ =	shalt  }
0x55: {  	_ =	shalt  }
0x56: {  	_ =	shalt  }
0x57: {  	_ =	shalt  }
0x58: {  	_ =	shalt  }
0x59: {  	_ =	shalt  }
0x5a: {  	_ =	shalt  }
0x5b: {  	_ =	shalt  }
0x5c: {  	_ =	shalt  }
0x5d: {  	_ =	shalt  }
0x5e: {  	_ =	shalt  }
0x5f: {  	_ =	shalt  }
0x60: {  	_ =	shalt  }
0x61: {  	_ =	shalt  }
0x62: {  	_ =	shalt  }
0x63: {  	_ =	shalt  }
0x64: {  	_ =	shalt  }
0x65: {  	_ =	shalt  }
0x66: {  	_ =	shalt  }
0x67: {  	_ =	shalt  }
0x68: {  	_ =	shalt  }
0x69: {  	_ =	shalt  }
0x6a: {  	_ =	shalt  }
0x6b: {  	_ =	shalt  }
0x6c: {  	_ =	shalt  }
0x6d: {  	_ =	shalt  }
0x6e: {  	_ =	shalt  }
0x6f: {  	_ =	shalt  }
0x70: {  	_ =	shalt  }
0x71: {  	_ =	shalt  }
0x72: {  	_ =	shalt  }
0x73: {  	_ =	shalt  }
0x74: {  	_ =	shalt  }
0x75: {  	_ =	shalt  }
0x76: {  	_ =	shalt  }
0x77: {  	_ =	shalt  }
0x78: {  	_ =	shalt  }
0x79: {  	_ =	shalt  }
0x7a: {  	_ =	shalt  }
0x7b: {  	_ =	shalt  }
0x7c: {  	_ =	shalt  }
0x7d: {  	_ =	shalt  }
0x7e: {  	_ =	shalt  }
0x7f: {  	_ =	shalt  }
0x80: {  	_ =	shalt  }
0x81: {  	_ =	shalt  }
0x82: {  	_ =	shalt  }
0x83: {  	_ =	shalt  }
0x84: {  	_ =	shalt  }
0x85: {  	_ =	shalt  }
0x86: {  	_ =	shalt  }
0x87: {  	_ =	shalt  }
.Lfunc_end0:
.L_simem_size_0:
called_computation.2_lowered:
.L_overlay_start_0:
0x88: {  	s2 =	sld [smem:$0x3FD9]  }
0x89: {  	s3 =	sld [smem:$0x3FFE];
	_ =	sdelay $0x1  }
0x8a: {  	s1 =	srdreg.scid  }
0x8b: {  	s0 =	sand.u32 $0x1, s1  }
0x8c: {  	s16 =	sshll.u32 s0, $0xA;
	s2 =	sadd.s32 s3, s2  }
0x8d: {  	s2 =	sadd.s32 s2, s16  }
0x8e: {  	[smem:$0x3FB3] =	sst s2  }
0x8f: {  	_ = 	snop  }
0x90: {  	(tm) =	ssettm $0x1  }
0x91: {  	s17 =	sld [smem:$0x3FFB];
	_ =	sdelay $0x3  }
0x92: {  	_ =	strace s17  }
0x93: {  	s2 =	sld [smem:$0x3FFC];
	_ =	sdelay $0x3  }
0x94: {  	_ =	strace s2  }
0x95: {  	s2 =	sld [smem:$0x3FFD];
	_ =	sdelay $0x3  }
0x96: {  	_ =	strace s2  }
0x97: {  	_ =	strace $0x8FFFFFFF  }
0x98: {  	s18 =	sld [smem:$0x3FDB];
	_ =	sdelay $0x1  }
0x99: {  	s19 =	simm.s32 $_scs_section_size  }
0x9a: {  	s4 =	simm.s32 $_size__tile_overlayer_lowered;
	s5 =	simm.s32 $_tile_overlayer_lowered  }
0x9b: {  	s22 =	simm.s32 $0x1BFF;
	s21 =	sshll.u32 s5, $0x1;
	s2 =	sadd.s32 s19, s18  }
0x9c: {  	s6 =	simm.s32 $0x0;
	s20 =	sshll.u32 s4, $0x1;
	s4 =	sadd.s32 s21, s2  }
0x9d: {  	[timem:s6], [sflag:s22] =	dma.local [hbm:s4], s20  }
0x9e: {  	_ =	swait.ge [sflag:s22], s20  }
0x9f: {  	s3 =	ssub.s32 $0x0, s20;
	[sflag:s22] =	ssyncset.done $0x0  }
0xa0: {  	[sflag:s22] =	ssyncadd.s32 s3;
	_ =	sdelay $0x1  }
0xa1: {  	s23 =	simm.s32 $0x1B8B  }
0xa2: {  	_ =	swait.ge [sflag:s23], $0x1  }
0xa3: {  	[sflag:s23] =	ssyncset.done $0x0  }
0xa4: {  	s25 =	simm.s32 $0x1B8E;
	s24 =	sld [smem:$0x3FFE];
	[sflag:s23] =	ssyncadd.s32 $0xFFFFFFFF  }
0xa5: {  	s26 =	simm.s32 $execute0_lowered;
	[smem:$0x3FD2] =	sst s25  }
0xa6: {  	s4 =	sshll.u32 s26, $0x1;
	_ =	strace $0x8000004C;
	[dreg:$0x1] =	wrdreg $0xFFFFFFFF  }
0xa7: {  	s28 =	simm.s32 $_size_execute0_lowered;
	s2 =	sadd.s32 s2, s4;
	[dreg:$0x0] =	wrdreg $0x0  }
0xa8: {  	s4 =	sshll.u32 s28, $0x1;
	[dreg:$0x2] =	wrdreg s2  }
0xa9: {  	[dreg:$0x3] =	wrdreg s4  }
0xaa: {  	[dreg:$0x4] =	wrdreg $0xC0  }
0xab: {  	_ =	task [dreg:s6], $0x5FFFF  }
0xac: {  	[dreg:$0x1] =	wrdreg $0xFFFFFFFF  }
0xad: {  	[dreg:$0x0] =	wrdreg $0x60  }
0xae: {  	[dreg:$0x2] =	wrdreg s24  }
0xaf: {  	[dreg:$0x3] =	wrdreg $0x81000  }
0xb0: {  	[dreg:$0x4] =	wrdreg $0x9  }
0xb1: {  	_ =	task.clear_ibuf [dreg:s6], $0x5FFFF;
	_ =	strace $0x9000004C  }
0xb2: {  	s29 =	simm.s32 $0x9;
	_ =	strace $0x8000004E  }
0xb3: {  	_ =	swait.ge [sflag:s29], $0x1  }
0xb4: {  	[sflag:s29] =	ssyncadd.s32 $0xFFFFFFFF  }
0xb5: {  	_ =	strace $0x9000004E  }
0xb6: {  	_ =	sfence  }
0xb7: {  	s30 =	sld [smem:$0x0];
	_ =	sdelay $0x2  }
0xb8: {  	s31 =	sshll.u32 s1, $0xD;
	s1 =	sshrl.u32 s1, $0x2  }
0xb9: {  	s3 =	sand.u32 $0x4000, s31;
	s1 =	sadd.s32 s1, s30  }
0xba: {  	s0 =	sor.u32 s3, s0;
	s1 =	sshll.u32 s1, $0x11  }
0xbb: {  	s0 =	sor.u32 s1, s0  }
0xbc: {  	s0 =	sadd.s32 $0x8F2B, s0  }
0xbd: {  	[sflag:s0] =	ssyncadd.remote.s32 $0x1  }
0xbe: {  	_ =	sfence.sel $0xFFFF  }
0xbf: {  	[dreg:$0x0] =	wrdreg $0xFFFFFFFF;
	(pc) =	sbr.abs _section_cstart, $3  }
0xc0: {  	[dreg:$0x1] =	wrdreg $0xFFFFFFFF  }
0xc1: {  	_ =	task.clear_ibuf [dreg:s6], $0x2FFFF;
	_ =	strace $0x9FFFFFFF  }
0xc2: {  	(tm) =	ssettm $0x7FFFFFFF  }
0xc3: {  	_ =	shalt  }
tec
execute0_lowered:
.L_overlay_start_1:
0x0: {  	(tag) =	ssettag $0x1  }
0x1: {  	s9 =	rddreg [dreg:$0x0]  }
0x2: {  	s1 =	rddreg [dreg:$0x1]  }
0x3: {  	s0 =	rddreg [dreg:$0x2];
	s2 =	simm.s32 $0x0  }
0x4: {  	s3 =	srdreg.scid;
	s16 =	simm.s32 $0x100;
	s17 =	simm.s32 $0x1  }
0x5: {  	s18 =	simm.s32 $0x2;
	[smem:$0x7FF] =	sst s2;
	s4 =	sadd.s32 $0x79400, s9  }
0x6: {  	s5 =	sadd.s32 $0xA21000, s9;
	s8 =	sand.u32 $0x1, s3;
	s6 =	sadd.s32 $0x517000, s9  }
0x7: {  	s3 =	stileid.u32;
	s7 =	sadd.s32 $0x50D000, s9;
	_ =	strace $0x8000004D  }
0x8: {  	s10 =	smul.u32 $0x138800, s8;
	s12 =	sshll.u32 s8, $0x4;
	s13 =	ssub.s32 $0x2, s8  }
0x9: {  	s11 =	sshll.u32 s3, $0xB;
	s12 =	sor.u32 s3, s12;
	s14 =	sshrl.u32 s13, $0x1  }
0xa: {  	s10 =	sadd.s32 s11, s10;
	s8 =	smul.u32 $0x50, s12;
	s31 =	ssub.s32 s13, s14  }
0xb: {  	s11 =	sadd.s32 s11, s1;
	s13 =	simm.s32 $0x4100;
	s10 =	sshrl.u32 s10, $0x3  }
0xc: {  	s14 =	simm.s32 $0x3;
	s15 =	sadd.s32 s10, s9;
	s9 =	smul.u32 $0x2800, s12  }
0xd: {  	v0 =	vimm.f32 $0.0e+00;
	s10 =	smax.u32 s31, $0x1;
	s12 =	sadd.s32 $0x3E00, s15;
	s15 =	simm.s32 $0x80  }
.LBB2_1:
0xe: {  	s19 =	simm.s32 $0x0;
	s20 =	simm.s32 $0x0  }
.LBB2_2:
0xf: {  	p0 =	sne.s32 s20, $0x1FC0  }
.Ltmp0:
0x10: {  	_ = 	snop;
	(pc) =	sbr.rel @p0 .LBB2_2-.Ltmp0, $4  }
0x11: {  	s21 =	sand.u32 $0x1E00, s20  }
0x12: {  	s22 =	sand.u32 $0x70, s19;
	s21 =	sshrl.u32 s21, $0x2  }
0x13: {  	s21 =	sor.u32 s22, s21  }
0x14: {  	s19 =	sadd.s32 $0x10, s19;
	s20 =	sadd.s32 $0x40, s20;
	[tilespmem:s21+$0x4100] =	vst v0  }
0x15: {  	s19 =	sadd.s32 $0x0, s3  }
0x16: {  	p0 =	sgt.u32 s19, $0x271  }
0x17: {  	s19 =	simm.s32 @!p0 $0x4100;
	s22 =	simm.s32 @!p0 $0x3  }
0x18: {  	[spmem:s11] =	stream.linear.scatter @!p0 [tilespmem:s19], [sflag:$0x3], $0x800, $0x38;
	[tilespmem:$0x1BA00] =	vst v63  }
0x19: {  	s20 =	simm.s32 $0x10;
	_ =	swait.ge @!p0 [sflag:s22], $0x800  }
0x1a: {  	s21 =	simm.s32 $0x20;
	s19 =	sadd.s32 $0x8000, s11;
	[sflag:s22] =	ssyncset.done @!p0 $0x0  }
.LBB2_4:
0x1b: {  	s23 =	sadd.s32 s20, s3;
	s20 =	smov.u32 s21;
	s21 =	sadd.s32 $0x10, s21  }
0x1c: {  	[sflag:s22] =	ssyncadd.s32 @!p0 $0xFFFFF800;
	p1 =	sne.s32 s21, $0x280  }
.Ltmp1:
0x1d: {  	p0 =	sgt.u32 s23, $0x271;
	(pc) =	sbr.rel @p1 .LBB2_4-.Ltmp1, $4  }
0x1e: {  	s23 =	simm.s32 @!p0 $0x4100;
	s22 =	simm.s32 @!p0 $0x3  }
0x1f: {  	[spmem:s19] =	stream.linear.scatter @!p0 [tilespmem:s23], [sflag:$0x3], $0x800, $0x38;
	[tilespmem:$0x1BA00] =	vst v63  }
0x20: {  	_ =	swait.ge @!p0 [sflag:s22], $0x800  }
0x21: {  	s19 =	sadd.s32 $0x8000, s19;
	[sflag:s22] =	ssyncset.done @!p0 $0x0  }
0x22: {  	s20 =	sadd.s32 s20, s3  }
0x23: {  	p1 =	sgt.u32 s20, $0x271  }
0x24: {  	[sflag:s22] =	ssyncadd.s32 @!p0 $0xFFFFF800;
	s20 =	simm.s32 @!p1 $0x4100;
	s21 =	simm.s32 @!p1 $0x3  }
0x25: {  	[spmem:s19] =	stream.linear.scatter @!p1 [tilespmem:s20], [sflag:$0x3], $0x800, $0x38;
	[tilespmem:$0x1BA00] =	vst v63  }
0x26: {  	_ =	swait.ge @!p1 [sflag:s21], $0x800  }
0x27: {  	[sflag:s21] =	ssyncset.done @!p1 $0x0  }
0x28: {  	[sflag:s21] =	ssyncadd.s32 @!p1 $0xFFFFF800  }
0x29: {  	s19 =	simm.s32 $0x0;
	s20 =	simm.s32 $0x0;
	[bflag:$0x0] =	sbarrier.arrive $0xFFFF  }
.LBB2_6:
0x2a: {  	s21 =	sadd.s32 s8, s20  }
0x2b: {  	s21 =	sshll.u32 s21, $0xB  }
0x2c: {  	s31 =	sshll.u32 s20, $0x7;
	s21 =	sadd.s32 s5, s21  }
0x2d: {  	[tilespmem:s13], [sflag:$0x2] =	stream.linear.gather [hbm4b:s21+s19], $0x4000, $0x38;
	[tilespmem:$0x1BA00] =	vst v63  }
0x2e: {  	s21 =	sadd.s32 s9, s31  }
0x2f: {  	s21 =	sshrl.u32 s21, $0x3  }
0x30: {  	s22 =	sadd.s32 s6, s21  }
0x31: {  	[tilespmem:s19], [sflag:$0x3] =	stream.linear.gather [hbm4b:s22+s19], $0x80, $0x38;
	[tilespmem:$0x1BA00] =	vst v63  }
0x32: {  	_ =	swait.ge [sflag:s14], $0x80  }
0x33: {  	[sflag:s14] =	ssyncset.done $0x0  }
0x34: {  	s21 =	sadd.s32 s7, s21;
	[sflag:s14] =	ssyncadd.s32 $0xFFFFFF80  }
0x35: {  	[tilespmem:s15], [sflag:$0x3] =	stream.linear.gather [hbm4b:s21+s19], $0x80, $0x38;
	[tilespmem:$0x1BA00] =	vst v63  }
0x36: {  	_ =	swait.ge [sflag:s14], $0x80  }
0x37: {  	[sflag:s14] =	ssyncset.done $0x0  }
0x38: {  	[sflag:s14] =	ssyncadd.s32 $0xFFFFFF80  }
0x39: {  	[tilespmem:s16], [sflag:$0x1] =	stream.indirect.gather [hbm4b:s4+s15], $0x80, s19, s15, $0xb8;
	[tilespmem:$0x1BA00] =	vst v63  }
0x3a: {  	_ =	swait.ge [sflag:s17], $0x4000  }
0x3b: {  	[sflag:s17] =	ssyncset.done $0x0  }
0x3c: {  	[sflag:s17] =	ssyncadd.s32 $0xFFFFC000  }
0x3d: {  	_ =	swait.ge [sflag:s18], $0x4000  }
0x3e: {  	[sflag:s18] =	ssyncset.done $0x0  }
0x3f: {  	s21 =	simm.s32 $0x0;
	[sflag:s18] =	ssyncadd.s32 $0xFFFFC000  }
0x40: {  	v7 =	vld [tilespmem:s21+$0x4100]  }
0x41: {  	v8 =	vld [tilespmem:s21+$0x4110]  }
0x42: {  	v9 =	vld [tilespmem:s21+$0x4120]  }
0x43: {  	v10 =	vld [tilespmem:s21+$0x4130]  }
0x44: {  	v11 =	vld [tilespmem:s21+$0x4140]  }
0x45: {  	v12 =	vld [tilespmem:s21+$0x4150]  }
0x46: {  	v13 =	vld [tilespmem:s21+$0x4160]  }
0x47: {  	v14 =	vld [tilespmem:s21+$0x4170]  }
0x48: {  	v15 =	vld [tilespmem:s21+$0x4180]  }
0x49: {  	v16 =	vld [tilespmem:s21+$0x4190]  }
0x4a: {  	v17 =	vld [tilespmem:s21+$0x41A0]  }
0x4b: {  	v18 =	vld [tilespmem:s21+$0x41B0]  }
0x4c: {  	v19 =	vld [tilespmem:s21+$0x41C0]  }
0x4d: {  	v20 =	vld [tilespmem:s21+$0x41D0]  }
0x4e: {  	v21 =	vld [tilespmem:s21+$0x41E0]  }
0x4f: {  	v22 =	vld [tilespmem:s21+$0x41F0]  }
0x50: {  	v23 =	vld [tilespmem:s21+$0x4200]  }
0x51: {  	v24 =	vld [tilespmem:s21+$0x4210]  }
0x52: {  	v25 =	vld [tilespmem:s21+$0x4220]  }
0x53: {  	v26 =	vld [tilespmem:s21+$0x4230]  }
0x54: {  	v27 =	vld [tilespmem:s21+$0x4240]  }
0x55: {  	v28 =	vld [tilespmem:s21+$0x4250]  }
0x56: {  	v29 =	vld [tilespmem:s21+$0x4260]  }
0x57: {  	v30 =	vld [tilespmem:s21+$0x4270]  }
0x58: {  	v31 =	vld [tilespmem:s21+$0x4280]  }
0x59: {  	v32 =	vld [tilespmem:s21+$0x4290]  }
0x5a: {  	v6 =	vld [tilespmem:s21+$0x42A0]  }
0x5b: {  	v5 =	vld [tilespmem:s21+$0x42B0]  }
0x5c: {  	v4 =	vld [tilespmem:s21+$0x42C0]  }
0x5d: {  	v3 =	vld [tilespmem:s21+$0x42D0]  }
0x5e: {  	v2 =	vld [tilespmem:s21+$0x42E0]  }
0x5f: {  	v33 =	vld [tilespmem:s21+$0x100]  }
0x60: {  	v34 =	vld [tilespmem:s21+$0x110]  }
0x61: {  	v35 =	vld [tilespmem:s21+$0x120]  }
0x62: {  	v36 =	vld [tilespmem:s21+$0x130]  }
0x63: {  	v37 =	vld [tilespmem:s21+$0x140]  }
0x64: {  	v63 =	vld [tilespmem:s21+$0x150];
	v7 =	vmul.f32 v7, v33  }
0x65: {  	v38 =	vld [tilespmem:s21+$0x160];
	v8 =	vmul.f32 v8, v34  }
0x66: {  	v9 =	vmul.f32 v9, v35;
	[tilespmem:s21+$0x100] =	vst v7;
	v7 =	vld [tilespmem:s21+$0x170]  }
0x67: {  	v10 =	vmul.f32 v10, v36;
	[tilespmem:s21+$0x110] =	vst v8;
	v8 =	vld [tilespmem:s21+$0x180]  }
0x68: {  	v11 =	vmul.f32 v11, v37;
	[tilespmem:s21+$0x120] =	vst v9;
	v9 =	vld [tilespmem:s21+$0x190]  }
0x69: {  	v12 =	vmul.f32 v12, v63;
	[tilespmem:s21+$0x130] =	vst v10;
	v10 =	vld [tilespmem:s21+$0x1A0]  }
0x6a: {  	v13 =	vmul.f32 v13, v38;
	[tilespmem:s21+$0x140] =	vst v11;
	v11 =	vld [tilespmem:s21+$0x1B0]  }
0x6b: {  	[tilespmem:s21+$0x150] =	vst v12;
	v12 =	vld [tilespmem:s21+$0x1C0];
	v7 =	vmul.f32 v14, v7  }
0x6c: {  	[tilespmem:s21+$0x160] =	vst v13;
	v13 =	vld [tilespmem:s21+$0x1D0];
	v8 =	vmul.f32 v15, v8  }
0x6d: {  	v9 =	vmul.f32 v16, v9;
	[tilespmem:s21+$0x170] =	vst v7;
	v7 =	vld [tilespmem:s21+$0x1E0]  }
0x6e: {  	v10 =	vmul.f32 v17, v10;
	[tilespmem:s21+$0x180] =	vst v8;
	v8 =	vld [tilespmem:s21+$0x1F0]  }
0x6f: {  	v11 =	vmul.f32 v18, v11;
	[tilespmem:s21+$0x190] =	vst v9;
	v9 =	vld [tilespmem:s21+$0x200]  }
0x70: {  	v12 =	vmul.f32 v19, v12;
	[tilespmem:s21+$0x1A0] =	vst v10;
	v10 =	vld [tilespmem:s21+$0x210]  }
0x71: {  	v13 =	vmul.f32 v20, v13;
	[tilespmem:s21+$0x1B0] =	vst v11;
	v11 =	vld [tilespmem:s21+$0x220]  }
0x72: {  	[tilespmem:s21+$0x1C0] =	vst v12;
	v12 =	vld [tilespmem:s21+$0x230];
	v7 =	vmul.f32 v21, v7  }
0x73: {  	[tilespmem:s21+$0x1D0] =	vst v13;
	v13 =	vld [tilespmem:s21+$0x240]  }
0x74: {  	v8 =	vmul.f32 v22, v8;
	[tilespmem:s21+$0x1E0] =	vst v7;
	v7 =	vld [tilespmem:s21+$0x250]  }
0x75: {  	v1 =	vld [tilespmem:s21+$0x42F0];
	v9 =	vmul.f32 v23, v9  }
0x76: {  	[tilespmem:s21+$0x1F0] =	vst v8;
	v8 =	vmul.f32 v24, v10;
	v10 =	vld [tilespmem:s21+$0x270]  }
0x77: {  	v14 =	vld [tilespmem:s21+$0x260];
	[tilespmem:s21+$0x200] =	vst v9;
	v9 =	vmul.f32 v25, v11  }
0x78: {  	v11 =	vld [tilespmem:s21+$0x280];
	[tilespmem:s21+$0x210] =	vst v8;
	v8 =	vmul.f32 v26, v12  }
0x79: {  	[tilespmem:s21+$0x220] =	vst v9;
	v12 =	vld [tilespmem:s21+$0x290];
	v9 =	vmul.f32 v27, v13;
	v13 =	vmul.f32 v28, v7  }
0x7a: {  	[tilespmem:s21+$0x230] =	vst v8;
	v8 =	vld [tilespmem:s21+$0x2A0]  }
0x7b: {  	v7 =	vld [tilespmem:s21+$0x2B0];
	[tilespmem:s21+$0x250] =	vst v13;
	v13 =	vmul.f32 v30, v10  }
0x7c: {  	v14 =	vmul.f32 v29, v14;
	[tilespmem:s21+$0x240] =	vst v9;
	v9 =	vld [tilespmem:s21+$0x2C0]  }
0x7d: {  	v10 =	vld [tilespmem:s21+$0x2D0];
	[tilespmem:s21+$0x270] =	vst v13;
	v13 =	vmul.f32 v31, v11  }
0x7e: {  	s22 =	simm.s32 $0x800;
	[tilespmem:s21+$0x260] =	vst v14;
	v12 =	vmul.f32 v32, v12;
	v11 =	vld [tilespmem:s21+$0x2E0]  }
.LBB2_7:
0x7f: {  	s23 =	sshra.s32 s22, $0x2;
	p0 =	sne.s32 s22, $0xF800;
	[tilespmem:s21+$0x280] =	vst v13;
	v6 =	vmul.f32 v6, v8;
	v8 =	vld [tilespmem:s21+$0x2F0]  }
0x80: {  	v13 =	vld [tilespmem:s23+$0x4100];
	[tilespmem:s21+$0x290] =	vst v12;
	v5 =	vmul.f32 v5, v7  }
0x81: {  	v7 =	vld [tilespmem:s23+$0x4110];
	[tilespmem:s21+$0x2A0] =	vst v6;
	v4 =	vmul.f32 v4, v9  }
0x82: {  	v9 =	vld [tilespmem:s23+$0x4120];
	[tilespmem:s21+$0x2B0] =	vst v5;
	v3 =	vmul.f32 v3, v10  }
0x83: {  	v10 =	vld [tilespmem:s23+$0x4130];
	[tilespmem:s21+$0x2C0] =	vst v4;
	v2 =	vmul.f32 v2, v11  }
0x84: {  	v11 =	vld [tilespmem:s23+$0x4140];
	[tilespmem:s21+$0x2D0] =	vst v3;
	v1 =	vmul.f32 v1, v8  }
0x85: {  	v8 =	vld [tilespmem:s23+$0x4150];
	[tilespmem:s21+$0x2E0] =	vst v2  }
0x86: {  	v12 =	vld [tilespmem:s23+$0x4160];
	[tilespmem:s21+$0x2F0] =	vst v1;
	s21 =	smov.u32 s23  }
0x87: {  	v14 =	vld [tilespmem:s21+$0x4170]  }
0x88: {  	v15 =	vld [tilespmem:s21+$0x4180]  }
0x89: {  	v16 =	vld [tilespmem:s21+$0x4190]  }
0x8a: {  	v17 =	vld [tilespmem:s21+$0x41A0]  }
0x8b: {  	v18 =	vld [tilespmem:s21+$0x41B0]  }
0x8c: {  	v19 =	vld [tilespmem:s21+$0x41C0]  }
0x8d: {  	v20 =	vld [tilespmem:s21+$0x41D0]  }
0x8e: {  	v21 =	vld [tilespmem:s21+$0x41E0]  }
0x8f: {  	v22 =	vld [tilespmem:s21+$0x41F0]  }
0x90: {  	v23 =	vld [tilespmem:s21+$0x4200]  }
0x91: {  	v24 =	vld [tilespmem:s21+$0x4210]  }
0x92: {  	v25 =	vld [tilespmem:s21+$0x4220]  }
0x93: {  	v26 =	vld [tilespmem:s21+$0x4230]  }
0x94: {  	v27 =	vld [tilespmem:s21+$0x4240]  }
0x95: {  	v28 =	vld [tilespmem:s21+$0x4250]  }
0x96: {  	v29 =	vld [tilespmem:s21+$0x4260]  }
0x97: {  	v30 =	vld [tilespmem:s21+$0x4270]  }
0x98: {  	v31 =	vld [tilespmem:s21+$0x4280]  }
0x99: {  	v32 =	vld [tilespmem:s21+$0x4290]  }
0x9a: {  	v6 =	vld [tilespmem:s21+$0x42A0]  }
0x9b: {  	v5 =	vld [tilespmem:s21+$0x42B0]  }
0x9c: {  	v4 =	vld [tilespmem:s21+$0x42C0]  }
0x9d: {  	v3 =	vld [tilespmem:s21+$0x42D0]  }
0x9e: {  	v2 =	vld [tilespmem:s21+$0x42E0]  }
0x9f: {  	v1 =	vld [tilespmem:s21+$0x42F0]  }
0xa0: {  	v33 =	vld [tilespmem:s21+$0x100]  }
0xa1: {  	v34 =	vld [tilespmem:s21+$0x110]  }
0xa2: {  	v35 =	vld [tilespmem:s21+$0x120]  }
0xa3: {  	v36 =	vld [tilespmem:s21+$0x130]  }
0xa4: {  	v37 =	vld [tilespmem:s21+$0x140]  }
0xa5: {  	v13 =	vmul.f32 v13, v33;
	v33 =	vld [tilespmem:s21+$0x150]  }
0xa6: {  	v7 =	vmul.f32 v7, v34;
	v34 =	vld [tilespmem:s21+$0x160]  }
0xa7: {  	[tilespmem:s21+$0x100] =	vst v13;
	v9 =	vmul.f32 v9, v35;
	v13 =	vld [tilespmem:s21+$0x170]  }
0xa8: {  	[tilespmem:s21+$0x110] =	vst v7;
	v7 =	vmul.f32 v10, v36;
	v10 =	vld [tilespmem:s21+$0x180]  }
0xa9: {  	[tilespmem:s21+$0x120] =	vst v9;
	v9 =	vmul.f32 v11, v37;
	v11 =	vld [tilespmem:s21+$0x190]  }
0xaa: {  	[tilespmem:s21+$0x130] =	vst v7;
	v7 =	vmul.f32 v8, v33;
	v8 =	vld [tilespmem:s21+$0x1A0]  }
0xab: {  	[tilespmem:s21+$0x140] =	vst v9;
	v9 =	vmul.f32 v12, v34;
	v12 =	vld [tilespmem:s21+$0x1B0]  }
0xac: {  	[tilespmem:s21+$0x150] =	vst v7;
	v7 =	vmul.f32 v14, v13;
	v13 =	vld [tilespmem:s21+$0x1C0]  }
0xad: {  	[tilespmem:s21+$0x160] =	vst v9;
	v9 =	vmul.f32 v15, v10;
	v10 =	vld [tilespmem:s21+$0x1D0]  }
0xae: {  	[tilespmem:s21+$0x170] =	vst v7;
	v7 =	vmul.f32 v16, v11;
	v11 =	vld [tilespmem:s21+$0x1E0]  }
0xaf: {  	[tilespmem:s21+$0x180] =	vst v9;
	v8 =	vmul.f32 v17, v8;
	v9 =	vld [tilespmem:s21+$0x1F0]  }
0xb0: {  	[tilespmem:s21+$0x190] =	vst v7;
	v7 =	vmul.f32 v18, v12;
	v12 =	vld [tilespmem:s21+$0x200]  }
0xb1: {  	[tilespmem:s21+$0x1A0] =	vst v8;
	v8 =	vmul.f32 v19, v13;
	v13 =	vld [tilespmem:s21+$0x210]  }
0xb2: {  	[tilespmem:s21+$0x1B0] =	vst v7;
	v7 =	vmul.f32 v20, v10;
	v10 =	vld [tilespmem:s21+$0x220]  }
0xb3: {  	[tilespmem:s21+$0x1C0] =	vst v8;
	v8 =	vmul.f32 v21, v11;
	v11 =	vld [tilespmem:s21+$0x230]  }
0xb4: {  	[tilespmem:s21+$0x1D0] =	vst v7;
	v7 =	vmul.f32 v22, v9;
	v9 =	vld [tilespmem:s21+$0x240]  }
0xb5: {  	[tilespmem:s21+$0x1E0] =	vst v8;
	v8 =	vmul.f32 v23, v12;
	v12 =	vld [tilespmem:s21+$0x250]  }
0xb6: {  	[tilespmem:s21+$0x1F0] =	vst v7;
	v7 =	vmul.f32 v24, v13;
	v13 =	vld [tilespmem:s21+$0x260]  }
0xb7: {  	[tilespmem:s21+$0x200] =	vst v8;
	v8 =	vmul.f32 v25, v10;
	v10 =	vld [tilespmem:s21+$0x270]  }
0xb8: {  	[tilespmem:s21+$0x210] =	vst v7;
	v7 =	vmul.f32 v26, v11;
	v11 =	vld [tilespmem:s21+$0x280]  }
0xb9: {  	[tilespmem:s21+$0x220] =	vst v8;
	v9 =	vmul.f32 v27, v9;
	v14 =	vld [tilespmem:s21+$0x290]  }
.Ltmp2:
0xba: {  	[tilespmem:s21+$0x230] =	vst v7;
	v12 =	vmul.f32 v28, v12;
	v8 =	vld [tilespmem:s21+$0x2A0];
	(pc) =	sbr.rel @p0 .LBB2_7-.Ltmp2, $4  }
0xbb: {  	[tilespmem:s21+$0x240] =	vst v9;
	v13 =	vmul.f32 v29, v13;
	v7 =	vld [tilespmem:s21+$0x2B0]  }
0xbc: {  	[tilespmem:s21+$0x250] =	vst v12;
	v12 =	vmul.f32 v30, v10;
	v9 =	vld [tilespmem:s21+$0x2C0]  }
0xbd: {  	[tilespmem:s21+$0x260] =	vst v13;
	v13 =	vmul.f32 v31, v11;
	v10 =	vld [tilespmem:s21+$0x2D0]  }
0xbe: {  	s22 =	sadd.s32 $0x800, s22;
	[tilespmem:s21+$0x270] =	vst v12;
	v12 =	vmul.f32 v32, v14;
	v11 =	vld [tilespmem:s21+$0x2E0]  }
0xbf: {  	[tilespmem:s21+$0x280] =	vst v13;
	v6 =	vmul.f32 v6, v8;
	v63 =	vld [tilespmem:s21+$0x2F0]  }
0xc0: {  	[tilespmem:s21+$0x290] =	vst v12;
	v5 =	vmul.f32 v5, v7  }
0xc1: {  	[tilespmem:s21+$0x2A0] =	vst v6;
	v4 =	vmul.f32 v4, v9  }
0xc2: {  	[tilespmem:s21+$0x2B0] =	vst v5;
	v3 =	vmul.f32 v3, v10  }
0xc3: {  	[tilespmem:s21+$0x2C0] =	vst v4;
	v2 =	vmul.f32 v2, v11  }
0xc4: {  	s20 =	sadd.s32 $0x1, s20;
	[tilespmem:s21+$0x2D0] =	vst v3;
	v1 =	vmul.f32 v1, v63  }
0xc5: {  	p0 =	sne.s32 s20, $0x50;
	[tilespmem:s21+$0x2E0] =	vst v2  }
.Ltmp3:
0xc6: {  	[tilespmem:s21+$0x2F0] =	vst v1;
	(pc) =	sbr.rel @p0 .LBB2_6-.Ltmp3, $4  }
0xc7: {  	[spmem:s1] =	stream.indirect.scatter.add.f32 [tilespmem:s16], [sflag:$0x3], $0x80, s15, s15, $0xb8;
	[tilespmem:$0x1BA00] =	vst v63  }
0xc8: {  	_ =	swait.ge [sflag:s14], $0x4000  }
0xc9: {  	[sflag:s14] =	ssyncset.done $0x0  }
0xca: {  	[sflag:s14] =	ssyncadd.s32 $0xFFFFC000  }
0xcb: {  	s19 =	sadd.s32 $0x0, s3  }
0xcc: {  	p0 =	sgt.u32 s19, $0x270  }
0xcd: {  	[bflag:$0x0] =	sbarrier.arrive $0xFFFF;
	s19 =	sshll.u32 @!p0 s3, $0x6  }
0xce: {  	s20 =	sshrl.u32 @!p0 s11, $0x3;
	s22 =	simm.s32 @!p0 $0x3;
	s19 =	sor.u32 @!p0 $0x1C03, s19  }
0xcf: {  	[hbm:s12], [sflag:s19] =	dma.local @!p0 [spmem:s20], $0x100  }
0xd0: {  	s21 =	simm.s32 $0x20;
	s23 =	sadd.s32 $0x10, s3;
	_ =	swait.ge @!p0 [sflag:s22], $0x100  }
0xd1: {  	s19 =	sadd.s32 $0x8000, s11;
	s20 =	sadd.s32 $0x1000, s12;
	[sflag:s22] =	ssyncset.done @!p0 $0x0  }
.LBB2_10:
0xd2: {  	[sflag:s22] =	ssyncadd.s32 @!p0 $0xFFFFFF00  }
0xd3: {  	p0 =	sgt.u32 s23, $0x270;
	s23 =	smov.u32 s21;
	s21 =	sadd.s32 $0x10, s21  }
0xd4: {  	p1 =	sne.s32 s21, $0x280  }
.Ltmp4:
0xd5: {  	s22 =	sshll.u32 @!p0 s3, $0x6;
	s24 =	sshrl.u32 @!p0 s19, $0x3;
	(pc) =	sbr.rel @p1 .LBB2_10-.Ltmp4, $4  }
0xd6: {  	s25 =	sor.u32 @!p0 $0x1C03, s22;
	s22 =	simm.s32 @!p0 $0x3  }
0xd7: {  	[hbm:s20], [sflag:s25] =	dma.local @!p0 [spmem:s24], $0x100  }
0xd8: {  	s19 =	sadd.s32 $0x8000, s19;
	_ =	swait.ge @!p0 [sflag:s22], $0x100  }
0xd9: {  	s23 =	sadd.s32 s23, s3;
	s20 =	sadd.s32 $0x1000, s20;
	[sflag:s22] =	ssyncset.done @!p0 $0x0  }
0xda: {  	p1 =	sgt.u32 s23, $0x270;
	[sflag:s22] =	ssyncadd.s32 @!p0 $0xFFFFFF00;
	s2 =	sadd.s32 $0x1, s2  }
0xdb: {  	s21 =	sshll.u32 @!p1 s3, $0x6;
	s19 =	sshrl.u32 @!p1 s19, $0x3;
	p0 =	sne.s32 s2, s10  }
.Ltmp5:
0xdc: {  	s22 =	simm.s32 @!p1 $0x3;
	s21 =	sor.u32 @!p1 $0x1C03, s21;
	(pc) =	sbr.rel @p0 .LBB2_1-.Ltmp5, $4  }
0xdd: {  	[hbm:s20], [sflag:s21] =	dma.local @!p1 [spmem:s19], $0x100  }
0xde: {  	_ =	swait.ge @!p1 [sflag:s22], $0x100  }
0xdf: {  	[sflag:s22] =	ssyncset.done @!p1 $0x0  }
0xe0: {  	[sflag:s22] =	ssyncadd.s32 @!p1 $0xFFFFFF00  }
0xe1: {  	_ =	sfence.sel $0x180000  }
0xe2: {  	[bflag:$0x0] =	sbarrier.arrive $0xFFFF  }
0xe3: {  	p0 =	sne.s32 s3, $0x0;
	_ =	strace $0x9000004D  }
0xe4: {  	s0 =	sadd.s32 @!p0 $0x100000, s0;
	[bflag:$0x2] =	sbarrier.arrive $0xFFFF  }
0xe5: {  	[sflag:s0] =	ssyncadd.tile.s32 @!p0 $0x1;
	_ =	shalt  }
.Lfunc_end2:
_tile_overlayer_lowered:
.L_overlay_start_2:
0xe6: {  	(tag) =	ssettag $0x2  }
0xe7: {  	s0 =	rddreg [dreg:$0x0];
	s2 =	stileid.u32  }
0xe8: {  	s1 =	rddreg [dreg:$0x1];
	p0 =	sne.s32 s2, $0x0  }
0xe9: {  	s3 =	rddreg [dreg:$0x2];
	[bflag:$0x3] =	sbarrier.arrive $0xFFFF;
	s2 =	simm.s32 @!p0 $0x1C03  }
0xea: {  	[timem:s3], [sflag:s2] =	dma.local @!p0 [hbm:s0], s1  }
0xeb: {  	s0 =	simm.s32 @!p0 $0x3  }
0xec: {  	_ =	swait.ge @!p0 [sflag:s0], s1  }
0xed: {  	s1 =	ssub.s32 @!p0 $0x0, s1;
	[sflag:s0] =	ssyncset.done @!p0 $0x0  }
0xee: {  	[sflag:s0] =	ssyncadd.s32 @!p0 s1  }
0xef: {  	[bflag:$0x3] =	sbarrier.arrive $0xFFFF  }
0xf0: {  	_ =	shalt  }

// kernel: kernel.20.cloned.1.call-start
scs
__scs_entry_jumppad:
0x0: {  	(pc) =	sbr.rel $0x88, $3  }
0x1: {  	(tag) =	ssettag $0x0;
	lr =	simm.s32 $0x1  }
0x2: {  	[smem:$0x3F8C] =	sst lr;
	_ =	strace $0xD0000000  }
0x3: {  	_ = 	snop  }
0x4: {  	_ = 	snop  }
0x5: {  	_ = 	snop  }
0x6: {  	_ = 	snop  }
0x7: {  	_ = 	snop  }
__scs_overlays_trampoline_lowered:
0x8: {  	[smem:$0x3F9B] =	sst s0  }
0x9: {  	[smem:$0x3F9C] =	sst s1  }
0xa: {  	[smem:$0x3F9D] =	sst s2  }
0xb: {  	[smem:$0x3F9E] =	sst s3  }
0xc: {  	[smem:$0x3F9F] =	sst s4  }
0xd: {  	[smem:$0x3FA0] =	sst s5  }
0xe: {  	[smem:$0x3FA1] =	sst s6  }
0xf: {  	[smem:$0x3FA2] =	sst s7  }
0x10: {  	[smem:$0x3FA3] =	sst s8  }
0x11: {  	[smem:$0x3FA4] =	sst s9;
	s0 =	simm.s32 @!p0 $0x0  }
0x12: {  	s1 =	sld [smem:$0x3F8A];
	s0 =	simm.s32 @p0 $0x1  }
0x13: {  	[smem:$0x3FA5] =	sst s0;
	s0 =	simm.s32 @!p1 $0x0  }
0x14: {  	s2 =	sld [smem:$0x3F89];
	s0 =	simm.s32 @p1 $0x1  }
0x15: {  	[smem:$0x3FA6] =	sst s0;
	s0 =	simm.s32 @!p2 $0x0  }
0x16: {  	s3 =	sld [smem:$0x3FDB];
	s0 =	simm.s32 @p2 $0x1  }
0x17: {  	s4 =	simm.s32 $0x1BF5;
	[smem:$0x3FA8] =	sst s0  }
0x18: {  	s0 =	sld [smem:$0x3F8B];
	_ =	swait.ge [sflag:s4], $0x0  }
0x19: {  	s7 =	sld [smem:$0x3F8C]  }
0x1a: {  	s8 =	sadd.s32 $0xFFFFE003, lr  }
0x1b: {  	s9 =	sadd.s32 $0xFFFFFEF7, lr;
	s5 =	simm.s32 $0xFFFFFFFF;
	p2 =	slt.u32 s8, $0xFFFFF086  }
0x1c: {  	p1 =	slt.u32 s9, $0xF7A;
	s5 =	simm.s32 @!p2 $0x0  }
0x1d: {  	s5 =	simm.s32 @p1 $0x1;
	p0 =	seq.s32 s7, s2  }
0x1e: {  	s7 =	smul.u32 @!p0 $0xF7A, s2;
	p2 =	seq.s32 @!p0 s5, $0x0  }
0x1f: {  	s9 =	smul.u32 $0xF7A, s1;
	s8 =	simm.s32 @!p0 $0x1BF5;
	p2 =	por !p2, p0  }
0x20: {  	[sflag:s8] =	ssyncset.s32 @!p0 $0xFFFFF086;
	s6 =	sadd.s32 @!p0 s3, s7;
	s7 =	simm.s32 @!p0 $0x108  }
0x21: {  	s3 =	sadd.s32 s3, s9;
	s6 =	sadd.s32 @!p0 $0x88, s6;
	s7 =	simm.s32 @p2 $0x1082  }
0x22: {  	[simem:s7], [sflag:s8] =	dma.local @!p0 [hbm:s6], $0xF7A  }
0x23: {  	s9 =	sor.u32 $0xD0000000, s2;
	s6 =	simm.s32 $0x108;
	_ =	swait.ge @!p0 [sflag:s8], $0x0  }
0x24: {  	s3 =	sadd.s32 $0x88, s3;
	s6 =	simm.s32 @!p1 $0x1082;
	[sflag:s4] =	ssyncset.s32 $0xFFFFF086  }
0x25: {  	[simem:s6], [sflag:s4] =	dma.local [hbm:s3], $0xF7A  }
0x26: {  	[smem:$0x3F8C] =	sst s1;
	(tag) =	ssettag s2;
	_ =	strace s9  }
0x27: {  	s1 =	sld [smem:$0x3F9C]  }
0x28: {  	s2 =	sld [smem:$0x3F9D]  }
0x29: {  	s4 =	sld [smem:$0x3F9F]  }
0x2a: {  	p0 =	seq.s32 s5, $0x0;
	s5 =	sld [smem:$0x3FA0]  }
0x2b: {  	s6 =	sld [smem:$0x3FA1]  }
0x2c: {  	s7 =	sld [smem:$0x3FA2]  }
0x2d: {  	s3 =	simm.s32 $0x108;
	s8 =	sld [smem:$0x3FA3]  }
0x2e: {  	s3 =	simm.s32 @!p0 $0x1082;
	s9 =	sld [smem:$0x3FA4]  }
0x2f: {  	lr =	sadd.s32 s0, s3;
	s0 =	sld [smem:$0x3F9B]  }
0x30: {  	s3 =	sld [smem:$0x3F9E]  }
0x31: {  	[smem:$0x3FA7] =	sst s10  }
0x32: {  	s10 =	sld [smem:$0x3FA5];
	_ =	sdelay $0x3  }
0x33: {  	p0 =	seq.s32 s10, $0x1;
	s10 =	sld [smem:$0x3FA7];
	_ =	sdelay $0x3  }
0x34: {  	[smem:$0x3FA7] =	sst s10  }
0x35: {  	s10 =	sld [smem:$0x3FA6];
	_ =	sdelay $0x3  }
0x36: {  	p1 =	seq.s32 s10, $0x1;
	s10 =	sld [smem:$0x3FA7];
	_ =	sdelay $0x3  }
0x37: {  	[smem:$0x3FA7] =	sst s10  }
0x38: {  	s10 =	sld [smem:$0x3FA8]  }
0x39: {  	_ = 	snop;
	(pc) =	sbr.ind lr, $3  }
0x3a: {  	_ = 	snop  }
0x3b: {  	_ = 	snop  }
0x3c: {  	p2 =	seq.s32 s10, $0x1;
	s10 =	sld [smem:$0x3FA7]  }
0x3d: {  	_ =	shalt  }
0x3e: {  	_ =	shalt  }
0x3f: {  	_ =	shalt  }
0x40: {  	_ =	shalt  }
0x41: {  	_ =	shalt  }
0x42: {  	_ =	shalt  }
0x43: {  	_ =	shalt  }
0x44: {  	_ =	shalt  }
0x45: {  	_ =	shalt  }
0x46: {  	_ =	shalt  }
0x47: {  	_ =	shalt  }
0x48: {  	_ =	shalt  }
0x49: {  	_ =	shalt  }
0x4a: {  	_ =	shalt  }
0x4b: {  	_ =	shalt  }
0x4c: {  	_ =	shalt  }
0x4d: {  	_ =	shalt  }
0x4e: {  	_ =	shalt  }
0x4f: {  	_ =	shalt  }
0x50: {  	_ =	shalt  }
0x51: {  	_ =	shalt  }
0x52: {  	_ =	shalt  }
0x53: {  	_ =	shalt  }
0x54: {  	_ =	shalt  }
0x55: {  	_ =	shalt  }
0x56: {  	_ =	shalt  }
0x57: {  	_ =	shalt  }
0x58: {  	_ =	shalt  }
0x59: {  	_ =	shalt  }
0x5a: {  	_ =	shalt  }
0x5b: {  	_ =	shalt  }
0x5c: {  	_ =	shalt  }
0x5d: {  	_ =	shalt  }
0x5e: {  	_ =	shalt  }
0x5f: {  	_ =	shalt  }
0x60: {  	_ =	shalt  }
0x61: {  	_ =	shalt  }
0x62: {  	_ =	shalt  }
0x63: {  	_ =	shalt  }
0x64: {  	_ =	shalt  }
0x65: {  	_ =	shalt  }
0x66: {  	_ =	shalt  }
0x67: {  	_ =	shalt  }
0x68: {  	_ =	shalt  }
0x69: {  	_ =	shalt  }
0x6a: {  	_ =	shalt  }
0x6b: {  	_ =	shalt  }
0x6c: {  	_ =	shalt  }
0x6d: {  	_ =	shalt  }
0x6e: {  	_ =	shalt  }
0x6f: {  	_ =	shalt  }
0x70: {  	_ =	shalt  }
0x71: {  	_ =	shalt  }
0x72: {  	_ =	shalt  }
0x73: {  	_ =	shalt  }
0x74: {  	_ =	shalt  }
0x75: {  	_ =	shalt  }
0x76: {  	_ =	shalt  }
0x77: {  	_ =	shalt  }
0x78: {  	_ =	shalt  }
0x79: {  	_ =	shalt  }
0x7a: {  	_ =	shalt  }
0x7b: {  	_ =	shalt  }
0x7c: {  	_ =	shalt  }
0x7d: {  	_ =	shalt  }
0x7e: {  	_ =	shalt  }
0x7f: {  	_ =	shalt  }
0x80: {  	_ =	shalt  }
0x81: {  	_ =	shalt  }
0x82: {  	_ =	shalt  }
0x83: {  	_ =	shalt  }
0x84: {  	_ =	shalt  }
0x85: {  	_ =	shalt  }
0x86: {  	_ =	shalt  }
0x87: {  	_ =	shalt  }
.Lfunc_end0:
.L_simem_size_0:
called_computation.3_lowered:
.L_overlay_start_0:
0x88: {  	s2 =	sld [smem:$0x3FD9]  }
0x89: {  	s3 =	sld [smem:$0x3FFE];
	_ =	sdelay $0x1  }
0x8a: {  	s1 =	srdreg.scid  }
0x8b: {  	s0 =	sand.u32 $0x1, s1  }
0x8c: {  	s17 =	sshll.u32 s0, $0xA;
	s2 =	sadd.s32 s3, s2  }
0x8d: {  	s2 =	sadd.s32 s2, s17  }
0x8e: {  	[smem:$0x3FB3] =	sst s2  }
0x8f: {  	_ = 	snop  }
0x90: {  	(tm) =	ssettm $0x1  }
0x91: {  	s18 =	sld [smem:$0x3FFB];
	_ =	sdelay $0x3  }
0x92: {  	_ =	strace s18  }
0x93: {  	s2 =	sld [smem:$0x3FFC];
	_ =	sdelay $0x3  }
0x94: {  	_ =	strace s2  }
0x95: {  	s2 =	sld [smem:$0x3FFD];
	_ =	sdelay $0x3  }
0x96: {  	_ =	strace s2  }
0x97: {  	_ =	strace $0x8FFFFFFF  }
0x98: {  	s19 =	sld [smem:$0x3FDB];
	_ =	sdelay $0x1  }
0x99: {  	s20 =	simm.s32 $_scs_section_size  }
0x9a: {  	s4 =	simm.s32 $_size__tile_overlayer_lowered;
	s5 =	simm.s32 $_tile_overlayer_lowered  }
0x9b: {  	s6 =	simm.s32 $0x1BFF;
	s21 =	sshll.u32 s5, $0x1;
	s3 =	sadd.s32 s20, s19  }
0x9c: {  	s22 =	simm.s32 $0x0;
	s4 =	sshll.u32 s4, $0x1;
	s5 =	sadd.s32 s21, s3  }
0x9d: {  	[timem:s22], [sflag:s6] =	dma.local [hbm:s5], s4  }
0x9e: {  	_ =	swait.ge [sflag:s6], s4  }
0x9f: {  	s4 =	ssub.s32 $0x0, s4;
	[sflag:s6] =	ssyncset.done $0x0  }
0xa0: {  	[sflag:s6] =	ssyncadd.s32 s4;
	_ =	sdelay $0x1  }
0xa1: {  	s23 =	simm.s32 $0x1B8B  }
0xa2: {  	_ =	swait.ge [sflag:s23], $0x1  }
0xa3: {  	[sflag:s23] =	ssyncset.done $0x0  }
0xa4: {  	[sflag:s23] =	ssyncadd.s32 $0xFFFFFFFF  }
0xa5: {  	s4 =	sld [smem:$0x0]  }
0xa6: {  	s5 =	sand.u32 $0xFFFFFFFE, s1  }
0xa7: {  	p0 =	sne.s32 s1, s5  }
0xa8: {  	s5 =	sshll.u32 @p0 s5, $0xE  }
0xa9: {  	s5 =	sadd.s32 @p0 $0x11B8D, s5;
	s6 =	sshll.u32 @p0 s4, $0x11  }
0xaa: {  	s5 =	sor.u32 @p0 s6, s5  }
0xab: {  	[sflag:s5] =	ssyncadd.remote.s32 @p0 $0x1;
	_ =	sdelay $0x1  }
0xac: {  	s5 =	simm.s32 @p0 $0x1B8D  }
0xad: {  	_ =	swait.eq @p0 [sflag:s5], $0x1  }
0xae: {  	[sflag:s5] =	ssyncadd.s32 @p0 $0xFFFFFFFF  }
0xaf: {  	s6 =	sshll.u32 @!p0 s1, $0xE  }
0xb0: {  	s6 =	sor.u32 @!p0 $0x4000, s6;
	s5 =	simm.s32 @!p0 $0x1B8D  }
0xb1: {  	s4 =	sshll.u32 @!p0 s4, $0x11;
	s6 =	sadd.s32 @!p0 $0x11B8D, s6;
	_ =	swait.eq @!p0 [sflag:s5], $0x1  }
0xb2: {  	s4 =	sor.u32 @!p0 s4, s6;
	[sflag:s5] =	ssyncadd.s32 @!p0 $0xFFFFFFFF  }
0xb3: {  	s25 =	simm.s32 $0x1B8E;
	s24 =	sld [smem:$0x3FFE];
	[sflag:s4] =	ssyncadd.remote.s32 @!p0 $0x1  }
0xb4: {  	s26 =	simm.s32 $execute0_lowered;
	[smem:$0x3FD2] =	sst s25  }
0xb5: {  	s5 =	sshll.u32 s26, $0x1;
	_ =	strace $0x8000004F;
	[dreg:$0x1] =	wrdreg $0xFFFFFFFF  }
0xb6: {  	s28 =	simm.s32 $_size_execute0_lowered;
	s3 =	sadd.s32 s3, s5;
	[dreg:$0x0] =	wrdreg $0x0  }
0xb7: {  	s5 =	sshll.u32 s28, $0x1;
	[dreg:$0x2] =	wrdreg s3  }
0xb8: {  	[dreg:$0x3] =	wrdreg s5  }
0xb9: {  	[dreg:$0x4] =	wrdreg $0xC0  }
0xba: {  	_ =	task [dreg:s22], $0x5FFFF  }
0xbb: {  	[dreg:$0x1] =	wrdreg $0xFFFFFFFF  }
0xbc: {  	[dreg:$0x0] =	wrdreg $0x60  }
0xbd: {  	[dreg:$0x2] =	wrdreg s24  }
0xbe: {  	[dreg:$0x3] =	wrdreg $0x40800  }
0xbf: {  	[dreg:$0x4] =	wrdreg $0xA  }
0xc0: {  	_ =	task.clear_ibuf [dreg:s22], $0x5FFFF;
	_ =	strace $0x9000004F  }
0xc1: {  	s29 =	simm.s32 $0xA;
	_ =	strace $0x80000051  }
0xc2: {  	_ =	swait.ge [sflag:s29], $0x1  }
0xc3: {  	[sflag:s29] =	ssyncadd.s32 $0xFFFFFFFF  }
0xc4: {  	_ =	strace $0x90000051  }
0xc5: {  	_ =	sfence  }
0xc6: {  	s30 =	sld [smem:$0x0];
	_ =	sdelay $0x2  }
0xc7: {  	s31 =	sshll.u32 s1, $0xD;
	s1 =	sshrl.u32 s1, $0x2  }
0xc8: {  	s4 =	sand.u32 $0x4000, s31;
	s1 =	sadd.s32 s1, s30  }
0xc9: {  	s0 =	sor.u32 s4, s0;
	s1 =	sshll.u32 s1, $0x11  }
0xca: {  	s0 =	sor.u32 s1, s0  }
0xcb: {  	s0 =	sadd.s32 $0x8F2B, s0  }
0xcc: {  	[sflag:s0] =	ssyncadd.remote.s32 $0x1  }
0xcd: {  	_ =	sfence.sel $0xFFFF  }
0xce: {  	[dreg:$0x0] =	wrdreg $0xFFFFFFFF;
	(pc) =	sbr.abs _section_cstart, $3  }
0xcf: {  	[dreg:$0x1] =	wrdreg $0xFFFFFFFF  }
0xd0: {  	_ =	task.clear_ibuf [dreg:s22], $0x2FFFF;
	_ =	strace $0x9FFFFFFF  }
0xd1: {  	(tm) =	ssettm $0x7FFFFFFF  }
tec
execute0_lowered:
.L_overlay_start_1:
0x0: {  	(tag) =	ssettag $0x1  }
0x1: {  	s4 =	rddreg [dreg:$0x0];
	s2 =	stileid.u32  }
0x2: {  	s0 =	srdreg.scid;
	s8 =	smul.u32 $0x2800, s2  }
0x3: {  	s1 =	rddreg [dreg:$0x1];
	s5 =	sand.u32 $0x1, s0;
	s11 =	smul.u32 $0x28000, s2  }
0x4: {  	s3 =	simm.s32 $0x0;
	s0 =	rddreg [dreg:$0x2];
	s6 =	smul.u32 $0x280000, s5  }
0x5: {  	[smem:$0x7FF] =	sst s3;
	s29 =	sshll.u32 s2, $0xB;
	s7 =	smul.u32 $0x28000, s5  }
0x6: {  	_ =	strace $0x80000050;
	s9 =	smul.u32 $0x138800, s5;
	s5 =	ssub.s32 $0x2, s5  }
0x7: {  	s10 =	sshrl.u32 s5, $0x1;
	s6 =	sadd.s32 s6, s4;
	s7 =	sadd.s32 s8, s7  }
0x8: {  	s9 =	sadd.s32 s29, s9;
	s30 =	ssub.s32 s5, s10;
	s5 =	sadd.s32 s29, s1  }
0x9: {  	s10 =	simm.s32 $0x80;
	s7 =	sshrl.u32 s7, $0x3;
	s9 =	sshrl.u32 s9, $0x3  }
0xa: {  	s31 =	sadd.s32 s11, s6;
	s11 =	simm.s32 $0x0;
	s7 =	sadd.s32 s7, s4  }
0xb: {  	s9 =	sadd.s32 s9, s4;
	s4 =	smax.u32 s30, $0x1;
	s6 =	sadd.s32 $0x50D000, s7  }
0xc: {  	v0 =	vimm.f32 $0.0e+00;
	s7 =	sadd.s32 $0xA21000, s31;
	s8 =	sadd.s32 $0xA0600, s9;
	s9 =	simm.s32 $0x1  }
.LBB2_1:
0xd: {  	s12 =	simm.s32 $0x0;
	s13 =	simm.s32 $0x0  }
.LBB2_2:
0xe: {  	p0 =	sne.s32 s13, $0x1FC0  }
.Ltmp0:
0xf: {  	_ = 	snop;
	(pc) =	sbr.rel @p0 .LBB2_2-.Ltmp0, $4  }
0x10: {  	s14 =	sand.u32 $0x1E00, s13  }
0x11: {  	s15 =	sand.u32 $0x70, s12;
	s14 =	sshrl.u32 s14, $0x2  }
0x12: {  	s14 =	sor.u32 s15, s14  }
0x13: {  	s12 =	sadd.s32 $0x10, s12;
	s13 =	sadd.s32 $0x40, s13;
	[tilespmem:s14+$0x80] =	vst v0  }
0x14: {  	s12 =	sadd.s32 $0x0, s2  }
0x15: {  	p0 =	sgt.u32 s12, $0x271  }
0x16: {  	s12 =	simm.s32 @!p0 $0x80;
	s15 =	simm.s32 @!p0 $0x1  }
0x17: {  	[spmem:s5] =	stream.linear.scatter @!p0 [tilespmem:s12], [sflag:$0x1], $0x800, $0x38;
	[tilespmem:$0x17980] =	vst v63  }
0x18: {  	s13 =	simm.s32 $0x10;
	_ =	swait.ge @!p0 [sflag:s15], $0x800  }
0x19: {  	s14 =	simm.s32 $0x20;
	s12 =	sadd.s32 $0x8000, s5;
	[sflag:s15] =	ssyncset.done @!p0 $0x0  }
.LBB2_4:
0x1a: {  	s16 =	sadd.s32 s13, s2;
	s13 =	smov.u32 s14;
	s14 =	sadd.s32 $0x10, s14  }
0x1b: {  	[sflag:s15] =	ssyncadd.s32 @!p0 $0xFFFFF800;
	p1 =	sne.s32 s14, $0x280  }
.Ltmp1:
0x1c: {  	p0 =	sgt.u32 s16, $0x271;
	(pc) =	sbr.rel @p1 .LBB2_4-.Ltmp1, $4  }
0x1d: {  	s16 =	simm.s32 @!p0 $0x80;
	s15 =	simm.s32 @!p0 $0x1  }
0x1e: {  	[spmem:s12] =	stream.linear.scatter @!p0 [tilespmem:s16], [sflag:$0x1], $0x800, $0x38;
	[tilespmem:$0x17980] =	vst v63  }
0x1f: {  	_ =	swait.ge @!p0 [sflag:s15], $0x800  }
0x20: {  	s12 =	sadd.s32 $0x8000, s12;
	[sflag:s15] =	ssyncset.done @!p0 $0x0  }
0x21: {  	s13 =	sadd.s32 s13, s2  }
0x22: {  	p1 =	sgt.u32 s13, $0x271  }
0x23: {  	[sflag:s15] =	ssyncadd.s32 @!p0 $0xFFFFF800;
	s13 =	simm.s32 @!p1 $0x80;
	s14 =	simm.s32 @!p1 $0x1  }
0x24: {  	[spmem:s12] =	stream.linear.scatter @!p1 [tilespmem:s13], [sflag:$0x1], $0x800, $0x38;
	[tilespmem:$0x17980] =	vst v63  }
0x25: {  	_ =	swait.ge @!p1 [sflag:s14], $0x800  }
0x26: {  	[sflag:s14] =	ssyncset.done @!p1 $0x0  }
0x27: {  	[sflag:s14] =	ssyncadd.s32 @!p1 $0xFFFFF800  }
0x28: {  	s31 =	sadd.s32 $0x0, s6;
	[bflag:$0x0] =	sbarrier.arrive $0xFFFF  }
0x29: {  	[tilespmem:s3], [sflag:$0x1] =	stream.linear.gather [hbm4b:s31+s3], $0x80, $0x38;
	[tilespmem:$0x17980] =	vst v63  }
0x2a: {  	_ =	swait.ge [sflag:s9], $0x80  }
0x2b: {  	[sflag:s9] =	ssyncset.done $0x0  }
0x2c: {  	[sflag:s9] =	ssyncadd.s32 $0xFFFFFF80  }
0x2d: {  	[tilespmem:s10], [sflag:$0x1] =	stream.linear.gather [hbm4b:s7+s3], $0x4000, $0x38;
	[tilespmem:$0x17980] =	vst v63  }
0x2e: {  	_ =	swait.ge [sflag:s9], $0x4000  }
0x2f: {  	[sflag:s9] =	ssyncset.done $0x0  }
0x30: {  	[sflag:s9] =	ssyncadd.s32 $0xFFFFC000  }
0x31: {  	[spmem:s1] =	stream.indirect.scatter.add.f32 [tilespmem:s10], [sflag:$0x1], $0x80, s3, s10, $0xb8;
	[tilespmem:$0x17980] =	vst v63  }
0x32: {  	s13 =	simm.s32 $0x10;
	_ =	swait.ge [sflag:s9], $0x4000  }
0x33: {  	s12 =	sadd.s32 $0x800, s7;
	s14 =	simm.s32 $0x20;
	[sflag:s9] =	ssyncset.done $0x0  }
.LBB2_6:
0x34: {  	s15 =	sadd.s32 s13, s6  }
0x35: {  	[sflag:s9] =	ssyncadd.s32 $0xFFFFC000;
	s13 =	smov.u32 s14;
	s16 =	sadd.s32 $0x10, s14  }
0x36: {  	[tilespmem:s3], [sflag:$0x1] =	stream.linear.gather [hbm4b:s15+s3], $0x80, $0x38;
	[tilespmem:$0x17980] =	vst v63  }
0x37: {  	p0 =	sne.s32 s14, $0x4F0;
	_ =	swait.ge [sflag:s9], $0x80  }
0x38: {  	[sflag:s9] =	ssyncset.done $0x0  }
0x39: {  	[sflag:s9] =	ssyncadd.s32 $0xFFFFFF80  }
0x3a: {  	[tilespmem:s10], [sflag:$0x1] =	stream.linear.gather [hbm4b:s12+s3], $0x4000, $0x38;
	[tilespmem:$0x17980] =	vst v63  }
0x3b: {  	_ =	swait.ge [sflag:s9], $0x4000  }
.Ltmp2:
0x3c: {  	[sflag:s9] =	ssyncset.done $0x0;
	(pc) =	sbr.rel @p0 .LBB2_6-.Ltmp2, $4  }
0x3d: {  	[sflag:s9] =	ssyncadd.s32 $0xFFFFC000  }
0x3e: {  	[spmem:s1] =	stream.indirect.scatter.add.f32 [tilespmem:s10], [sflag:$0x1], $0x80, s3, s10, $0xb8;
	[tilespmem:$0x17980] =	vst v63  }
0x3f: {  	_ =	swait.ge [sflag:s9], $0x4000  }
0x40: {  	s14 =	smov.u32 s16;
	s12 =	sadd.s32 $0x800, s12;
	[sflag:s9] =	ssyncset.done $0x0  }
0x41: {  	s13 =	sadd.s32 s13, s6;
	[sflag:s9] =	ssyncadd.s32 $0xFFFFC000  }
0x42: {  	[tilespmem:s3], [sflag:$0x1] =	stream.linear.gather [hbm4b:s13+s3], $0x80, $0x38;
	[tilespmem:$0x17980] =	vst v63  }
0x43: {  	_ =	swait.ge [sflag:s9], $0x80  }
0x44: {  	[sflag:s9] =	ssyncset.done $0x0  }
0x45: {  	[sflag:s9] =	ssyncadd.s32 $0xFFFFFF80  }
0x46: {  	[tilespmem:s10], [sflag:$0x1] =	stream.linear.gather [hbm4b:s12+s3], $0x4000, $0x38;
	[tilespmem:$0x17980] =	vst v63  }
0x47: {  	_ =	swait.ge [sflag:s9], $0x4000  }
0x48: {  	[sflag:s9] =	ssyncset.done $0x0  }
0x49: {  	[sflag:s9] =	ssyncadd.s32 $0xFFFFC000  }
0x4a: {  	[spmem:s1] =	stream.indirect.scatter.add.f32 [tilespmem:s10], [sflag:$0x1], $0x80, s3, s10, $0xb8;
	[tilespmem:$0x17980] =	vst v63  }
0x4b: {  	s31 =	sadd.s32 $0x0, s2;
	_ =	swait.ge [sflag:s9], $0x4000  }
0x4c: {  	p0 =	sgt.u32 s31, $0x270;
	[sflag:s9] =	ssyncset.done $0x0  }
0x4d: {  	s13 =	sshrl.u32 @!p0 s5, $0x3;
	s12 =	sshll.u32 @!p0 s2, $0x6;
	[sflag:s9] =	ssyncadd.s32 $0xFFFFC000  }
0x4e: {  	s15 =	simm.s32 @!p0 $0x1;
	s12 =	sor.u32 @!p0 $0x1C01, s12;
	[bflag:$0x0] =	sbarrier.arrive $0xFFFF  }
0x4f: {  	[hbm:s8], [sflag:s12] =	dma.local @!p0 [spmem:s13], $0x100  }
0x50: {  	s14 =	simm.s32 $0x20;
	s16 =	sadd.s32 $0x10, s2;
	_ =	swait.ge @!p0 [sflag:s15], $0x100  }
0x51: {  	s12 =	sadd.s32 $0x8000, s5;
	s13 =	sadd.s32 $0x1000, s8;
	[sflag:s15] =	ssyncset.done @!p0 $0x0  }
.LBB2_8:
0x52: {  	[sflag:s15] =	ssyncadd.s32 @!p0 $0xFFFFFF00  }
0x53: {  	p0 =	sgt.u32 s16, $0x270;
	s16 =	smov.u32 s14;
	s14 =	sadd.s32 $0x10, s14  }
0x54: {  	p1 =	sne.s32 s14, $0x280  }
.Ltmp3:
0x55: {  	s15 =	sshll.u32 @!p0 s2, $0x6;
	s17 =	sshrl.u32 @!p0 s12, $0x3;
	(pc) =	sbr.rel @p1 .LBB2_8-.Ltmp3, $4  }
0x56: {  	s18 =	sor.u32 @!p0 $0x1C01, s15;
	s15 =	simm.s32 @!p0 $0x1  }
0x57: {  	[hbm:s13], [sflag:s18] =	dma.local @!p0 [spmem:s17], $0x100  }
0x58: {  	s12 =	sadd.s32 $0x8000, s12;
	_ =	swait.ge @!p0 [sflag:s15], $0x100  }
0x59: {  	s16 =	sadd.s32 s16, s2;
	s13 =	sadd.s32 $0x1000, s13;
	[sflag:s15] =	ssyncset.done @!p0 $0x0  }
0x5a: {  	p1 =	sgt.u32 s16, $0x270;
	[sflag:s15] =	ssyncadd.s32 @!p0 $0xFFFFFF00;
	s11 =	sadd.s32 $0x1, s11  }
0x5b: {  	s14 =	sshll.u32 @!p1 s2, $0x6;
	s12 =	sshrl.u32 @!p1 s12, $0x3;
	p0 =	sne.s32 s11, s4  }
.Ltmp4:
0x5c: {  	s15 =	simm.s32 @!p1 $0x1;
	s14 =	sor.u32 @!p1 $0x1C01, s14;
	(pc) =	sbr.rel @p0 .LBB2_1-.Ltmp4, $4  }
0x5d: {  	[hbm:s13], [sflag:s14] =	dma.local @!p1 [spmem:s12], $0x100  }
0x5e: {  	_ =	swait.ge @!p1 [sflag:s15], $0x100  }
0x5f: {  	[sflag:s15] =	ssyncset.done @!p1 $0x0  }
0x60: {  	[sflag:s15] =	ssyncadd.s32 @!p1 $0xFFFFFF00  }
0x61: {  	_ =	sfence.sel $0x180000  }
0x62: {  	[bflag:$0x0] =	sbarrier.arrive $0xFFFF  }
0x63: {  	p0 =	sne.s32 s2, $0x0;
	_ =	strace $0x90000050  }
0x64: {  	s0 =	sadd.s32 @!p0 $0x100000, s0;
	[bflag:$0x2] =	sbarrier.arrive $0xFFFF  }
0x65: {  	[sflag:s0] =	ssyncadd.tile.s32 @!p0 $0x1;
	_ =	shalt  }
.Lfunc_end2:
_tile_overlayer_lowered:
.L_overlay_start_2:
0x66: {  	(tag) =	ssettag $0x2  }
0x67: {  	s0 =	rddreg [dreg:$0x0];
	s2 =	stileid.u32  }
0x68: {  	s1 =	rddreg [dreg:$0x1];
	p0 =	sne.s32 s2, $0x0  }
0x69: {  	s3 =	rddreg [dreg:$0x2];
	[bflag:$0x3] =	sbarrier.arrive $0xFFFF;
	s2 =	simm.s32 @!p0 $0x1C01  }
0x6a: {  	[timem:s3], [sflag:s2] =	dma.local @!p0 [hbm:s0], s1  }
0x6b: {  	s0 =	simm.s32 @!p0 $0x1  }
0x6c: {  	_ =	swait.ge @!p0 [sflag:s0], s1  }
0x6d: {  	s1 =	ssub.s32 @!p0 $0x0, s1;
	[sflag:s0] =	ssyncset.done @!p0 $0x0  }
0x6e: {  	[sflag:s0] =	ssyncadd.s32 @!p0 s1  }
0x6f: {  	[bflag:$0x3] =	sbarrier.arrive $0xFFFF  }
0x70: {  	_ =	shalt  }

</sc_bundles>
